<compile_context>
chip_gen: v7x
topology: tpu7x:2x2x1
jax: 0.10.2.dev20260603
libtpu: 0.0.44.dev20260713+nightly
codegen_flags: <defaults>
</compile_context>

<pallas_src>
import functools

import jax
import jax.numpy as jnp
from jax import lax
from jax.experimental import pallas as pl
from jax.experimental.pallas import tpu as pltpu
from jax.experimental.pallas import tpu_sc as plsc

_NUM_GRAPHS = 64
_NC = 2
_NS = 16
_NW = _NC * _NS
_C = 128
_NBUF = 5


def _mesh():
    return plsc.VectorSubcoreMesh(core_axis_name="c", subcore_axis_name="s")


def _fill_1d(ref, n, val):
    def body(i, carry):
        ref[pl.ds(i * 16, 16)] = jnp.full((16,), val, jnp.float32)
        return carry
    lax.fori_loop(0, n // 16, body, 0)


def _sc_deg(dst2d, n_pad):
    nrows, c2 = dst2d.shape
    assert nrows % _NW == 0
    rpt = nrows // _NW
    per_tile = n_pad // _NS
    depth = 4

    @functools.partial(
        pl.kernel,
        out_type=jax.ShapeDtypeStruct((_NC, n_pad), jnp.float32),
        mesh=_mesh(),
        compiler_params=pltpu.CompilerParams(use_tc_tiling_on_sc=False),
        scratch_types=[
            pltpu.VMEM((rpt, c2), jnp.int32),
            pltpu.VMEM((c2,), jnp.float32),
            pltpu.VMEM((per_tile,), jnp.float32),
            pltpu.SemaphoreType.DMA,
            pltpu.SemaphoreType.DMA,
            pltpu.VMEM_SHARED((n_pad,), jnp.float32),
        ],
    )
    def k(dst_hbm, out_hbm, didx, ones_v, stage_v, sem_i, sem_s, acc_sh):
        c = lax.axis_index("c")
        s = lax.axis_index("s")
        wid = s * _NC + c
        cp_i = pltpu.async_copy(dst_hbm.at[pl.ds(wid * rpt, rpt)], didx, sem_i)
        _fill_1d(ones_v, c2, 1.0)
        _fill_1d(stage_v, per_tile, 0.0)
        pltpu.sync_copy(stage_v, acc_sh.at[pl.ds(s * per_tile, per_tile)])
        plsc.subcore_barrier()
        cp_i.wait()

        def sca(j):
            pltpu.async_copy(ones_v, acc_sh.at[didx.at[j]], sem_s, add=True)

        def sca_wait():
            pltpu.make_async_copy(ones_v, acc_sh.at[didx.at[0]], sem_s).wait()

        for j in range(depth):
            sca(j)

        def step(j, carry):
            sca_wait()
            sca(j + depth)
            return carry

        lax.fori_loop(0, rpt - depth, step, 0)
        for _ in range(depth):
            sca_wait()
        plsc.subcore_barrier()
        pltpu.sync_copy(acc_sh.at[pl.ds(s * per_tile, per_tile)], stage_v)
        pltpu.sync_copy(stage_v, out_hbm.at[c, pl.ds(s * per_tile, per_tile)])

    return k(dst2d)


def _sc_propagate(gpad, src2d, dst2d, n_pad):
    npad2, h = gpad.shape
    assert npad2 == n_pad
    nrows, c2 = src2d.shape
    assert nrows % _NW == 0
    steps = nrows // _NW
    assert steps % _NBUF == 0 and steps // _NBUF >= 2
    nblocks = steps // _NBUF
    rows_per_tile = n_pad // _NS
    stage_rows = 64
    n_stage = rows_per_tile // stage_rows

    @functools.partial(
        pl.kernel,
        out_type=jax.ShapeDtypeStruct((_NC, n_pad, h), jnp.float32),
        mesh=_mesh(),
        compiler_params=pltpu.CompilerParams(use_tc_tiling_on_sc=False),
        scratch_types=[
            pltpu.VMEM((steps, c2), jnp.int32),
            pltpu.VMEM((steps, c2), jnp.int32),
            [pltpu.VMEM((c2, h), jnp.float32)] * _NBUF,
            pltpu.VMEM((stage_rows, h), jnp.float32),
            pltpu.SemaphoreType.DMA,
            [pltpu.SemaphoreType.DMA] * _NBUF,
            [pltpu.SemaphoreType.DMA] * _NBUF,
            pltpu.VMEM_SHARED((n_pad, h), jnp.float32),
        ],
    )
    def k(g_hbm, src_hbm, dst_hbm, out_hbm,
          sidx, didx, bufs, stage_v, sem_i, sems_g, sems_s, acc_sh):
        c = lax.axis_index("c")
        s = lax.axis_index("s")
        wid = s * _NC + c
        r0 = wid * steps
        cp_si = pltpu.async_copy(src_hbm.at[pl.ds(r0, steps)], sidx, sem_i)
        cp_di = pltpu.async_copy(dst_hbm.at[pl.ds(r0, steps)], didx, sem_i)

        def zrow(i, carry):
            r = i // (h // 16)
            col = (i % (h // 16)) * 16
            stage_v[r, pl.ds(col, 16)] = jnp.zeros((16,), jnp.float32)
            return carry

        lax.fori_loop(0, stage_rows * (h // 16), zrow, 0)
        row0 = s * rows_per_tile
        for j in range(n_stage):
            pltpu.sync_copy(stage_v,
                            acc_sh.at[pl.ds(row0 + j * stage_rows, stage_rows)])
        plsc.subcore_barrier()
        cp_si.wait()
        cp_di.wait()

        def gat(j, k):
            pltpu.async_copy(g_hbm.at[sidx.at[j]], bufs[k], sems_g[k])

        def gat_wait(k):
            pltpu.make_async_copy(g_hbm.at[sidx.at[0]], bufs[k],
                                  sems_g[k]).wait()

        def sca(j, k):
            pltpu.async_copy(bufs[k], acc_sh.at[didx.at[j]], sems_s[k],
                             add=True)

        def sca_wait(k):
            pltpu.make_async_copy(bufs[k], acc_sh.at[didx.at[0]],
                                  sems_s[k]).wait()

        for k in range(_NBUF):
            gat(k, k)

        def block(i, carry):
            j0 = i * _NBUF
            for k in range(_NBUF):
                gat_wait(k)
                sca(j0 + k, k)
            for k in range(_NBUF):
                sca_wait(k)
                gat(j0 + _NBUF + k, k)
            return carry

        lax.fori_loop(0, nblocks - 1, block, 0)
        j0 = (nblocks - 1) * _NBUF
        for k in range(_NBUF):
            gat_wait(k)
            sca(j0 + k, k)
        for k in range(_NBUF):
            sca_wait(k)
        plsc.subcore_barrier()

        for j in range(n_stage):
            r = row0 + j * stage_rows
            pltpu.sync_copy(acc_sh.at[pl.ds(r, stage_rows)], stage_v)
            pltpu.sync_copy(stage_v, out_hbm.at[c, pl.ds(r, stage_rows)])

    return k(gpad, src2d, dst2d)


def _tc_xw(xp, w12, m_out):
    m = xp.shape[0]
    cols = w12.shape[1]

    def body(x_r, w_r, xw_r):
        xw_r[pl.ds(0, m), :] = jnp.dot(x_r[...], w_r[...],
                                       preferred_element_type=jnp.float32)
        xw_r[pl.ds(m, m_out - m), :] = jnp.zeros((m_out - m, cols),
                                                 jnp.float32)

    return pl.pallas_call(
        body,
        out_shape=jax.ShapeDtypeStruct((m_out, cols), jnp.float32),
    )(xp, w12)


def _tc_mid(accp, gp, dinvp, b2x, w2x):
    m = gp.shape[0]

    def body(acc_r, g_r, dinv_r, b_r, w_r, out_r):
        dv = dinv_r[pl.ds(0, m), :]
        asum = acc_r[0, pl.ds(0, m), :] + acc_r[1, pl.ds(0, m), :]
        hval = dv * (asum + g_r[...]) + b_r[...]
        hval = jnp.maximum(hval, 0.0)
        out_r[...] = jnp.dot(hval, w_r[...],
                             preferred_element_type=jnp.float32) * dv

    return pl.pallas_call(
        body,
        out_shape=jax.ShapeDtypeStruct((m, w2x.shape[1]), jnp.float32),
    )(accp, gp, dinvp, b2x, w2x)


def _tc_final(accp, gp, dinvp, b3x, batch_e, batch_o, wl1, bl1, wl2, bl2):
    m = gp.shape[0]
    hdim = wl1.shape[0]
    ngr = _NUM_GRAPHS

    def body(acc_r, g_r, dinv_r, b_r, be_r, bo_r, wl1_r, bl1_r, wl2_r, bl2_r,
             out_r):
        dv = dinv_r[pl.ds(0, m), :]
        asum = acc_r[0, pl.ds(0, m), :] + acc_r[1, pl.ds(0, m), :]
        h3 = dv * (asum + g_r[...]) + b_r[...]
        h_e = h3[:, :hdim]
        h_o = h3[:, hdim:]
        gids = lax.broadcasted_iota(jnp.int32, (ngr, m), 0)
        oh_e = (gids == be_r[...]).astype(jnp.float32)
        oh_o = (gids == bo_r[...]).astype(jnp.float32)
        pooled = (jnp.dot(oh_e, h_e, preferred_element_type=jnp.float32)
                  + jnp.dot(oh_o, h_o, preferred_element_type=jnp.float32))
        t = jnp.maximum(
            jnp.dot(pooled, wl1_r[...], preferred_element_type=jnp.float32)
            + bl1_r[...], 0.0)
        out_r[...] = (jnp.dot(t, wl2_r[...],
                              preferred_element_type=jnp.float32) + bl2_r[...])

    return pl.pallas_call(
        body,
        out_shape=jax.ShapeDtypeStruct((ngr, 1), jnp.float32),
    )(accp, gp, dinvp, b3x, batch_e, batch_o, wl1, bl1, wl2, bl2)


def _bdiag(w):
    z = jnp.zeros_like(w)
    return jnp.concatenate(
        [jnp.concatenate([w, z], 1), jnp.concatenate([z, w], 1)], 0)


def kernel(x, edge_index, batch, W1, b1, W2, b2, W3, b3, Wl1, bl1, Wl2, bl2):
    n = x.shape[0]
    e = edge_index.shape[1]
    h = W1.shape[1]
    assert n % 2 == 0

    n_pad = ((n + _NW * 16 - 1) // (_NW * 16)) * (_NW * 16)
    if n_pad == n:
        n_pad += _NW * 16

    per_tile = -(-e // _NW)
    steps_raw = -(-per_tile // _C)
    steps = -(-steps_raw // (2 * _NBUF)) * (2 * _NBUF)
    e_pad = _NW * steps * _C
    pad = e_pad - e
    idxp = jnp.arange(pad, dtype=edge_index.dtype)
    srcp = jnp.concatenate([edge_index[0], idxp % n])
    dstp = jnp.concatenate([edge_index[1], n + idxp % (n_pad - n)])
    src2d = srcp.reshape(e_pad // _C, _C)
    dst2d = dstp.reshape(e_pad // _C, _C)

    deg_parts = _sc_deg(dst2d, n_pad)
    xw_p = _tc_xw(x.reshape(n // 2, 2 * x.shape[1]), _bdiag(W1), n_pad // 2)

    dflat = lax.rsqrt(1.0 + deg_parts[0] + deg_parts[1])
    dinv_pk = jnp.broadcast_to(
        dflat.reshape(n_pad // 2, 2, 1), (n_pad // 2, 2, h)
    ).reshape(n_pad // 2, 2 * h)

    g1_p = xw_p * dinv_pk
    acc1 = _sc_propagate(g1_p.reshape(n_pad, h), src2d, dst2d, n_pad)
    g2_p = _tc_mid(acc1.reshape(_NC, n_pad // 2, 2 * h), g1_p, dinv_pk,
                   jnp.concatenate([b1, b1]).reshape(1, 2 * h), _bdiag(W2))
    acc2 = _sc_propagate(g2_p.reshape(n_pad, h), src2d, dst2d, n_pad)
    g3_p = _tc_mid(acc2.reshape(_NC, n_pad // 2, 2 * h), g2_p, dinv_pk,
                   jnp.concatenate([b2, b2]).reshape(1, 2 * h), _bdiag(W3))
    acc3 = _sc_propagate(g3_p.reshape(n_pad, h), src2d, dst2d, n_pad)
    out = _tc_final(acc3.reshape(_NC, n_pad // 2, 2 * h), g3_p, dinv_pk,
                    jnp.concatenate([b3, b3]).reshape(1, 2 * h),
                    jnp.concatenate(
                        [batch[0::2],
                         jnp.full(((n_pad - n) // 2,), -1, batch.dtype)]
                    ).reshape(1, n_pad // 2),
                    jnp.concatenate(
                        [batch[1::2],
                         jnp.full(((n_pad - n) // 2,), -1, batch.dtype)]
                    ).reshape(1, n_pad // 2),
                    Wl1, bl1.reshape(1, -1), Wl2, bl2.reshape(1, 1))
    return out

# --- scband reference (transcript-rebuilt; emitter-appended) ---
"""Pipeline reference for scband-network-81209241633451 (READ-ONLY COPY).

The authoritative reference and input builder live on the scoring server;
editing this copy changes nothing except your own understanding.
"""

import jax, jax.numpy as jnp
import numpy as np

N = 10000
E = 320000
D_IN = 128
H = 64
NUM_GRAPHS = 64


def _glorot(k, shape):
    fan_in, fan_out = shape
    lim = (6.0 / (fan_in + fan_out)) ** 0.5
    return jax.random.uniform(k, shape, jnp.float32, -lim, lim)


def setup_inputs(seed: int = 0) -> dict:
    key = jax.random.key(seed)
    ks = jax.random.split(key, 10)
    x = jax.random.normal(ks[0], (N, D_IN), dtype=jnp.float32)
    edge_index = jax.random.randint(ks[1], (2, E), 0, N, dtype=jnp.int32)
    batch = jnp.sort(jax.random.randint(ks[2], (N,), 0, NUM_GRAPHS, dtype=jnp.int32))
    W1 = _glorot(ks[3], (D_IN, H)); b1 = jnp.zeros((H,), jnp.float32)
    W2 = _glorot(ks[4], (H, H)); b2 = jnp.zeros((H,), jnp.float32)
    W3 = _glorot(ks[5], (H, H)); b3 = jnp.zeros((H,), jnp.float32)
    Wl1 = _glorot(ks[6], (H, 32)); bl1 = jnp.zeros((32,), jnp.float32)
    Wl2 = _glorot(ks[7], (32, 1)); bl2 = jnp.zeros((1,), jnp.float32)
    return {"x": x, "edge_index": edge_index, "batch": batch,
            "W1": W1, "b1": b1, "W2": W2, "b2": b2, "W3": W3, "b3": b3,
            "Wl1": Wl1, "bl1": bl1, "Wl2": Wl2, "bl2": bl2}


def _gcn_conv(x, src, dst, norm, W, b):
    # GCNConv: D^{-1/2} (A + I) D^{-1/2} X W + b (self-loops already appended to src/dst)
    h = x @ W
    msg = h[src] * norm[:, None]
    out = jnp.zeros((x.shape[0], W.shape[1]), x.dtype).at[dst].add(msg)
    return out + b


def reference(x, edge_index, batch, W1, b1, W2, b2, W3, b3, Wl1, bl1, Wl2, bl2):
    n = x.shape[0]
    sl = jnp.arange(n, dtype=edge_index.dtype)
    src = jnp.concatenate([edge_index[0], sl])
    dst = jnp.concatenate([edge_index[1], sl])
    deg = jnp.zeros((n,), jnp.float32).at[dst].add(1.0)
    dinv = jax.lax.rsqrt(deg)  # deg >= 1 thanks to self-loops
    norm = dinv[src] * dinv[dst]
    h = jax.nn.relu(_gcn_conv(x, src, dst, norm, W1, b1))
    h = jax.nn.relu(_gcn_conv(h, src, dst, norm, W2, b2))
    h = _gcn_conv(h, src, dst, norm, W3, b3)
    pooled = jax.ops.segment_sum(h, batch, num_segments=NUM_GRAPHS)  # global_add_pool
    h = jax.nn.relu(pooled @ Wl1 + bl1)
    return h @ Wl2 + bl2

if __name__ == "__main__":
    import jax
    _d = setup_inputs()
    print(jax.jit(kernel)(*tuple(_d.values())))

</pallas_src>

<mosaic_0001>
#map = affine_map<(d0, d1) -> (0, 0)>
#map1 = affine_map<(d0, d1) -> (0, 0, 0)>
module attributes {stable_mosaic.version = 14 : i64} {
  func.func @k(%arg0: i32, %arg1: i32, %arg2: memref<10240x64xf32, #tpu.memory_space<hbm>>, %arg3: memref<2560x128xi32, #tpu.memory_space<hbm>>, %arg4: memref<2560x128xi32, #tpu.memory_space<hbm>>, %arg5: memref<2x10240x64xf32, #tpu.memory_space<hbm>>, %arg6: memref<80x128xi32, #tpu.memory_space<vmem>>, %arg7: memref<80x128xi32, #tpu.memory_space<vmem>>, %arg8: memref<128x64xf32, #tpu.memory_space<vmem>>, %arg9: memref<128x64xf32, #tpu.memory_space<vmem>>, %arg10: memref<128x64xf32, #tpu.memory_space<vmem>>, %arg11: memref<128x64xf32, #tpu.memory_space<vmem>>, %arg12: memref<128x64xf32, #tpu.memory_space<vmem>>, %arg13: memref<64x64xf32, #tpu.memory_space<vmem>>, %arg14: memref<!tpu.dma_semaphore, #tpu.memory_space<semaphore_mem>>, %arg15: memref<!tpu.dma_semaphore, #tpu.memory_space<semaphore_mem>>, %arg16: memref<!tpu.dma_semaphore, #tpu.memory_space<semaphore_mem>>, %arg17: memref<!tpu.dma_semaphore, #tpu.memory_space<semaphore_mem>>, %arg18: memref<!tpu.dma_semaphore, #tpu.memory_space<semaphore_mem>>, %arg19: memref<!tpu.dma_semaphore, #tpu.memory_space<semaphore_mem>>, %arg20: memref<!tpu.dma_semaphore, #tpu.memory_space<semaphore_mem>>, %arg21: memref<!tpu.dma_semaphore, #tpu.memory_space<semaphore_mem>>, %arg22: memref<!tpu.dma_semaphore, #tpu.memory_space<semaphore_mem>>, %arg23: memref<!tpu.dma_semaphore, #tpu.memory_space<semaphore_mem>>, %arg24: memref<!tpu.dma_semaphore, #tpu.memory_space<semaphore_mem>>, %arg25: memref<10240x64xf32, #tpu.memory_space<vmem_shared>>) attributes {dimension_semantics = [#tpu.dimension_semantics<core_parallel>, #tpu.dimension_semantics<subcore_parallel>], iteration_bounds = array<i64: 2, 16>, scalar_prefetch = 0 : i64, scratch_operands = 20 : i64, tpu.core_type = #tpu.core_type<sc_vector_subcore>, window_params = [{transform_indices = #map}, {transform_indices = #map}, {transform_indices = #map}, {transform_indices = #map1}]} {
    %mul3A = arith.constant 2 : i32
    %mul3A_0 = arith.muli %arg1, %mul3A : i32
    %add3A = arith.addi %mul3A_0, %arg0 : i32
    %mul3A_1 = arith.constant 80 : i32
    %mul3A_2 = arith.muli %add3A, %mul3A_1 : i32
    %dma_start3A = arith.constant 0 : i32
    %dma_start3A_3 = tpu.memref_slice %arg3[%mul3A_2, %dma_start3A] : memref<2560x128xi32, #tpu.memory_space<hbm>> -> memref<80x128xi32, #tpu.memory_space<hbm>>
    %dma_start3A_4 = arith.constant 0 : i32
    %dma_start3A_5 = tpu.memref_slice %arg3[%mul3A_2, %dma_start3A_4] : memref<2560x128xi32, #tpu.memory_space<hbm>> -> memref<80x128xi32, #tpu.memory_space<hbm>>
    tpu.enqueue_dma source(%dma_start3A_5 : memref<80x128xi32, #tpu.memory_space<hbm>>) target(%arg6 : memref<80x128xi32, #tpu.memory_space<vmem>>) target_semaphore(%arg14 : memref<!tpu.dma_semaphore, #tpu.memory_space<semaphore_mem>>)
    %dma_start3A_6 = arith.constant 0 : i32
    %dma_start3A_7 = tpu.memref_slice %arg4[%mul3A_2, %dma_start3A_6] : memref<2560x128xi32, #tpu.memory_space<hbm>> -> memref<80x128xi32, #tpu.memory_space<hbm>>
    %dma_start3A_8 = arith.constant 0 : i32
    %dma_start3A_9 = tpu.memref_slice %arg4[%mul3A_2, %dma_start3A_8] : memref<2560x128xi32, #tpu.memory_space<hbm>> -> memref<80x128xi32, #tpu.memory_space<hbm>>
    tpu.enqueue_dma source(%dma_start3A_9 : memref<80x128xi32, #tpu.memory_space<hbm>>) target(%arg7 : memref<80x128xi32, #tpu.memory_space<vmem>>) target_semaphore(%arg14 : memref<!tpu.dma_semaphore, #tpu.memory_space<semaphore_mem>>)
    %scan3A = arith.constant 0 : i32
    %scan3A_10 = arith.constant 0 : i32
    %scan3A_11 = arith.constant 256 : i32
    %scan3A_12 = arith.addi %scan3A_10, %scan3A_11 : i32
    %scan3A_13 = arith.constant 1 : i32
    scf.for %scan3A_211 = %scan3A_10 to %scan3A_12 step %scan3A_13  : i32 {
      %jit3A = arith.constant 4 : i32
      %div3A = arith.divsi %scan3A_211, %jit3A : i32
      %sign3A = arith.constant 0 : i32
      %sign3A_212 = arith.cmpi sgt, %scan3A_211, %sign3A : i32
      %sign3A_213 = arith.extui %sign3A_212 : i1 to i32
      %sign3A_214 = arith.constant 0 : i32
      %sign3A_215 = arith.cmpi slt, %scan3A_211, %sign3A_214 : i32
      %sign3A_216 = arith.extui %sign3A_215 : i1 to i32
      %sign3A_217 = arith.subi %sign3A_213, %sign3A_216 : i32
      %sign3A_218 = arith.constant 0 : i32
      %sign3A_219 = arith.cmpi sgt, %jit3A, %sign3A_218 : i32
      %sign3A_220 = arith.extui %sign3A_219 : i1 to i32
      %sign3A_221 = arith.constant 0 : i32
      %sign3A_222 = arith.cmpi slt, %jit3A, %sign3A_221 : i32
      %sign3A_223 = arith.extui %sign3A_222 : i1 to i32
      %sign3A_224 = arith.subi %sign3A_220, %sign3A_223 : i32
      %ne3A = arith.cmpi ne, %sign3A_217, %sign3A_224 : i32
      %rem3A = arith.remsi %scan3A_211, %jit3A : i32
      %ne3A_225 = arith.constant 0 : i32
      %ne3A_226 = arith.cmpi ne, %rem3A, %ne3A_225 : i32
      %and3A = arith.andi %ne3A, %ne3A_226 : i1
      %sub3A = arith.constant 1 : i32
      %sub3A_227 = arith.subi %div3A, %sub3A : i32
      %select_n3A = arith.select %and3A, %sub3A_227, %div3A : i32
      %jit3A_228 = arith.constant 4 : i32
      %eq3A = arith.constant 0 : i32
      %eq3A_229 = arith.cmpi eq, %jit3A_228, %eq3A : i32
      %jit3A_230 = arith.constant 1 : i32
      %select_n3A_231 = arith.select %eq3A_229, %jit3A_230, %jit3A_228 : i32
      %rem3A_232 = arith.remsi %scan3A_211, %select_n3A_231 : i32
      %ne3A_233 = arith.constant 0 : i32
      %ne3A_234 = arith.cmpi ne, %rem3A_232, %ne3A_233 : i32
      %lt3A = arith.constant 0 : i32
      %lt3A_235 = arith.cmpi slt, %rem3A_232, %lt3A : i32
      %lt3A_236 = arith.constant 0 : i32
      %lt3A_237 = arith.cmpi slt, %select_n3A_231, %lt3A_236 : i32
      %ne3A_238 = arith.xori %lt3A_235, %lt3A_237 : i1
      %and3A_239 = arith.andi %ne3A_238, %ne3A_234 : i1
      %add3A_240 = arith.addi %rem3A_232, %select_n3A_231 : i32
      %select_n3A_241 = arith.select %and3A_239, %add3A_240, %rem3A_232 : i32
      %mul3A_242 = arith.constant 16 : i32
      %mul3A_243 = arith.muli %select_n3A_241, %mul3A_242 : i32
      %broadcast_in_dim3A = arith.constant 0.000000e+00 : f32
      %broadcast_in_dim3A_244 = vector.broadcast %broadcast_in_dim3A : f32 to vector<16xf32>
      %swap3A = arith.index_cast %select_n3A : i32 to index
      %swap3A_245 = arith.index_cast %mul3A_243 : i32 to index
      %swap3A_246 = tpu.vector_load %arg13[%swap3A, %swap3A_245] {strides = array<i32>} : memref<64x64xf32, #tpu.memory_space<vmem>>, vector<1x16xf32>,
      %swap3A_247 = vector.shape_cast %swap3A_246 : vector<1x16xf32> to vector<16xf32>
      %swap3A_248 = vector.shape_cast %broadcast_in_dim3A_244 : vector<16xf32> to vector<1x16xf32>
      tpu.vector_store %arg13[%swap3A, %swap3A_245], %swap3A_248 {strides = array<i32>} : memref<64x64xf32, #tpu.memory_space<vmem>>, vector<1x16xf32>,
    }
    %scan3A_14 = arith.constant 256 : i32
    %mul3A_15 = arith.constant 640 : i32
    %mul3A_16 = arith.muli %arg1, %mul3A_15 : i32
    %add3A_17 = arith.constant 0 : i32
    %add3A_18 = arith.addi %mul3A_16, %add3A_17 : i32
    "tpu.region"() ({
      %run_scoped3A = tpu.sem_alloc : memref<!tpu.dma_semaphore, #tpu.memory_space<semaphore_mem>>
      %dma_start3A_211 = arith.constant 0 : i32
      %dma_start3A_212 = tpu.memref_slice %arg25[%add3A_18, %dma_start3A_211] : memref<10240x64xf32, #tpu.memory_space<vmem_shared>> -> memref<64x64xf32, #tpu.memory_space<vmem_shared>>
      %dma_start3A_213 = arith.constant 0 : i32
      %dma_start3A_214 = tpu.memref_slice %arg25[%add3A_18, %dma_start3A_213] : memref<10240x64xf32, #tpu.memory_space<vmem_shared>> -> memref<64x64xf32, #tpu.memory_space<vmem_shared>>
      tpu.enqueue_dma source(%arg13 : memref<64x64xf32, #tpu.memory_space<vmem>>) target(%dma_start3A_214 : memref<64x64xf32, #tpu.memory_space<vmem_shared>>) target_semaphore(%run_scoped3A : memref<!tpu.dma_semaphore, #tpu.memory_space<semaphore_mem>>)
      %dma_wait3A_215 = arith.constant 0 : i32
      %dma_wait3A_216 = tpu.memref_slice %arg25[%add3A_18, %dma_wait3A_215] : memref<10240x64xf32, #tpu.memory_space<vmem_shared>> -> memref<64x64xf32, #tpu.memory_space<vmem_shared>>
      %dma_wait3A_217 = arith.constant 0 : i32
      %dma_wait3A_218 = tpu.memref_slice %arg25[%add3A_18, %dma_wait3A_217] : memref<10240x64xf32, #tpu.memory_space<vmem_shared>> -> memref<64x64xf32, #tpu.memory_space<vmem_shared>>
      tpu.wait_dma2 semaphore(%run_scoped3A : memref<!tpu.dma_semaphore, #tpu.memory_space<semaphore_mem>>) src(%arg13 : memref<64x64xf32, #tpu.memory_space<vmem>>) dst(%dma_wait3A_218 : memref<64x64xf32, #tpu.memory_space<vmem_shared>>)
      tpu.yield
    }) : () -> ()
    %add3A_19 = arith.constant 64 : i32
    %add3A_20 = arith.addi %mul3A_16, %add3A_19 : i32
    "tpu.region"() ({
      %run_scoped3A = tpu.sem_alloc : memref<!tpu.dma_semaphore, #tpu.memory_space<semaphore_mem>>
      %dma_start3A_211 = arith.constant 0 : i32
      %dma_start3A_212 = tpu.memref_slice %arg25[%add3A_20, %dma_start3A_211] : memref<10240x64xf32, #tpu.memory_space<vmem_shared>> -> memref<64x64xf32, #tpu.memory_space<vmem_shared>>
      %dma_start3A_213 = arith.constant 0 : i32
      %dma_start3A_214 = tpu.memref_slice %arg25[%add3A_20, %dma_start3A_213] : memref<10240x64xf32, #tpu.memory_space<vmem_shared>> -> memref<64x64xf32, #tpu.memory_space<vmem_shared>>
      tpu.enqueue_dma source(%arg13 : memref<64x64xf32, #tpu.memory_space<vmem>>) target(%dma_start3A_214 : memref<64x64xf32, #tpu.memory_space<vmem_shared>>) target_semaphore(%run_scoped3A : memref<!tpu.dma_semaphore, #tpu.memory_space<semaphore_mem>>)
      %dma_wait3A_215 = arith.constant 0 : i32
      %dma_wait3A_216 = tpu.memref_slice %arg25[%add3A_20, %dma_wait3A_215] : memref<10240x64xf32, #tpu.memory_space<vmem_shared>> -> memref<64x64xf32, #tpu.memory_space<vmem_shared>>
      %dma_wait3A_217 = arith.constant 0 : i32
      %dma_wait3A_218 = tpu.memref_slice %arg25[%add3A_20, %dma_wait3A_217] : memref<10240x64xf32, #tpu.memory_space<vmem_shared>> -> memref<64x64xf32, #tpu.memory_space<vmem_shared>>
      tpu.wait_dma2 semaphore(%run_scoped3A : memref<!tpu.dma_semaphore, #tpu.memory_space<semaphore_mem>>) src(%arg13 : memref<64x64xf32, #tpu.memory_space<vmem>>) dst(%dma_wait3A_218 : memref<64x64xf32, #tpu.memory_space<vmem_shared>>)
      tpu.yield
    }) : () -> ()
    %add3A_21 = arith.constant 128 : i32
    %add3A_22 = arith.addi %mul3A_16, %add3A_21 : i32
    "tpu.region"() ({
      %run_scoped3A = tpu.sem_alloc : memref<!tpu.dma_semaphore, #tpu.memory_space<semaphore_mem>>
      %dma_start3A_211 = arith.constant 0 : i32
      %dma_start3A_212 = tpu.memref_slice %arg25[%add3A_22, %dma_start3A_211] : memref<10240x64xf32, #tpu.memory_space<vmem_shared>> -> memref<64x64xf32, #tpu.memory_space<vmem_shared>>
      %dma_start3A_213 = arith.constant 0 : i32
      %dma_start3A_214 = tpu.memref_slice %arg25[%add3A_22, %dma_start3A_213] : memref<10240x64xf32, #tpu.memory_space<vmem_shared>> -> memref<64x64xf32, #tpu.memory_space<vmem_shared>>
      tpu.enqueue_dma source(%arg13 : memref<64x64xf32, #tpu.memory_space<vmem>>) target(%dma_start3A_214 : memref<64x64xf32, #tpu.memory_space<vmem_shared>>) target_semaphore(%run_scoped3A : memref<!tpu.dma_semaphore, #tpu.memory_space<semaphore_mem>>)
      %dma_wait3A_215 = arith.constant 0 : i32
      %dma_wait3A_216 = tpu.memref_slice %arg25[%add3A_22, %dma_wait3A_215] : memref<10240x64xf32, #tpu.memory_space<vmem_shared>> -> memref<64x64xf32, #tpu.memory_space<vmem_shared>>
      %dma_wait3A_217 = arith.constant 0 : i32
      %dma_wait3A_218 = tpu.memref_slice %arg25[%add3A_22, %dma_wait3A_217] : memref<10240x64xf32, #tpu.memory_space<vmem_shared>> -> memref<64x64xf32, #tpu.memory_space<vmem_shared>>
      tpu.wait_dma2 semaphore(%run_scoped3A : memref<!tpu.dma_semaphore, #tpu.memory_space<semaphore_mem>>) src(%arg13 : memref<64x64xf32, #tpu.memory_space<vmem>>) dst(%dma_wait3A_218 : memref<64x64xf32, #tpu.memory_space<vmem_shared>>)
      tpu.yield
    }) : () -> ()
    %add3A_23 = arith.constant 192 : i32
    %add3A_24 = arith.addi %mul3A_16, %add3A_23 : i32
    "tpu.region"() ({
      %run_scoped3A = tpu.sem_alloc : memref<!tpu.dma_semaphore, #tpu.memory_space<semaphore_mem>>
      %dma_start3A_211 = arith.constant 0 : i32
      %dma_start3A_212 = tpu.memref_slice %arg25[%add3A_24, %dma_start3A_211] : memref<10240x64xf32, #tpu.memory_space<vmem_shared>> -> memref<64x64xf32, #tpu.memory_space<vmem_shared>>
      %dma_start3A_213 = arith.constant 0 : i32
      %dma_start3A_214 = tpu.memref_slice %arg25[%add3A_24, %dma_start3A_213] : memref<10240x64xf32, #tpu.memory_space<vmem_shared>> -> memref<64x64xf32, #tpu.memory_space<vmem_shared>>
      tpu.enqueue_dma source(%arg13 : memref<64x64xf32, #tpu.memory_space<vmem>>) target(%dma_start3A_214 : memref<64x64xf32, #tpu.memory_space<vmem_shared>>) target_semaphore(%run_scoped3A : memref<!tpu.dma_semaphore, #tpu.memory_space<semaphore_mem>>)
      %dma_wait3A_215 = arith.constant 0 : i32
      %dma_wait3A_216 = tpu.memref_slice %arg25[%add3A_24, %dma_wait3A_215] : memref<10240x64xf32, #tpu.memory_space<vmem_shared>> -> memref<64x64xf32, #tpu.memory_space<vmem_shared>>
      %dma_wait3A_217 = arith.constant 0 : i32
      %dma_wait3A_218 = tpu.memref_slice %arg25[%add3A_24, %dma_wait3A_217] : memref<10240x64xf32, #tpu.memory_space<vmem_shared>> -> memref<64x64xf32, #tpu.memory_space<vmem_shared>>
      tpu.wait_dma2 semaphore(%run_scoped3A : memref<!tpu.dma_semaphore, #tpu.memory_space<semaphore_mem>>) src(%arg13 : memref<64x64xf32, #tpu.memory_space<vmem>>) dst(%dma_wait3A_218 : memref<64x64xf32, #tpu.memory_space<vmem_shared>>)
      tpu.yield
    }) : () -> ()
    %add3A_25 = arith.constant 256 : i32
    %add3A_26 = arith.addi %mul3A_16, %add3A_25 : i32
    "tpu.region"() ({
      %run_scoped3A = tpu.sem_alloc : memref<!tpu.dma_semaphore, #tpu.memory_space<semaphore_mem>>
      %dma_start3A_211 = arith.constant 0 : i32
      %dma_start3A_212 = tpu.memref_slice %arg25[%add3A_26, %dma_start3A_211] : memref<10240x64xf32, #tpu.memory_space<vmem_shared>> -> memref<64x64xf32, #tpu.memory_space<vmem_shared>>
      %dma_start3A_213 = arith.constant 0 : i32
      %dma_start3A_214 = tpu.memref_slice %arg25[%add3A_26, %dma_start3A_213] : memref<10240x64xf32, #tpu.memory_space<vmem_shared>> -> memref<64x64xf32, #tpu.memory_space<vmem_shared>>
      tpu.enqueue_dma source(%arg13 : memref<64x64xf32, #tpu.memory_space<vmem>>) target(%dma_start3A_214 : memref<64x64xf32, #tpu.memory_space<vmem_shared>>) target_semaphore(%run_scoped3A : memref<!tpu.dma_semaphore, #tpu.memory_space<semaphore_mem>>)
      %dma_wait3A_215 = arith.constant 0 : i32
      %dma_wait3A_216 = tpu.memref_slice %arg25[%add3A_26, %dma_wait3A_215] : memref<10240x64xf32, #tpu.memory_space<vmem_shared>> -> memref<64x64xf32, #tpu.memory_space<vmem_shared>>
      %dma_wait3A_217 = arith.constant 0 : i32
      %dma_wait3A_218 = tpu.memref_slice %arg25[%add3A_26, %dma_wait3A_217] : memref<10240x64xf32, #tpu.memory_space<vmem_shared>> -> memref<64x64xf32, #tpu.memory_space<vmem_shared>>
      tpu.wait_dma2 semaphore(%run_scoped3A : memref<!tpu.dma_semaphore, #tpu.memory_space<semaphore_mem>>) src(%arg13 : memref<64x64xf32, #tpu.memory_space<vmem>>) dst(%dma_wait3A_218 : memref<64x64xf32, #tpu.memory_space<vmem_shared>>)
      tpu.yield
    }) : () -> ()
    %add3A_27 = arith.constant 320 : i32
    %add3A_28 = arith.addi %mul3A_16, %add3A_27 : i32
    "tpu.region"() ({
      %run_scoped3A = tpu.sem_alloc : memref<!tpu.dma_semaphore, #tpu.memory_space<semaphore_mem>>
      %dma_start3A_211 = arith.constant 0 : i32
      %dma_start3A_212 = tpu.memref_slice %arg25[%add3A_28, %dma_start3A_211] : memref<10240x64xf32, #tpu.memory_space<vmem_shared>> -> memref<64x64xf32, #tpu.memory_space<vmem_shared>>
      %dma_start3A_213 = arith.constant 0 : i32
      %dma_start3A_214 = tpu.memref_slice %arg25[%add3A_28, %dma_start3A_213] : memref<10240x64xf32, #tpu.memory_space<vmem_shared>> -> memref<64x64xf32, #tpu.memory_space<vmem_shared>>
      tpu.enqueue_dma source(%arg13 : memref<64x64xf32, #tpu.memory_space<vmem>>) target(%dma_start3A_214 : memref<64x64xf32, #tpu.memory_space<vmem_shared>>) target_semaphore(%run_scoped3A : memref<!tpu.dma_semaphore, #tpu.memory_space<semaphore_mem>>)
      %dma_wait3A_215 = arith.constant 0 : i32
      %dma_wait3A_216 = tpu.memref_slice %arg25[%add3A_28, %dma_wait3A_215] : memref<10240x64xf32, #tpu.memory_space<vmem_shared>> -> memref<64x64xf32, #tpu.memory_space<vmem_shared>>
      %dma_wait3A_217 = arith.constant 0 : i32
      %dma_wait3A_218 = tpu.memref_slice %arg25[%add3A_28, %dma_wait3A_217] : memref<10240x64xf32, #tpu.memory_space<vmem_shared>> -> memref<64x64xf32, #tpu.memory_space<vmem_shared>>
      tpu.wait_dma2 semaphore(%run_scoped3A : memref<!tpu.dma_semaphore, #tpu.memory_space<semaphore_mem>>) src(%arg13 : memref<64x64xf32, #tpu.memory_space<vmem>>) dst(%dma_wait3A_218 : memref<64x64xf32, #tpu.memory_space<vmem_shared>>)
      tpu.yield
    }) : () -> ()
    %add3A_29 = arith.constant 384 : i32
    %add3A_30 = arith.addi %mul3A_16, %add3A_29 : i32
    "tpu.region"() ({
      %run_scoped3A = tpu.sem_alloc : memref<!tpu.dma_semaphore, #tpu.memory_space<semaphore_mem>>
      %dma_start3A_211 = arith.constant 0 : i32
      %dma_start3A_212 = tpu.memref_slice %arg25[%add3A_30, %dma_start3A_211] : memref<10240x64xf32, #tpu.memory_space<vmem_shared>> -> memref<64x64xf32, #tpu.memory_space<vmem_shared>>
      %dma_start3A_213 = arith.constant 0 : i32
      %dma_start3A_214 = tpu.memref_slice %arg25[%add3A_30, %dma_start3A_213] : memref<10240x64xf32, #tpu.memory_space<vmem_shared>> -> memref<64x64xf32, #tpu.memory_space<vmem_shared>>
      tpu.enqueue_dma source(%arg13 : memref<64x64xf32, #tpu.memory_space<vmem>>) target(%dma_start3A_214 : memref<64x64xf32, #tpu.memory_space<vmem_shared>>) target_semaphore(%run_scoped3A : memref<!tpu.dma_semaphore, #tpu.memory_space<semaphore_mem>>)
      %dma_wait3A_215 = arith.constant 0 : i32
      %dma_wait3A_216 = tpu.memref_slice %arg25[%add3A_30, %dma_wait3A_215] : memref<10240x64xf32, #tpu.memory_space<vmem_shared>> -> memref<64x64xf32, #tpu.memory_space<vmem_shared>>
      %dma_wait3A_217 = arith.constant 0 : i32
      %dma_wait3A_218 = tpu.memref_slice %arg25[%add3A_30, %dma_wait3A_217] : memref<10240x64xf32, #tpu.memory_space<vmem_shared>> -> memref<64x64xf32, #tpu.memory_space<vmem_shared>>
      tpu.wait_dma2 semaphore(%run_scoped3A : memref<!tpu.dma_semaphore, #tpu.memory_space<semaphore_mem>>) src(%arg13 : memref<64x64xf32, #tpu.memory_space<vmem>>) dst(%dma_wait3A_218 : memref<64x64xf32, #tpu.memory_space<vmem_shared>>)
      tpu.yield
    }) : () -> ()
    %add3A_31 = arith.constant 448 : i32
    %add3A_32 = arith.addi %mul3A_16, %add3A_31 : i32
    "tpu.region"() ({
      %run_scoped3A = tpu.sem_alloc : memref<!tpu.dma_semaphore, #tpu.memory_space<semaphore_mem>>
      %dma_start3A_211 = arith.constant 0 : i32
      %dma_start3A_212 = tpu.memref_slice %arg25[%add3A_32, %dma_start3A_211] : memref<10240x64xf32, #tpu.memory_space<vmem_shared>> -> memref<64x64xf32, #tpu.memory_space<vmem_shared>>
      %dma_start3A_213 = arith.constant 0 : i32
      %dma_start3A_214 = tpu.memref_slice %arg25[%add3A_32, %dma_start3A_213] : memref<10240x64xf32, #tpu.memory_space<vmem_shared>> -> memref<64x64xf32, #tpu.memory_space<vmem_shared>>
      tpu.enqueue_dma source(%arg13 : memref<64x64xf32, #tpu.memory_space<vmem>>) target(%dma_start3A_214 : memref<64x64xf32, #tpu.memory_space<vmem_shared>>) target_semaphore(%run_scoped3A : memref<!tpu.dma_semaphore, #tpu.memory_space<semaphore_mem>>)
      %dma_wait3A_215 = arith.constant 0 : i32
      %dma_wait3A_216 = tpu.memref_slice %arg25[%add3A_32, %dma_wait3A_215] : memref<10240x64xf32, #tpu.memory_space<vmem_shared>> -> memref<64x64xf32, #tpu.memory_space<vmem_shared>>
      %dma_wait3A_217 = arith.constant 0 : i32
      %dma_wait3A_218 = tpu.memref_slice %arg25[%add3A_32, %dma_wait3A_217] : memref<10240x64xf32, #tpu.memory_space<vmem_shared>> -> memref<64x64xf32, #tpu.memory_space<vmem_shared>>
      tpu.wait_dma2 semaphore(%run_scoped3A : memref<!tpu.dma_semaphore, #tpu.memory_space<semaphore_mem>>) src(%arg13 : memref<64x64xf32, #tpu.memory_space<vmem>>) dst(%dma_wait3A_218 : memref<64x64xf32, #tpu.memory_space<vmem_shared>>)
      tpu.yield
    }) : () -> ()
    %add3A_33 = arith.constant 512 : i32
    %add3A_34 = arith.addi %mul3A_16, %add3A_33 : i32
    "tpu.region"() ({
      %run_scoped3A = tpu.sem_alloc : memref<!tpu.dma_semaphore, #tpu.memory_space<semaphore_mem>>
      %dma_start3A_211 = arith.constant 0 : i32
      %dma_start3A_212 = tpu.memref_slice %arg25[%add3A_34, %dma_start3A_211] : memref<10240x64xf32, #tpu.memory_space<vmem_shared>> -> memref<64x64xf32, #tpu.memory_space<vmem_shared>>
      %dma_start3A_213 = arith.constant 0 : i32
      %dma_start3A_214 = tpu.memref_slice %arg25[%add3A_34, %dma_start3A_213] : memref<10240x64xf32, #tpu.memory_space<vmem_shared>> -> memref<64x64xf32, #tpu.memory_space<vmem_shared>>
      tpu.enqueue_dma source(%arg13 : memref<64x64xf32, #tpu.memory_space<vmem>>) target(%dma_start3A_214 : memref<64x64xf32, #tpu.memory_space<vmem_shared>>) target_semaphore(%run_scoped3A : memref<!tpu.dma_semaphore, #tpu.memory_space<semaphore_mem>>)
      %dma_wait3A_215 = arith.constant 0 : i32
      %dma_wait3A_216 = tpu.memref_slice %arg25[%add3A_34, %dma_wait3A_215] : memref<10240x64xf32, #tpu.memory_space<vmem_shared>> -> memref<64x64xf32, #tpu.memory_space<vmem_shared>>
      %dma_wait3A_217 = arith.constant 0 : i32
      %dma_wait3A_218 = tpu.memref_slice %arg25[%add3A_34, %dma_wait3A_217] : memref<10240x64xf32, #tpu.memory_space<vmem_shared>> -> memref<64x64xf32, #tpu.memory_space<vmem_shared>>
      tpu.wait_dma2 semaphore(%run_scoped3A : memref<!tpu.dma_semaphore, #tpu.memory_space<semaphore_mem>>) src(%arg13 : memref<64x64xf32, #tpu.memory_space<vmem>>) dst(%dma_wait3A_218 : memref<64x64xf32, #tpu.memory_space<vmem_shared>>)
      tpu.yield
    }) : () -> ()
    %add3A_35 = arith.constant 576 : i32
    %add3A_36 = arith.addi %mul3A_16, %add3A_35 : i32
    "tpu.region"() ({
      %run_scoped3A = tpu.sem_alloc : memref<!tpu.dma_semaphore, #tpu.memory_space<semaphore_mem>>
      %dma_start3A_211 = arith.constant 0 : i32
      %dma_start3A_212 = tpu.memref_slice %arg25[%add3A_36, %dma_start3A_211] : memref<10240x64xf32, #tpu.memory_space<vmem_shared>> -> memref<64x64xf32, #tpu.memory_space<vmem_shared>>
      %dma_start3A_213 = arith.constant 0 : i32
      %dma_start3A_214 = tpu.memref_slice %arg25[%add3A_36, %dma_start3A_213] : memref<10240x64xf32, #tpu.memory_space<vmem_shared>> -> memref<64x64xf32, #tpu.memory_space<vmem_shared>>
      tpu.enqueue_dma source(%arg13 : memref<64x64xf32, #tpu.memory_space<vmem>>) target(%dma_start3A_214 : memref<64x64xf32, #tpu.memory_space<vmem_shared>>) target_semaphore(%run_scoped3A : memref<!tpu.dma_semaphore, #tpu.memory_space<semaphore_mem>>)
      %dma_wait3A_215 = arith.constant 0 : i32
      %dma_wait3A_216 = tpu.memref_slice %arg25[%add3A_36, %dma_wait3A_215] : memref<10240x64xf32, #tpu.memory_space<vmem_shared>> -> memref<64x64xf32, #tpu.memory_space<vmem_shared>>
      %dma_wait3A_217 = arith.constant 0 : i32
      %dma_wait3A_218 = tpu.memref_slice %arg25[%add3A_36, %dma_wait3A_217] : memref<10240x64xf32, #tpu.memory_space<vmem_shared>> -> memref<64x64xf32, #tpu.memory_space<vmem_shared>>
      tpu.wait_dma2 semaphore(%run_scoped3A : memref<!tpu.dma_semaphore, #tpu.memory_space<semaphore_mem>>) src(%arg13 : memref<64x64xf32, #tpu.memory_space<vmem>>) dst(%dma_wait3A_218 : memref<64x64xf32, #tpu.memory_space<vmem_shared>>)
      tpu.yield
    }) : () -> ()
    %barrier3A = arith.constant 0 : index
    tpu.barrier barrier_id(%barrier3A)
    %dma_wait3A = arith.constant 0 : i32
    %dma_wait3A_37 = tpu.memref_slice %arg3[%mul3A_2, %dma_wait3A] : memref<2560x128xi32, #tpu.memory_space<hbm>> -> memref<80x128xi32, #tpu.memory_space<hbm>>
    %dma_wait3A_38 = arith.constant 0 : i32
    %dma_wait3A_39 = tpu.memref_slice %arg3[%mul3A_2, %dma_wait3A_38] : memref<2560x128xi32, #tpu.memory_space<hbm>> -> memref<80x128xi32, #tpu.memory_space<hbm>>
    tpu.wait_dma2 semaphore(%arg14 : memref<!tpu.dma_semaphore, #tpu.memory_space<semaphore_mem>>) src(%dma_wait3A_39 : memref<80x128xi32, #tpu.memory_space<hbm>>) dst(%arg6 : memref<80x128xi32, #tpu.memory_space<vmem>>)
    %dma_wait3A_40 = arith.constant 0 : i32
    %dma_wait3A_41 = tpu.memref_slice %arg4[%mul3A_2, %dma_wait3A_40] : memref<2560x128xi32, #tpu.memory_space<hbm>> -> memref<80x128xi32, #tpu.memory_space<hbm>>
    %dma_wait3A_42 = arith.constant 0 : i32
    %dma_wait3A_43 = tpu.memref_slice %arg4[%mul3A_2, %dma_wait3A_42] : memref<2560x128xi32, #tpu.memory_space<hbm>> -> memref<80x128xi32, #tpu.memory_space<hbm>>
    tpu.wait_dma2 semaphore(%arg14 : memref<!tpu.dma_semaphore, #tpu.memory_space<semaphore_mem>>) src(%dma_wait3A_43 : memref<80x128xi32, #tpu.memory_space<hbm>>) dst(%arg7 : memref<80x128xi32, #tpu.memory_space<vmem>>)
    %dma_start3A_44 = arith.constant 0 : i32
    %dma_start3A_45 = arith.constant 0 : i32
    %dma_start3A_46 = tpu.memref_slice %arg6[%dma_start3A_44, %dma_start3A_45] : memref<80x128xi32, #tpu.memory_space<vmem>> -> memref<1x128xi32, #tpu.memory_space<vmem>>
    %dma_start3A_47 = tpu.memref_squeeze %dma_start3A_46 : memref<1x128xi32, #tpu.memory_space<vmem>> -> memref<128xi32, #tpu.memory_space<vmem>>
    %dma_start3A_48 = arith.constant 0 : i32
    %dma_start3A_49 = arith.constant 0 : i32
    %dma_start3A_50 = tpu.memref_slice %arg2[%dma_start3A_48, %dma_start3A_49] : memref<10240x64xf32, #tpu.memory_space<hbm>> -> memref<10240x64xf32, #tpu.memory_space<hbm>>
    tpu.enqueue_indirect_dma source(%dma_start3A_50 : memref<10240x64xf32, #tpu.memory_space<hbm>>) target(%arg8 : memref<128x64xf32, #tpu.memory_space<vmem>>) offsets(%dma_start3A_47 : memref<128xi32, #tpu.memory_space<vmem>>) semaphore(%arg15 : memref<!tpu.dma_semaphore, #tpu.memory_space<semaphore_mem>>)
    %dma_start3A_51 = arith.constant 1 : i32
    %dma_start3A_52 = arith.constant 0 : i32
    %dma_start3A_53 = tpu.memref_slice %arg6[%dma_start3A_51, %dma_start3A_52] : memref<80x128xi32, #tpu.memory_space<vmem>> -> memref<1x128xi32, #tpu.memory_space<vmem>>
    %dma_start3A_54 = tpu.memref_squeeze %dma_start3A_53 : memref<1x128xi32, #tpu.memory_space<vmem>> -> memref<128xi32, #tpu.memory_space<vmem>>
    %dma_start3A_55 = arith.constant 0 : i32
    %dma_start3A_56 = arith.constant 0 : i32
    %dma_start3A_57 = tpu.memref_slice %arg2[%dma_start3A_55, %dma_start3A_56] : memref<10240x64xf32, #tpu.memory_space<hbm>> -> memref<10240x64xf32, #tpu.memory_space<hbm>>
    tpu.enqueue_indirect_dma source(%dma_start3A_57 : memref<10240x64xf32, #tpu.memory_space<hbm>>) target(%arg9 : memref<128x64xf32, #tpu.memory_space<vmem>>) offsets(%dma_start3A_54 : memref<128xi32, #tpu.memory_space<vmem>>) semaphore(%arg16 : memref<!tpu.dma_semaphore, #tpu.memory_space<semaphore_mem>>)
    %dma_start3A_58 = arith.constant 2 : i32
    %dma_start3A_59 = arith.constant 0 : i32
    %dma_start3A_60 = tpu.memref_slice %arg6[%dma_start3A_58, %dma_start3A_59] : memref<80x128xi32, #tpu.memory_space<vmem>> -> memref<1x128xi32, #tpu.memory_space<vmem>>
    %dma_start3A_61 = tpu.memref_squeeze %dma_start3A_60 : memref<1x128xi32, #tpu.memory_space<vmem>> -> memref<128xi32, #tpu.memory_space<vmem>>
    %dma_start3A_62 = arith.constant 0 : i32
    %dma_start3A_63 = arith.constant 0 : i32
    %dma_start3A_64 = tpu.memref_slice %arg2[%dma_start3A_62, %dma_start3A_63] : memref<10240x64xf32, #tpu.memory_space<hbm>> -> memref<10240x64xf32, #tpu.memory_space<hbm>>
    tpu.enqueue_indirect_dma source(%dma_start3A_64 : memref<10240x64xf32, #tpu.memory_space<hbm>>) target(%arg10 : memref<128x64xf32, #tpu.memory_space<vmem>>) offsets(%dma_start3A_61 : memref<128xi32, #tpu.memory_space<vmem>>) semaphore(%arg17 : memref<!tpu.dma_semaphore, #tpu.memory_space<semaphore_mem>>)
    %dma_start3A_65 = arith.constant 3 : i32
    %dma_start3A_66 = arith.constant 0 : i32
    %dma_start3A_67 = tpu.memref_slice %arg6[%dma_start3A_65, %dma_start3A_66] : memref<80x128xi32, #tpu.memory_space<vmem>> -> memref<1x128xi32, #tpu.memory_space<vmem>>
    %dma_start3A_68 = tpu.memref_squeeze %dma_start3A_67 : memref<1x128xi32, #tpu.memory_space<vmem>> -> memref<128xi32, #tpu.memory_space<vmem>>
    %dma_start3A_69 = arith.constant 0 : i32
    %dma_start3A_70 = arith.constant 0 : i32
    %dma_start3A_71 = tpu.memref_slice %arg2[%dma_start3A_69, %dma_start3A_70] : memref<10240x64xf32, #tpu.memory_space<hbm>> -> memref<10240x64xf32, #tpu.memory_space<hbm>>
    tpu.enqueue_indirect_dma source(%dma_start3A_71 : memref<10240x64xf32, #tpu.memory_space<hbm>>) target(%arg11 : memref<128x64xf32, #tpu.memory_space<vmem>>) offsets(%dma_start3A_68 : memref<128xi32, #tpu.memory_space<vmem>>) semaphore(%arg18 : memref<!tpu.dma_semaphore, #tpu.memory_space<semaphore_mem>>)
    %dma_start3A_72 = arith.constant 4 : i32
    %dma_start3A_73 = arith.constant 0 : i32
    %dma_start3A_74 = tpu.memref_slice %arg6[%dma_start3A_72, %dma_start3A_73] : memref<80x128xi32, #tpu.memory_space<vmem>> -> memref<1x128xi32, #tpu.memory_space<vmem>>
    %dma_start3A_75 = tpu.memref_squeeze %dma_start3A_74 : memref<1x128xi32, #tpu.memory_space<vmem>> -> memref<128xi32, #tpu.memory_space<vmem>>
    %dma_start3A_76 = arith.constant 0 : i32
    %dma_start3A_77 = arith.constant 0 : i32
    %dma_start3A_78 = tpu.memref_slice %arg2[%dma_start3A_76, %dma_start3A_77] : memref<10240x64xf32, #tpu.memory_space<hbm>> -> memref<10240x64xf32, #tpu.memory_space<hbm>>
    tpu.enqueue_indirect_dma source(%dma_start3A_78 : memref<10240x64xf32, #tpu.memory_space<hbm>>) target(%arg12 : memref<128x64xf32, #tpu.memory_space<vmem>>) offsets(%dma_start3A_75 : memref<128xi32, #tpu.memory_space<vmem>>) semaphore(%arg19 : memref<!tpu.dma_semaphore, #tpu.memory_space<semaphore_mem>>)
    %scan3A_79 = arith.constant 0 : i32
    %scan3A_80 = arith.constant 0 : i32
    %scan3A_81 = arith.constant 15 : i32
    %scan3A_82 = arith.addi %scan3A_80, %scan3A_81 : i32
    %scan3A_83 = arith.constant 1 : i32
    scf.for %scan3A_211 = %scan3A_80 to %scan3A_82 step %scan3A_83  : i32 {
      %mul3A_212 = arith.constant 5 : i32
      %mul3A_213 = arith.muli %scan3A_211, %mul3A_212 : i32
      %dma_wait3A_214 = arith.constant 0 : i32
      %dma_wait3A_215 = arith.constant 0 : i32
      %dma_wait3A_216 = tpu.memref_slice %arg6[%dma_wait3A_214, %dma_wait3A_215] : memref<80x128xi32, #tpu.memory_space<vmem>> -> memref<1x128xi32, #tpu.memory_space<vmem>>
      %dma_wait3A_217 = tpu.memref_squeeze %dma_wait3A_216 : memref<1x128xi32, #tpu.memory_space<vmem>> -> memref<128xi32, #tpu.memory_space<vmem>>
      %dma_wait3A_218 = arith.constant 0 : i32
      %dma_wait3A_219 = arith.constant 0 : i32
      %dma_wait3A_220 = tpu.memref_slice %arg2[%dma_wait3A_218, %dma_wait3A_219] : memref<10240x64xf32, #tpu.memory_space<hbm>> -> memref<10240x64xf32, #tpu.memory_space<hbm>>
      tpu.wait_indirect_dma semaphore(%arg15 : memref<!tpu.dma_semaphore, #tpu.memory_space<semaphore_mem>>) src(%dma_wait3A_220 : memref<10240x64xf32, #tpu.memory_space<hbm>>) dst(%arg8 : memref<128x64xf32, #tpu.memory_space<vmem>>)
      %add3A_221 = arith.constant 0 : i32
      %add3A_222 = arith.addi %mul3A_213, %add3A_221 : i32
      %dma_start3A_223 = arith.constant 0 : i32
      %dma_start3A_224 = tpu.memref_slice %arg7[%add3A_222, %dma_start3A_223] : memref<80x128xi32, #tpu.memory_space<vmem>> -> memref<1x128xi32, #tpu.memory_space<vmem>>
      %dma_start3A_225 = tpu.memref_squeeze %dma_start3A_224 : memref<1x128xi32, #tpu.memory_space<vmem>> -> memref<128xi32, #tpu.memory_space<vmem>>
      %dma_start3A_226 = arith.constant 0 : i32
      %dma_start3A_227 = arith.constant 0 : i32
      %dma_start3A_228 = tpu.memref_slice %arg25[%dma_start3A_226, %dma_start3A_227] : memref<10240x64xf32, #tpu.memory_space<vmem_shared>> -> memref<10240x64xf32, #tpu.memory_space<vmem_shared>>
      tpu.enqueue_indirect_dma source(%arg8 : memref<128x64xf32, #tpu.memory_space<vmem>>) target(%dma_start3A_228 : memref<10240x64xf32, #tpu.memory_space<vmem_shared>>) offsets(%dma_start3A_225 : memref<128xi32, #tpu.memory_space<vmem>>) semaphore(%arg20 : memref<!tpu.dma_semaphore, #tpu.memory_space<semaphore_mem>>) {add = true}
      %dma_wait3A_229 = arith.constant 0 : i32
      %dma_wait3A_230 = arith.constant 0 : i32
      %dma_wait3A_231 = tpu.memref_slice %arg6[%dma_wait3A_229, %dma_wait3A_230] : memref<80x128xi32, #tpu.memory_space<vmem>> -> memref<1x128xi32, #tpu.memory_space<vmem>>
      %dma_wait3A_232 = tpu.memref_squeeze %dma_wait3A_231 : memref<1x128xi32, #tpu.memory_space<vmem>> -> memref<128xi32, #tpu.memory_space<vmem>>
      %dma_wait3A_233 = arith.constant 0 : i32
      %dma_wait3A_234 = arith.constant 0 : i32
      %dma_wait3A_235 = tpu.memref_slice %arg2[%dma_wait3A_233, %dma_wait3A_234] : memref<10240x64xf32, #tpu.memory_space<hbm>> -> memref<10240x64xf32, #tpu.memory_space<hbm>>
      tpu.wait_indirect_dma semaphore(%arg16 : memref<!tpu.dma_semaphore, #tpu.memory_space<semaphore_mem>>) src(%dma_wait3A_235 : memref<10240x64xf32, #tpu.memory_space<hbm>>) dst(%arg9 : memref<128x64xf32, #tpu.memory_space<vmem>>)
      %add3A_236 = arith.constant 1 : i32
      %add3A_237 = arith.addi %mul3A_213, %add3A_236 : i32
      %dma_start3A_238 = arith.constant 0 : i32
      %dma_start3A_239 = tpu.memref_slice %arg7[%add3A_237, %dma_start3A_238] : memref<80x128xi32, #tpu.memory_space<vmem>> -> memref<1x128xi32, #tpu.memory_space<vmem>>
      %dma_start3A_240 = tpu.memref_squeeze %dma_start3A_239 : memref<1x128xi32, #tpu.memory_space<vmem>> -> memref<128xi32, #tpu.memory_space<vmem>>
      %dma_start3A_241 = arith.constant 0 : i32
      %dma_start3A_242 = arith.constant 0 : i32
      %dma_start3A_243 = tpu.memref_slice %arg25[%dma_start3A_241, %dma_start3A_242] : memref<10240x64xf32, #tpu.memory_space<vmem_shared>> -> memref<10240x64xf32, #tpu.memory_space<vmem_shared>>
      tpu.enqueue_indirect_dma source(%arg9 : memref<128x64xf32, #tpu.memory_space<vmem>>) target(%dma_start3A_243 : memref<10240x64xf32, #tpu.memory_space<vmem_shared>>) offsets(%dma_start3A_240 : memref<128xi32, #tpu.memory_space<vmem>>) semaphore(%arg21 : memref<!tpu.dma_semaphore, #tpu.memory_space<semaphore_mem>>) {add = true}
      %dma_wait3A_244 = arith.constant 0 : i32
      %dma_wait3A_245 = arith.constant 0 : i32
      %dma_wait3A_246 = tpu.memref_slice %arg6[%dma_wait3A_244, %dma_wait3A_245] : memref<80x128xi32, #tpu.memory_space<vmem>> -> memref<1x128xi32, #tpu.memory_space<vmem>>
      %dma_wait3A_247 = tpu.memref_squeeze %dma_wait3A_246 : memref<1x128xi32, #tpu.memory_space<vmem>> -> memref<128xi32, #tpu.memory_space<vmem>>
      %dma_wait3A_248 = arith.constant 0 : i32
      %dma_wait3A_249 = arith.constant 0 : i32
      %dma_wait3A_250 = tpu.memref_slice %arg2[%dma_wait3A_248, %dma_wait3A_249] : memref<10240x64xf32, #tpu.memory_space<hbm>> -> memref<10240x64xf32, #tpu.memory_space<hbm>>
      tpu.wait_indirect_dma semaphore(%arg17 : memref<!tpu.dma_semaphore, #tpu.memory_space<semaphore_mem>>) src(%dma_wait3A_250 : memref<10240x64xf32, #tpu.memory_space<hbm>>) dst(%arg10 : memref<128x64xf32, #tpu.memory_space<vmem>>)
      %add3A_251 = arith.constant 2 : i32
      %add3A_252 = arith.addi %mul3A_213, %add3A_251 : i32
      %dma_start3A_253 = arith.constant 0 : i32
      %dma_start3A_254 = tpu.memref_slice %arg7[%add3A_252, %dma_start3A_253] : memref<80x128xi32, #tpu.memory_space<vmem>> -> memref<1x128xi32, #tpu.memory_space<vmem>>
      %dma_start3A_255 = tpu.memref_squeeze %dma_start3A_254 : memref<1x128xi32, #tpu.memory_space<vmem>> -> memref<128xi32, #tpu.memory_space<vmem>>
      %dma_start3A_256 = arith.constant 0 : i32
      %dma_start3A_257 = arith.constant 0 : i32
      %dma_start3A_258 = tpu.memref_slice %arg25[%dma_start3A_256, %dma_start3A_257] : memref<10240x64xf32, #tpu.memory_space<vmem_shared>> -> memref<10240x64xf32, #tpu.memory_space<vmem_shared>>
      tpu.enqueue_indirect_dma source(%arg10 : memref<128x64xf32, #tpu.memory_space<vmem>>) target(%dma_start3A_258 : memref<10240x64xf32, #tpu.memory_space<vmem_shared>>) offsets(%dma_start3A_255 : memref<128xi32, #tpu.memory_space<vmem>>) semaphore(%arg22 : memref<!tpu.dma_semaphore, #tpu.memory_space<semaphore_mem>>) {add = true}
      %dma_wait3A_259 = arith.constant 0 : i32
      %dma_wait3A_260 = arith.constant 0 : i32
      %dma_wait3A_261 = tpu.memref_slice %arg6[%dma_wait3A_259, %dma_wait3A_260] : memref<80x128xi32, #tpu.memory_space<vmem>> -> memref<1x128xi32, #tpu.memory_space<vmem>>
      %dma_wait3A_262 = tpu.memref_squeeze %dma_wait3A_261 : memref<1x128xi32, #tpu.memory_space<vmem>> -> memref<128xi32, #tpu.memory_space<vmem>>
      %dma_wait3A_263 = arith.constant 0 : i32
      %dma_wait3A_264 = arith.constant 0 : i32
      %dma_wait3A_265 = tpu.memref_slice %arg2[%dma_wait3A_263, %dma_wait3A_264] : memref<10240x64xf32, #tpu.memory_space<hbm>> -> memref<10240x64xf32, #tpu.memory_space<hbm>>
      tpu.wait_indirect_dma semaphore(%arg18 : memref<!tpu.dma_semaphore, #tpu.memory_space<semaphore_mem>>) src(%dma_wait3A_265 : memref<10240x64xf32, #tpu.memory_space<hbm>>) dst(%arg11 : memref<128x64xf32, #tpu.memory_space<vmem>>)
      %add3A_266 = arith.constant 3 : i32
      %add3A_267 = arith.addi %mul3A_213, %add3A_266 : i32
      %dma_start3A_268 = arith.constant 0 : i32
      %dma_start3A_269 = tpu.memref_slice %arg7[%add3A_267, %dma_start3A_268] : memref<80x128xi32, #tpu.memory_space<vmem>> -> memref<1x128xi32, #tpu.memory_space<vmem>>
      %dma_start3A_270 = tpu.memref_squeeze %dma_start3A_269 : memref<1x128xi32, #tpu.memory_space<vmem>> -> memref<128xi32, #tpu.memory_space<vmem>>
      %dma_start3A_271 = arith.constant 0 : i32
      %dma_start3A_272 = arith.constant 0 : i32
      %dma_start3A_273 = tpu.memref_slice %arg25[%dma_start3A_271, %dma_start3A_272] : memref<10240x64xf32, #tpu.memory_space<vmem_shared>> -> memref<10240x64xf32, #tpu.memory_space<vmem_shared>>
      tpu.enqueue_indirect_dma source(%arg11 : memref<128x64xf32, #tpu.memory_space<vmem>>) target(%dma_start3A_273 : memref<10240x64xf32, #tpu.memory_space<vmem_shared>>) offsets(%dma_start3A_270 : memref<128xi32, #tpu.memory_space<vmem>>) semaphore(%arg23 : memref<!tpu.dma_semaphore, #tpu.memory_space<semaphore_mem>>) {add = true}
      %dma_wait3A_274 = arith.constant 0 : i32
      %dma_wait3A_275 = arith.constant 0 : i32
      %dma_wait3A_276 = tpu.memref_slice %arg6[%dma_wait3A_274, %dma_wait3A_275] : memref<80x128xi32, #tpu.memory_space<vmem>> -> memref<1x128xi32, #tpu.memory_space<vmem>>
      %dma_wait3A_277 = tpu.memref_squeeze %dma_wait3A_276 : memref<1x128xi32, #tpu.memory_space<vmem>> -> memref<128xi32, #tpu.memory_space<vmem>>
      %dma_wait3A_278 = arith.constant 0 : i32
      %dma_wait3A_279 = arith.constant 0 : i32
      %dma_wait3A_280 = tpu.memref_slice %arg2[%dma_wait3A_278, %dma_wait3A_279] : memref<10240x64xf32, #tpu.memory_space<hbm>> -> memref<10240x64xf32, #tpu.memory_space<hbm>>
      tpu.wait_indirect_dma semaphore(%arg19 : memref<!tpu.dma_semaphore, #tpu.memory_space<semaphore_mem>>) src(%dma_wait3A_280 : memref<10240x64xf32, #tpu.memory_space<hbm>>) dst(%arg12 : memref<128x64xf32, #tpu.memory_space<vmem>>)
      %add3A_281 = arith.constant 4 : i32
      %add3A_282 = arith.addi %mul3A_213, %add3A_281 : i32
      %dma_start3A_283 = arith.constant 0 : i32
      %dma_start3A_284 = tpu.memref_slice %arg7[%add3A_282, %dma_start3A_283] : memref<80x128xi32, #tpu.memory_space<vmem>> -> memref<1x128xi32, #tpu.memory_space<vmem>>
      %dma_start3A_285 = tpu.memref_squeeze %dma_start3A_284 : memref<1x128xi32, #tpu.memory_space<vmem>> -> memref<128xi32, #tpu.memory_space<vmem>>
      %dma_start3A_286 = arith.constant 0 : i32
      %dma_start3A_287 = arith.constant 0 : i32
      %dma_start3A_288 = tpu.memref_slice %arg25[%dma_start3A_286, %dma_start3A_287] : memref<10240x64xf32, #tpu.memory_space<vmem_shared>> -> memref<10240x64xf32, #tpu.memory_space<vmem_shared>>
      tpu.enqueue_indirect_dma source(%arg12 : memref<128x64xf32, #tpu.memory_space<vmem>>) target(%dma_start3A_288 : memref<10240x64xf32, #tpu.memory_space<vmem_shared>>) offsets(%dma_start3A_285 : memref<128xi32, #tpu.memory_space<vmem>>) semaphore(%arg24 : memref<!tpu.dma_semaphore, #tpu.memory_space<semaphore_mem>>) {add = true}
      %dma_wait3A_289 = arith.constant 0 : i32
      %dma_wait3A_290 = arith.constant 0 : i32
      %dma_wait3A_291 = tpu.memref_slice %arg7[%dma_wait3A_289, %dma_wait3A_290] : memref<80x128xi32, #tpu.memory_space<vmem>> -> memref<1x128xi32, #tpu.memory_space<vmem>>
      %dma_wait3A_292 = tpu.memref_squeeze %dma_wait3A_291 : memref<1x128xi32, #tpu.memory_space<vmem>> -> memref<128xi32, #tpu.memory_space<vmem>>
      %dma_wait3A_293 = arith.constant 0 : i32
      %dma_wait3A_294 = arith.constant 0 : i32
      %dma_wait3A_295 = tpu.memref_slice %arg25[%dma_wait3A_293, %dma_wait3A_294] : memref<10240x64xf32, #tpu.memory_space<vmem_shared>> -> memref<10240x64xf32, #tpu.memory_space<vmem_shared>>
      tpu.wait_indirect_dma semaphore(%arg20 : memref<!tpu.dma_semaphore, #tpu.memory_space<semaphore_mem>>) src(%arg8 : memref<128x64xf32, #tpu.memory_space<vmem>>) dst(%dma_wait3A_295 : memref<10240x64xf32, #tpu.memory_space<vmem_shared>>)
      %add3A_296 = arith.constant 5 : i32
      %add3A_297 = arith.addi %mul3A_213, %add3A_296 : i32
      %add3A_298 = arith.constant 0 : i32
      %add3A_299 = arith.addi %add3A_297, %add3A_298 : i32
      %dma_start3A_300 = arith.constant 0 : i32
      %dma_start3A_301 = tpu.memref_slice %arg6[%add3A_299, %dma_start3A_300] : memref<80x128xi32, #tpu.memory_space<vmem>> -> memref<1x128xi32, #tpu.memory_space<vmem>>
      %dma_start3A_302 = tpu.memref_squeeze %dma_start3A_301 : memref<1x128xi32, #tpu.memory_space<vmem>> -> memref<128xi32, #tpu.memory_space<vmem>>
      %dma_start3A_303 = arith.constant 0 : i32
      %dma_start3A_304 = arith.constant 0 : i32
      %dma_start3A_305 = tpu.memref_slice %arg2[%dma_start3A_303, %dma_start3A_304] : memref<10240x64xf32, #tpu.memory_space<hbm>> -> memref<10240x64xf32, #tpu.memory_space<hbm>>
      tpu.enqueue_indirect_dma source(%dma_start3A_305 : memref<10240x64xf32, #tpu.memory_space<hbm>>) target(%arg8 : memref<128x64xf32, #tpu.memory_space<vmem>>) offsets(%dma_start3A_302 : memref<128xi32, #tpu.memory_space<vmem>>) semaphore(%arg15 : memref<!tpu.dma_semaphore, #tpu.memory_space<semaphore_mem>>)
      %dma_wait3A_306 = arith.constant 0 : i32
      %dma_wait3A_307 = arith.constant 0 : i32
      %dma_wait3A_308 = tpu.memref_slice %arg7[%dma_wait3A_306, %dma_wait3A_307] : memref<80x128xi32, #tpu.memory_space<vmem>> -> memref<1x128xi32, #tpu.memory_space<vmem>>
      %dma_wait3A_309 = tpu.memref_squeeze %dma_wait3A_308 : memref<1x128xi32, #tpu.memory_space<vmem>> -> memref<128xi32, #tpu.memory_space<vmem>>
      %dma_wait3A_310 = arith.constant 0 : i32
      %dma_wait3A_311 = arith.constant 0 : i32
      %dma_wait3A_312 = tpu.memref_slice %arg25[%dma_wait3A_310, %dma_wait3A_311] : memref<10240x64xf32, #tpu.memory_space<vmem_shared>> -> memref<10240x64xf32, #tpu.memory_space<vmem_shared>>
      tpu.wait_indirect_dma semaphore(%arg21 : memref<!tpu.dma_semaphore, #tpu.memory_space<semaphore_mem>>) src(%arg9 : memref<128x64xf32, #tpu.memory_space<vmem>>) dst(%dma_wait3A_312 : memref<10240x64xf32, #tpu.memory_space<vmem_shared>>)
      %add3A_313 = arith.constant 5 : i32
      %add3A_314 = arith.addi %mul3A_213, %add3A_313 : i32
      %add3A_315 = arith.constant 1 : i32
      %add3A_316 = arith.addi %add3A_314, %add3A_315 : i32
      %dma_start3A_317 = arith.constant 0 : i32
      %dma_start3A_318 = tpu.memref_slice %arg6[%add3A_316, %dma_start3A_317] : memref<80x128xi32, #tpu.memory_space<vmem>> -> memref<1x128xi32, #tpu.memory_space<vmem>>
      %dma_start3A_319 = tpu.memref_squeeze %dma_start3A_318 : memref<1x128xi32, #tpu.memory_space<vmem>> -> memref<128xi32, #tpu.memory_space<vmem>>
      %dma_start3A_320 = arith.constant 0 : i32
      %dma_start3A_321 = arith.constant 0 : i32
      %dma_start3A_322 = tpu.memref_slice %arg2[%dma_start3A_320, %dma_start3A_321] : memref<10240x64xf32, #tpu.memory_space<hbm>> -> memref<10240x64xf32, #tpu.memory_space<hbm>>
      tpu.enqueue_indirect_dma source(%dma_start3A_322 : memref<10240x64xf32, #tpu.memory_space<hbm>>) target(%arg9 : memref<128x64xf32, #tpu.memory_space<vmem>>) offsets(%dma_start3A_319 : memref<128xi32, #tpu.memory_space<vmem>>) semaphore(%arg16 : memref<!tpu.dma_semaphore, #tpu.memory_space<semaphore_mem>>)
      %dma_wait3A_323 = arith.constant 0 : i32
      %dma_wait3A_324 = arith.constant 0 : i32
      %dma_wait3A_325 = tpu.memref_slice %arg7[%dma_wait3A_323, %dma_wait3A_324] : memref<80x128xi32, #tpu.memory_space<vmem>> -> memref<1x128xi32, #tpu.memory_space<vmem>>
      %dma_wait3A_326 = tpu.memref_squeeze %dma_wait3A_325 : memref<1x128xi32, #tpu.memory_space<vmem>> -> memref<128xi32, #tpu.memory_space<vmem>>
      %dma_wait3A_327 = arith.constant 0 : i32
      %dma_wait3A_328 = arith.constant 0 : i32
      %dma_wait3A_329 = tpu.memref_slice %arg25[%dma_wait3A_327, %dma_wait3A_328] : memref<10240x64xf32, #tpu.memory_space<vmem_shared>> -> memref<10240x64xf32, #tpu.memory_space<vmem_shared>>
      tpu.wait_indirect_dma semaphore(%arg22 : memref<!tpu.dma_semaphore, #tpu.memory_space<semaphore_mem>>) src(%arg10 : memref<128x64xf32, #tpu.memory_space<vmem>>) dst(%dma_wait3A_329 : memref<10240x64xf32, #tpu.memory_space<vmem_shared>>)
      %add3A_330 = arith.constant 5 : i32
      %add3A_331 = arith.addi %mul3A_213, %add3A_330 : i32
      %add3A_332 = arith.constant 2 : i32
      %add3A_333 = arith.addi %add3A_331, %add3A_332 : i32
      %dma_start3A_334 = arith.constant 0 : i32
      %dma_start3A_335 = tpu.memref_slice %arg6[%add3A_333, %dma_start3A_334] : memref<80x128xi32, #tpu.memory_space<vmem>> -> memref<1x128xi32, #tpu.memory_space<vmem>>
      %dma_start3A_336 = tpu.memref_squeeze %dma_start3A_335 : memref<1x128xi32, #tpu.memory_space<vmem>> -> memref<128xi32, #tpu.memory_space<vmem>>
      %dma_start3A_337 = arith.constant 0 : i32
      %dma_start3A_338 = arith.constant 0 : i32
      %dma_start3A_339 = tpu.memref_slice %arg2[%dma_start3A_337, %dma_start3A_338] : memref<10240x64xf32, #tpu.memory_space<hbm>> -> memref<10240x64xf32, #tpu.memory_space<hbm>>
      tpu.enqueue_indirect_dma source(%dma_start3A_339 : memref<10240x64xf32, #tpu.memory_space<hbm>>) target(%arg10 : memref<128x64xf32, #tpu.memory_space<vmem>>) offsets(%dma_start3A_336 : memref<128xi32, #tpu.memory_space<vmem>>) semaphore(%arg17 : memref<!tpu.dma_semaphore, #tpu.memory_space<semaphore_mem>>)
      %dma_wait3A_340 = arith.constant 0 : i32
      %dma_wait3A_341 = arith.constant 0 : i32
      %dma_wait3A_342 = tpu.memref_slice %arg7[%dma_wait3A_340, %dma_wait3A_341] : memref<80x128xi32, #tpu.memory_space<vmem>> -> memref<1x128xi32, #tpu.memory_space<vmem>>
      %dma_wait3A_343 = tpu.memref_squeeze %dma_wait3A_342 : memref<1x128xi32, #tpu.memory_space<vmem>> -> memref<128xi32, #tpu.memory_space<vmem>>
      %dma_wait3A_344 = arith.constant 0 : i32
      %dma_wait3A_345 = arith.constant 0 : i32
      %dma_wait3A_346 = tpu.memref_slice %arg25[%dma_wait3A_344, %dma_wait3A_345] : memref<10240x64xf32, #tpu.memory_space<vmem_shared>> -> memref<10240x64xf32, #tpu.memory_space<vmem_shared>>
      tpu.wait_indirect_dma semaphore(%arg23 : memref<!tpu.dma_semaphore, #tpu.memory_space<semaphore_mem>>) src(%arg11 : memref<128x64xf32, #tpu.memory_space<vmem>>) dst(%dma_wait3A_346 : memref<10240x64xf32, #tpu.memory_space<vmem_shared>>)
      %add3A_347 = arith.constant 5 : i32
      %add3A_348 = arith.addi %mul3A_213, %add3A_347 : i32
      %add3A_349 = arith.constant 3 : i32
      %add3A_350 = arith.addi %add3A_348, %add3A_349 : i32
      %dma_start3A_351 = arith.constant 0 : i32
      %dma_start3A_352 = tpu.memref_slice %arg6[%add3A_350, %dma_start3A_351] : memref<80x128xi32, #tpu.memory_space<vmem>> -> memref<1x128xi32, #tpu.memory_space<vmem>>
      %dma_start3A_353 = tpu.memref_squeeze %dma_start3A_352 : memref<1x128xi32, #tpu.memory_space<vmem>> -> memref<128xi32, #tpu.memory_space<vmem>>
      %dma_start3A_354 = arith.constant 0 : i32
      %dma_start3A_355 = arith.constant 0 : i32
      %dma_start3A_356 = tpu.memref_slice %arg2[%dma_start3A_354, %dma_start3A_355] : memref<10240x64xf32, #tpu.memory_space<hbm>> -> memref<10240x64xf32, #tpu.memory_space<hbm>>
      tpu.enqueue_indirect_dma source(%dma_start3A_356 : memref<10240x64xf32, #tpu.memory_space<hbm>>) target(%arg11 : memref<128x64xf32, #tpu.memory_space<vmem>>) offsets(%dma_start3A_353 : memref<128xi32, #tpu.memory_space<vmem>>) semaphore(%arg18 : memref<!tpu.dma_semaphore, #tpu.memory_space<semaphore_mem>>)
      %dma_wait3A_357 = arith.constant 0 : i32
      %dma_wait3A_358 = arith.constant 0 : i32
      %dma_wait3A_359 = tpu.memref_slice %arg7[%dma_wait3A_357, %dma_wait3A_358] : memref<80x128xi32, #tpu.memory_space<vmem>> -> memref<1x128xi32, #tpu.memory_space<vmem>>
      %dma_wait3A_360 = tpu.memref_squeeze %dma_wait3A_359 : memref<1x128xi32, #tpu.memory_space<vmem>> -> memref<128xi32, #tpu.memory_space<vmem>>
      %dma_wait3A_361 = arith.constant 0 : i32
      %dma_wait3A_362 = arith.constant 0 : i32
      %dma_wait3A_363 = tpu.memref_slice %arg25[%dma_wait3A_361, %dma_wait3A_362] : memref<10240x64xf32, #tpu.memory_space<vmem_shared>> -> memref<10240x64xf32, #tpu.memory_space<vmem_shared>>
      tpu.wait_indirect_dma semaphore(%arg24 : memref<!tpu.dma_semaphore, #tpu.memory_space<semaphore_mem>>) src(%arg12 : memref<128x64xf32, #tpu.memory_space<vmem>>) dst(%dma_wait3A_363 : memref<10240x64xf32, #tpu.memory_space<vmem_shared>>)
      %add3A_364 = arith.constant 5 : i32
      %add3A_365 = arith.addi %mul3A_213, %add3A_364 : i32
      %add3A_366 = arith.constant 4 : i32
      %add3A_367 = arith.addi %add3A_365, %add3A_366 : i32
      %dma_start3A_368 = arith.constant 0 : i32
      %dma_start3A_369 = tpu.memref_slice %arg6[%add3A_367, %dma_start3A_368] : memref<80x128xi32, #tpu.memory_space<vmem>> -> memref<1x128xi32, #tpu.memory_space<vmem>>
      %dma_start3A_370 = tpu.memref_squeeze %dma_start3A_369 : memref<1x128xi32, #tpu.memory_space<vmem>> -> memref<128xi32, #tpu.memory_space<vmem>>
      %dma_start3A_371 = arith.constant 0 : i32
      %dma_start3A_372 = arith.constant 0 : i32
      %dma_start3A_373 = tpu.memref_slice %arg2[%dma_start3A_371, %dma_start3A_372] : memref<10240x64xf32, #tpu.memory_space<hbm>> -> memref<10240x64xf32, #tpu.memory_space<hbm>>
      tpu.enqueue_indirect_dma source(%dma_start3A_373 : memref<10240x64xf32, #tpu.memory_space<hbm>>) target(%arg12 : memref<128x64xf32, #tpu.memory_space<vmem>>) offsets(%dma_start3A_370 : memref<128xi32, #tpu.memory_space<vmem>>) semaphore(%arg19 : memref<!tpu.dma_semaphore, #tpu.memory_space<semaphore_mem>>)
    }
    %scan3A_84 = arith.constant 15 : i32
    %dma_wait3A_85 = arith.constant 0 : i32
    %dma_wait3A_86 = arith.constant 0 : i32
    %dma_wait3A_87 = tpu.memref_slice %arg6[%dma_wait3A_85, %dma_wait3A_86] : memref<80x128xi32, #tpu.memory_space<vmem>> -> memref<1x128xi32, #tpu.memory_space<vmem>>
    %dma_wait3A_88 = tpu.memref_squeeze %dma_wait3A_87 : memref<1x128xi32, #tpu.memory_space<vmem>> -> memref<128xi32, #tpu.memory_space<vmem>>
    %dma_wait3A_89 = arith.constant 0 : i32
    %dma_wait3A_90 = arith.constant 0 : i32
    %dma_wait3A_91 = tpu.memref_slice %arg2[%dma_wait3A_89, %dma_wait3A_90] : memref<10240x64xf32, #tpu.memory_space<hbm>> -> memref<10240x64xf32, #tpu.memory_space<hbm>>
    tpu.wait_indirect_dma semaphore(%arg15 : memref<!tpu.dma_semaphore, #tpu.memory_space<semaphore_mem>>) src(%dma_wait3A_91 : memref<10240x64xf32, #tpu.memory_space<hbm>>) dst(%arg8 : memref<128x64xf32, #tpu.memory_space<vmem>>)
    %dma_start3A_92 = arith.constant 75 : i32
    %dma_start3A_93 = arith.constant 0 : i32
    %dma_start3A_94 = tpu.memref_slice %arg7[%dma_start3A_92, %dma_start3A_93] : memref<80x128xi32, #tpu.memory_space<vmem>> -> memref<1x128xi32, #tpu.memory_space<vmem>>
    %dma_start3A_95 = tpu.memref_squeeze %dma_start3A_94 : memref<1x128xi32, #tpu.memory_space<vmem>> -> memref<128xi32, #tpu.memory_space<vmem>>
    %dma_start3A_96 = arith.constant 0 : i32
    %dma_start3A_97 = arith.constant 0 : i32
    %dma_start3A_98 = tpu.memref_slice %arg25[%dma_start3A_96, %dma_start3A_97] : memref<10240x64xf32, #tpu.memory_space<vmem_shared>> -> memref<10240x64xf32, #tpu.memory_space<vmem_shared>>
    tpu.enqueue_indirect_dma source(%arg8 : memref<128x64xf32, #tpu.memory_space<vmem>>) target(%dma_start3A_98 : memref<10240x64xf32, #tpu.memory_space<vmem_shared>>) offsets(%dma_start3A_95 : memref<128xi32, #tpu.memory_space<vmem>>) semaphore(%arg20 : memref<!tpu.dma_semaphore, #tpu.memory_space<semaphore_mem>>) {add = true}
    %dma_wait3A_99 = arith.constant 0 : i32
    %dma_wait3A_100 = arith.constant 0 : i32
    %dma_wait3A_101 = tpu.memref_slice %arg6[%dma_wait3A_99, %dma_wait3A_100] : memref<80x128xi32, #tpu.memory_space<vmem>> -> memref<1x128xi32, #tpu.memory_space<vmem>>
    %dma_wait3A_102 = tpu.memref_squeeze %dma_wait3A_101 : memref<1x128xi32, #tpu.memory_space<vmem>> -> memref<128xi32, #tpu.memory_space<vmem>>
    %dma_wait3A_103 = arith.constant 0 : i32
    %dma_wait3A_104 = arith.constant 0 : i32
    %dma_wait3A_105 = tpu.memref_slice %arg2[%dma_wait3A_103, %dma_wait3A_104] : memref<10240x64xf32, #tpu.memory_space<hbm>> -> memref<10240x64xf32, #tpu.memory_space<hbm>>
    tpu.wait_indirect_dma semaphore(%arg16 : memref<!tpu.dma_semaphore, #tpu.memory_space<semaphore_mem>>) src(%dma_wait3A_105 : memref<10240x64xf32, #tpu.memory_space<hbm>>) dst(%arg9 : memref<128x64xf32, #tpu.memory_space<vmem>>)
    %dma_start3A_106 = arith.constant 76 : i32
    %dma_start3A_107 = arith.constant 0 : i32
    %dma_start3A_108 = tpu.memref_slice %arg7[%dma_start3A_106, %dma_start3A_107] : memref<80x128xi32, #tpu.memory_space<vmem>> -> memref<1x128xi32, #tpu.memory_space<vmem>>
    %dma_start3A_109 = tpu.memref_squeeze %dma_start3A_108 : memref<1x128xi32, #tpu.memory_space<vmem>> -> memref<128xi32, #tpu.memory_space<vmem>>
    %dma_start3A_110 = arith.constant 0 : i32
    %dma_start3A_111 = arith.constant 0 : i32
    %dma_start3A_112 = tpu.memref_slice %arg25[%dma_start3A_110, %dma_start3A_111] : memref<10240x64xf32, #tpu.memory_space<vmem_shared>> -> memref<10240x64xf32, #tpu.memory_space<vmem_shared>>
    tpu.enqueue_indirect_dma source(%arg9 : memref<128x64xf32, #tpu.memory_space<vmem>>) target(%dma_start3A_112 : memref<10240x64xf32, #tpu.memory_space<vmem_shared>>) offsets(%dma_start3A_109 : memref<128xi32, #tpu.memory_space<vmem>>) semaphore(%arg21 : memref<!tpu.dma_semaphore, #tpu.memory_space<semaphore_mem>>) {add = true}
    %dma_wait3A_113 = arith.constant 0 : i32
    %dma_wait3A_114 = arith.constant 0 : i32
    %dma_wait3A_115 = tpu.memref_slice %arg6[%dma_wait3A_113, %dma_wait3A_114] : memref<80x128xi32, #tpu.memory_space<vmem>> -> memref<1x128xi32, #tpu.memory_space<vmem>>
    %dma_wait3A_116 = tpu.memref_squeeze %dma_wait3A_115 : memref<1x128xi32, #tpu.memory_space<vmem>> -> memref<128xi32, #tpu.memory_space<vmem>>
    %dma_wait3A_117 = arith.constant 0 : i32
    %dma_wait3A_118 = arith.constant 0 : i32
    %dma_wait3A_119 = tpu.memref_slice %arg2[%dma_wait3A_117, %dma_wait3A_118] : memref<10240x64xf32, #tpu.memory_space<hbm>> -> memref<10240x64xf32, #tpu.memory_space<hbm>>
    tpu.wait_indirect_dma semaphore(%arg17 : memref<!tpu.dma_semaphore, #tpu.memory_space<semaphore_mem>>) src(%dma_wait3A_119 : memref<10240x64xf32, #tpu.memory_space<hbm>>) dst(%arg10 : memref<128x64xf32, #tpu.memory_space<vmem>>)
    %dma_start3A_120 = arith.constant 77 : i32
    %dma_start3A_121 = arith.constant 0 : i32
    %dma_start3A_122 = tpu.memref_slice %arg7[%dma_start3A_120, %dma_start3A_121] : memref<80x128xi32, #tpu.memory_space<vmem>> -> memref<1x128xi32, #tpu.memory_space<vmem>>
    %dma_start3A_123 = tpu.memref_squeeze %dma_start3A_122 : memref<1x128xi32, #tpu.memory_space<vmem>> -> memref<128xi32, #tpu.memory_space<vmem>>
    %dma_start3A_124 = arith.constant 0 : i32
    %dma_start3A_125 = arith.constant 0 : i32
    %dma_start3A_126 = tpu.memref_slice %arg25[%dma_start3A_124, %dma_start3A_125] : memref<10240x64xf32, #tpu.memory_space<vmem_shared>> -> memref<10240x64xf32, #tpu.memory_space<vmem_shared>>
    tpu.enqueue_indirect_dma source(%arg10 : memref<128x64xf32, #tpu.memory_space<vmem>>) target(%dma_start3A_126 : memref<10240x64xf32, #tpu.memory_space<vmem_shared>>) offsets(%dma_start3A_123 : memref<128xi32, #tpu.memory_space<vmem>>) semaphore(%arg22 : memref<!tpu.dma_semaphore, #tpu.memory_space<semaphore_mem>>) {add = true}
    %dma_wait3A_127 = arith.constant 0 : i32
    %dma_wait3A_128 = arith.constant 0 : i32
    %dma_wait3A_129 = tpu.memref_slice %arg6[%dma_wait3A_127, %dma_wait3A_128] : memref<80x128xi32, #tpu.memory_space<vmem>> -> memref<1x128xi32, #tpu.memory_space<vmem>>
    %dma_wait3A_130 = tpu.memref_squeeze %dma_wait3A_129 : memref<1x128xi32, #tpu.memory_space<vmem>> -> memref<128xi32, #tpu.memory_space<vmem>>
    %dma_wait3A_131 = arith.constant 0 : i32
    %dma_wait3A_132 = arith.constant 0 : i32
    %dma_wait3A_133 = tpu.memref_slice %arg2[%dma_wait3A_131, %dma_wait3A_132] : memref<10240x64xf32, #tpu.memory_space<hbm>> -> memref<10240x64xf32, #tpu.memory_space<hbm>>
    tpu.wait_indirect_dma semaphore(%arg18 : memref<!tpu.dma_semaphore, #tpu.memory_space<semaphore_mem>>) src(%dma_wait3A_133 : memref<10240x64xf32, #tpu.memory_space<hbm>>) dst(%arg11 : memref<128x64xf32, #tpu.memory_space<vmem>>)
    %dma_start3A_134 = arith.constant 78 : i32
    %dma_start3A_135 = arith.constant 0 : i32
    %dma_start3A_136 = tpu.memref_slice %arg7[%dma_start3A_134, %dma_start3A_135] : memref<80x128xi32, #tpu.memory_space<vmem>> -> memref<1x128xi32, #tpu.memory_space<vmem>>
    %dma_start3A_137 = tpu.memref_squeeze %dma_start3A_136 : memref<1x128xi32, #tpu.memory_space<vmem>> -> memref<128xi32, #tpu.memory_space<vmem>>
    %dma_start3A_138 = arith.constant 0 : i32
    %dma_start3A_139 = arith.constant 0 : i32
    %dma_start3A_140 = tpu.memref_slice %arg25[%dma_start3A_138, %dma_start3A_139] : memref<10240x64xf32, #tpu.memory_space<vmem_shared>> -> memref<10240x64xf32, #tpu.memory_space<vmem_shared>>
    tpu.enqueue_indirect_dma source(%arg11 : memref<128x64xf32, #tpu.memory_space<vmem>>) target(%dma_start3A_140 : memref<10240x64xf32, #tpu.memory_space<vmem_shared>>) offsets(%dma_start3A_137 : memref<128xi32, #tpu.memory_space<vmem>>) semaphore(%arg23 : memref<!tpu.dma_semaphore, #tpu.memory_space<semaphore_mem>>) {add = true}
    %dma_wait3A_141 = arith.constant 0 : i32
    %dma_wait3A_142 = arith.constant 0 : i32
    %dma_wait3A_143 = tpu.memref_slice %arg6[%dma_wait3A_141, %dma_wait3A_142] : memref<80x128xi32, #tpu.memory_space<vmem>> -> memref<1x128xi32, #tpu.memory_space<vmem>>
    %dma_wait3A_144 = tpu.memref_squeeze %dma_wait3A_143 : memref<1x128xi32, #tpu.memory_space<vmem>> -> memref<128xi32, #tpu.memory_space<vmem>>
    %dma_wait3A_145 = arith.constant 0 : i32
    %dma_wait3A_146 = arith.constant 0 : i32
    %dma_wait3A_147 = tpu.memref_slice %arg2[%dma_wait3A_145, %dma_wait3A_146] : memref<10240x64xf32, #tpu.memory_space<hbm>> -> memref<10240x64xf32, #tpu.memory_space<hbm>>
    tpu.wait_indirect_dma semaphore(%arg19 : memref<!tpu.dma_semaphore, #tpu.memory_space<semaphore_mem>>) src(%dma_wait3A_147 : memref<10240x64xf32, #tpu.memory_space<hbm>>) dst(%arg12 : memref<128x64xf32, #tpu.memory_space<vmem>>)
    %dma_start3A_148 = arith.constant 79 : i32
    %dma_start3A_149 = arith.constant 0 : i32
    %dma_start3A_150 = tpu.memref_slice %arg7[%dma_start3A_148, %dma_start3A_149] : memref<80x128xi32, #tpu.memory_space<vmem>> -> memref<1x128xi32, #tpu.memory_space<vmem>>
    %dma_start3A_151 = tpu.memref_squeeze %dma_start3A_150 : memref<1x128xi32, #tpu.memory_space<vmem>> -> memref<128xi32, #tpu.memory_space<vmem>>
    %dma_start3A_152 = arith.constant 0 : i32
    %dma_start3A_153 = arith.constant 0 : i32
    %dma_start3A_154 = tpu.memref_slice %arg25[%dma_start3A_152, %dma_start3A_153] : memref<10240x64xf32, #tpu.memory_space<vmem_shared>> -> memref<10240x64xf32, #tpu.memory_space<vmem_shared>>
    tpu.enqueue_indirect_dma source(%arg12 : memref<128x64xf32, #tpu.memory_space<vmem>>) target(%dma_start3A_154 : memref<10240x64xf32, #tpu.memory_space<vmem_shared>>) offsets(%dma_start3A_151 : memref<128xi32, #tpu.memory_space<vmem>>) semaphore(%arg24 : memref<!tpu.dma_semaphore, #tpu.memory_space<semaphore_mem>>) {add = true}
    %dma_wait3A_155 = arith.constant 0 : i32
    %dma_wait3A_156 = arith.constant 0 : i32
    %dma_wait3A_157 = tpu.memref_slice %arg7[%dma_wait3A_155, %dma_wait3A_156] : memref<80x128xi32, #tpu.memory_space<vmem>> -> memref<1x128xi32, #tpu.memory_space<vmem>>
    %dma_wait3A_158 = tpu.memref_squeeze %dma_wait3A_157 : memref<1x128xi32, #tpu.memory_space<vmem>> -> memref<128xi32, #tpu.memory_space<vmem>>
    %dma_wait3A_159 = arith.constant 0 : i32
    %dma_wait3A_160 = arith.constant 0 : i32
    %dma_wait3A_161 = tpu.memref_slice %arg25[%dma_wait3A_159, %dma_wait3A_160] : memref<10240x64xf32, #tpu.memory_space<vmem_shared>> -> memref<10240x64xf32, #tpu.memory_space<vmem_shared>>
    tpu.wait_indirect_dma semaphore(%arg20 : memref<!tpu.dma_semaphore, #tpu.memory_space<semaphore_mem>>) src(%arg8 : memref<128x64xf32, #tpu.memory_space<vmem>>) dst(%dma_wait3A_161 : memref<10240x64xf32, #tpu.memory_space<vmem_shared>>)
    %dma_wait3A_162 = arith.constant 0 : i32
    %dma_wait3A_163 = arith.constant 0 : i32
    %dma_wait3A_164 = tpu.memref_slice %arg7[%dma_wait3A_162, %dma_wait3A_163] : memref<80x128xi32, #tpu.memory_space<vmem>> -> memref<1x128xi32, #tpu.memory_space<vmem>>
    %dma_wait3A_165 = tpu.memref_squeeze %dma_wait3A_164 : memref<1x128xi32, #tpu.memory_space<vmem>> -> memref<128xi32, #tpu.memory_space<vmem>>
    %dma_wait3A_166 = arith.constant 0 : i32
    %dma_wait3A_167 = arith.constant 0 : i32
    %dma_wait3A_168 = tpu.memref_slice %arg25[%dma_wait3A_166, %dma_wait3A_167] : memref<10240x64xf32, #tpu.memory_space<vmem_shared>> -> memref<10240x64xf32, #tpu.memory_space<vmem_shared>>
    tpu.wait_indirect_dma semaphore(%arg21 : memref<!tpu.dma_semaphore, #tpu.memory_space<semaphore_mem>>) src(%arg9 : memref<128x64xf32, #tpu.memory_space<vmem>>) dst(%dma_wait3A_168 : memref<10240x64xf32, #tpu.memory_space<vmem_shared>>)
    %dma_wait3A_169 = arith.constant 0 : i32
    %dma_wait3A_170 = arith.constant 0 : i32
    %dma_wait3A_171 = tpu.memref_slice %arg7[%dma_wait3A_169, %dma_wait3A_170] : memref<80x128xi32, #tpu.memory_space<vmem>> -> memref<1x128xi32, #tpu.memory_space<vmem>>
    %dma_wait3A_172 = tpu.memref_squeeze %dma_wait3A_171 : memref<1x128xi32, #tpu.memory_space<vmem>> -> memref<128xi32, #tpu.memory_space<vmem>>
    %dma_wait3A_173 = arith.constant 0 : i32
    %dma_wait3A_174 = arith.constant 0 : i32
    %dma_wait3A_175 = tpu.memref_slice %arg25[%dma_wait3A_173, %dma_wait3A_174] : memref<10240x64xf32, #tpu.memory_space<vmem_shared>> -> memref<10240x64xf32, #tpu.memory_space<vmem_shared>>
    tpu.wait_indirect_dma semaphore(%arg22 : memref<!tpu.dma_semaphore, #tpu.memory_space<semaphore_mem>>) src(%arg10 : memref<128x64xf32, #tpu.memory_space<vmem>>) dst(%dma_wait3A_175 : memref<10240x64xf32, #tpu.memory_space<vmem_shared>>)
    %dma_wait3A_176 = arith.constant 0 : i32
    %dma_wait3A_177 = arith.constant 0 : i32
    %dma_wait3A_178 = tpu.memref_slice %arg7[%dma_wait3A_176, %dma_wait3A_177] : memref<80x128xi32, #tpu.memory_space<vmem>> -> memref<1x128xi32, #tpu.memory_space<vmem>>
    %dma_wait3A_179 = tpu.memref_squeeze %dma_wait3A_178 : memref<1x128xi32, #tpu.memory_space<vmem>> -> memref<128xi32, #tpu.memory_space<vmem>>
    %dma_wait3A_180 = arith.constant 0 : i32
    %dma_wait3A_181 = arith.constant 0 : i32
    %dma_wait3A_182 = tpu.memref_slice %arg25[%dma_wait3A_180, %dma_wait3A_181] : memref<10240x64xf32, #tpu.memory_space<vmem_shared>> -> memref<10240x64xf32, #tpu.memory_space<vmem_shared>>
    tpu.wait_indirect_dma semaphore(%arg23 : memref<!tpu.dma_semaphore, #tpu.memory_space<semaphore_mem>>) src(%arg11 : memref<128x64xf32, #tpu.memory_space<vmem>>) dst(%dma_wait3A_182 : memref<10240x64xf32, #tpu.memory_space<vmem_shared>>)
    %dma_wait3A_183 = arith.constant 0 : i32
    %dma_wait3A_184 = arith.constant 0 : i32
    %dma_wait3A_185 = tpu.memref_slice %arg7[%dma_wait3A_183, %dma_wait3A_184] : memref<80x128xi32, #tpu.memory_space<vmem>> -> memref<1x128xi32, #tpu.memory_space<vmem>>
    %dma_wait3A_186 = tpu.memref_squeeze %dma_wait3A_185 : memref<1x128xi32, #tpu.memory_space<vmem>> -> memref<128xi32, #tpu.memory_space<vmem>>
    %dma_wait3A_187 = arith.constant 0 : i32
    %dma_wait3A_188 = arith.constant 0 : i32
    %dma_wait3A_189 = tpu.memref_slice %arg25[%dma_wait3A_187, %dma_wait3A_188] : memref<10240x64xf32, #tpu.memory_space<vmem_shared>> -> memref<10240x64xf32, #tpu.memory_space<vmem_shared>>
    tpu.wait_indirect_dma semaphore(%arg24 : memref<!tpu.dma_semaphore, #tpu.memory_space<semaphore_mem>>) src(%arg12 : memref<128x64xf32, #tpu.memory_space<vmem>>) dst(%dma_wait3A_189 : memref<10240x64xf32, #tpu.memory_space<vmem_shared>>)
    %barrier3A_190 = arith.constant 0 : index
    tpu.barrier barrier_id(%barrier3A_190)
    %add3A_191 = arith.constant 0 : i32
    %add3A_192 = arith.addi %mul3A_16, %add3A_191 : i32
    "tpu.region"() ({
      %run_scoped3A = tpu.sem_alloc : memref<!tpu.dma_semaphore, #tpu.memory_space<semaphore_mem>>
      %dma_start3A_211 = arith.constant 0 : i32
      %dma_start3A_212 = tpu.memref_slice %arg25[%add3A_192, %dma_start3A_211] : memref<10240x64xf32, #tpu.memory_space<vmem_shared>> -> memref<64x64xf32, #tpu.memory_space<vmem_shared>>
      %dma_start3A_213 = arith.constant 0 : i32
      %dma_start3A_214 = tpu.memref_slice %arg25[%add3A_192, %dma_start3A_213] : memref<10240x64xf32, #tpu.memory_space<vmem_shared>> -> memref<64x64xf32, #tpu.memory_space<vmem_shared>>
      tpu.enqueue_dma source(%dma_start3A_214 : memref<64x64xf32, #tpu.memory_space<vmem_shared>>) target(%arg13 : memref<64x64xf32, #tpu.memory_space<vmem>>) target_semaphore(%run_scoped3A : memref<!tpu.dma_semaphore, #tpu.memory_space<semaphore_mem>>)
      %dma_wait3A_215 = arith.constant 0 : i32
      %dma_wait3A_216 = tpu.memref_slice %arg25[%add3A_192, %dma_wait3A_215] : memref<10240x64xf32, #tpu.memory_space<vmem_shared>> -> memref<64x64xf32, #tpu.memory_space<vmem_shared>>
      %dma_wait3A_217 = arith.constant 0 : i32
      %dma_wait3A_218 = tpu.memref_slice %arg25[%add3A_192, %dma_wait3A_217] : memref<10240x64xf32, #tpu.memory_space<vmem_shared>> -> memref<64x64xf32, #tpu.memory_space<vmem_shared>>
      tpu.wait_dma2 semaphore(%run_scoped3A : memref<!tpu.dma_semaphore, #tpu.memory_space<semaphore_mem>>) src(%dma_wait3A_218 : memref<64x64xf32, #tpu.memory_space<vmem_shared>>) dst(%arg13 : memref<64x64xf32, #tpu.memory_space<vmem>>)
      tpu.yield
    }) : () -> ()
    "tpu.region"() ({
      %run_scoped3A = tpu.sem_alloc : memref<!tpu.dma_semaphore, #tpu.memory_space<semaphore_mem>>
      %dma_start3A_211 = arith.constant 0 : i32
      %dma_start3A_212 = tpu.memref_slice %arg5[%arg0, %add3A_192, %dma_start3A_211] : memref<2x10240x64xf32, #tpu.memory_space<hbm>> -> memref<1x64x64xf32, #tpu.memory_space<hbm>>
      %dma_start3A_213 = tpu.memref_squeeze %dma_start3A_212 : memref<1x64x64xf32, #tpu.memory_space<hbm>> -> memref<64x64xf32, #tpu.memory_space<hbm>>
      %dma_start3A_214 = arith.constant 0 : i32
      %dma_start3A_215 = tpu.memref_slice %arg5[%arg0, %add3A_192, %dma_start3A_214] : memref<2x10240x64xf32, #tpu.memory_space<hbm>> -> memref<1x64x64xf32, #tpu.memory_space<hbm>>
      %dma_start3A_216 = tpu.memref_squeeze %dma_start3A_215 : memref<1x64x64xf32, #tpu.memory_space<hbm>> -> memref<64x64xf32, #tpu.memory_space<hbm>>
      tpu.enqueue_dma source(%arg13 : memref<64x64xf32, #tpu.memory_space<vmem>>) target(%dma_start3A_216 : memref<64x64xf32, #tpu.memory_space<hbm>>) target_semaphore(%run_scoped3A : memref<!tpu.dma_semaphore, #tpu.memory_space<semaphore_mem>>)
      %dma_wait3A_217 = arith.constant 0 : i32
      %dma_wait3A_218 = tpu.memref_slice %arg5[%arg0, %add3A_192, %dma_wait3A_217] : memref<2x10240x64xf32, #tpu.memory_space<hbm>> -> memref<1x64x64xf32, #tpu.memory_space<hbm>>
      %dma_wait3A_219 = tpu.memref_squeeze %dma_wait3A_218 : memref<1x64x64xf32, #tpu.memory_space<hbm>> -> memref<64x64xf32, #tpu.memory_space<hbm>>
      %dma_wait3A_220 = arith.constant 0 : i32
      %dma_wait3A_221 = tpu.memref_slice %arg5[%arg0, %add3A_192, %dma_wait3A_220] : memref<2x10240x64xf32, #tpu.memory_space<hbm>> -> memref<1x64x64xf32, #tpu.memory_space<hbm>>
      %dma_wait3A_222 = tpu.memref_squeeze %dma_wait3A_221 : memref<1x64x64xf32, #tpu.memory_space<hbm>> -> memref<64x64xf32, #tpu.memory_space<hbm>>
      tpu.wait_dma2 semaphore(%run_scoped3A : memref<!tpu.dma_semaphore, #tpu.memory_space<semaphore_mem>>) src(%arg13 : memref<64x64xf32, #tpu.memory_space<vmem>>) dst(%dma_wait3A_222 : memref<64x64xf32, #tpu.memory_space<hbm>>)
      tpu.yield
    }) : () -> ()
    %add3A_193 = arith.constant 64 : i32
    %add3A_194 = arith.addi %mul3A_16, %add3A_193 : i32
    "tpu.region"() ({
      %run_scoped3A = tpu.sem_alloc : memref<!tpu.dma_semaphore, #tpu.memory_space<semaphore_mem>>
      %dma_start3A_211 = arith.constant 0 : i32
      %dma_start3A_212 = tpu.memref_slice %arg25[%add3A_194, %dma_start3A_211] : memref<10240x64xf32, #tpu.memory_space<vmem_shared>> -> memref<64x64xf32, #tpu.memory_space<vmem_shared>>
      %dma_start3A_213 = arith.constant 0 : i32
      %dma_start3A_214 = tpu.memref_slice %arg25[%add3A_194, %dma_start3A_213] : memref<10240x64xf32, #tpu.memory_space<vmem_shared>> -> memref<64x64xf32, #tpu.memory_space<vmem_shared>>
      tpu.enqueue_dma source(%dma_start3A_214 : memref<64x64xf32, #tpu.memory_space<vmem_shared>>) target(%arg13 : memref<64x64xf32, #tpu.memory_space<vmem>>) target_semaphore(%run_scoped3A : memref<!tpu.dma_semaphore, #tpu.memory_space<semaphore_mem>>)
      %dma_wait3A_215 = arith.constant 0 : i32
      %dma_wait3A_216 = tpu.memref_slice %arg25[%add3A_194, %dma_wait3A_215] : memref<10240x64xf32, #tpu.memory_space<vmem_shared>> -> memref<64x64xf32, #tpu.memory_space<vmem_shared>>
      %dma_wait3A_217 = arith.constant 0 : i32
      %dma_wait3A_218 = tpu.memref_slice %arg25[%add3A_194, %dma_wait3A_217] : memref<10240x64xf32, #tpu.memory_space<vmem_shared>> -> memref<64x64xf32, #tpu.memory_space<vmem_shared>>
      tpu.wait_dma2 semaphore(%run_scoped3A : memref<!tpu.dma_semaphore, #tpu.memory_space<semaphore_mem>>) src(%dma_wait3A_218 : memref<64x64xf32, #tpu.memory_space<vmem_shared>>) dst(%arg13 : memref<64x64xf32, #tpu.memory_space<vmem>>)
      tpu.yield
    }) : () -> ()
    "tpu.region"() ({
      %run_scoped3A = tpu.sem_alloc : memref<!tpu.dma_semaphore, #tpu.memory_space<semaphore_mem>>
      %dma_start3A_211 = arith.constant 0 : i32
      %dma_start3A_212 = tpu.memref_slice %arg5[%arg0, %add3A_194, %dma_start3A_211] : memref<2x10240x64xf32, #tpu.memory_space<hbm>> -> memref<1x64x64xf32, #tpu.memory_space<hbm>>
      %dma_start3A_213 = tpu.memref_squeeze %dma_start3A_212 : memref<1x64x64xf32, #tpu.memory_space<hbm>> -> memref<64x64xf32, #tpu.memory_space<hbm>>
      %dma_start3A_214 = arith.constant 0 : i32
      %dma_start3A_215 = tpu.memref_slice %arg5[%arg0, %add3A_194, %dma_start3A_214] : memref<2x10240x64xf32, #tpu.memory_space<hbm>> -> memref<1x64x64xf32, #tpu.memory_space<hbm>>
      %dma_start3A_216 = tpu.memref_squeeze %dma_start3A_215 : memref<1x64x64xf32, #tpu.memory_space<hbm>> -> memref<64x64xf32, #tpu.memory_space<hbm>>
      tpu.enqueue_dma source(%arg13 : memref<64x64xf32, #tpu.memory_space<vmem>>) target(%dma_start3A_216 : memref<64x64xf32, #tpu.memory_space<hbm>>) target_semaphore(%run_scoped3A : memref<!tpu.dma_semaphore, #tpu.memory_space<semaphore_mem>>)
      %dma_wait3A_217 = arith.constant 0 : i32
      %dma_wait3A_218 = tpu.memref_slice %arg5[%arg0, %add3A_194, %dma_wait3A_217] : memref<2x10240x64xf32, #tpu.memory_space<hbm>> -> memref<1x64x64xf32, #tpu.memory_space<hbm>>
      %dma_wait3A_219 = tpu.memref_squeeze %dma_wait3A_218 : memref<1x64x64xf32, #tpu.memory_space<hbm>> -> memref<64x64xf32, #tpu.memory_space<hbm>>
      %dma_wait3A_220 = arith.constant 0 : i32
      %dma_wait3A_221 = tpu.memref_slice %arg5[%arg0, %add3A_194, %dma_wait3A_220] : memref<2x10240x64xf32, #tpu.memory_space<hbm>> -> memref<1x64x64xf32, #tpu.memory_space<hbm>>
      %dma_wait3A_222 = tpu.memref_squeeze %dma_wait3A_221 : memref<1x64x64xf32, #tpu.memory_space<hbm>> -> memref<64x64xf32, #tpu.memory_space<hbm>>
      tpu.wait_dma2 semaphore(%run_scoped3A : memref<!tpu.dma_semaphore, #tpu.memory_space<semaphore_mem>>) src(%arg13 : memref<64x64xf32, #tpu.memory_space<vmem>>) dst(%dma_wait3A_222 : memref<64x64xf32, #tpu.memory_space<hbm>>)
      tpu.yield
    }) : () -> ()
    %add3A_195 = arith.constant 128 : i32
    %add3A_196 = arith.addi %mul3A_16, %add3A_195 : i32
    "tpu.region"() ({
      %run_scoped3A = tpu.sem_alloc : memref<!tpu.dma_semaphore, #tpu.memory_space<semaphore_mem>>
      %dma_start3A_211 = arith.constant 0 : i32
      %dma_start3A_212 = tpu.memref_slice %arg25[%add3A_196, %dma_start3A_211] : memref<10240x64xf32, #tpu.memory_space<vmem_shared>> -> memref<64x64xf32, #tpu.memory_space<vmem_shared>>
      %dma_start3A_213 = arith.constant 0 : i32
      %dma_start3A_214 = tpu.memref_slice %arg25[%add3A_196, %dma_start3A_213] : memref<10240x64xf32, #tpu.memory_space<vmem_shared>> -> memref<64x64xf32, #tpu.memory_space<vmem_shared>>
      tpu.enqueue_dma source(%dma_start3A_214 : memref<64x64xf32, #tpu.memory_space<vmem_shared>>) target(%arg13 : memref<64x64xf32, #tpu.memory_space<vmem>>) target_semaphore(%run_scoped3A : memref<!tpu.dma_semaphore, #tpu.memory_space<semaphore_mem>>)
      %dma_wait3A_215 = arith.constant 0 : i32
      %dma_wait3A_216 = tpu.memref_slice %arg25[%add3A_196, %dma_wait3A_215] : memref<10240x64xf32, #tpu.memory_space<vmem_shared>> -> memref<64x64xf32, #tpu.memory_space<vmem_shared>>
      %dma_wait3A_217 = arith.constant 0 : i32
      %dma_wait3A_218 = tpu.memref_slice %arg25[%add3A_196, %dma_wait3A_217] : memref<10240x64xf32, #tpu.memory_space<vmem_shared>> -> memref<64x64xf32, #tpu.memory_space<vmem_shared>>
      tpu.wait_dma2 semaphore(%run_scoped3A : memref<!tpu.dma_semaphore, #tpu.memory_space<semaphore_mem>>) src(%dma_wait3A_218 : memref<64x64xf32, #tpu.memory_space<vmem_shared>>) dst(%arg13 : memref<64x64xf32, #tpu.memory_space<vmem>>)
      tpu.yield
    }) : () -> ()
    "tpu.region"() ({
      %run_scoped3A = tpu.sem_alloc : memref<!tpu.dma_semaphore, #tpu.memory_space<semaphore_mem>>
      %dma_start3A_211 = arith.constant 0 : i32
      %dma_start3A_212 = tpu.memref_slice %arg5[%arg0, %add3A_196, %dma_start3A_211] : memref<2x10240x64xf32, #tpu.memory_space<hbm>> -> memref<1x64x64xf32, #tpu.memory_space<hbm>>
      %dma_start3A_213 = tpu.memref_squeeze %dma_start3A_212 : memref<1x64x64xf32, #tpu.memory_space<hbm>> -> memref<64x64xf32, #tpu.memory_space<hbm>>
      %dma_start3A_214 = arith.constant 0 : i32
      %dma_start3A_215 = tpu.memref_slice %arg5[%arg0, %add3A_196, %dma_start3A_214] : memref<2x10240x64xf32, #tpu.memory_space<hbm>> -> memref<1x64x64xf32, #tpu.memory_space<hbm>>
      %dma_start3A_216 = tpu.memref_squeeze %dma_start3A_215 : memref<1x64x64xf32, #tpu.memory_space<hbm>> -> memref<64x64xf32, #tpu.memory_space<hbm>>
      tpu.enqueue_dma source(%arg13 : memref<64x64xf32, #tpu.memory_space<vmem>>) target(%dma_start3A_216 : memref<64x64xf32, #tpu.memory_space<hbm>>) target_semaphore(%run_scoped3A : memref<!tpu.dma_semaphore, #tpu.memory_space<semaphore_mem>>)
      %dma_wait3A_217 = arith.constant 0 : i32
      %dma_wait3A_218 = tpu.memref_slice %arg5[%arg0, %add3A_196, %dma_wait3A_217] : memref<2x10240x64xf32, #tpu.memory_space<hbm>> -> memref<1x64x64xf32, #tpu.memory_space<hbm>>
      %dma_wait3A_219 = tpu.memref_squeeze %dma_wait3A_218 : memref<1x64x64xf32, #tpu.memory_space<hbm>> -> memref<64x64xf32, #tpu.memory_space<hbm>>
      %dma_wait3A_220 = arith.constant 0 : i32
      %dma_wait3A_221 = tpu.memref_slice %arg5[%arg0, %add3A_196, %dma_wait3A_220] : memref<2x10240x64xf32, #tpu.memory_space<hbm>> -> memref<1x64x64xf32, #tpu.memory_space<hbm>>
      %dma_wait3A_222 = tpu.memref_squeeze %dma_wait3A_221 : memref<1x64x64xf32, #tpu.memory_space<hbm>> -> memref<64x64xf32, #tpu.memory_space<hbm>>
      tpu.wait_dma2 semaphore(%run_scoped3A : memref<!tpu.dma_semaphore, #tpu.memory_space<semaphore_mem>>) src(%arg13 : memref<64x64xf32, #tpu.memory_space<vmem>>) dst(%dma_wait3A_222 : memref<64x64xf32, #tpu.memory_space<hbm>>)
      tpu.yield
    }) : () -> ()
    %add3A_197 = arith.constant 192 : i32
    %add3A_198 = arith.addi %mul3A_16, %add3A_197 : i32
    "tpu.region"() ({
      %run_scoped3A = tpu.sem_alloc : memref<!tpu.dma_semaphore, #tpu.memory_space<semaphore_mem>>
      %dma_start3A_211 = arith.constant 0 : i32
      %dma_start3A_212 = tpu.memref_slice %arg25[%add3A_198, %dma_start3A_211] : memref<10240x64xf32, #tpu.memory_space<vmem_shared>> -> memref<64x64xf32, #tpu.memory_space<vmem_shared>>
      %dma_start3A_213 = arith.constant 0 : i32
      %dma_start3A_214 = tpu.memref_slice %arg25[%add3A_198, %dma_start3A_213] : memref<10240x64xf32, #tpu.memory_space<vmem_shared>> -> memref<64x64xf32, #tpu.memory_space<vmem_shared>>
      tpu.enqueue_dma source(%dma_start3A_214 : memref<64x64xf32, #tpu.memory_space<vmem_shared>>) target(%arg13 : memref<64x64xf32, #tpu.memory_space<vmem>>) target_semaphore(%run_scoped3A : memref<!tpu.dma_semaphore, #tpu.memory_space<semaphore_mem>>)
      %dma_wait3A_215 = arith.constant 0 : i32
      %dma_wait3A_216 = tpu.memref_slice %arg25[%add3A_198, %dma_wait3A_215] : memref<10240x64xf32, #tpu.memory_space<vmem_shared>> -> memref<64x64xf32, #tpu.memory_space<vmem_shared>>
      %dma_wait3A_217 = arith.constant 0 : i32
      %dma_wait3A_218 = tpu.memref_slice %arg25[%add3A_198, %dma_wait3A_217] : memref<10240x64xf32, #tpu.memory_space<vmem_shared>> -> memref<64x64xf32, #tpu.memory_space<vmem_shared>>
      tpu.wait_dma2 semaphore(%run_scoped3A : memref<!tpu.dma_semaphore, #tpu.memory_space<semaphore_mem>>) src(%dma_wait3A_218 : memref<64x64xf32, #tpu.memory_space<vmem_shared>>) dst(%arg13 : memref<64x64xf32, #tpu.memory_space<vmem>>)
      tpu.yield
    }) : () -> ()
    "tpu.region"() ({
      %run_scoped3A = tpu.sem_alloc : memref<!tpu.dma_semaphore, #tpu.memory_space<semaphore_mem>>
      %dma_start3A_211 = arith.constant 0 : i32
      %dma_start3A_212 = tpu.memref_slice %arg5[%arg0, %add3A_198, %dma_start3A_211] : memref<2x10240x64xf32, #tpu.memory_space<hbm>> -> memref<1x64x64xf32, #tpu.memory_space<hbm>>
      %dma_start3A_213 = tpu.memref_squeeze %dma_start3A_212 : memref<1x64x64xf32, #tpu.memory_space<hbm>> -> memref<64x64xf32, #tpu.memory_space<hbm>>
      %dma_start3A_214 = arith.constant 0 : i32
      %dma_start3A_215 = tpu.memref_slice %arg5[%arg0, %add3A_198, %dma_start3A_214] : memref<2x10240x64xf32, #tpu.memory_space<hbm>> -> memref<1x64x64xf32, #tpu.memory_space<hbm>>
      %dma_start3A_216 = tpu.memref_squeeze %dma_start3A_215 : memref<1x64x64xf32, #tpu.memory_space<hbm>> -> memref<64x64xf32, #tpu.memory_space<hbm>>
      tpu.enqueue_dma source(%arg13 : memref<64x64xf32, #tpu.memory_space<vmem>>) target(%dma_start3A_216 : memref<64x64xf32, #tpu.memory_space<hbm>>) target_semaphore(%run_scoped3A : memref<!tpu.dma_semaphore, #tpu.memory_space<semaphore_mem>>)
      %dma_wait3A_217 = arith.constant 0 : i32
      %dma_wait3A_218 = tpu.memref_slice %arg5[%arg0, %add3A_198, %dma_wait3A_217] : memref<2x10240x64xf32, #tpu.memory_space<hbm>> -> memref<1x64x64xf32, #tpu.memory_space<hbm>>
      %dma_wait3A_219 = tpu.memref_squeeze %dma_wait3A_218 : memref<1x64x64xf32, #tpu.memory_space<hbm>> -> memref<64x64xf32, #tpu.memory_space<hbm>>
      %dma_wait3A_220 = arith.constant 0 : i32
      %dma_wait3A_221 = tpu.memref_slice %arg5[%arg0, %add3A_198, %dma_wait3A_220] : memref<2x10240x64xf32, #tpu.memory_space<hbm>> -> memref<1x64x64xf32, #tpu.memory_space<hbm>>
      %dma_wait3A_222 = tpu.memref_squeeze %dma_wait3A_221 : memref<1x64x64xf32, #tpu.memory_space<hbm>> -> memref<64x64xf32, #tpu.memory_space<hbm>>
      tpu.wait_dma2 semaphore(%run_scoped3A : memref<!tpu.dma_semaphore, #tpu.memory_space<semaphore_mem>>) src(%arg13 : memref<64x64xf32, #tpu.memory_space<vmem>>) dst(%dma_wait3A_222 : memref<64x64xf32, #tpu.memory_space<hbm>>)
      tpu.yield
    }) : () -> ()
    %add3A_199 = arith.constant 256 : i32
    %add3A_200 = arith.addi %mul3A_16, %add3A_199 : i32
    "tpu.region"() ({
      %run_scoped3A = tpu.sem_alloc : memref<!tpu.dma_semaphore, #tpu.memory_space<semaphore_mem>>
      %dma_start3A_211 = arith.constant 0 : i32
      %dma_start3A_212 = tpu.memref_slice %arg25[%add3A_200, %dma_start3A_211] : memref<10240x64xf32, #tpu.memory_space<vmem_shared>> -> memref<64x64xf32, #tpu.memory_space<vmem_shared>>
      %dma_start3A_213 = arith.constant 0 : i32
      %dma_start3A_214 = tpu.memref_slice %arg25[%add3A_200, %dma_start3A_213] : memref<10240x64xf32, #tpu.memory_space<vmem_shared>> -> memref<64x64xf32, #tpu.memory_space<vmem_shared>>
      tpu.enqueue_dma source(%dma_start3A_214 : memref<64x64xf32, #tpu.memory_space<vmem_shared>>) target(%arg13 : memref<64x64xf32, #tpu.memory_space<vmem>>) target_semaphore(%run_scoped3A : memref<!tpu.dma_semaphore, #tpu.memory_space<semaphore_mem>>)
      %dma_wait3A_215 = arith.constant 0 : i32
      %dma_wait3A_216 = tpu.memref_slice %arg25[%add3A_200, %dma_wait3A_215] : memref<10240x64xf32, #tpu.memory_space<vmem_shared>> -> memref<64x64xf32, #tpu.memory_space<vmem_shared>>
      %dma_wait3A_217 = arith.constant 0 : i32
      %dma_wait3A_218 = tpu.memref_slice %arg25[%add3A_200, %dma_wait3A_217] : memref<10240x64xf32, #tpu.memory_space<vmem_shared>> -> memref<64x64xf32, #tpu.memory_space<vmem_shared>>
      tpu.wait_dma2 semaphore(%run_scoped3A : memref<!tpu.dma_semaphore, #tpu.memory_space<semaphore_mem>>) src(%dma_wait3A_218 : memref<64x64xf32, #tpu.memory_space<vmem_shared>>) dst(%arg13 : memref<64x64xf32, #tpu.memory_space<vmem>>)
      tpu.yield
    }) : () -> ()
    "tpu.region"() ({
      %run_scoped3A = tpu.sem_alloc : memref<!tpu.dma_semaphore, #tpu.memory_space<semaphore_mem>>
      %dma_start3A_211 = arith.constant 0 : i32
      %dma_start3A_212 = tpu.memref_slice %arg5[%arg0, %add3A_200, %dma_start3A_211] : memref<2x10240x64xf32, #tpu.memory_space<hbm>> -> memref<1x64x64xf32, #tpu.memory_space<hbm>>
      %dma_start3A_213 = tpu.memref_squeeze %dma_start3A_212 : memref<1x64x64xf32, #tpu.memory_space<hbm>> -> memref<64x64xf32, #tpu.memory_space<hbm>>
      %dma_start3A_214 = arith.constant 0 : i32
      %dma_start3A_215 = tpu.memref_slice %arg5[%arg0, %add3A_200, %dma_start3A_214] : memref<2x10240x64xf32, #tpu.memory_space<hbm>> -> memref<1x64x64xf32, #tpu.memory_space<hbm>>
      %dma_start3A_216 = tpu.memref_squeeze %dma_start3A_215 : memref<1x64x64xf32, #tpu.memory_space<hbm>> -> memref<64x64xf32, #tpu.memory_space<hbm>>
      tpu.enqueue_dma source(%arg13 : memref<64x64xf32, #tpu.memory_space<vmem>>) target(%dma_start3A_216 : memref<64x64xf32, #tpu.memory_space<hbm>>) target_semaphore(%run_scoped3A : memref<!tpu.dma_semaphore, #tpu.memory_space<semaphore_mem>>)
      %dma_wait3A_217 = arith.constant 0 : i32
      %dma_wait3A_218 = tpu.memref_slice %arg5[%arg0, %add3A_200, %dma_wait3A_217] : memref<2x10240x64xf32, #tpu.memory_space<hbm>> -> memref<1x64x64xf32, #tpu.memory_space<hbm>>
      %dma_wait3A_219 = tpu.memref_squeeze %dma_wait3A_218 : memref<1x64x64xf32, #tpu.memory_space<hbm>> -> memref<64x64xf32, #tpu.memory_space<hbm>>
      %dma_wait3A_220 = arith.constant 0 : i32
      %dma_wait3A_221 = tpu.memref_slice %arg5[%arg0, %add3A_200, %dma_wait3A_220] : memref<2x10240x64xf32, #tpu.memory_space<hbm>> -> memref<1x64x64xf32, #tpu.memory_space<hbm>>
      %dma_wait3A_222 = tpu.memref_squeeze %dma_wait3A_221 : memref<1x64x64xf32, #tpu.memory_space<hbm>> -> memref<64x64xf32, #tpu.memory_space<hbm>>
      tpu.wait_dma2 semaphore(%run_scoped3A : memref<!tpu.dma_semaphore, #tpu.memory_space<semaphore_mem>>) src(%arg13 : memref<64x64xf32, #tpu.memory_space<vmem>>) dst(%dma_wait3A_222 : memref<64x64xf32, #tpu.memory_space<hbm>>)
      tpu.yield
    }) : () -> ()
    %add3A_201 = arith.constant 320 : i32
    %add3A_202 = arith.addi %mul3A_16, %add3A_201 : i32
    "tpu.region"() ({
      %run_scoped3A = tpu.sem_alloc : memref<!tpu.dma_semaphore, #tpu.memory_space<semaphore_mem>>
      %dma_start3A_211 = arith.constant 0 : i32
      %dma_start3A_212 = tpu.memref_slice %arg25[%add3A_202, %dma_start3A_211] : memref<10240x64xf32, #tpu.memory_space<vmem_shared>> -> memref<64x64xf32, #tpu.memory_space<vmem_shared>>
      %dma_start3A_213 = arith.constant 0 : i32
      %dma_start3A_214 = tpu.memref_slice %arg25[%add3A_202, %dma_start3A_213] : memref<10240x64xf32, #tpu.memory_space<vmem_shared>> -> memref<64x64xf32, #tpu.memory_space<vmem_shared>>
      tpu.enqueue_dma source(%dma_start3A_214 : memref<64x64xf32, #tpu.memory_space<vmem_shared>>) target(%arg13 : memref<64x64xf32, #tpu.memory_space<vmem>>) target_semaphore(%run_scoped3A : memref<!tpu.dma_semaphore, #tpu.memory_space<semaphore_mem>>)
      %dma_wait3A_215 = arith.constant 0 : i32
      %dma_wait3A_216 = tpu.memref_slice %arg25[%add3A_202, %dma_wait3A_215] : memref<10240x64xf32, #tpu.memory_space<vmem_shared>> -> memref<64x64xf32, #tpu.memory_space<vmem_shared>>
      %dma_wait3A_217 = arith.constant 0 : i32
      %dma_wait3A_218 = tpu.memref_slice %arg25[%add3A_202, %dma_wait3A_217] : memref<10240x64xf32, #tpu.memory_space<vmem_shared>> -> memref<64x64xf32, #tpu.memory_space<vmem_shared>>
      tpu.wait_dma2 semaphore(%run_scoped3A : memref<!tpu.dma_semaphore, #tpu.memory_space<semaphore_mem>>) src(%dma_wait3A_218 : memref<64x64xf32, #tpu.memory_space<vmem_shared>>) dst(%arg13 : memref<64x64xf32, #tpu.memory_space<vmem>>)
      tpu.yield
    }) : () -> ()
    "tpu.region"() ({
      %run_scoped3A = tpu.sem_alloc : memref<!tpu.dma_semaphore, #tpu.memory_space<semaphore_mem>>
      %dma_start3A_211 = arith.constant 0 : i32
      %dma_start3A_212 = tpu.memref_slice %arg5[%arg0, %add3A_202, %dma_start3A_211] : memref<2x10240x64xf32, #tpu.memory_space<hbm>> -> memref<1x64x64xf32, #tpu.memory_space<hbm>>
      %dma_start3A_213 = tpu.memref_squeeze %dma_start3A_212 : memref<1x64x64xf32, #tpu.memory_space<hbm>> -> memref<64x64xf32, #tpu.memory_space<hbm>>
      %dma_start3A_214 = arith.constant 0 : i32
      %dma_start3A_215 = tpu.memref_slice %arg5[%arg0, %add3A_202, %dma_start3A_214] : memref<2x10240x64xf32, #tpu.memory_space<hbm>> -> memref<1x64x64xf32, #tpu.memory_space<hbm>>
      %dma_start3A_216 = tpu.memref_squeeze %dma_start3A_215 : memref<1x64x64xf32, #tpu.memory_space<hbm>> -> memref<64x64xf32, #tpu.memory_space<hbm>>
      tpu.enqueue_dma source(%arg13 : memref<64x64xf32, #tpu.memory_space<vmem>>) target(%dma_start3A_216 : memref<64x64xf32, #tpu.memory_space<hbm>>) target_semaphore(%run_scoped3A : memref<!tpu.dma_semaphore, #tpu.memory_space<semaphore_mem>>)
      %dma_wait3A_217 = arith.constant 0 : i32
      %dma_wait3A_218 = tpu.memref_slice %arg5[%arg0, %add3A_202, %dma_wait3A_217] : memref<2x10240x64xf32, #tpu.memory_space<hbm>> -> memref<1x64x64xf32, #tpu.memory_space<hbm>>
      %dma_wait3A_219 = tpu.memref_squeeze %dma_wait3A_218 : memref<1x64x64xf32, #tpu.memory_space<hbm>> -> memref<64x64xf32, #tpu.memory_space<hbm>>
      %dma_wait3A_220 = arith.constant 0 : i32
      %dma_wait3A_221 = tpu.memref_slice %arg5[%arg0, %add3A_202, %dma_wait3A_220] : memref<2x10240x64xf32, #tpu.memory_space<hbm>> -> memref<1x64x64xf32, #tpu.memory_space<hbm>>
      %dma_wait3A_222 = tpu.memref_squeeze %dma_wait3A_221 : memref<1x64x64xf32, #tpu.memory_space<hbm>> -> memref<64x64xf32, #tpu.memory_space<hbm>>
      tpu.wait_dma2 semaphore(%run_scoped3A : memref<!tpu.dma_semaphore, #tpu.memory_space<semaphore_mem>>) src(%arg13 : memref<64x64xf32, #tpu.memory_space<vmem>>) dst(%dma_wait3A_222 : memref<64x64xf32, #tpu.memory_space<hbm>>)
      tpu.yield
    }) : () -> ()
    %add3A_203 = arith.constant 384 : i32
    %add3A_204 = arith.addi %mul3A_16, %add3A_203 : i32
    "tpu.region"() ({
      %run_scoped3A = tpu.sem_alloc : memref<!tpu.dma_semaphore, #tpu.memory_space<semaphore_mem>>
      %dma_start3A_211 = arith.constant 0 : i32
      %dma_start3A_212 = tpu.memref_slice %arg25[%add3A_204, %dma_start3A_211] : memref<10240x64xf32, #tpu.memory_space<vmem_shared>> -> memref<64x64xf32, #tpu.memory_space<vmem_shared>>
      %dma_start3A_213 = arith.constant 0 : i32
      %dma_start3A_214 = tpu.memref_slice %arg25[%add3A_204, %dma_start3A_213] : memref<10240x64xf32, #tpu.memory_space<vmem_shared>> -> memref<64x64xf32, #tpu.memory_space<vmem_shared>>
      tpu.enqueue_dma source(%dma_start3A_214 : memref<64x64xf32, #tpu.memory_space<vmem_shared>>) target(%arg13 : memref<64x64xf32, #tpu.memory_space<vmem>>) target_semaphore(%run_scoped3A : memref<!tpu.dma_semaphore, #tpu.memory_space<semaphore_mem>>)
      %dma_wait3A_215 = arith.constant 0 : i32
      %dma_wait3A_216 = tpu.memref_slice %arg25[%add3A_204, %dma_wait3A_215] : memref<10240x64xf32, #tpu.memory_space<vmem_shared>> -> memref<64x64xf32, #tpu.memory_space<vmem_shared>>
      %dma_wait3A_217 = arith.constant 0 : i32
      %dma_wait3A_218 = tpu.memref_slice %arg25[%add3A_204, %dma_wait3A_217] : memref<10240x64xf32, #tpu.memory_space<vmem_shared>> -> memref<64x64xf32, #tpu.memory_space<vmem_shared>>
      tpu.wait_dma2 semaphore(%run_scoped3A : memref<!tpu.dma_semaphore, #tpu.memory_space<semaphore_mem>>) src(%dma_wait3A_218 : memref<64x64xf32, #tpu.memory_space<vmem_shared>>) dst(%arg13 : memref<64x64xf32, #tpu.memory_space<vmem>>)
      tpu.yield
    }) : () -> ()
    "tpu.region"() ({
      %run_scoped3A = tpu.sem_alloc : memref<!tpu.dma_semaphore, #tpu.memory_space<semaphore_mem>>
      %dma_start3A_211 = arith.constant 0 : i32
      %dma_start3A_212 = tpu.memref_slice %arg5[%arg0, %add3A_204, %dma_start3A_211] : memref<2x10240x64xf32, #tpu.memory_space<hbm>> -> memref<1x64x64xf32, #tpu.memory_space<hbm>>
      %dma_start3A_213 = tpu.memref_squeeze %dma_start3A_212 : memref<1x64x64xf32, #tpu.memory_space<hbm>> -> memref<64x64xf32, #tpu.memory_space<hbm>>
      %dma_start3A_214 = arith.constant 0 : i32
      %dma_start3A_215 = tpu.memref_slice %arg5[%arg0, %add3A_204, %dma_start3A_214] : memref<2x10240x64xf32, #tpu.memory_space<hbm>> -> memref<1x64x64xf32, #tpu.memory_space<hbm>>
      %dma_start3A_216 = tpu.memref_squeeze %dma_start3A_215 : memref<1x64x64xf32, #tpu.memory_space<hbm>> -> memref<64x64xf32, #tpu.memory_space<hbm>>
      tpu.enqueue_dma source(%arg13 : memref<64x64xf32, #tpu.memory_space<vmem>>) target(%dma_start3A_216 : memref<64x64xf32, #tpu.memory_space<hbm>>) target_semaphore(%run_scoped3A : memref<!tpu.dma_semaphore, #tpu.memory_space<semaphore_mem>>)
      %dma_wait3A_217 = arith.constant 0 : i32
      %dma_wait3A_218 = tpu.memref_slice %arg5[%arg0, %add3A_204, %dma_wait3A_217] : memref<2x10240x64xf32, #tpu.memory_space<hbm>> -> memref<1x64x64xf32, #tpu.memory_space<hbm>>
      %dma_wait3A_219 = tpu.memref_squeeze %dma_wait3A_218 : memref<1x64x64xf32, #tpu.memory_space<hbm>> -> memref<64x64xf32, #tpu.memory_space<hbm>>
      %dma_wait3A_220 = arith.constant 0 : i32
      %dma_wait3A_221 = tpu.memref_slice %arg5[%arg0, %add3A_204, %dma_wait3A_220] : memref<2x10240x64xf32, #tpu.memory_space<hbm>> -> memref<1x64x64xf32, #tpu.memory_space<hbm>>
      %dma_wait3A_222 = tpu.memref_squeeze %dma_wait3A_221 : memref<1x64x64xf32, #tpu.memory_space<hbm>> -> memref<64x64xf32, #tpu.memory_space<hbm>>
      tpu.wait_dma2 semaphore(%run_scoped3A : memref<!tpu.dma_semaphore, #tpu.memory_space<semaphore_mem>>) src(%arg13 : memref<64x64xf32, #tpu.memory_space<vmem>>) dst(%dma_wait3A_222 : memref<64x64xf32, #tpu.memory_space<hbm>>)
      tpu.yield
    }) : () -> ()
    %add3A_205 = arith.constant 448 : i32
    %add3A_206 = arith.addi %mul3A_16, %add3A_205 : i32
    "tpu.region"() ({
      %run_scoped3A = tpu.sem_alloc : memref<!tpu.dma_semaphore, #tpu.memory_space<semaphore_mem>>
      %dma_start3A_211 = arith.constant 0 : i32
      %dma_start3A_212 = tpu.memref_slice %arg25[%add3A_206, %dma_start3A_211] : memref<10240x64xf32, #tpu.memory_space<vmem_shared>> -> memref<64x64xf32, #tpu.memory_space<vmem_shared>>
      %dma_start3A_213 = arith.constant 0 : i32
      %dma_start3A_214 = tpu.memref_slice %arg25[%add3A_206, %dma_start3A_213] : memref<10240x64xf32, #tpu.memory_space<vmem_shared>> -> memref<64x64xf32, #tpu.memory_space<vmem_shared>>
      tpu.enqueue_dma source(%dma_start3A_214 : memref<64x64xf32, #tpu.memory_space<vmem_shared>>) target(%arg13 : memref<64x64xf32, #tpu.memory_space<vmem>>) target_semaphore(%run_scoped3A : memref<!tpu.dma_semaphore, #tpu.memory_space<semaphore_mem>>)
      %dma_wait3A_215 = arith.constant 0 : i32
      %dma_wait3A_216 = tpu.memref_slice %arg25[%add3A_206, %dma_wait3A_215] : memref<10240x64xf32, #tpu.memory_space<vmem_shared>> -> memref<64x64xf32, #tpu.memory_space<vmem_shared>>
      %dma_wait3A_217 = arith.constant 0 : i32
      %dma_wait3A_218 = tpu.memref_slice %arg25[%add3A_206, %dma_wait3A_217] : memref<10240x64xf32, #tpu.memory_space<vmem_shared>> -> memref<64x64xf32, #tpu.memory_space<vmem_shared>>
      tpu.wait_dma2 semaphore(%run_scoped3A : memref<!tpu.dma_semaphore, #tpu.memory_space<semaphore_mem>>) src(%dma_wait3A_218 : memref<64x64xf32, #tpu.memory_space<vmem_shared>>) dst(%arg13 : memref<64x64xf32, #tpu.memory_space<vmem>>)
      tpu.yield
    }) : () -> ()
    "tpu.region"() ({
      %run_scoped3A = tpu.sem_alloc : memref<!tpu.dma_semaphore, #tpu.memory_space<semaphore_mem>>
      %dma_start3A_211 = arith.constant 0 : i32
      %dma_start3A_212 = tpu.memref_slice %arg5[%arg0, %add3A_206, %dma_start3A_211] : memref<2x10240x64xf32, #tpu.memory_space<hbm>> -> memref<1x64x64xf32, #tpu.memory_space<hbm>>
      %dma_start3A_213 = tpu.memref_squeeze %dma_start3A_212 : memref<1x64x64xf32, #tpu.memory_space<hbm>> -> memref<64x64xf32, #tpu.memory_space<hbm>>
      %dma_start3A_214 = arith.constant 0 : i32
      %dma_start3A_215 = tpu.memref_slice %arg5[%arg0, %add3A_206, %dma_start3A_214] : memref<2x10240x64xf32, #tpu.memory_space<hbm>> -> memref<1x64x64xf32, #tpu.memory_space<hbm>>
      %dma_start3A_216 = tpu.memref_squeeze %dma_start3A_215 : memref<1x64x64xf32, #tpu.memory_space<hbm>> -> memref<64x64xf32, #tpu.memory_space<hbm>>
      tpu.enqueue_dma source(%arg13 : memref<64x64xf32, #tpu.memory_space<vmem>>) target(%dma_start3A_216 : memref<64x64xf32, #tpu.memory_space<hbm>>) target_semaphore(%run_scoped3A : memref<!tpu.dma_semaphore, #tpu.memory_space<semaphore_mem>>)
      %dma_wait3A_217 = arith.constant 0 : i32
      %dma_wait3A_218 = tpu.memref_slice %arg5[%arg0, %add3A_206, %dma_wait3A_217] : memref<2x10240x64xf32, #tpu.memory_space<hbm>> -> memref<1x64x64xf32, #tpu.memory_space<hbm>>
      %dma_wait3A_219 = tpu.memref_squeeze %dma_wait3A_218 : memref<1x64x64xf32, #tpu.memory_space<hbm>> -> memref<64x64xf32, #tpu.memory_space<hbm>>
      %dma_wait3A_220 = arith.constant 0 : i32
      %dma_wait3A_221 = tpu.memref_slice %arg5[%arg0, %add3A_206, %dma_wait3A_220] : memref<2x10240x64xf32, #tpu.memory_space<hbm>> -> memref<1x64x64xf32, #tpu.memory_space<hbm>>
      %dma_wait3A_222 = tpu.memref_squeeze %dma_wait3A_221 : memref<1x64x64xf32, #tpu.memory_space<hbm>> -> memref<64x64xf32, #tpu.memory_space<hbm>>
      tpu.wait_dma2 semaphore(%run_scoped3A : memref<!tpu.dma_semaphore, #tpu.memory_space<semaphore_mem>>) src(%arg13 : memref<64x64xf32, #tpu.memory_space<vmem>>) dst(%dma_wait3A_222 : memref<64x64xf32, #tpu.memory_space<hbm>>)
      tpu.yield
    }) : () -> ()
    %add3A_207 = arith.constant 512 : i32
    %add3A_208 = arith.addi %mul3A_16, %add3A_207 : i32
    "tpu.region"() ({
      %run_scoped3A = tpu.sem_alloc : memref<!tpu.dma_semaphore, #tpu.memory_space<semaphore_mem>>
      %dma_start3A_211 = arith.constant 0 : i32
      %dma_start3A_212 = tpu.memref_slice %arg25[%add3A_208, %dma_start3A_211] : memref<10240x64xf32, #tpu.memory_space<vmem_shared>> -> memref<64x64xf32, #tpu.memory_space<vmem_shared>>
      %dma_start3A_213 = arith.constant 0 : i32
      %dma_start3A_214 = tpu.memref_slice %arg25[%add3A_208, %dma_start3A_213] : memref<10240x64xf32, #tpu.memory_space<vmem_shared>> -> memref<64x64xf32, #tpu.memory_space<vmem_shared>>
      tpu.enqueue_dma source(%dma_start3A_214 : memref<64x64xf32, #tpu.memory_space<vmem_shared>>) target(%arg13 : memref<64x64xf32, #tpu.memory_space<vmem>>) target_semaphore(%run_scoped3A : memref<!tpu.dma_semaphore, #tpu.memory_space<semaphore_mem>>)
      %dma_wait3A_215 = arith.constant 0 : i32
      %dma_wait3A_216 = tpu.memref_slice %arg25[%add3A_208, %dma_wait3A_215] : memref<10240x64xf32, #tpu.memory_space<vmem_shared>> -> memref<64x64xf32, #tpu.memory_space<vmem_shared>>
      %dma_wait3A_217 = arith.constant 0 : i32
      %dma_wait3A_218 = tpu.memref_slice %arg25[%add3A_208, %dma_wait3A_217] : memref<10240x64xf32, #tpu.memory_space<vmem_shared>> -> memref<64x64xf32, #tpu.memory_space<vmem_shared>>
      tpu.wait_dma2 semaphore(%run_scoped3A : memref<!tpu.dma_semaphore, #tpu.memory_space<semaphore_mem>>) src(%dma_wait3A_218 : memref<64x64xf32, #tpu.memory_space<vmem_shared>>) dst(%arg13 : memref<64x64xf32, #tpu.memory_space<vmem>>)
      tpu.yield
    }) : () -> ()
    "tpu.region"() ({
      %run_scoped3A = tpu.sem_alloc : memref<!tpu.dma_semaphore, #tpu.memory_space<semaphore_mem>>
      %dma_start3A_211 = arith.constant 0 : i32
      %dma_start3A_212 = tpu.memref_slice %arg5[%arg0, %add3A_208, %dma_start3A_211] : memref<2x10240x64xf32, #tpu.memory_space<hbm>> -> memref<1x64x64xf32, #tpu.memory_space<hbm>>
      %dma_start3A_213 = tpu.memref_squeeze %dma_start3A_212 : memref<1x64x64xf32, #tpu.memory_space<hbm>> -> memref<64x64xf32, #tpu.memory_space<hbm>>
      %dma_start3A_214 = arith.constant 0 : i32
      %dma_start3A_215 = tpu.memref_slice %arg5[%arg0, %add3A_208, %dma_start3A_214] : memref<2x10240x64xf32, #tpu.memory_space<hbm>> -> memref<1x64x64xf32, #tpu.memory_space<hbm>>
      %dma_start3A_216 = tpu.memref_squeeze %dma_start3A_215 : memref<1x64x64xf32, #tpu.memory_space<hbm>> -> memref<64x64xf32, #tpu.memory_space<hbm>>
      tpu.enqueue_dma source(%arg13 : memref<64x64xf32, #tpu.memory_space<vmem>>) target(%dma_start3A_216 : memref<64x64xf32, #tpu.memory_space<hbm>>) target_semaphore(%run_scoped3A : memref<!tpu.dma_semaphore, #tpu.memory_space<semaphore_mem>>)
      %dma_wait3A_217 = arith.constant 0 : i32
      %dma_wait3A_218 = tpu.memref_slice %arg5[%arg0, %add3A_208, %dma_wait3A_217] : memref<2x10240x64xf32, #tpu.memory_space<hbm>> -> memref<1x64x64xf32, #tpu.memory_space<hbm>>
      %dma_wait3A_219 = tpu.memref_squeeze %dma_wait3A_218 : memref<1x64x64xf32, #tpu.memory_space<hbm>> -> memref<64x64xf32, #tpu.memory_space<hbm>>
      %dma_wait3A_220 = arith.constant 0 : i32
      %dma_wait3A_221 = tpu.memref_slice %arg5[%arg0, %add3A_208, %dma_wait3A_220] : memref<2x10240x64xf32, #tpu.memory_space<hbm>> -> memref<1x64x64xf32, #tpu.memory_space<hbm>>
      %dma_wait3A_222 = tpu.memref_squeeze %dma_wait3A_221 : memref<1x64x64xf32, #tpu.memory_space<hbm>> -> memref<64x64xf32, #tpu.memory_space<hbm>>
      tpu.wait_dma2 semaphore(%run_scoped3A : memref<!tpu.dma_semaphore, #tpu.memory_space<semaphore_mem>>) src(%arg13 : memref<64x64xf32, #tpu.memory_space<vmem>>) dst(%dma_wait3A_222 : memref<64x64xf32, #tpu.memory_space<hbm>>)
      tpu.yield
    }) : () -> ()
    %add3A_209 = arith.constant 576 : i32
    %add3A_210 = arith.addi %mul3A_16, %add3A_209 : i32
    "tpu.region"() ({
      %run_scoped3A = tpu.sem_alloc : memref<!tpu.dma_semaphore, #tpu.memory_space<semaphore_mem>>
      %dma_start3A_211 = arith.constant 0 : i32
      %dma_start3A_212 = tpu.memref_slice %arg25[%add3A_210, %dma_start3A_211] : memref<10240x64xf32, #tpu.memory_space<vmem_shared>> -> memref<64x64xf32, #tpu.memory_space<vmem_shared>>
      %dma_start3A_213 = arith.constant 0 : i32
      %dma_start3A_214 = tpu.memref_slice %arg25[%add3A_210, %dma_start3A_213] : memref<10240x64xf32, #tpu.memory_space<vmem_shared>> -> memref<64x64xf32, #tpu.memory_space<vmem_shared>>
      tpu.enqueue_dma source(%dma_start3A_214 : memref<64x64xf32, #tpu.memory_space<vmem_shared>>) target(%arg13 : memref<64x64xf32, #tpu.memory_space<vmem>>) target_semaphore(%run_scoped3A : memref<!tpu.dma_semaphore, #tpu.memory_space<semaphore_mem>>)
      %dma_wait3A_215 = arith.constant 0 : i32
      %dma_wait3A_216 = tpu.memref_slice %arg25[%add3A_210, %dma_wait3A_215] : memref<10240x64xf32, #tpu.memory_space<vmem_shared>> -> memref<64x64xf32, #tpu.memory_space<vmem_shared>>
      %dma_wait3A_217 = arith.constant 0 : i32
      %dma_wait3A_218 = tpu.memref_slice %arg25[%add3A_210, %dma_wait3A_217] : memref<10240x64xf32, #tpu.memory_space<vmem_shared>> -> memref<64x64xf32, #tpu.memory_space<vmem_shared>>
      tpu.wait_dma2 semaphore(%run_scoped3A : memref<!tpu.dma_semaphore, #tpu.memory_space<semaphore_mem>>) src(%dma_wait3A_218 : memref<64x64xf32, #tpu.memory_space<vmem_shared>>) dst(%arg13 : memref<64x64xf32, #tpu.memory_space<vmem>>)
      tpu.yield
    }) : () -> ()
    "tpu.region"() ({
      %run_scoped3A = tpu.sem_alloc : memref<!tpu.dma_semaphore, #tpu.memory_space<semaphore_mem>>
      %dma_start3A_211 = arith.constant 0 : i32
      %dma_start3A_212 = tpu.memref_slice %arg5[%arg0, %add3A_210, %dma_start3A_211] : memref<2x10240x64xf32, #tpu.memory_space<hbm>> -> memref<1x64x64xf32, #tpu.memory_space<hbm>>
      %dma_start3A_213 = tpu.memref_squeeze %dma_start3A_212 : memref<1x64x64xf32, #tpu.memory_space<hbm>> -> memref<64x64xf32, #tpu.memory_space<hbm>>
      %dma_start3A_214 = arith.constant 0 : i32
      %dma_start3A_215 = tpu.memref_slice %arg5[%arg0, %add3A_210, %dma_start3A_214] : memref<2x10240x64xf32, #tpu.memory_space<hbm>> -> memref<1x64x64xf32, #tpu.memory_space<hbm>>
      %dma_start3A_216 = tpu.memref_squeeze %dma_start3A_215 : memref<1x64x64xf32, #tpu.memory_space<hbm>> -> memref<64x64xf32, #tpu.memory_space<hbm>>
      tpu.enqueue_dma source(%arg13 : memref<64x64xf32, #tpu.memory_space<vmem>>) target(%dma_start3A_216 : memref<64x64xf32, #tpu.memory_space<hbm>>) target_semaphore(%run_scoped3A : memref<!tpu.dma_semaphore, #tpu.memory_space<semaphore_mem>>)
      %dma_wait3A_217 = arith.constant 0 : i32
      %dma_wait3A_218 = tpu.memref_slice %arg5[%arg0, %add3A_210, %dma_wait3A_217] : memref<2x10240x64xf32, #tpu.memory_space<hbm>> -> memref<1x64x64xf32, #tpu.memory_space<hbm>>
      %dma_wait3A_219 = tpu.memref_squeeze %dma_wait3A_218 : memref<1x64x64xf32, #tpu.memory_space<hbm>> -> memref<64x64xf32, #tpu.memory_space<hbm>>
      %dma_wait3A_220 = arith.constant 0 : i32
      %dma_wait3A_221 = tpu.memref_slice %arg5[%arg0, %add3A_210, %dma_wait3A_220] : memref<2x10240x64xf32, #tpu.memory_space<hbm>> -> memref<1x64x64xf32, #tpu.memory_space<hbm>>
      %dma_wait3A_222 = tpu.memref_squeeze %dma_wait3A_221 : memref<1x64x64xf32, #tpu.memory_space<hbm>> -> memref<64x64xf32, #tpu.memory_space<hbm>>
      tpu.wait_dma2 semaphore(%run_scoped3A : memref<!tpu.dma_semaphore, #tpu.memory_space<semaphore_mem>>) src(%arg13 : memref<64x64xf32, #tpu.memory_space<vmem>>) dst(%dma_wait3A_222 : memref<64x64xf32, #tpu.memory_space<hbm>>)
      tpu.yield
    }) : () -> ()
    return
  }
}

#map = affine_map<(d0, d1) -> (0, 0)>
module attributes {stable_mosaic.version = 14 : i64} {
  func.func @k(%arg0: i32, %arg1: i32, %arg2: memref<2560x128xi32, #tpu.memory_space<hbm>>, %arg3: memref<2x10240xf32, #tpu.memory_space<hbm>>, %arg4: memref<80x128xi32, #tpu.memory_space<vmem>>, %arg5: memref<128xf32, #tpu.memory_space<vmem>>, %arg6: memref<640xf32, #tpu.memory_space<vmem>>, %arg7: memref<!tpu.dma_semaphore, #tpu.memory_space<semaphore_mem>>, %arg8: memref<!tpu.dma_semaphore, #tpu.memory_space<semaphore_mem>>, %arg9: memref<10240xf32, #tpu.memory_space<vmem_shared>>) attributes {dimension_semantics = [#tpu.dimension_semantics<core_parallel>, #tpu.dimension_semantics<subcore_parallel>], iteration_bounds = array<i64: 2, 16>, scalar_prefetch = 0 : i64, scratch_operands = 6 : i64, tpu.core_type = #tpu.core_type<sc_vector_subcore>, window_params = [{transform_indices = #map}, {transform_indices = #map}]} {
    %mul3A = arith.constant 2 : i32
    %mul3A_0 = arith.muli %arg1, %mul3A : i32
    %add3A = arith.addi %mul3A_0, %arg0 : i32
    %mul3A_1 = arith.constant 80 : i32
    %mul3A_2 = arith.muli %add3A, %mul3A_1 : i32
    %dma_start3A = arith.constant 0 : i32
    %dma_start3A_3 = tpu.memref_slice %arg2[%mul3A_2, %dma_start3A] : memref<2560x128xi32, #tpu.memory_space<hbm>> -> memref<80x128xi32, #tpu.memory_space<hbm>>
    %dma_start3A_4 = arith.constant 0 : i32
    %dma_start3A_5 = tpu.memref_slice %arg2[%mul3A_2, %dma_start3A_4] : memref<2560x128xi32, #tpu.memory_space<hbm>> -> memref<80x128xi32, #tpu.memory_space<hbm>>
    tpu.enqueue_dma source(%dma_start3A_5 : memref<80x128xi32, #tpu.memory_space<hbm>>) target(%arg4 : memref<80x128xi32, #tpu.memory_space<vmem>>) target_semaphore(%arg7 : memref<!tpu.dma_semaphore, #tpu.memory_space<semaphore_mem>>)
    %scan3A = arith.constant 0 : i32
    %scan3A_6 = arith.constant 0 : i32
    %scan3A_7 = arith.constant 8 : i32
    %scan3A_8 = arith.addi %scan3A_6, %scan3A_7 : i32
    %scan3A_9 = arith.constant 1 : i32
    scf.for %scan3A_81 = %scan3A_6 to %scan3A_8 step %scan3A_9  : i32 {
      %broadcast_in_dim3A = arith.constant 1.000000e+00 : f32
      %broadcast_in_dim3A_82 = vector.broadcast %broadcast_in_dim3A : f32 to vector<16xf32>
      %mul3A_83 = arith.constant 16 : i32
      %mul3A_84 = arith.muli %scan3A_81, %mul3A_83 : i32
      %swap3A = arith.index_cast %mul3A_84 : i32 to index
      %swap3A_85 = tpu.vector_load %arg5[%swap3A] {strides = array<i32>} : memref<128xf32, #tpu.memory_space<vmem>>, vector<16xf32>,
      %swap3A_86 = vector.shape_cast %swap3A_85 : vector<16xf32> to vector<16xf32>
      %swap3A_87 = vector.shape_cast %broadcast_in_dim3A_82 : vector<16xf32> to vector<16xf32>
      tpu.vector_store %arg5[%swap3A], %swap3A_87 {strides = array<i32>} : memref<128xf32, #tpu.memory_space<vmem>>, vector<16xf32>,
    }
    %scan3A_10 = arith.constant 8 : i32
    %scan3A_11 = arith.constant 0 : i32
    %scan3A_12 = arith.constant 0 : i32
    %scan3A_13 = arith.constant 40 : i32
    %scan3A_14 = arith.addi %scan3A_12, %scan3A_13 : i32
    %scan3A_15 = arith.constant 1 : i32
    scf.for %scan3A_81 = %scan3A_12 to %scan3A_14 step %scan3A_15  : i32 {
      %broadcast_in_dim3A = arith.constant 0.000000e+00 : f32
      %broadcast_in_dim3A_82 = vector.broadcast %broadcast_in_dim3A : f32 to vector<16xf32>
      %mul3A_83 = arith.constant 16 : i32
      %mul3A_84 = arith.muli %scan3A_81, %mul3A_83 : i32
      %swap3A = arith.index_cast %mul3A_84 : i32 to index
      %swap3A_85 = tpu.vector_load %arg6[%swap3A] {strides = array<i32>} : memref<640xf32, #tpu.memory_space<vmem>>, vector<16xf32>,
      %swap3A_86 = vector.shape_cast %swap3A_85 : vector<16xf32> to vector<16xf32>
      %swap3A_87 = vector.shape_cast %broadcast_in_dim3A_82 : vector<16xf32> to vector<16xf32>
      tpu.vector_store %arg6[%swap3A], %swap3A_87 {strides = array<i32>} : memref<640xf32, #tpu.memory_space<vmem>>, vector<16xf32>,
    }
    %scan3A_16 = arith.constant 40 : i32
    %mul3A_17 = arith.constant 640 : i32
    %mul3A_18 = arith.muli %arg1, %mul3A_17 : i32
    "tpu.region"() ({
      %run_scoped3A = tpu.sem_alloc : memref<!tpu.dma_semaphore, #tpu.memory_space<semaphore_mem>>
      %dma_start3A_81 = tpu.memref_slice %arg9[%mul3A_18] : memref<10240xf32, #tpu.memory_space<vmem_shared>> -> memref<640xf32, #tpu.memory_space<vmem_shared>>
      %dma_start3A_82 = tpu.memref_slice %arg9[%mul3A_18] : memref<10240xf32, #tpu.memory_space<vmem_shared>> -> memref<640xf32, #tpu.memory_space<vmem_shared>>
      tpu.enqueue_dma source(%arg6 : memref<640xf32, #tpu.memory_space<vmem>>) target(%dma_start3A_82 : memref<640xf32, #tpu.memory_space<vmem_shared>>) target_semaphore(%run_scoped3A : memref<!tpu.dma_semaphore, #tpu.memory_space<semaphore_mem>>)
      %dma_wait3A_83 = tpu.memref_slice %arg9[%mul3A_18] : memref<10240xf32, #tpu.memory_space<vmem_shared>> -> memref<640xf32, #tpu.memory_space<vmem_shared>>
      %dma_wait3A_84 = tpu.memref_slice %arg9[%mul3A_18] : memref<10240xf32, #tpu.memory_space<vmem_shared>> -> memref<640xf32, #tpu.memory_space<vmem_shared>>
      tpu.wait_dma2 semaphore(%run_scoped3A : memref<!tpu.dma_semaphore, #tpu.memory_space<semaphore_mem>>) src(%arg6 : memref<640xf32, #tpu.memory_space<vmem>>) dst(%dma_wait3A_84 : memref<640xf32, #tpu.memory_space<vmem_shared>>)
      tpu.yield
    }) : () -> ()
    %barrier3A = arith.constant 0 : index
    tpu.barrier barrier_id(%barrier3A)
    %dma_wait3A = arith.constant 0 : i32
    %dma_wait3A_19 = tpu.memref_slice %arg2[%mul3A_2, %dma_wait3A] : memref<2560x128xi32, #tpu.memory_space<hbm>> -> memref<80x128xi32, #tpu.memory_space<hbm>>
    %dma_wait3A_20 = arith.constant 0 : i32
    %dma_wait3A_21 = tpu.memref_slice %arg2[%mul3A_2, %dma_wait3A_20] : memref<2560x128xi32, #tpu.memory_space<hbm>> -> memref<80x128xi32, #tpu.memory_space<hbm>>
    tpu.wait_dma2 semaphore(%arg7 : memref<!tpu.dma_semaphore, #tpu.memory_space<semaphore_mem>>) src(%dma_wait3A_21 : memref<80x128xi32, #tpu.memory_space<hbm>>) dst(%arg4 : memref<80x128xi32, #tpu.memory_space<vmem>>)
    %dma_start3A_22 = arith.constant 0 : i32
    %dma_start3A_23 = arith.constant 0 : i32
    %dma_start3A_24 = tpu.memref_slice %arg4[%dma_start3A_22, %dma_start3A_23] : memref<80x128xi32, #tpu.memory_space<vmem>> -> memref<1x128xi32, #tpu.memory_space<vmem>>
    %dma_start3A_25 = tpu.memref_squeeze %dma_start3A_24 : memref<1x128xi32, #tpu.memory_space<vmem>> -> memref<128xi32, #tpu.memory_space<vmem>>
    %dma_start3A_26 = arith.constant 0 : i32
    %dma_start3A_27 = tpu.memref_slice %arg9[%dma_start3A_26] : memref<10240xf32, #tpu.memory_space<vmem_shared>> -> memref<10240xf32, #tpu.memory_space<vmem_shared>>
    tpu.enqueue_indirect_dma source(%arg5 : memref<128xf32, #tpu.memory_space<vmem>>) target(%dma_start3A_27 : memref<10240xf32, #tpu.memory_space<vmem_shared>>) offsets(%dma_start3A_25 : memref<128xi32, #tpu.memory_space<vmem>>) semaphore(%arg8 : memref<!tpu.dma_semaphore, #tpu.memory_space<semaphore_mem>>) {add = true}
    %dma_start3A_28 = arith.constant 1 : i32
    %dma_start3A_29 = arith.constant 0 : i32
    %dma_start3A_30 = tpu.memref_slice %arg4[%dma_start3A_28, %dma_start3A_29] : memref<80x128xi32, #tpu.memory_space<vmem>> -> memref<1x128xi32, #tpu.memory_space<vmem>>
    %dma_start3A_31 = tpu.memref_squeeze %dma_start3A_30 : memref<1x128xi32, #tpu.memory_space<vmem>> -> memref<128xi32, #tpu.memory_space<vmem>>
    %dma_start3A_32 = arith.constant 0 : i32
    %dma_start3A_33 = tpu.memref_slice %arg9[%dma_start3A_32] : memref<10240xf32, #tpu.memory_space<vmem_shared>> -> memref<10240xf32, #tpu.memory_space<vmem_shared>>
    tpu.enqueue_indirect_dma source(%arg5 : memref<128xf32, #tpu.memory_space<vmem>>) target(%dma_start3A_33 : memref<10240xf32, #tpu.memory_space<vmem_shared>>) offsets(%dma_start3A_31 : memref<128xi32, #tpu.memory_space<vmem>>) semaphore(%arg8 : memref<!tpu.dma_semaphore, #tpu.memory_space<semaphore_mem>>) {add = true}
    %dma_start3A_34 = arith.constant 2 : i32
    %dma_start3A_35 = arith.constant 0 : i32
    %dma_start3A_36 = tpu.memref_slice %arg4[%dma_start3A_34, %dma_start3A_35] : memref<80x128xi32, #tpu.memory_space<vmem>> -> memref<1x128xi32, #tpu.memory_space<vmem>>
    %dma_start3A_37 = tpu.memref_squeeze %dma_start3A_36 : memref<1x128xi32, #tpu.memory_space<vmem>> -> memref<128xi32, #tpu.memory_space<vmem>>
    %dma_start3A_38 = arith.constant 0 : i32
    %dma_start3A_39 = tpu.memref_slice %arg9[%dma_start3A_38] : memref<10240xf32, #tpu.memory_space<vmem_shared>> -> memref<10240xf32, #tpu.memory_space<vmem_shared>>
    tpu.enqueue_indirect_dma source(%arg5 : memref<128xf32, #tpu.memory_space<vmem>>) target(%dma_start3A_39 : memref<10240xf32, #tpu.memory_space<vmem_shared>>) offsets(%dma_start3A_37 : memref<128xi32, #tpu.memory_space<vmem>>) semaphore(%arg8 : memref<!tpu.dma_semaphore, #tpu.memory_space<semaphore_mem>>) {add = true}
    %dma_start3A_40 = arith.constant 3 : i32
    %dma_start3A_41 = arith.constant 0 : i32
    %dma_start3A_42 = tpu.memref_slice %arg4[%dma_start3A_40, %dma_start3A_41] : memref<80x128xi32, #tpu.memory_space<vmem>> -> memref<1x128xi32, #tpu.memory_space<vmem>>
    %dma_start3A_43 = tpu.memref_squeeze %dma_start3A_42 : memref<1x128xi32, #tpu.memory_space<vmem>> -> memref<128xi32, #tpu.memory_space<vmem>>
    %dma_start3A_44 = arith.constant 0 : i32
    %dma_start3A_45 = tpu.memref_slice %arg9[%dma_start3A_44] : memref<10240xf32, #tpu.memory_space<vmem_shared>> -> memref<10240xf32, #tpu.memory_space<vmem_shared>>
    tpu.enqueue_indirect_dma source(%arg5 : memref<128xf32, #tpu.memory_space<vmem>>) target(%dma_start3A_45 : memref<10240xf32, #tpu.memory_space<vmem_shared>>) offsets(%dma_start3A_43 : memref<128xi32, #tpu.memory_space<vmem>>) semaphore(%arg8 : memref<!tpu.dma_semaphore, #tpu.memory_space<semaphore_mem>>) {add = true}
    %scan3A_46 = arith.constant 0 : i32
    %scan3A_47 = arith.constant 0 : i32
    %scan3A_48 = arith.constant 76 : i32
    %scan3A_49 = arith.addi %scan3A_47, %scan3A_48 : i32
    %scan3A_50 = arith.constant 1 : i32
    scf.for %scan3A_81 = %scan3A_47 to %scan3A_49 step %scan3A_50  : i32 {
      %dma_wait3A_82 = arith.constant 0 : i32
      %dma_wait3A_83 = arith.constant 0 : i32
      %dma_wait3A_84 = tpu.memref_slice %arg4[%dma_wait3A_82, %dma_wait3A_83] : memref<80x128xi32, #tpu.memory_space<vmem>> -> memref<1x128xi32, #tpu.memory_space<vmem>>
      %dma_wait3A_85 = tpu.memref_squeeze %dma_wait3A_84 : memref<1x128xi32, #tpu.memory_space<vmem>> -> memref<128xi32, #tpu.memory_space<vmem>>
      %dma_wait3A_86 = arith.constant 0 : i32
      %dma_wait3A_87 = tpu.memref_slice %arg9[%dma_wait3A_86] : memref<10240xf32, #tpu.memory_space<vmem_shared>> -> memref<10240xf32, #tpu.memory_space<vmem_shared>>
      tpu.wait_indirect_dma semaphore(%arg8 : memref<!tpu.dma_semaphore, #tpu.memory_space<semaphore_mem>>) src(%arg5 : memref<128xf32, #tpu.memory_space<vmem>>) dst(%dma_wait3A_87 : memref<10240xf32, #tpu.memory_space<vmem_shared>>)
      %add3A_88 = arith.constant 4 : i32
      %add3A_89 = arith.addi %scan3A_81, %add3A_88 : i32
      %dma_start3A_90 = arith.constant 0 : i32
      %dma_start3A_91 = tpu.memref_slice %arg4[%add3A_89, %dma_start3A_90] : memref<80x128xi32, #tpu.memory_space<vmem>> -> memref<1x128xi32, #tpu.memory_space<vmem>>
      %dma_start3A_92 = tpu.memref_squeeze %dma_start3A_91 : memref<1x128xi32, #tpu.memory_space<vmem>> -> memref<128xi32, #tpu.memory_space<vmem>>
      %dma_start3A_93 = arith.constant 0 : i32
      %dma_start3A_94 = tpu.memref_slice %arg9[%dma_start3A_93] : memref<10240xf32, #tpu.memory_space<vmem_shared>> -> memref<10240xf32, #tpu.memory_space<vmem_shared>>
      tpu.enqueue_indirect_dma source(%arg5 : memref<128xf32, #tpu.memory_space<vmem>>) target(%dma_start3A_94 : memref<10240xf32, #tpu.memory_space<vmem_shared>>) offsets(%dma_start3A_92 : memref<128xi32, #tpu.memory_space<vmem>>) semaphore(%arg8 : memref<!tpu.dma_semaphore, #tpu.memory_space<semaphore_mem>>) {add = true}
    }
    %scan3A_51 = arith.constant 76 : i32
    %dma_wait3A_52 = arith.constant 0 : i32
    %dma_wait3A_53 = arith.constant 0 : i32
    %dma_wait3A_54 = tpu.memref_slice %arg4[%dma_wait3A_52, %dma_wait3A_53] : memref<80x128xi32, #tpu.memory_space<vmem>> -> memref<1x128xi32, #tpu.memory_space<vmem>>
    %dma_wait3A_55 = tpu.memref_squeeze %dma_wait3A_54 : memref<1x128xi32, #tpu.memory_space<vmem>> -> memref<128xi32, #tpu.memory_space<vmem>>
    %dma_wait3A_56 = arith.constant 0 : i32
    %dma_wait3A_57 = tpu.memref_slice %arg9[%dma_wait3A_56] : memref<10240xf32, #tpu.memory_space<vmem_shared>> -> memref<10240xf32, #tpu.memory_space<vmem_shared>>
    tpu.wait_indirect_dma semaphore(%arg8 : memref<!tpu.dma_semaphore, #tpu.memory_space<semaphore_mem>>) src(%arg5 : memref<128xf32, #tpu.memory_space<vmem>>) dst(%dma_wait3A_57 : memref<10240xf32, #tpu.memory_space<vmem_shared>>)
    %dma_wait3A_58 = arith.constant 0 : i32
    %dma_wait3A_59 = arith.constant 0 : i32
    %dma_wait3A_60 = tpu.memref_slice %arg4[%dma_wait3A_58, %dma_wait3A_59] : memref<80x128xi32, #tpu.memory_space<vmem>> -> memref<1x128xi32, #tpu.memory_space<vmem>>
    %dma_wait3A_61 = tpu.memref_squeeze %dma_wait3A_60 : memref<1x128xi32, #tpu.memory_space<vmem>> -> memref<128xi32, #tpu.memory_space<vmem>>
    %dma_wait3A_62 = arith.constant 0 : i32
    %dma_wait3A_63 = tpu.memref_slice %arg9[%dma_wait3A_62] : memref<10240xf32, #tpu.memory_space<vmem_shared>> -> memref<10240xf32, #tpu.memory_space<vmem_shared>>
    tpu.wait_indirect_dma semaphore(%arg8 : memref<!tpu.dma_semaphore, #tpu.memory_space<semaphore_mem>>) src(%arg5 : memref<128xf32, #tpu.memory_space<vmem>>) dst(%dma_wait3A_63 : memref<10240xf32, #tpu.memory_space<vmem_shared>>)
    %dma_wait3A_64 = arith.constant 0 : i32
    %dma_wait3A_65 = arith.constant 0 : i32
    %dma_wait3A_66 = tpu.memref_slice %arg4[%dma_wait3A_64, %dma_wait3A_65] : memref<80x128xi32, #tpu.memory_space<vmem>> -> memref<1x128xi32, #tpu.memory_space<vmem>>
    %dma_wait3A_67 = tpu.memref_squeeze %dma_wait3A_66 : memref<1x128xi32, #tpu.memory_space<vmem>> -> memref<128xi32, #tpu.memory_space<vmem>>
    %dma_wait3A_68 = arith.constant 0 : i32
    %dma_wait3A_69 = tpu.memref_slice %arg9[%dma_wait3A_68] : memref<10240xf32, #tpu.memory_space<vmem_shared>> -> memref<10240xf32, #tpu.memory_space<vmem_shared>>
    tpu.wait_indirect_dma semaphore(%arg8 : memref<!tpu.dma_semaphore, #tpu.memory_space<semaphore_mem>>) src(%arg5 : memref<128xf32, #tpu.memory_space<vmem>>) dst(%dma_wait3A_69 : memref<10240xf32, #tpu.memory_space<vmem_shared>>)
    %dma_wait3A_70 = arith.constant 0 : i32
    %dma_wait3A_71 = arith.constant 0 : i32
    %dma_wait3A_72 = tpu.memref_slice %arg4[%dma_wait3A_70, %dma_wait3A_71] : memref<80x128xi32, #tpu.memory_space<vmem>> -> memref<1x128xi32, #tpu.memory_space<vmem>>
    %dma_wait3A_73 = tpu.memref_squeeze %dma_wait3A_72 : memref<1x128xi32, #tpu.memory_space<vmem>> -> memref<128xi32, #tpu.memory_space<vmem>>
    %dma_wait3A_74 = arith.constant 0 : i32
    %dma_wait3A_75 = tpu.memref_slice %arg9[%dma_wait3A_74] : memref<10240xf32, #tpu.memory_space<vmem_shared>> -> memref<10240xf32, #tpu.memory_space<vmem_shared>>
    tpu.wait_indirect_dma semaphore(%arg8 : memref<!tpu.dma_semaphore, #tpu.memory_space<semaphore_mem>>) src(%arg5 : memref<128xf32, #tpu.memory_space<vmem>>) dst(%dma_wait3A_75 : memref<10240xf32, #tpu.memory_space<vmem_shared>>)
    %barrier3A_76 = arith.constant 0 : index
    tpu.barrier barrier_id(%barrier3A_76)
    %mul3A_77 = arith.constant 640 : i32
    %mul3A_78 = arith.muli %arg1, %mul3A_77 : i32
    "tpu.region"() ({
      %run_scoped3A = tpu.sem_alloc : memref<!tpu.dma_semaphore, #tpu.memory_space<semaphore_mem>>
      %dma_start3A_81 = tpu.memref_slice %arg9[%mul3A_78] : memref<10240xf32, #tpu.memory_space<vmem_shared>> -> memref<640xf32, #tpu.memory_space<vmem_shared>>
      %dma_start3A_82 = tpu.memref_slice %arg9[%mul3A_78] : memref<10240xf32, #tpu.memory_space<vmem_shared>> -> memref<640xf32, #tpu.memory_space<vmem_shared>>
      tpu.enqueue_dma source(%dma_start3A_82 : memref<640xf32, #tpu.memory_space<vmem_shared>>) target(%arg6 : memref<640xf32, #tpu.memory_space<vmem>>) target_semaphore(%run_scoped3A : memref<!tpu.dma_semaphore, #tpu.memory_space<semaphore_mem>>)
      %dma_wait3A_83 = tpu.memref_slice %arg9[%mul3A_78] : memref<10240xf32, #tpu.memory_space<vmem_shared>> -> memref<640xf32, #tpu.memory_space<vmem_shared>>
      %dma_wait3A_84 = tpu.memref_slice %arg9[%mul3A_78] : memref<10240xf32, #tpu.memory_space<vmem_shared>> -> memref<640xf32, #tpu.memory_space<vmem_shared>>
      tpu.wait_dma2 semaphore(%run_scoped3A : memref<!tpu.dma_semaphore, #tpu.memory_space<semaphore_mem>>) src(%dma_wait3A_84 : memref<640xf32, #tpu.memory_space<vmem_shared>>) dst(%arg6 : memref<640xf32, #tpu.memory_space<vmem>>)
      tpu.yield
    }) : () -> ()
    %mul3A_79 = arith.constant 640 : i32
    %mul3A_80 = arith.muli %arg1, %mul3A_79 : i32
    "tpu.region"() ({
      %run_scoped3A = tpu.sem_alloc : memref<!tpu.dma_semaphore, #tpu.memory_space<semaphore_mem>>
      %dma_start3A_81 = tpu.memref_slice %arg3[%arg0, %mul3A_80] : memref<2x10240xf32, #tpu.memory_space<hbm>> -> memref<1x640xf32, #tpu.memory_space<hbm>>
      %dma_start3A_82 = tpu.memref_squeeze %dma_start3A_81 : memref<1x640xf32, #tpu.memory_space<hbm>> -> memref<640xf32, #tpu.memory_space<hbm>>
      %dma_start3A_83 = tpu.memref_slice %arg3[%arg0, %mul3A_80] : memref<2x10240xf32, #tpu.memory_space<hbm>> -> memref<1x640xf32, #tpu.memory_space<hbm>>
      %dma_start3A_84 = tpu.memref_squeeze %dma_start3A_83 : memref<1x640xf32, #tpu.memory_space<hbm>> -> memref<640xf32, #tpu.memory_space<hbm>>
      tpu.enqueue_dma source(%arg6 : memref<640xf32, #tpu.memory_space<vmem>>) target(%dma_start3A_84 : memref<640xf32, #tpu.memory_space<hbm>>) target_semaphore(%run_scoped3A : memref<!tpu.dma_semaphore, #tpu.memory_space<semaphore_mem>>)
      %dma_wait3A_85 = tpu.memref_slice %arg3[%arg0, %mul3A_80] : memref<2x10240xf32, #tpu.memory_space<hbm>> -> memref<1x640xf32, #tpu.memory_space<hbm>>
      %dma_wait3A_86 = tpu.memref_squeeze %dma_wait3A_85 : memref<1x640xf32, #tpu.memory_space<hbm>> -> memref<640xf32, #tpu.memory_space<hbm>>
      %dma_wait3A_87 = tpu.memref_slice %arg3[%arg0, %mul3A_80] : memref<2x10240xf32, #tpu.memory_space<hbm>> -> memref<1x640xf32, #tpu.memory_space<hbm>>
      %dma_wait3A_88 = tpu.memref_squeeze %dma_wait3A_87 : memref<1x640xf32, #tpu.memory_space<hbm>> -> memref<640xf32, #tpu.memory_space<hbm>>
      tpu.wait_dma2 semaphore(%run_scoped3A : memref<!tpu.dma_semaphore, #tpu.memory_space<semaphore_mem>>) src(%arg6 : memref<640xf32, #tpu.memory_space<vmem>>) dst(%dma_wait3A_88 : memref<640xf32, #tpu.memory_space<hbm>>)
      tpu.yield
    }) : () -> ()
    return
  }
}

#map = affine_map<(d0, d1) -> (0, 0)>
#map1 = affine_map<(d0, d1) -> (0, 0, 0)>
module attributes {stable_mosaic.version = 14 : i64} {
  func.func @k(%arg0: i32, %arg1: i32, %arg2: memref<10240x64xf32, #tpu.memory_space<hbm>>, %arg3: memref<2560x128xi32, #tpu.memory_space<hbm>>, %arg4: memref<2560x128xi32, #tpu.memory_space<hbm>>, %arg5: memref<2x10240x64xf32, #tpu.memory_space<hbm>>, %arg6: memref<80x128xi32, #tpu.memory_space<vmem>>, %arg7: memref<80x128xi32, #tpu.memory_space<vmem>>, %arg8: memref<128x64xf32, #tpu.memory_space<vmem>>, %arg9: memref<128x64xf32, #tpu.memory_space<vmem>>, %arg10: memref<128x64xf32, #tpu.memory_space<vmem>>, %arg11: memref<128x64xf32, #tpu.memory_space<vmem>>, %arg12: memref<128x64xf32, #tpu.memory_space<vmem>>, %arg13: memref<64x64xf32, #tpu.memory_space<vmem>>, %arg14: memref<!tpu.dma_semaphore, #tpu.memory_space<semaphore_mem>>, %arg15: memref<!tpu.dma_semaphore, #tpu.memory_space<semaphore_mem>>, %arg16: memref<!tpu.dma_semaphore, #tpu.memory_space<semaphore_mem>>, %arg17: memref<!tpu.dma_semaphore, #tpu.memory_space<semaphore_mem>>, %arg18: memref<!tpu.dma_semaphore, #tpu.memory_space<semaphore_mem>>, %arg19: memref<!tpu.dma_semaphore, #tpu.memory_space<semaphore_mem>>, %arg20: memref<!tpu.dma_semaphore, #tpu.memory_space<semaphore_mem>>, %arg21: memref<!tpu.dma_semaphore, #tpu.memory_space<semaphore_mem>>, %arg22: memref<!tpu.dma_semaphore, #tpu.memory_space<semaphore_mem>>, %arg23: memref<!tpu.dma_semaphore, #tpu.memory_space<semaphore_mem>>, %arg24: memref<!tpu.dma_semaphore, #tpu.memory_space<semaphore_mem>>, %arg25: memref<10240x64xf32, #tpu.memory_space<vmem_shared>>) attributes {dimension_semantics = [#tpu.dimension_semantics<core_parallel>, #tpu.dimension_semantics<subcore_parallel>], iteration_bounds = array<i64: 2, 16>, scalar_prefetch = 0 : i64, scratch_operands = 20 : i64, tpu.core_type = #tpu.core_type<sc_vector_subcore>, window_params = [{transform_indices = #map}, {transform_indices = #map}, {transform_indices = #map}, {transform_indices = #map1}]} {
    %mul3A = arith.constant 2 : i32
    %mul3A_0 = arith.muli %arg1, %mul3A : i32
    %add3A = arith.addi %mul3A_0, %arg0 : i32
    %mul3A_1 = arith.constant 80 : i32
    %mul3A_2 = arith.muli %add3A, %mul3A_1 : i32
    %dma_start3A = arith.constant 0 : i32
    %dma_start3A_3 = tpu.memref_slice %arg3[%mul3A_2, %dma_start3A] : memref<2560x128xi32, #tpu.memory_space<hbm>> -> memref<80x128xi32, #tpu.memory_space<hbm>>
    %dma_start3A_4 = arith.constant 0 : i32
    %dma_start3A_5 = tpu.memref_slice %arg3[%mul3A_2, %dma_start3A_4] : memref<2560x128xi32, #tpu.memory_space<hbm>> -> memref<80x128xi32, #tpu.memory_space<hbm>>
    tpu.enqueue_dma source(%dma_start3A_5 : memref<80x128xi32, #tpu.memory_space<hbm>>) target(%arg6 : memref<80x128xi32, #tpu.memory_space<vmem>>) target_semaphore(%arg14 : memref<!tpu.dma_semaphore, #tpu.memory_space<semaphore_mem>>)
    %dma_start3A_6 = arith.constant 0 : i32
    %dma_start3A_7 = tpu.memref_slice %arg4[%mul3A_2, %dma_start3A_6] : memref<2560x128xi32, #tpu.memory_space<hbm>> -> memref<80x128xi32, #tpu.memory_space<hbm>>
    %dma_start3A_8 = arith.constant 0 : i32
    %dma_start3A_9 = tpu.memref_slice %arg4[%mul3A_2, %dma_start3A_8] : memref<2560x128xi32, #tpu.memory_space<hbm>> -> memref<80x128xi32, #tpu.memory_space<hbm>>
    tpu.enqueue_dma source(%dma_start3A_9 : memref<80x128xi32, #tpu.memory_space<hbm>>) target(%arg7 : memref<80x128xi32, #tpu.memory_space<vmem>>) target_semaphore(%arg14 : memref<!tpu.dma_semaphore, #tpu.memory_space<semaphore_mem>>)
    %scan3A = arith.constant 0 : i32
    %scan3A_10 = arith.constant 0 : i32
    %scan3A_11 = arith.constant 256 : i32
    %scan3A_12 = arith.addi %scan3A_10, %scan3A_11 : i32
    %scan3A_13 = arith.constant 1 : i32
    scf.for %scan3A_211 = %scan3A_10 to %scan3A_12 step %scan3A_13  : i32 {
      %jit3A = arith.constant 4 : i32
      %div3A = arith.divsi %scan3A_211, %jit3A : i32
      %sign3A = arith.constant 0 : i32
      %sign3A_212 = arith.cmpi sgt, %scan3A_211, %sign3A : i32
      %sign3A_213 = arith.extui %sign3A_212 : i1 to i32
      %sign3A_214 = arith.constant 0 : i32
      %sign3A_215 = arith.cmpi slt, %scan3A_211, %sign3A_214 : i32
      %sign3A_216 = arith.extui %sign3A_215 : i1 to i32
      %sign3A_217 = arith.subi %sign3A_213, %sign3A_216 : i32
      %sign3A_218 = arith.constant 0 : i32
      %sign3A_219 = arith.cmpi sgt, %jit3A, %sign3A_218 : i32
      %sign3A_220 = arith.extui %sign3A_219 : i1 to i32
      %sign3A_221 = arith.constant 0 : i32
      %sign3A_222 = arith.cmpi slt, %jit3A, %sign3A_221 : i32
      %sign3A_223 = arith.extui %sign3A_222 : i1 to i32
      %sign3A_224 = arith.subi %sign3A_220, %sign3A_223 : i32
      %ne3A = arith.cmpi ne, %sign3A_217, %sign3A_224 : i32
      %rem3A = arith.remsi %scan3A_211, %jit3A : i32
      %ne3A_225 = arith.constant 0 : i32
      %ne3A_226 = arith.cmpi ne, %rem3A, %ne3A_225 : i32
      %and3A = arith.andi %ne3A, %ne3A_226 : i1
      %sub3A = arith.constant 1 : i32
      %sub3A_227 = arith.subi %div3A, %sub3A : i32
      %select_n3A = arith.select %and3A, %sub3A_227, %div3A : i32
      %jit3A_228 = arith.constant 4 : i32
      %eq3A = arith.constant 0 : i32
      %eq3A_229 = arith.cmpi eq, %jit3A_228, %eq3A : i32
      %jit3A_230 = arith.constant 1 : i32
      %select_n3A_231 = arith.select %eq3A_229, %jit3A_230, %jit3A_228 : i32
      %rem3A_232 = arith.remsi %scan3A_211, %select_n3A_231 : i32
      %ne3A_233 = arith.constant 0 : i32
      %ne3A_234 = arith.cmpi ne, %rem3A_232, %ne3A_233 : i32
      %lt3A = arith.constant 0 : i32
      %lt3A_235 = arith.cmpi slt, %rem3A_232, %lt3A : i32
      %lt3A_236 = arith.constant 0 : i32
      %lt3A_237 = arith.cmpi slt, %select_n3A_231, %lt3A_236 : i32
      %ne3A_238 = arith.xori %lt3A_235, %lt3A_237 : i1
      %and3A_239 = arith.andi %ne3A_238, %ne3A_234 : i1
      %add3A_240 = arith.addi %rem3A_232, %select_n3A_231 : i32
      %select_n3A_241 = arith.select %and3A_239, %add3A_240, %rem3A_232 : i32
      %mul3A_242 = arith.constant 16 : i32
      %mul3A_243 = arith.muli %select_n3A_241, %mul3A_242 : i32
      %broadcast_in_dim3A = arith.constant 0.000000e+00 : f32
      %broadcast_in_dim3A_244 = vector.broadcast %broadcast_in_dim3A : f32 to vector<16xf32>
      %swap3A = arith.index_cast %select_n3A : i32 to index
      %swap3A_245 = arith.index_cast %mul3A_243 : i32 to index
      %swap3A_246 = tpu.vector_load %arg13[%swap3A, %swap3A_245] {strides = array<i32>} : memref<64x64xf32, #tpu.memory_space<vmem>>, vector<1x16xf32>,
      %swap3A_247 = vector.shape_cast %swap3A_246 : vector<1x16xf32> to vector<16xf32>
      %swap3A_248 = vector.shape_cast %broadcast_in_dim3A_244 : vector<16xf32> to vector<1x16xf32>
      tpu.vector_store %arg13[%swap3A, %swap3A_245], %swap3A_248 {strides = array<i32>} : memref<64x64xf32, #tpu.memory_space<vmem>>, vector<1x16xf32>,
    }
    %scan3A_14 = arith.constant 256 : i32
    %mul3A_15 = arith.constant 640 : i32
    %mul3A_16 = arith.muli %arg1, %mul3A_15 : i32
    %add3A_17 = arith.constant 0 : i32
    %add3A_18 = arith.addi %mul3A_16, %add3A_17 : i32
    "tpu.region"() ({
      %run_scoped3A = tpu.sem_alloc : memref<!tpu.dma_semaphore, #tpu.memory_space<semaphore_mem>>
      %dma_start3A_211 = arith.constant 0 : i32
      %dma_start3A_212 = tpu.memref_slice %arg25[%add3A_18, %dma_start3A_211] : memref<10240x64xf32, #tpu.memory_space<vmem_shared>> -> memref<64x64xf32, #tpu.memory_space<vmem_shared>>
      %dma_start3A_213 = arith.constant 0 : i32
      %dma_start3A_214 = tpu.memref_slice %arg25[%add3A_18, %dma_start3A_213] : memref<10240x64xf32, #tpu.memory_space<vmem_shared>> -> memref<64x64xf32, #tpu.memory_space<vmem_shared>>
      tpu.enqueue_dma source(%arg13 : memref<64x64xf32, #tpu.memory_space<vmem>>) target(%dma_start3A_214 : memref<64x64xf32, #tpu.memory_space<vmem_shared>>) target_semaphore(%run_scoped3A : memref<!tpu.dma_semaphore, #tpu.memory_space<semaphore_mem>>)
      %dma_wait3A_215 = arith.constant 0 : i32
      %dma_wait3A_216 = tpu.memref_slice %arg25[%add3A_18, %dma_wait3A_215] : memref<10240x64xf32, #tpu.memory_space<vmem_shared>> -> memref<64x64xf32, #tpu.memory_space<vmem_shared>>
      %dma_wait3A_217 = arith.constant 0 : i32
      %dma_wait3A_218 = tpu.memref_slice %arg25[%add3A_18, %dma_wait3A_217] : memref<10240x64xf32, #tpu.memory_space<vmem_shared>> -> memref<64x64xf32, #tpu.memory_space<vmem_shared>>
      tpu.wait_dma2 semaphore(%run_scoped3A : memref<!tpu.dma_semaphore, #tpu.memory_space<semaphore_mem>>) src(%arg13 : memref<64x64xf32, #tpu.memory_space<vmem>>) dst(%dma_wait3A_218 : memref<64x64xf32, #tpu.memory_space<vmem_shared>>)
      tpu.yield
    }) : () -> ()
    %add3A_19 = arith.constant 64 : i32
    %add3A_20 = arith.addi %mul3A_16, %add3A_19 : i32
    "tpu.region"() ({
      %run_scoped3A = tpu.sem_alloc : memref<!tpu.dma_semaphore, #tpu.memory_space<semaphore_mem>>
      %dma_start3A_211 = arith.constant 0 : i32
      %dma_start3A_212 = tpu.memref_slice %arg25[%add3A_20, %dma_start3A_211] : memref<10240x64xf32, #tpu.memory_space<vmem_shared>> -> memref<64x64xf32, #tpu.memory_space<vmem_shared>>
      %dma_start3A_213 = arith.constant 0 : i32
      %dma_start3A_214 = tpu.memref_slice %arg25[%add3A_20, %dma_start3A_213] : memref<10240x64xf32, #tpu.memory_space<vmem_shared>> -> memref<64x64xf32, #tpu.memory_space<vmem_shared>>
      tpu.enqueue_dma source(%arg13 : memref<64x64xf32, #tpu.memory_space<vmem>>) target(%dma_start3A_214 : memref<64x64xf32, #tpu.memory_space<vmem_shared>>) target_semaphore(%run_scoped3A : memref<!tpu.dma_semaphore, #tpu.memory_space<semaphore_mem>>)
      %dma_wait3A_215 = arith.constant 0 : i32
      %dma_wait3A_216 = tpu.memref_slice %arg25[%add3A_20, %dma_wait3A_215] : memref<10240x64xf32, #tpu.memory_space<vmem_shared>> -> memref<64x64xf32, #tpu.memory_space<vmem_shared>>
      %dma_wait3A_217 = arith.constant 0 : i32
      %dma_wait3A_218 = tpu.memref_slice %arg25[%add3A_20, %dma_wait3A_217] : memref<10240x64xf32, #tpu.memory_space<vmem_shared>> -> memref<64x64xf32, #tpu.memory_space<vmem_shared>>
      tpu.wait_dma2 semaphore(%run_scoped3A : memref<!tpu.dma_semaphore, #tpu.memory_space<semaphore_mem>>) src(%arg13 : memref<64x64xf32, #tpu.memory_space<vmem>>) dst(%dma_wait3A_218 : memref<64x64xf32, #tpu.memory_space<vmem_shared>>)
      tpu.yield
    }) : () -> ()
    %add3A_21 = arith.constant 128 : i32
    %add3A_22 = arith.addi %mul3A_16, %add3A_21 : i32
    "tpu.region"() ({
      %run_scoped3A = tpu.sem_alloc : memref<!tpu.dma_semaphore, #tpu.memory_space<semaphore_mem>>
      %dma_start3A_211 = arith.constant 0 : i32
      %dma_start3A_212 = tpu.memref_slice %arg25[%add3A_22, %dma_start3A_211] : memref<10240x64xf32, #tpu.memory_space<vmem_shared>> -> memref<64x64xf32, #tpu.memory_space<vmem_shared>>
      %dma_start3A_213 = arith.constant 0 : i32
      %dma_start3A_214 = tpu.memref_slice %arg25[%add3A_22, %dma_start3A_213] : memref<10240x64xf32, #tpu.memory_space<vmem_shared>> -> memref<64x64xf32, #tpu.memory_space<vmem_shared>>
      tpu.enqueue_dma source(%arg13 : memref<64x64xf32, #tpu.memory_space<vmem>>) target(%dma_start3A_214 : memref<64x64xf32, #tpu.memory_space<vmem_shared>>) target_semaphore(%run_scoped3A : memref<!tpu.dma_semaphore, #tpu.memory_space<semaphore_mem>>)
      %dma_wait3A_215 = arith.constant 0 : i32
      %dma_wait3A_216 = tpu.memref_slice %arg25[%add3A_22, %dma_wait3A_215] : memref<10240x64xf32, #tpu.memory_space<vmem_shared>> -> memref<64x64xf32, #tpu.memory_space<vmem_shared>>
      %dma_wait3A_217 = arith.constant 0 : i32
      %dma_wait3A_218 = tpu.memref_slice %arg25[%add3A_22, %dma_wait3A_217] : memref<10240x64xf32, #tpu.memory_space<vmem_shared>> -> memref<64x64xf32, #tpu.memory_space<vmem_shared>>
      tpu.wait_dma2 semaphore(%run_scoped3A : memref<!tpu.dma_semaphore, #tpu.memory_space<semaphore_mem>>) src(%arg13 : memref<64x64xf32, #tpu.memory_space<vmem>>) dst(%dma_wait3A_218 : memref<64x64xf32, #tpu.memory_space<vmem_shared>>)
      tpu.yield
    }) : () -> ()
    %add3A_23 = arith.constant 192 : i32
    %add3A_24 = arith.addi %mul3A_16, %add3A_23 : i32
    "tpu.region"() ({
      %run_scoped3A = tpu.sem_alloc : memref<!tpu.dma_semaphore, #tpu.memory_space<semaphore_mem>>
      %dma_start3A_211 = arith.constant 0 : i32
      %dma_start3A_212 = tpu.memref_slice %arg25[%add3A_24, %dma_start3A_211] : memref<10240x64xf32, #tpu.memory_space<vmem_shared>> -> memref<64x64xf32, #tpu.memory_space<vmem_shared>>
      %dma_start3A_213 = arith.constant 0 : i32
      %dma_start3A_214 = tpu.memref_slice %arg25[%add3A_24, %dma_start3A_213] : memref<10240x64xf32, #tpu.memory_space<vmem_shared>> -> memref<64x64xf32, #tpu.memory_space<vmem_shared>>
      tpu.enqueue_dma source(%arg13 : memref<64x64xf32, #tpu.memory_space<vmem>>) target(%dma_start3A_214 : memref<64x64xf32, #tpu.memory_space<vmem_shared>>) target_semaphore(%run_scoped3A : memref<!tpu.dma_semaphore, #tpu.memory_space<semaphore_mem>>)
      %dma_wait3A_215 = arith.constant 0 : i32
      %dma_wait3A_216 = tpu.memref_slice %arg25[%add3A_24, %dma_wait3A_215] : memref<10240x64xf32, #tpu.memory_space<vmem_shared>> -> memref<64x64xf32, #tpu.memory_space<vmem_shared>>
      %dma_wait3A_217 = arith.constant 0 : i32
      %dma_wait3A_218 = tpu.memref_slice %arg25[%add3A_24, %dma_wait3A_217] : memref<10240x64xf32, #tpu.memory_space<vmem_shared>> -> memref<64x64xf32, #tpu.memory_space<vmem_shared>>
      tpu.wait_dma2 semaphore(%run_scoped3A : memref<!tpu.dma_semaphore, #tpu.memory_space<semaphore_mem>>) src(%arg13 : memref<64x64xf32, #tpu.memory_space<vmem>>) dst(%dma_wait3A_218 : memref<64x64xf32, #tpu.memory_space<vmem_shared>>)
      tpu.yield
    }) : () -> ()
    %add3A_25 = arith.constant 256 : i32
    %add3A_26 = arith.addi %mul3A_16, %add3A_25 : i32
    "tpu.region"() ({
      %run_scoped3A = tpu.sem_alloc : memref<!tpu.dma_semaphore, #tpu.memory_space<semaphore_mem>>
      %dma_start3A_211 = arith.constant 0 : i32
      %dma_start3A_212 = tpu.memref_slice %arg25[%add3A_26, %dma_start3A_211] : memref<10240x64xf32, #tpu.memory_space<vmem_shared>> -> memref<64x64xf32, #tpu.memory_space<vmem_shared>>
      %dma_start3A_213 = arith.constant 0 : i32
      %dma_start3A_214 = tpu.memref_slice %arg25[%add3A_26, %dma_start3A_213] : memref<10240x64xf32, #tpu.memory_space<vmem_shared>> -> memref<64x64xf32, #tpu.memory_space<vmem_shared>>
      tpu.enqueue_dma source(%arg13 : memref<64x64xf32, #tpu.memory_space<vmem>>) target(%dma_start3A_214 : memref<64x64xf32, #tpu.memory_space<vmem_shared>>) target_semaphore(%run_scoped3A : memref<!tpu.dma_semaphore, #tpu.memory_space<semaphore_mem>>)
      %dma_wait3A_215 = arith.constant 0 : i32
      %dma_wait3A_216 = tpu.memref_slice %arg25[%add3A_26, %dma_wait3A_215] : memref<10240x64xf32, #tpu.memory_space<vmem_shared>> -> memref<64x64xf32, #tpu.memory_space<vmem_shared>>
      %dma_wait3A_217 = arith.constant 0 : i32
      %dma_wait3A_218 = tpu.memref_slice %arg25[%add3A_26, %dma_wait3A_217] : memref<10240x64xf32, #tpu.memory_space<vmem_shared>> -> memref<64x64xf32, #tpu.memory_space<vmem_shared>>
      tpu.wait_dma2 semaphore(%run_scoped3A : memref<!tpu.dma_semaphore, #tpu.memory_space<semaphore_mem>>) src(%arg13 : memref<64x64xf32, #tpu.memory_space<vmem>>) dst(%dma_wait3A_218 : memref<64x64xf32, #tpu.memory_space<vmem_shared>>)
      tpu.yield
    }) : () -> ()
    %add3A_27 = arith.constant 320 : i32
    %add3A_28 = arith.addi %mul3A_16, %add3A_27 : i32
    "tpu.region"() ({
      %run_scoped3A = tpu.sem_alloc : memref<!tpu.dma_semaphore, #tpu.memory_space<semaphore_mem>>
      %dma_start3A_211 = arith.constant 0 : i32
      %dma_start3A_212 = tpu.memref_slice %arg25[%add3A_28, %dma_start3A_211] : memref<10240x64xf32, #tpu.memory_space<vmem_shared>> -> memref<64x64xf32, #tpu.memory_space<vmem_shared>>
      %dma_start3A_213 = arith.constant 0 : i32
      %dma_start3A_214 = tpu.memref_slice %arg25[%add3A_28, %dma_start3A_213] : memref<10240x64xf32, #tpu.memory_space<vmem_shared>> -> memref<64x64xf32, #tpu.memory_space<vmem_shared>>
      tpu.enqueue_dma source(%arg13 : memref<64x64xf32, #tpu.memory_space<vmem>>) target(%dma_start3A_214 : memref<64x64xf32, #tpu.memory_space<vmem_shared>>) target_semaphore(%run_scoped3A : memref<!tpu.dma_semaphore, #tpu.memory_space<semaphore_mem>>)
      %dma_wait3A_215 = arith.constant 0 : i32
      %dma_wait3A_216 = tpu.memref_slice %arg25[%add3A_28, %dma_wait3A_215] : memref<10240x64xf32, #tpu.memory_space<vmem_shared>> -> memref<64x64xf32, #tpu.memory_space<vmem_shared>>
      %dma_wait3A_217 = arith.constant 0 : i32
      %dma_wait3A_218 = tpu.memref_slice %arg25[%add3A_28, %dma_wait3A_217] : memref<10240x64xf32, #tpu.memory_space<vmem_shared>> -> memref<64x64xf32, #tpu.memory_space<vmem_shared>>
      tpu.wait_dma2 semaphore(%run_scoped3A : memref<!tpu.dma_semaphore, #tpu.memory_space<semaphore_mem>>) src(%arg13 : memref<64x64xf32, #tpu.memory_space<vmem>>) dst(%dma_wait3A_218 : memref<64x64xf32, #tpu.memory_space<vmem_shared>>)
      tpu.yield
    }) : () -> ()
    %add3A_29 = arith.constant 384 : i32
    %add3A_30 = arith.addi %mul3A_16, %add3A_29 : i32
    "tpu.region"() ({
      %run_scoped3A = tpu.sem_alloc : memref<!tpu.dma_semaphore, #tpu.memory_space<semaphore_mem>>
      %dma_start3A_211 = arith.constant 0 : i32
      %dma_start3A_212 = tpu.memref_slice %arg25[%add3A_30, %dma_start3A_211] : memref<10240x64xf32, #tpu.memory_space<vmem_shared>> -> memref<64x64xf32, #tpu.memory_space<vmem_shared>>
      %dma_start3A_213 = arith.constant 0 : i32
      %dma_start3A_214 = tpu.memref_slice %arg25[%add3A_30, %dma_start3A_213] : memref<10240x64xf32, #tpu.memory_space<vmem_shared>> -> memref<64x64xf32, #tpu.memory_space<vmem_shared>>
      tpu.enqueue_dma source(%arg13 : memref<64x64xf32, #tpu.memory_space<vmem>>) target(%dma_start3A_214 : memref<64x64xf32, #tpu.memory_space<vmem_shared>>) target_semaphore(%run_scoped3A : memref<!tpu.dma_semaphore, #tpu.memory_space<semaphore_mem>>)
      %dma_wait3A_215 = arith.constant 0 : i32
      %dma_wait3A_216 = tpu.memref_slice %arg25[%add3A_30, %dma_wait3A_215] : memref<10240x64xf32, #tpu.memory_space<vmem_shared>> -> memref<64x64xf32, #tpu.memory_space<vmem_shared>>
      %dma_wait3A_217 = arith.constant 0 : i32
      %dma_wait3A_218 = tpu.memref_slice %arg25[%add3A_30, %dma_wait3A_217] : memref<10240x64xf32, #tpu.memory_space<vmem_shared>> -> memref<64x64xf32, #tpu.memory_space<vmem_shared>>
      tpu.wait_dma2 semaphore(%run_scoped3A : memref<!tpu.dma_semaphore, #tpu.memory_space<semaphore_mem>>) src(%arg13 : memref<64x64xf32, #tpu.memory_space<vmem>>) dst(%dma_wait3A_218 : memref<64x64xf32, #tpu.memory_space<vmem_shared>>)
      tpu.yield
    }) : () -> ()
    %add3A_31 = arith.constant 448 : i32
    %add3A_32 = arith.addi %mul3A_16, %add3A_31 : i32
    "tpu.region"() ({
      %run_scoped3A = tpu.sem_alloc : memref<!tpu.dma_semaphore, #tpu.memory_space<semaphore_mem>>
      %dma_start3A_211 = arith.constant 0 : i32
      %dma_start3A_212 = tpu.memref_slice %arg25[%add3A_32, %dma_start3A_211] : memref<10240x64xf32, #tpu.memory_space<vmem_shared>> -> memref<64x64xf32, #tpu.memory_space<vmem_shared>>
      %dma_start3A_213 = arith.constant 0 : i32
      %dma_start3A_214 = tpu.memref_slice %arg25[%add3A_32, %dma_start3A_213] : memref<10240x64xf32, #tpu.memory_space<vmem_shared>> -> memref<64x64xf32, #tpu.memory_space<vmem_shared>>
      tpu.enqueue_dma source(%arg13 : memref<64x64xf32, #tpu.memory_space<vmem>>) target(%dma_start3A_214 : memref<64x64xf32, #tpu.memory_space<vmem_shared>>) target_semaphore(%run_scoped3A : memref<!tpu.dma_semaphore, #tpu.memory_space<semaphore_mem>>)
      %dma_wait3A_215 = arith.constant 0 : i32
      %dma_wait3A_216 = tpu.memref_slice %arg25[%add3A_32, %dma_wait3A_215] : memref<10240x64xf32, #tpu.memory_space<vmem_shared>> -> memref<64x64xf32, #tpu.memory_space<vmem_shared>>
      %dma_wait3A_217 = arith.constant 0 : i32
      %dma_wait3A_218 = tpu.memref_slice %arg25[%add3A_32, %dma_wait3A_217] : memref<10240x64xf32, #tpu.memory_space<vmem_shared>> -> memref<64x64xf32, #tpu.memory_space<vmem_shared>>
      tpu.wait_dma2 semaphore(%run_scoped3A : memref<!tpu.dma_semaphore, #tpu.memory_space<semaphore_mem>>) src(%arg13 : memref<64x64xf32, #tpu.memory_space<vmem>>) dst(%dma_wait3A_218 : memref<64x64xf32, #tpu.memory_space<vmem_shared>>)
      tpu.yield
    }) : () -> ()
    %add3A_33 = arith.constant 512 : i32
    %add3A_34 = arith.addi %mul3A_16, %add3A_33 : i32
    "tpu.region"() ({
      %run_scoped3A = tpu.sem_alloc : memref<!tpu.dma_semaphore, #tpu.memory_space<semaphore_mem>>
      %dma_start3A_211 = arith.constant 0 : i32
      %dma_start3A_212 = tpu.memref_slice %arg25[%add3A_34, %dma_start3A_211] : memref<10240x64xf32, #tpu.memory_space<vmem_shared>> -> memref<64x64xf32, #tpu.memory_space<vmem_shared>>
      %dma_start3A_213 = arith.constant 0 : i32
      %dma_start3A_214 = tpu.memref_slice %arg25[%add3A_34, %dma_start3A_213] : memref<10240x64xf32, #tpu.memory_space<vmem_shared>> -> memref<64x64xf32, #tpu.memory_space<vmem_shared>>
      tpu.enqueue_dma source(%arg13 : memref<64x64xf32, #tpu.memory_space<vmem>>) target(%dma_start3A_214 : memref<64x64xf32, #tpu.memory_space<vmem_shared>>) target_semaphore(%run_scoped3A : memref<!tpu.dma_semaphore, #tpu.memory_space<semaphore_mem>>)
      %dma_wait3A_215 = arith.constant 0 : i32
      %dma_wait3A_216 = tpu.memref_slice %arg25[%add3A_34, %dma_wait3A_215] : memref<10240x64xf32, #tpu.memory_space<vmem_shared>> -> memref<64x64xf32, #tpu.memory_space<vmem_shared>>
      %dma_wait3A_217 = arith.constant 0 : i32
      %dma_wait3A_218 = tpu.memref_slice %arg25[%add3A_34, %dma_wait3A_217] : memref<10240x64xf32, #tpu.memory_space<vmem_shared>> -> memref<64x64xf32, #tpu.memory_space<vmem_shared>>
      tpu.wait_dma2 semaphore(%run_scoped3A : memref<!tpu.dma_semaphore, #tpu.memory_space<semaphore_mem>>) src(%arg13 : memref<64x64xf32, #tpu.memory_space<vmem>>) dst(%dma_wait3A_218 : memref<64x64xf32, #tpu.memory_space<vmem_shared>>)
      tpu.yield
    }) : () -> ()
    %add3A_35 = arith.constant 576 : i32
    %add3A_36 = arith.addi %mul3A_16, %add3A_35 : i32
    "tpu.region"() ({
      %run_scoped3A = tpu.sem_alloc : memref<!tpu.dma_semaphore, #tpu.memory_space<semaphore_mem>>
      %dma_start3A_211 = arith.constant 0 : i32
      %dma_start3A_212 = tpu.memref_slice %arg25[%add3A_36, %dma_start3A_211] : memref<10240x64xf32, #tpu.memory_space<vmem_shared>> -> memref<64x64xf32, #tpu.memory_space<vmem_shared>>
      %dma_start3A_213 = arith.constant 0 : i32
      %dma_start3A_214 = tpu.memref_slice %arg25[%add3A_36, %dma_start3A_213] : memref<10240x64xf32, #tpu.memory_space<vmem_shared>> -> memref<64x64xf32, #tpu.memory_space<vmem_shared>>
      tpu.enqueue_dma source(%arg13 : memref<64x64xf32, #tpu.memory_space<vmem>>) target(%dma_start3A_214 : memref<64x64xf32, #tpu.memory_space<vmem_shared>>) target_semaphore(%run_scoped3A : memref<!tpu.dma_semaphore, #tpu.memory_space<semaphore_mem>>)
      %dma_wait3A_215 = arith.constant 0 : i32
      %dma_wait3A_216 = tpu.memref_slice %arg25[%add3A_36, %dma_wait3A_215] : memref<10240x64xf32, #tpu.memory_space<vmem_shared>> -> memref<64x64xf32, #tpu.memory_space<vmem_shared>>
      %dma_wait3A_217 = arith.constant 0 : i32
      %dma_wait3A_218 = tpu.memref_slice %arg25[%add3A_36, %dma_wait3A_217] : memref<10240x64xf32, #tpu.memory_space<vmem_shared>> -> memref<64x64xf32, #tpu.memory_space<vmem_shared>>
      tpu.wait_dma2 semaphore(%run_scoped3A : memref<!tpu.dma_semaphore, #tpu.memory_space<semaphore_mem>>) src(%arg13 : memref<64x64xf32, #tpu.memory_space<vmem>>) dst(%dma_wait3A_218 : memref<64x64xf32, #tpu.memory_space<vmem_shared>>)
      tpu.yield
    }) : () -> ()
    %barrier3A = arith.constant 0 : index
    tpu.barrier barrier_id(%barrier3A)
    %dma_wait3A = arith.constant 0 : i32
    %dma_wait3A_37 = tpu.memref_slice %arg3[%mul3A_2, %dma_wait3A] : memref<2560x128xi32, #tpu.memory_space<hbm>> -> memref<80x128xi32, #tpu.memory_space<hbm>>
    %dma_wait3A_38 = arith.constant 0 : i32
    %dma_wait3A_39 = tpu.memref_slice %arg3[%mul3A_2, %dma_wait3A_38] : memref<2560x128xi32, #tpu.memory_space<hbm>> -> memref<80x128xi32, #tpu.memory_space<hbm>>
    tpu.wait_dma2 semaphore(%arg14 : memref<!tpu.dma_semaphore, #tpu.memory_space<semaphore_mem>>) src(%dma_wait3A_39 : memref<80x128xi32, #tpu.memory_space<hbm>>) dst(%arg6 : memref<80x128xi32, #tpu.memory_space<vmem>>)
    %dma_wait3A_40 = arith.constant 0 : i32
    %dma_wait3A_41 = tpu.memref_slice %arg4[%mul3A_2, %dma_wait3A_40] : memref<2560x128xi32, #tpu.memory_space<hbm>> -> memref<80x128xi32, #tpu.memory_space<hbm>>
    %dma_wait3A_42 = arith.constant 0 : i32
    %dma_wait3A_43 = tpu.memref_slice %arg4[%mul3A_2, %dma_wait3A_42] : memref<2560x128xi32, #tpu.memory_space<hbm>> -> memref<80x128xi32, #tpu.memory_space<hbm>>
    tpu.wait_dma2 semaphore(%arg14 : memref<!tpu.dma_semaphore, #tpu.memory_space<semaphore_mem>>) src(%dma_wait3A_43 : memref<80x128xi32, #tpu.memory_space<hbm>>) dst(%arg7 : memref<80x128xi32, #tpu.memory_space<vmem>>)
    %dma_start3A_44 = arith.constant 0 : i32
    %dma_start3A_45 = arith.constant 0 : i32
    %dma_start3A_46 = tpu.memref_slice %arg6[%dma_start3A_44, %dma_start3A_45] : memref<80x128xi32, #tpu.memory_space<vmem>> -> memref<1x128xi32, #tpu.memory_space<vmem>>
    %dma_start3A_47 = tpu.memref_squeeze %dma_start3A_46 : memref<1x128xi32, #tpu.memory_space<vmem>> -> memref<128xi32, #tpu.memory_space<vmem>>
    %dma_start3A_48 = arith.constant 0 : i32
    %dma_start3A_49 = arith.constant 0 : i32
    %dma_start3A_50 = tpu.memref_slice %arg2[%dma_start3A_48, %dma_start3A_49] : memref<10240x64xf32, #tpu.memory_space<hbm>> -> memref<10240x64xf32, #tpu.memory_space<hbm>>
    tpu.enqueue_indirect_dma source(%dma_start3A_50 : memref<10240x64xf32, #tpu.memory_space<hbm>>) target(%arg8 : memref<128x64xf32, #tpu.memory_space<vmem>>) offsets(%dma_start3A_47 : memref<128xi32, #tpu.memory_space<vmem>>) semaphore(%arg15 : memref<!tpu.dma_semaphore, #tpu.memory_space<semaphore_mem>>)
    %dma_start3A_51 = arith.constant 1 : i32
    %dma_start3A_52 = arith.constant 0 : i32
    %dma_start3A_53 = tpu.memref_slice %arg6[%dma_start3A_51, %dma_start3A_52] : memref<80x128xi32, #tpu.memory_space<vmem>> -> memref<1x128xi32, #tpu.memory_space<vmem>>
    %dma_start3A_54 = tpu.memref_squeeze %dma_start3A_53 : memref<1x128xi32, #tpu.memory_space<vmem>> -> memref<128xi32, #tpu.memory_space<vmem>>
    %dma_start3A_55 = arith.constant 0 : i32
    %dma_start3A_56 = arith.constant 0 : i32
    %dma_start3A_57 = tpu.memref_slice %arg2[%dma_start3A_55, %dma_start3A_56] : memref<10240x64xf32, #tpu.memory_space<hbm>> -> memref<10240x64xf32, #tpu.memory_space<hbm>>
    tpu.enqueue_indirect_dma source(%dma_start3A_57 : memref<10240x64xf32, #tpu.memory_space<hbm>>) target(%arg9 : memref<128x64xf32, #tpu.memory_space<vmem>>) offsets(%dma_start3A_54 : memref<128xi32, #tpu.memory_space<vmem>>) semaphore(%arg16 : memref<!tpu.dma_semaphore, #tpu.memory_space<semaphore_mem>>)
    %dma_start3A_58 = arith.constant 2 : i32
    %dma_start3A_59 = arith.constant 0 : i32
    %dma_start3A_60 = tpu.memref_slice %arg6[%dma_start3A_58, %dma_start3A_59] : memref<80x128xi32, #tpu.memory_space<vmem>> -> memref<1x128xi32, #tpu.memory_space<vmem>>
    %dma_start3A_61 = tpu.memref_squeeze %dma_start3A_60 : memref<1x128xi32, #tpu.memory_space<vmem>> -> memref<128xi32, #tpu.memory_space<vmem>>
    %dma_start3A_62 = arith.constant 0 : i32
    %dma_start3A_63 = arith.constant 0 : i32
    %dma_start3A_64 = tpu.memref_slice %arg2[%dma_start3A_62, %dma_start3A_63] : memref<10240x64xf32, #tpu.memory_space<hbm>> -> memref<10240x64xf32, #tpu.memory_space<hbm>>
    tpu.enqueue_indirect_dma source(%dma_start3A_64 : memref<10240x64xf32, #tpu.memory_space<hbm>>) target(%arg10 : memref<128x64xf32, #tpu.memory_space<vmem>>) offsets(%dma_start3A_61 : memref<128xi32, #tpu.memory_space<vmem>>) semaphore(%arg17 : memref<!tpu.dma_semaphore, #tpu.memory_space<semaphore_mem>>)
    %dma_start3A_65 = arith.constant 3 : i32
    %dma_start3A_66 = arith.constant 0 : i32
    %dma_start3A_67 = tpu.memref_slice %arg6[%dma_start3A_65, %dma_start3A_66] : memref<80x128xi32, #tpu.memory_space<vmem>> -> memref<1x128xi32, #tpu.memory_space<vmem>>
    %dma_start3A_68 = tpu.memref_squeeze %dma_start3A_67 : memref<1x128xi32, #tpu.memory_space<vmem>> -> memref<128xi32, #tpu.memory_space<vmem>>
    %dma_start3A_69 = arith.constant 0 : i32
    %dma_start3A_70 = arith.constant 0 : i32
    %dma_start3A_71 = tpu.memref_slice %arg2[%dma_start3A_69, %dma_start3A_70] : memref<10240x64xf32, #tpu.memory_space<hbm>> -> memref<10240x64xf32, #tpu.memory_space<hbm>>
    tpu.enqueue_indirect_dma source(%dma_start3A_71 : memref<10240x64xf32, #tpu.memory_space<hbm>>) target(%arg11 : memref<128x64xf32, #tpu.memory_space<vmem>>) offsets(%dma_start3A_68 : memref<128xi32, #tpu.memory_space<vmem>>) semaphore(%arg18 : memref<!tpu.dma_semaphore, #tpu.memory_space<semaphore_mem>>)
    %dma_start3A_72 = arith.constant 4 : i32
    %dma_start3A_73 = arith.constant 0 : i32
    %dma_start3A_74 = tpu.memref_slice %arg6[%dma_start3A_72, %dma_start3A_73] : memref<80x128xi32, #tpu.memory_space<vmem>> -> memref<1x128xi32, #tpu.memory_space<vmem>>
    %dma_start3A_75 = tpu.memref_squeeze %dma_start3A_74 : memref<1x128xi32, #tpu.memory_space<vmem>> -> memref<128xi32, #tpu.memory_space<vmem>>
    %dma_start3A_76 = arith.constant 0 : i32
    %dma_start3A_77 = arith.constant 0 : i32
    %dma_start3A_78 = tpu.memref_slice %arg2[%dma_start3A_76, %dma_start3A_77] : memref<10240x64xf32, #tpu.memory_space<hbm>> -> memref<10240x64xf32, #tpu.memory_space<hbm>>
    tpu.enqueue_indirect_dma source(%dma_start3A_78 : memref<10240x64xf32, #tpu.memory_space<hbm>>) target(%arg12 : memref<128x64xf32, #tpu.memory_space<vmem>>) offsets(%dma_start3A_75 : memref<128xi32, #tpu.memory_space<vmem>>) semaphore(%arg19 : memref<!tpu.dma_semaphore, #tpu.memory_space<semaphore_mem>>)
    %scan3A_79 = arith.constant 0 : i32
    %scan3A_80 = arith.constant 0 : i32
    %scan3A_81 = arith.constant 15 : i32
    %scan3A_82 = arith.addi %scan3A_80, %scan3A_81 : i32
    %scan3A_83 = arith.constant 1 : i32
    scf.for %scan3A_211 = %scan3A_80 to %scan3A_82 step %scan3A_83  : i32 {
      %mul3A_212 = arith.constant 5 : i32
      %mul3A_213 = arith.muli %scan3A_211, %mul3A_212 : i32
      %dma_wait3A_214 = arith.constant 0 : i32
      %dma_wait3A_215 = arith.constant 0 : i32
      %dma_wait3A_216 = tpu.memref_slice %arg6[%dma_wait3A_214, %dma_wait3A_215] : memref<80x128xi32, #tpu.memory_space<vmem>> -> memref<1x128xi32, #tpu.memory_space<vmem>>
      %dma_wait3A_217 = tpu.memref_squeeze %dma_wait3A_216 : memref<1x128xi32, #tpu.memory_space<vmem>> -> memref<128xi32, #tpu.memory_space<vmem>>
      %dma_wait3A_218 = arith.constant 0 : i32
      %dma_wait3A_219 = arith.constant 0 : i32
      %dma_wait3A_220 = tpu.memref_slice %arg2[%dma_wait3A_218, %dma_wait3A_219] : memref<10240x64xf32, #tpu.memory_space<hbm>> -> memref<10240x64xf32, #tpu.memory_space<hbm>>
      tpu.wait_indirect_dma semaphore(%arg15 : memref<!tpu.dma_semaphore, #tpu.memory_space<semaphore_mem>>) src(%dma_wait3A_220 : memref<10240x64xf32, #tpu.memory_space<hbm>>) dst(%arg8 : memref<128x64xf32, #tpu.memory_space<vmem>>)
      %add3A_221 = arith.constant 0 : i32
      %add3A_222 = arith.addi %mul3A_213, %add3A_221 : i32
      %dma_start3A_223 = arith.constant 0 : i32
      %dma_start3A_224 = tpu.memref_slice %arg7[%add3A_222, %dma_start3A_223] : memref<80x128xi32, #tpu.memory_space<vmem>> -> memref<1x128xi32, #tpu.memory_space<vmem>>
      %dma_start3A_225 = tpu.memref_squeeze %dma_start3A_224 : memref<1x128xi32, #tpu.memory_space<vmem>> -> memref<128xi32, #tpu.memory_space<vmem>>
      %dma_start3A_226 = arith.constant 0 : i32
      %dma_start3A_227 = arith.constant 0 : i32
      %dma_start3A_228 = tpu.memref_slice %arg25[%dma_start3A_226, %dma_start3A_227] : memref<10240x64xf32, #tpu.memory_space<vmem_shared>> -> memref<10240x64xf32, #tpu.memory_space<vmem_shared>>
      tpu.enqueue_indirect_dma source(%arg8 : memref<128x64xf32, #tpu.memory_space<vmem>>) target(%dma_start3A_228 : memref<10240x64xf32, #tpu.memory_space<vmem_shared>>) offsets(%dma_start3A_225 : memref<128xi32, #tpu.memory_space<vmem>>) semaphore(%arg20 : memref<!tpu.dma_semaphore, #tpu.memory_space<semaphore_mem>>) {add = true}
      %dma_wait3A_229 = arith.constant 0 : i32
      %dma_wait3A_230 = arith.constant 0 : i32
      %dma_wait3A_231 = tpu.memref_slice %arg6[%dma_wait3A_229, %dma_wait3A_230] : memref<80x128xi32, #tpu.memory_space<vmem>> -> memref<1x128xi32, #tpu.memory_space<vmem>>
      %dma_wait3A_232 = tpu.memref_squeeze %dma_wait3A_231 : memref<1x128xi32, #tpu.memory_space<vmem>> -> memref<128xi32, #tpu.memory_space<vmem>>
      %dma_wait3A_233 = arith.constant 0 : i32
      %dma_wait3A_234 = arith.constant 0 : i32
      %dma_wait3A_235 = tpu.memref_slice %arg2[%dma_wait3A_233, %dma_wait3A_234] : memref<10240x64xf32, #tpu.memory_space<hbm>> -> memref<10240x64xf32, #tpu.memory_space<hbm>>
      tpu.wait_indirect_dma semaphore(%arg16 : memref<!tpu.dma_semaphore, #tpu.memory_space<semaphore_mem>>) src(%dma_wait3A_235 : memref<10240x64xf32, #tpu.memory_space<hbm>>) dst(%arg9 : memref<128x64xf32, #tpu.memory_space<vmem>>)
      %add3A_236 = arith.constant 1 : i32
      %add3A_237 = arith.addi %mul3A_213, %add3A_236 : i32
      %dma_start3A_238 = arith.constant 0 : i32
      %dma_start3A_239 = tpu.memref_slice %arg7[%add3A_237, %dma_start3A_238] : memref<80x128xi32, #tpu.memory_space<vmem>> -> memref<1x128xi32, #tpu.memory_space<vmem>>
      %dma_start3A_240 = tpu.memref_squeeze %dma_start3A_239 : memref<1x128xi32, #tpu.memory_space<vmem>> -> memref<128xi32, #tpu.memory_space<vmem>>
      %dma_start3A_241 = arith.constant 0 : i32
      %dma_start3A_242 = arith.constant 0 : i32
      %dma_start3A_243 = tpu.memref_slice %arg25[%dma_start3A_241, %dma_start3A_242] : memref<10240x64xf32, #tpu.memory_space<vmem_shared>> -> memref<10240x64xf32, #tpu.memory_space<vmem_shared>>
      tpu.enqueue_indirect_dma source(%arg9 : memref<128x64xf32, #tpu.memory_space<vmem>>) target(%dma_start3A_243 : memref<10240x64xf32, #tpu.memory_space<vmem_shared>>) offsets(%dma_start3A_240 : memref<128xi32, #tpu.memory_space<vmem>>) semaphore(%arg21 : memref<!tpu.dma_semaphore, #tpu.memory_space<semaphore_mem>>) {add = true}
      %dma_wait3A_244 = arith.constant 0 : i32
      %dma_wait3A_245 = arith.constant 0 : i32
      %dma_wait3A_246 = tpu.memref_slice %arg6[%dma_wait3A_244, %dma_wait3A_245] : memref<80x128xi32, #tpu.memory_space<vmem>> -> memref<1x128xi32, #tpu.memory_space<vmem>>
      %dma_wait3A_247 = tpu.memref_squeeze %dma_wait3A_246 : memref<1x128xi32, #tpu.memory_space<vmem>> -> memref<128xi32, #tpu.memory_space<vmem>>
      %dma_wait3A_248 = arith.constant 0 : i32
      %dma_wait3A_249 = arith.constant 0 : i32
      %dma_wait3A_250 = tpu.memref_slice %arg2[%dma_wait3A_248, %dma_wait3A_249] : memref<10240x64xf32, #tpu.memory_space<hbm>> -> memref<10240x64xf32, #tpu.memory_space<hbm>>
      tpu.wait_indirect_dma semaphore(%arg17 : memref<!tpu.dma_semaphore, #tpu.memory_space<semaphore_mem>>) src(%dma_wait3A_250 : memref<10240x64xf32, #tpu.memory_space<hbm>>) dst(%arg10 : memref<128x64xf32, #tpu.memory_space<vmem>>)
      %add3A_251 = arith.constant 2 : i32
      %add3A_252 = arith.addi %mul3A_213, %add3A_251 : i32
      %dma_start3A_253 = arith.constant 0 : i32
      %dma_start3A_254 = tpu.memref_slice %arg7[%add3A_252, %dma_start3A_253] : memref<80x128xi32, #tpu.memory_space<vmem>> -> memref<1x128xi32, #tpu.memory_space<vmem>>
      %dma_start3A_255 = tpu.memref_squeeze %dma_start3A_254 : memref<1x128xi32, #tpu.memory_space<vmem>> -> memref<128xi32, #tpu.memory_space<vmem>>
      %dma_start3A_256 = arith.constant 0 : i32
      %dma_start3A_257 = arith.constant 0 : i32
      %dma_start3A_258 = tpu.memref_slice %arg25[%dma_start3A_256, %dma_start3A_257] : memref<10240x64xf32, #tpu.memory_space<vmem_shared>> -> memref<10240x64xf32, #tpu.memory_space<vmem_shared>>
      tpu.enqueue_indirect_dma source(%arg10 : memref<128x64xf32, #tpu.memory_space<vmem>>) target(%dma_start3A_258 : memref<10240x64xf32, #tpu.memory_space<vmem_shared>>) offsets(%dma_start3A_255 : memref<128xi32, #tpu.memory_space<vmem>>) semaphore(%arg22 : memref<!tpu.dma_semaphore, #tpu.memory_space<semaphore_mem>>) {add = true}
      %dma_wait3A_259 = arith.constant 0 : i32
      %dma_wait3A_260 = arith.constant 0 : i32
      %dma_wait3A_261 = tpu.memref_slice %arg6[%dma_wait3A_259, %dma_wait3A_260] : memref<80x128xi32, #tpu.memory_space<vmem>> -> memref<1x128xi32, #tpu.memory_space<vmem>>
      %dma_wait3A_262 = tpu.memref_squeeze %dma_wait3A_261 : memref<1x128xi32, #tpu.memory_space<vmem>> -> memref<128xi32, #tpu.memory_space<vmem>>
      %dma_wait3A_263 = arith.constant 0 : i32
      %dma_wait3A_264 = arith.constant 0 : i32
      %dma_wait3A_265 = tpu.memref_slice %arg2[%dma_wait3A_263, %dma_wait3A_264] : memref<10240x64xf32, #tpu.memory_space<hbm>> -> memref<10240x64xf32, #tpu.memory_space<hbm>>
      tpu.wait_indirect_dma semaphore(%arg18 : memref<!tpu.dma_semaphore, #tpu.memory_space<semaphore_mem>>) src(%dma_wait3A_265 : memref<10240x64xf32, #tpu.memory_space<hbm>>) dst(%arg11 : memref<128x64xf32, #tpu.memory_space<vmem>>)
      %add3A_266 = arith.constant 3 : i32
      %add3A_267 = arith.addi %mul3A_213, %add3A_266 : i32
      %dma_start3A_268 = arith.constant 0 : i32
      %dma_start3A_269 = tpu.memref_slice %arg7[%add3A_267, %dma_start3A_268] : memref<80x128xi32, #tpu.memory_space<vmem>> -> memref<1x128xi32, #tpu.memory_space<vmem>>
      %dma_start3A_270 = tpu.memref_squeeze %dma_start3A_269 : memref<1x128xi32, #tpu.memory_space<vmem>> -> memref<128xi32, #tpu.memory_space<vmem>>
      %dma_start3A_271 = arith.constant 0 : i32
      %dma_start3A_272 = arith.constant 0 : i32
      %dma_start3A_273 = tpu.memref_slice %arg25[%dma_start3A_271, %dma_start3A_272] : memref<10240x64xf32, #tpu.memory_space<vmem_shared>> -> memref<10240x64xf32, #tpu.memory_space<vmem_shared>>
      tpu.enqueue_indirect_dma source(%arg11 : memref<128x64xf32, #tpu.memory_space<vmem>>) target(%dma_start3A_273 : memref<10240x64xf32, #tpu.memory_space<vmem_shared>>) offsets(%dma_start3A_270 : memref<128xi32, #tpu.memory_space<vmem>>) semaphore(%arg23 : memref<!tpu.dma_semaphore, #tpu.memory_space<semaphore_mem>>) {add = true}
      %dma_wait3A_274 = arith.constant 0 : i32
      %dma_wait3A_275 = arith.constant 0 : i32
      %dma_wait3A_276 = tpu.memref_slice %arg6[%dma_wait3A_274, %dma_wait3A_275] : memref<80x128xi32, #tpu.memory_space<vmem>> -> memref<1x128xi32, #tpu.memory_space<vmem>>
      %dma_wait3A_277 = tpu.memref_squeeze %dma_wait3A_276 : memref<1x128xi32, #tpu.memory_space<vmem>> -> memref<128xi32, #tpu.memory_space<vmem>>
      %dma_wait3A_278 = arith.constant 0 : i32
      %dma_wait3A_279 = arith.constant 0 : i32
      %dma_wait3A_280 = tpu.memref_slice %arg2[%dma_wait3A_278, %dma_wait3A_279] : memref<10240x64xf32, #tpu.memory_space<hbm>> -> memref<10240x64xf32, #tpu.memory_space<hbm>>
      tpu.wait_indirect_dma semaphore(%arg19 : memref<!tpu.dma_semaphore, #tpu.memory_space<semaphore_mem>>) src(%dma_wait3A_280 : memref<10240x64xf32, #tpu.memory_space<hbm>>) dst(%arg12 : memref<128x64xf32, #tpu.memory_space<vmem>>)
      %add3A_281 = arith.constant 4 : i32
      %add3A_282 = arith.addi %mul3A_213, %add3A_281 : i32
      %dma_start3A_283 = arith.constant 0 : i32
      %dma_start3A_284 = tpu.memref_slice %arg7[%add3A_282, %dma_start3A_283] : memref<80x128xi32, #tpu.memory_space<vmem>> -> memref<1x128xi32, #tpu.memory_space<vmem>>
      %dma_start3A_285 = tpu.memref_squeeze %dma_start3A_284 : memref<1x128xi32, #tpu.memory_space<vmem>> -> memref<128xi32, #tpu.memory_space<vmem>>
      %dma_start3A_286 = arith.constant 0 : i32
      %dma_start3A_287 = arith.constant 0 : i32
      %dma_start3A_288 = tpu.memref_slice %arg25[%dma_start3A_286, %dma_start3A_287] : memref<10240x64xf32, #tpu.memory_space<vmem_shared>> -> memref<10240x64xf32, #tpu.memory_space<vmem_shared>>
      tpu.enqueue_indirect_dma source(%arg12 : memref<128x64xf32, #tpu.memory_space<vmem>>) target(%dma_start3A_288 : memref<10240x64xf32, #tpu.memory_space<vmem_shared>>) offsets(%dma_start3A_285 : memref<128xi32, #tpu.memory_space<vmem>>) semaphore(%arg24 : memref<!tpu.dma_semaphore, #tpu.memory_space<semaphore_mem>>) {add = true}
      %dma_wait3A_289 = arith.constant 0 : i32
      %dma_wait3A_290 = arith.constant 0 : i32
      %dma_wait3A_291 = tpu.memref_slice %arg7[%dma_wait3A_289, %dma_wait3A_290] : memref<80x128xi32, #tpu.memory_space<vmem>> -> memref<1x128xi32, #tpu.memory_space<vmem>>
      %dma_wait3A_292 = tpu.memref_squeeze %dma_wait3A_291 : memref<1x128xi32, #tpu.memory_space<vmem>> -> memref<128xi32, #tpu.memory_space<vmem>>
      %dma_wait3A_293 = arith.constant 0 : i32
      %dma_wait3A_294 = arith.constant 0 : i32
      %dma_wait3A_295 = tpu.memref_slice %arg25[%dma_wait3A_293, %dma_wait3A_294] : memref<10240x64xf32, #tpu.memory_space<vmem_shared>> -> memref<10240x64xf32, #tpu.memory_space<vmem_shared>>
      tpu.wait_indirect_dma semaphore(%arg20 : memref<!tpu.dma_semaphore, #tpu.memory_space<semaphore_mem>>) src(%arg8 : memref<128x64xf32, #tpu.memory_space<vmem>>) dst(%dma_wait3A_295 : memref<10240x64xf32, #tpu.memory_space<vmem_shared>>)
      %add3A_296 = arith.constant 5 : i32
      %add3A_297 = arith.addi %mul3A_213, %add3A_296 : i32
      %add3A_298 = arith.constant 0 : i32
      %add3A_299 = arith.addi %add3A_297, %add3A_298 : i32
      %dma_start3A_300 = arith.constant 0 : i32
      %dma_start3A_301 = tpu.memref_slice %arg6[%add3A_299, %dma_start3A_300] : memref<80x128xi32, #tpu.memory_space<vmem>> -> memref<1x128xi32, #tpu.memory_space<vmem>>
      %dma_start3A_302 = tpu.memref_squeeze %dma_start3A_301 : memref<1x128xi32, #tpu.memory_space<vmem>> -> memref<128xi32, #tpu.memory_space<vmem>>
      %dma_start3A_303 = arith.constant 0 : i32
      %dma_start3A_304 = arith.constant 0 : i32
      %dma_start3A_305 = tpu.memref_slice %arg2[%dma_start3A_303, %dma_start3A_304] : memref<10240x64xf32, #tpu.memory_space<hbm>> -> memref<10240x64xf32, #tpu.memory_space<hbm>>
      tpu.enqueue_indirect_dma source(%dma_start3A_305 : memref<10240x64xf32, #tpu.memory_space<hbm>>) target(%arg8 : memref<128x64xf32, #tpu.memory_space<vmem>>) offsets(%dma_start3A_302 : memref<128xi32, #tpu.memory_space<vmem>>) semaphore(%arg15 : memref<!tpu.dma_semaphore, #tpu.memory_space<semaphore_mem>>)
      %dma_wait3A_306 = arith.constant 0 : i32
      %dma_wait3A_307 = arith.constant 0 : i32
      %dma_wait3A_308 = tpu.memref_slice %arg7[%dma_wait3A_306, %dma_wait3A_307] : memref<80x128xi32, #tpu.memory_space<vmem>> -> memref<1x128xi32, #tpu.memory_space<vmem>>
      %dma_wait3A_309 = tpu.memref_squeeze %dma_wait3A_308 : memref<1x128xi32, #tpu.memory_space<vmem>> -> memref<128xi32, #tpu.memory_space<vmem>>
      %dma_wait3A_310 = arith.constant 0 : i32
      %dma_wait3A_311 = arith.constant 0 : i32
      %dma_wait3A_312 = tpu.memref_slice %arg25[%dma_wait3A_310, %dma_wait3A_311] : memref<10240x64xf32, #tpu.memory_space<vmem_shared>> -> memref<10240x64xf32, #tpu.memory_space<vmem_shared>>
      tpu.wait_indirect_dma semaphore(%arg21 : memref<!tpu.dma_semaphore, #tpu.memory_space<semaphore_mem>>) src(%arg9 : memref<128x64xf32, #tpu.memory_space<vmem>>) dst(%dma_wait3A_312 : memref<10240x64xf32, #tpu.memory_space<vmem_shared>>)
      %add3A_313 = arith.constant 5 : i32
      %add3A_314 = arith.addi %mul3A_213, %add3A_313 : i32
      %add3A_315 = arith.constant 1 : i32
      %add3A_316 = arith.addi %add3A_314, %add3A_315 : i32
      %dma_start3A_317 = arith.constant 0 : i32
      %dma_start3A_318 = tpu.memref_slice %arg6[%add3A_316, %dma_start3A_317] : memref<80x128xi32, #tpu.memory_space<vmem>> -> memref<1x128xi32, #tpu.memory_space<vmem>>
      %dma_start3A_319 = tpu.memref_squeeze %dma_start3A_318 : memref<1x128xi32, #tpu.memory_space<vmem>> -> memref<128xi32, #tpu.memory_space<vmem>>
      %dma_start3A_320 = arith.constant 0 : i32
      %dma_start3A_321 = arith.constant 0 : i32
      %dma_start3A_322 = tpu.memref_slice %arg2[%dma_start3A_320, %dma_start3A_321] : memref<10240x64xf32, #tpu.memory_space<hbm>> -> memref<10240x64xf32, #tpu.memory_space<hbm>>
      tpu.enqueue_indirect_dma source(%dma_start3A_322 : memref<10240x64xf32, #tpu.memory_space<hbm>>) target(%arg9 : memref<128x64xf32, #tpu.memory_space<vmem>>) offsets(%dma_start3A_319 : memref<128xi32, #tpu.memory_space<vmem>>) semaphore(%arg16 : memref<!tpu.dma_semaphore, #tpu.memory_space<semaphore_mem>>)
      %dma_wait3A_323 = arith.constant 0 : i32
      %dma_wait3A_324 = arith.constant 0 : i32
      %dma_wait3A_325 = tpu.memref_slice %arg7[%dma_wait3A_323, %dma_wait3A_324] : memref<80x128xi32, #tpu.memory_space<vmem>> -> memref<1x128xi32, #tpu.memory_space<vmem>>
      %dma_wait3A_326 = tpu.memref_squeeze %dma_wait3A_325 : memref<1x128xi32, #tpu.memory_space<vmem>> -> memref<128xi32, #tpu.memory_space<vmem>>
      %dma_wait3A_327 = arith.constant 0 : i32
      %dma_wait3A_328 = arith.constant 0 : i32
      %dma_wait3A_329 = tpu.memref_slice %arg25[%dma_wait3A_327, %dma_wait3A_328] : memref<10240x64xf32, #tpu.memory_space<vmem_shared>> -> memref<10240x64xf32, #tpu.memory_space<vmem_shared>>
      tpu.wait_indirect_dma semaphore(%arg22 : memref<!tpu.dma_semaphore, #tpu.memory_space<semaphore_mem>>) src(%arg10 : memref<128x64xf32, #tpu.memory_space<vmem>>) dst(%dma_wait3A_329 : memref<10240x64xf32, #tpu.memory_space<vmem_shared>>)
      %add3A_330 = arith.constant 5 : i32
      %add3A_331 = arith.addi %mul3A_213, %add3A_330 : i32
      %add3A_332 = arith.constant 2 : i32
      %add3A_333 = arith.addi %add3A_331, %add3A_332 : i32
      %dma_start3A_334 = arith.constant 0 : i32
      %dma_start3A_335 = tpu.memref_slice %arg6[%add3A_333, %dma_start3A_334] : memref<80x128xi32, #tpu.memory_space<vmem>> -> memref<1x128xi32, #tpu.memory_space<vmem>>
      %dma_start3A_336 = tpu.memref_squeeze %dma_start3A_335 : memref<1x128xi32, #tpu.memory_space<vmem>> -> memref<128xi32, #tpu.memory_space<vmem>>
      %dma_start3A_337 = arith.constant 0 : i32
      %dma_start3A_338 = arith.constant 0 : i32
      %dma_start3A_339 = tpu.memref_slice %arg2[%dma_start3A_337, %dma_start3A_338] : memref<10240x64xf32, #tpu.memory_space<hbm>> -> memref<10240x64xf32, #tpu.memory_space<hbm>>
      tpu.enqueue_indirect_dma source(%dma_start3A_339 : memref<10240x64xf32, #tpu.memory_space<hbm>>) target(%arg10 : memref<128x64xf32, #tpu.memory_space<vmem>>) offsets(%dma_start3A_336 : memref<128xi32, #tpu.memory_space<vmem>>) semaphore(%arg17 : memref<!tpu.dma_semaphore, #tpu.memory_space<semaphore_mem>>)
      %dma_wait3A_340 = arith.constant 0 : i32
      %dma_wait3A_341 = arith.constant 0 : i32
      %dma_wait3A_342 = tpu.memref_slice %arg7[%dma_wait3A_340, %dma_wait3A_341] : memref<80x128xi32, #tpu.memory_space<vmem>> -> memref<1x128xi32, #tpu.memory_space<vmem>>
      %dma_wait3A_343 = tpu.memref_squeeze %dma_wait3A_342 : memref<1x128xi32, #tpu.memory_space<vmem>> -> memref<128xi32, #tpu.memory_space<vmem>>
      %dma_wait3A_344 = arith.constant 0 : i32
      %dma_wait3A_345 = arith.constant 0 : i32
      %dma_wait3A_346 = tpu.memref_slice %arg25[%dma_wait3A_344, %dma_wait3A_345] : memref<10240x64xf32, #tpu.memory_space<vmem_shared>> -> memref<10240x64xf32, #tpu.memory_space<vmem_shared>>
      tpu.wait_indirect_dma semaphore(%arg23 : memref<!tpu.dma_semaphore, #tpu.memory_space<semaphore_mem>>) src(%arg11 : memref<128x64xf32, #tpu.memory_space<vmem>>) dst(%dma_wait3A_346 : memref<10240x64xf32, #tpu.memory_space<vmem_shared>>)
      %add3A_347 = arith.constant 5 : i32
      %add3A_348 = arith.addi %mul3A_213, %add3A_347 : i32
      %add3A_349 = arith.constant 3 : i32
      %add3A_350 = arith.addi %add3A_348, %add3A_349 : i32
      %dma_start3A_351 = arith.constant 0 : i32
      %dma_start3A_352 = tpu.memref_slice %arg6[%add3A_350, %dma_start3A_351] : memref<80x128xi32, #tpu.memory_space<vmem>> -> memref<1x128xi32, #tpu.memory_space<vmem>>
      %dma_start3A_353 = tpu.memref_squeeze %dma_start3A_352 : memref<1x128xi32, #tpu.memory_space<vmem>> -> memref<128xi32, #tpu.memory_space<vmem>>
      %dma_start3A_354 = arith.constant 0 : i32
      %dma_start3A_355 = arith.constant 0 : i32
      %dma_start3A_356 = tpu.memref_slice %arg2[%dma_start3A_354, %dma_start3A_355] : memref<10240x64xf32, #tpu.memory_space<hbm>> -> memref<10240x64xf32, #tpu.memory_space<hbm>>
      tpu.enqueue_indirect_dma source(%dma_start3A_356 : memref<10240x64xf32, #tpu.memory_space<hbm>>) target(%arg11 : memref<128x64xf32, #tpu.memory_space<vmem>>) offsets(%dma_start3A_353 : memref<128xi32, #tpu.memory_space<vmem>>) semaphore(%arg18 : memref<!tpu.dma_semaphore, #tpu.memory_space<semaphore_mem>>)
      %dma_wait3A_357 = arith.constant 0 : i32
      %dma_wait3A_358 = arith.constant 0 : i32
      %dma_wait3A_359 = tpu.memref_slice %arg7[%dma_wait3A_357, %dma_wait3A_358] : memref<80x128xi32, #tpu.memory_space<vmem>> -> memref<1x128xi32, #tpu.memory_space<vmem>>
      %dma_wait3A_360 = tpu.memref_squeeze %dma_wait3A_359 : memref<1x128xi32, #tpu.memory_space<vmem>> -> memref<128xi32, #tpu.memory_space<vmem>>
      %dma_wait3A_361 = arith.constant 0 : i32
      %dma_wait3A_362 = arith.constant 0 : i32
      %dma_wait3A_363 = tpu.memref_slice %arg25[%dma_wait3A_361, %dma_wait3A_362] : memref<10240x64xf32, #tpu.memory_space<vmem_shared>> -> memref<10240x64xf32, #tpu.memory_space<vmem_shared>>
      tpu.wait_indirect_dma semaphore(%arg24 : memref<!tpu.dma_semaphore, #tpu.memory_space<semaphore_mem>>) src(%arg12 : memref<128x64xf32, #tpu.memory_space<vmem>>) dst(%dma_wait3A_363 : memref<10240x64xf32, #tpu.memory_space<vmem_shared>>)
      %add3A_364 = arith.constant 5 : i32
      %add3A_365 = arith.addi %mul3A_213, %add3A_364 : i32
      %add3A_366 = arith.constant 4 : i32
      %add3A_367 = arith.addi %add3A_365, %add3A_366 : i32
      %dma_start3A_368 = arith.constant 0 : i32
      %dma_start3A_369 = tpu.memref_slice %arg6[%add3A_367, %dma_start3A_368] : memref<80x128xi32, #tpu.memory_space<vmem>> -> memref<1x128xi32, #tpu.memory_space<vmem>>
      %dma_start3A_370 = tpu.memref_squeeze %dma_start3A_369 : memref<1x128xi32, #tpu.memory_space<vmem>> -> memref<128xi32, #tpu.memory_space<vmem>>
      %dma_start3A_371 = arith.constant 0 : i32
      %dma_start3A_372 = arith.constant 0 : i32
      %dma_start3A_373 = tpu.memref_slice %arg2[%dma_start3A_371, %dma_start3A_372] : memref<10240x64xf32, #tpu.memory_space<hbm>> -> memref<10240x64xf32, #tpu.memory_space<hbm>>
      tpu.enqueue_indirect_dma source(%dma_start3A_373 : memref<10240x64xf32, #tpu.memory_space<hbm>>) target(%arg12 : memref<128x64xf32, #tpu.memory_space<vmem>>) offsets(%dma_start3A_370 : memref<128xi32, #tpu.memory_space<vmem>>) semaphore(%arg19 : memref<!tpu.dma_semaphore, #tpu.memory_space<semaphore_mem>>)
    }
    %scan3A_84 = arith.constant 15 : i32
    %dma_wait3A_85 = arith.constant 0 : i32
    %dma_wait3A_86 = arith.constant 0 : i32
    %dma_wait3A_87 = tpu.memref_slice %arg6[%dma_wait3A_85, %dma_wait3A_86] : memref<80x128xi32, #tpu.memory_space<vmem>> -> memref<1x128xi32, #tpu.memory_space<vmem>>
    %dma_wait3A_88 = tpu.memref_squeeze %dma_wait3A_87 : memref<1x128xi32, #tpu.memory_space<vmem>> -> memref<128xi32, #tpu.memory_space<vmem>>
    %dma_wait3A_89 = arith.constant 0 : i32
    %dma_wait3A_90 = arith.constant 0 : i32
    %dma_wait3A_91 = tpu.memref_slice %arg2[%dma_wait3A_89, %dma_wait3A_90] : memref<10240x64xf32, #tpu.memory_space<hbm>> -> memref<10240x64xf32, #tpu.memory_space<hbm>>
    tpu.wait_indirect_dma semaphore(%arg15 : memref<!tpu.dma_semaphore, #tpu.memory_space<semaphore_mem>>) src(%dma_wait3A_91 : memref<10240x64xf32, #tpu.memory_space<hbm>>) dst(%arg8 : memref<128x64xf32, #tpu.memory_space<vmem>>)
    %dma_start3A_92 = arith.constant 75 : i32
    %dma_start3A_93 = arith.constant 0 : i32
    %dma_start3A_94 = tpu.memref_slice %arg7[%dma_start3A_92, %dma_start3A_93] : memref<80x128xi32, #tpu.memory_space<vmem>> -> memref<1x128xi32, #tpu.memory_space<vmem>>
    %dma_start3A_95 = tpu.memref_squeeze %dma_start3A_94 : memref<1x128xi32, #tpu.memory_space<vmem>> -> memref<128xi32, #tpu.memory_space<vmem>>
    %dma_start3A_96 = arith.constant 0 : i32
    %dma_start3A_97 = arith.constant 0 : i32
    %dma_start3A_98 = tpu.memref_slice %arg25[%dma_start3A_96, %dma_start3A_97] : memref<10240x64xf32, #tpu.memory_space<vmem_shared>> -> memref<10240x64xf32, #tpu.memory_space<vmem_shared>>
    tpu.enqueue_indirect_dma source(%arg8 : memref<128x64xf32, #tpu.memory_space<vmem>>) target(%dma_start3A_98 : memref<10240x64xf32, #tpu.memory_space<vmem_shared>>) offsets(%dma_start3A_95 : memref<128xi32, #tpu.memory_space<vmem>>) semaphore(%arg20 : memref<!tpu.dma_semaphore, #tpu.memory_space<semaphore_mem>>) {add = true}
    %dma_wait3A_99 = arith.constant 0 : i32
    %dma_wait3A_100 = arith.constant 0 : i32
    %dma_wait3A_101 = tpu.memref_slice %arg6[%dma_wait3A_99, %dma_wait3A_100] : memref<80x128xi32, #tpu.memory_space<vmem>> -> memref<1x128xi32, #tpu.memory_space<vmem>>
    %dma_wait3A_102 = tpu.memref_squeeze %dma_wait3A_101 : memref<1x128xi32, #tpu.memory_space<vmem>> -> memref<128xi32, #tpu.memory_space<vmem>>
    %dma_wait3A_103 = arith.constant 0 : i32
    %dma_wait3A_104 = arith.constant 0 : i32
    %dma_wait3A_105 = tpu.memref_slice %arg2[%dma_wait3A_103, %dma_wait3A_104] : memref<10240x64xf32, #tpu.memory_space<hbm>> -> memref<10240x64xf32, #tpu.memory_space<hbm>>
    tpu.wait_indirect_dma semaphore(%arg16 : memref<!tpu.dma_semaphore, #tpu.memory_space<semaphore_mem>>) src(%dma_wait3A_105 : memref<10240x64xf32, #tpu.memory_space<hbm>>) dst(%arg9 : memref<128x64xf32, #tpu.memory_space<vmem>>)
    %dma_start3A_106 = arith.constant 76 : i32
    %dma_start3A_107 = arith.constant 0 : i32
    %dma_start3A_108 = tpu.memref_slice %arg7[%dma_start3A_106, %dma_start3A_107] : memref<80x128xi32, #tpu.memory_space<vmem>> -> memref<1x128xi32, #tpu.memory_space<vmem>>
    %dma_start3A_109 = tpu.memref_squeeze %dma_start3A_108 : memref<1x128xi32, #tpu.memory_space<vmem>> -> memref<128xi32, #tpu.memory_space<vmem>>
    %dma_start3A_110 = arith.constant 0 : i32
    %dma_start3A_111 = arith.constant 0 : i32
    %dma_start3A_112 = tpu.memref_slice %arg25[%dma_start3A_110, %dma_start3A_111] : memref<10240x64xf32, #tpu.memory_space<vmem_shared>> -> memref<10240x64xf32, #tpu.memory_space<vmem_shared>>
    tpu.enqueue_indirect_dma source(%arg9 : memref<128x64xf32, #tpu.memory_space<vmem>>) target(%dma_start3A_112 : memref<10240x64xf32, #tpu.memory_space<vmem_shared>>) offsets(%dma_start3A_109 : memref<128xi32, #tpu.memory_space<vmem>>) semaphore(%arg21 : memref<!tpu.dma_semaphore, #tpu.memory_space<semaphore_mem>>) {add = true}
    %dma_wait3A_113 = arith.constant 0 : i32
    %dma_wait3A_114 = arith.constant 0 : i32
    %dma_wait3A_115 = tpu.memref_slice %arg6[%dma_wait3A_113, %dma_wait3A_114] : memref<80x128xi32, #tpu.memory_space<vmem>> -> memref<1x128xi32, #tpu.memory_space<vmem>>
    %dma_wait3A_116 = tpu.memref_squeeze %dma_wait3A_115 : memref<1x128xi32, #tpu.memory_space<vmem>> -> memref<128xi32, #tpu.memory_space<vmem>>
    %dma_wait3A_117 = arith.constant 0 : i32
    %dma_wait3A_118 = arith.constant 0 : i32
    %dma_wait3A_119 = tpu.memref_slice %arg2[%dma_wait3A_117, %dma_wait3A_118] : memref<10240x64xf32, #tpu.memory_space<hbm>> -> memref<10240x64xf32, #tpu.memory_space<hbm>>
    tpu.wait_indirect_dma semaphore(%arg17 : memref<!tpu.dma_semaphore, #tpu.memory_space<semaphore_mem>>) src(%dma_wait3A_119 : memref<10240x64xf32, #tpu.memory_space<hbm>>) dst(%arg10 : memref<128x64xf32, #tpu.memory_space<vmem>>)
    %dma_start3A_120 = arith.constant 77 : i32
    %dma_start3A_121 = arith.constant 0 : i32
    %dma_start3A_122 = tpu.memref_slice %arg7[%dma_start3A_120, %dma_start3A_121] : memref<80x128xi32, #tpu.memory_space<vmem>> -> memref<1x128xi32, #tpu.memory_space<vmem>>
    %dma_start3A_123 = tpu.memref_squeeze %dma_start3A_122 : memref<1x128xi32, #tpu.memory_space<vmem>> -> memref<128xi32, #tpu.memory_space<vmem>>
    %dma_start3A_124 = arith.constant 0 : i32
    %dma_start3A_125 = arith.constant 0 : i32
    %dma_start3A_126 = tpu.memref_slice %arg25[%dma_start3A_124, %dma_start3A_125] : memref<10240x64xf32, #tpu.memory_space<vmem_shared>> -> memref<10240x64xf32, #tpu.memory_space<vmem_shared>>
    tpu.enqueue_indirect_dma source(%arg10 : memref<128x64xf32, #tpu.memory_space<vmem>>) target(%dma_start3A_126 : memref<10240x64xf32, #tpu.memory_space<vmem_shared>>) offsets(%dma_start3A_123 : memref<128xi32, #tpu.memory_space<vmem>>) semaphore(%arg22 : memref<!tpu.dma_semaphore, #tpu.memory_space<semaphore_mem>>) {add = true}
    %dma_wait3A_127 = arith.constant 0 : i32
    %dma_wait3A_128 = arith.constant 0 : i32
    %dma_wait3A_129 = tpu.memref_slice %arg6[%dma_wait3A_127, %dma_wait3A_128] : memref<80x128xi32, #tpu.memory_space<vmem>> -> memref<1x128xi32, #tpu.memory_space<vmem>>
    %dma_wait3A_130 = tpu.memref_squeeze %dma_wait3A_129 : memref<1x128xi32, #tpu.memory_space<vmem>> -> memref<128xi32, #tpu.memory_space<vmem>>
    %dma_wait3A_131 = arith.constant 0 : i32
    %dma_wait3A_132 = arith.constant 0 : i32
    %dma_wait3A_133 = tpu.memref_slice %arg2[%dma_wait3A_131, %dma_wait3A_132] : memref<10240x64xf32, #tpu.memory_space<hbm>> -> memref<10240x64xf32, #tpu.memory_space<hbm>>
    tpu.wait_indirect_dma semaphore(%arg18 : memref<!tpu.dma_semaphore, #tpu.memory_space<semaphore_mem>>) src(%dma_wait3A_133 : memref<10240x64xf32, #tpu.memory_space<hbm>>) dst(%arg11 : memref<128x64xf32, #tpu.memory_space<vmem>>)
    %dma_start3A_134 = arith.constant 78 : i32
    %dma_start3A_135 = arith.constant 0 : i32
    %dma_start3A_136 = tpu.memref_slice %arg7[%dma_start3A_134, %dma_start3A_135] : memref<80x128xi32, #tpu.memory_space<vmem>> -> memref<1x128xi32, #tpu.memory_space<vmem>>
    %dma_start3A_137 = tpu.memref_squeeze %dma_start3A_136 : memref<1x128xi32, #tpu.memory_space<vmem>> -> memref<128xi32, #tpu.memory_space<vmem>>
    %dma_start3A_138 = arith.constant 0 : i32
    %dma_start3A_139 = arith.constant 0 : i32
    %dma_start3A_140 = tpu.memref_slice %arg25[%dma_start3A_138, %dma_start3A_139] : memref<10240x64xf32, #tpu.memory_space<vmem_shared>> -> memref<10240x64xf32, #tpu.memory_space<vmem_shared>>
    tpu.enqueue_indirect_dma source(%arg11 : memref<128x64xf32, #tpu.memory_space<vmem>>) target(%dma_start3A_140 : memref<10240x64xf32, #tpu.memory_space<vmem_shared>>) offsets(%dma_start3A_137 : memref<128xi32, #tpu.memory_space<vmem>>) semaphore(%arg23 : memref<!tpu.dma_semaphore, #tpu.memory_space<semaphore_mem>>) {add = true}
    %dma_wait3A_141 = arith.constant 0 : i32
    %dma_wait3A_142 = arith.constant 0 : i32
    %dma_wait3A_143 = tpu.memref_slice %arg6[%dma_wait3A_141, %dma_wait3A_142] : memref<80x128xi32, #tpu.memory_space<vmem>> -> memref<1x128xi32, #tpu.memory_space<vmem>>
    %dma_wait3A_144 = tpu.memref_squeeze %dma_wait3A_143 : memref<1x128xi32, #tpu.memory_space<vmem>> -> memref<128xi32, #tpu.memory_space<vmem>>
    %dma_wait3A_145 = arith.constant 0 : i32
    %dma_wait3A_146 = arith.constant 0 : i32
    %dma_wait3A_147 = tpu.memref_slice %arg2[%dma_wait3A_145, %dma_wait3A_146] : memref<10240x64xf32, #tpu.memory_space<hbm>> -> memref<10240x64xf32, #tpu.memory_space<hbm>>
    tpu.wait_indirect_dma semaphore(%arg19 : memref<!tpu.dma_semaphore, #tpu.memory_space<semaphore_mem>>) src(%dma_wait3A_147 : memref<10240x64xf32, #tpu.memory_space<hbm>>) dst(%arg12 : memref<128x64xf32, #tpu.memory_space<vmem>>)
    %dma_start3A_148 = arith.constant 79 : i32
    %dma_start3A_149 = arith.constant 0 : i32
    %dma_start3A_150 = tpu.memref_slice %arg7[%dma_start3A_148, %dma_start3A_149] : memref<80x128xi32, #tpu.memory_space<vmem>> -> memref<1x128xi32, #tpu.memory_space<vmem>>
    %dma_start3A_151 = tpu.memref_squeeze %dma_start3A_150 : memref<1x128xi32, #tpu.memory_space<vmem>> -> memref<128xi32, #tpu.memory_space<vmem>>
    %dma_start3A_152 = arith.constant 0 : i32
    %dma_start3A_153 = arith.constant 0 : i32
    %dma_start3A_154 = tpu.memref_slice %arg25[%dma_start3A_152, %dma_start3A_153] : memref<10240x64xf32, #tpu.memory_space<vmem_shared>> -> memref<10240x64xf32, #tpu.memory_space<vmem_shared>>
    tpu.enqueue_indirect_dma source(%arg12 : memref<128x64xf32, #tpu.memory_space<vmem>>) target(%dma_start3A_154 : memref<10240x64xf32, #tpu.memory_space<vmem_shared>>) offsets(%dma_start3A_151 : memref<128xi32, #tpu.memory_space<vmem>>) semaphore(%arg24 : memref<!tpu.dma_semaphore, #tpu.memory_space<semaphore_mem>>) {add = true}
    %dma_wait3A_155 = arith.constant 0 : i32
    %dma_wait3A_156 = arith.constant 0 : i32
    %dma_wait3A_157 = tpu.memref_slice %arg7[%dma_wait3A_155, %dma_wait3A_156] : memref<80x128xi32, #tpu.memory_space<vmem>> -> memref<1x128xi32, #tpu.memory_space<vmem>>
    %dma_wait3A_158 = tpu.memref_squeeze %dma_wait3A_157 : memref<1x128xi32, #tpu.memory_space<vmem>> -> memref<128xi32, #tpu.memory_space<vmem>>
    %dma_wait3A_159 = arith.constant 0 : i32
    %dma_wait3A_160 = arith.constant 0 : i32
    %dma_wait3A_161 = tpu.memref_slice %arg25[%dma_wait3A_159, %dma_wait3A_160] : memref<10240x64xf32, #tpu.memory_space<vmem_shared>> -> memref<10240x64xf32, #tpu.memory_space<vmem_shared>>
    tpu.wait_indirect_dma semaphore(%arg20 : memref<!tpu.dma_semaphore, #tpu.memory_space<semaphore_mem>>) src(%arg8 : memref<128x64xf32, #tpu.memory_space<vmem>>) dst(%dma_wait3A_161 : memref<10240x64xf32, #tpu.memory_space<vmem_shared>>)
    %dma_wait3A_162 = arith.constant 0 : i32
    %dma_wait3A_163 = arith.constant 0 : i32
    %dma_wait3A_164 = tpu.memref_slice %arg7[%dma_wait3A_162, %dma_wait3A_163] : memref<80x128xi32, #tpu.memory_space<vmem>> -> memref<1x128xi32, #tpu.memory_space<vmem>>
    %dma_wait3A_165 = tpu.memref_squeeze %dma_wait3A_164 : memref<1x128xi32, #tpu.memory_space<vmem>> -> memref<128xi32, #tpu.memory_space<vmem>>
    %dma_wait3A_166 = arith.constant 0 : i32
    %dma_wait3A_167 = arith.constant 0 : i32
    %dma_wait3A_168 = tpu.memref_slice %arg25[%dma_wait3A_166, %dma_wait3A_167] : memref<10240x64xf32, #tpu.memory_space<vmem_shared>> -> memref<10240x64xf32, #tpu.memory_space<vmem_shared>>
    tpu.wait_indirect_dma semaphore(%arg21 : memref<!tpu.dma_semaphore, #tpu.memory_space<semaphore_mem>>) src(%arg9 : memref<128x64xf32, #tpu.memory_space<vmem>>) dst(%dma_wait3A_168 : memref<10240x64xf32, #tpu.memory_space<vmem_shared>>)
    %dma_wait3A_169 = arith.constant 0 : i32
    %dma_wait3A_170 = arith.constant 0 : i32
    %dma_wait3A_171 = tpu.memref_slice %arg7[%dma_wait3A_169, %dma_wait3A_170] : memref<80x128xi32, #tpu.memory_space<vmem>> -> memref<1x128xi32, #tpu.memory_space<vmem>>
    %dma_wait3A_172 = tpu.memref_squeeze %dma_wait3A_171 : memref<1x128xi32, #tpu.memory_space<vmem>> -> memref<128xi32, #tpu.memory_space<vmem>>
    %dma_wait3A_173 = arith.constant 0 : i32
    %dma_wait3A_174 = arith.constant 0 : i32
    %dma_wait3A_175 = tpu.memref_slice %arg25[%dma_wait3A_173, %dma_wait3A_174] : memref<10240x64xf32, #tpu.memory_space<vmem_shared>> -> memref<10240x64xf32, #tpu.memory_space<vmem_shared>>
    tpu.wait_indirect_dma semaphore(%arg22 : memref<!tpu.dma_semaphore, #tpu.memory_space<semaphore_mem>>) src(%arg10 : memref<128x64xf32, #tpu.memory_space<vmem>>) dst(%dma_wait3A_175 : memref<10240x64xf32, #tpu.memory_space<vmem_shared>>)
    %dma_wait3A_176 = arith.constant 0 : i32
    %dma_wait3A_177 = arith.constant 0 : i32
    %dma_wait3A_178 = tpu.memref_slice %arg7[%dma_wait3A_176, %dma_wait3A_177] : memref<80x128xi32, #tpu.memory_space<vmem>> -> memref<1x128xi32, #tpu.memory_space<vmem>>
    %dma_wait3A_179 = tpu.memref_squeeze %dma_wait3A_178 : memref<1x128xi32, #tpu.memory_space<vmem>> -> memref<128xi32, #tpu.memory_space<vmem>>
    %dma_wait3A_180 = arith.constant 0 : i32
    %dma_wait3A_181 = arith.constant 0 : i32
    %dma_wait3A_182 = tpu.memref_slice %arg25[%dma_wait3A_180, %dma_wait3A_181] : memref<10240x64xf32, #tpu.memory_space<vmem_shared>> -> memref<10240x64xf32, #tpu.memory_space<vmem_shared>>
    tpu.wait_indirect_dma semaphore(%arg23 : memref<!tpu.dma_semaphore, #tpu.memory_space<semaphore_mem>>) src(%arg11 : memref<128x64xf32, #tpu.memory_space<vmem>>) dst(%dma_wait3A_182 : memref<10240x64xf32, #tpu.memory_space<vmem_shared>>)
    %dma_wait3A_183 = arith.constant 0 : i32
    %dma_wait3A_184 = arith.constant 0 : i32
    %dma_wait3A_185 = tpu.memref_slice %arg7[%dma_wait3A_183, %dma_wait3A_184] : memref<80x128xi32, #tpu.memory_space<vmem>> -> memref<1x128xi32, #tpu.memory_space<vmem>>
    %dma_wait3A_186 = tpu.memref_squeeze %dma_wait3A_185 : memref<1x128xi32, #tpu.memory_space<vmem>> -> memref<128xi32, #tpu.memory_space<vmem>>
    %dma_wait3A_187 = arith.constant 0 : i32
    %dma_wait3A_188 = arith.constant 0 : i32
    %dma_wait3A_189 = tpu.memref_slice %arg25[%dma_wait3A_187, %dma_wait3A_188] : memref<10240x64xf32, #tpu.memory_space<vmem_shared>> -> memref<10240x64xf32, #tpu.memory_space<vmem_shared>>
    tpu.wait_indirect_dma semaphore(%arg24 : memref<!tpu.dma_semaphore, #tpu.memory_space<semaphore_mem>>) src(%arg12 : memref<128x64xf32, #tpu.memory_space<vmem>>) dst(%dma_wait3A_189 : memref<10240x64xf32, #tpu.memory_space<vmem_shared>>)
    %barrier3A_190 = arith.constant 0 : index
    tpu.barrier barrier_id(%barrier3A_190)
    %add3A_191 = arith.constant 0 : i32
    %add3A_192 = arith.addi %mul3A_16, %add3A_191 : i32
    "tpu.region"() ({
      %run_scoped3A = tpu.sem_alloc : memref<!tpu.dma_semaphore, #tpu.memory_space<semaphore_mem>>
      %dma_start3A_211 = arith.constant 0 : i32
      %dma_start3A_212 = tpu.memref_slice %arg25[%add3A_192, %dma_start3A_211] : memref<10240x64xf32, #tpu.memory_space<vmem_shared>> -> memref<64x64xf32, #tpu.memory_space<vmem_shared>>
      %dma_start3A_213 = arith.constant 0 : i32
      %dma_start3A_214 = tpu.memref_slice %arg25[%add3A_192, %dma_start3A_213] : memref<10240x64xf32, #tpu.memory_space<vmem_shared>> -> memref<64x64xf32, #tpu.memory_space<vmem_shared>>
      tpu.enqueue_dma source(%dma_start3A_214 : memref<64x64xf32, #tpu.memory_space<vmem_shared>>) target(%arg13 : memref<64x64xf32, #tpu.memory_space<vmem>>) target_semaphore(%run_scoped3A : memref<!tpu.dma_semaphore, #tpu.memory_space<semaphore_mem>>)
      %dma_wait3A_215 = arith.constant 0 : i32
      %dma_wait3A_216 = tpu.memref_slice %arg25[%add3A_192, %dma_wait3A_215] : memref<10240x64xf32, #tpu.memory_space<vmem_shared>> -> memref<64x64xf32, #tpu.memory_space<vmem_shared>>
      %dma_wait3A_217 = arith.constant 0 : i32
      %dma_wait3A_218 = tpu.memref_slice %arg25[%add3A_192, %dma_wait3A_217] : memref<10240x64xf32, #tpu.memory_space<vmem_shared>> -> memref<64x64xf32, #tpu.memory_space<vmem_shared>>
      tpu.wait_dma2 semaphore(%run_scoped3A : memref<!tpu.dma_semaphore, #tpu.memory_space<semaphore_mem>>) src(%dma_wait3A_218 : memref<64x64xf32, #tpu.memory_space<vmem_shared>>) dst(%arg13 : memref<64x64xf32, #tpu.memory_space<vmem>>)
      tpu.yield
    }) : () -> ()
    "tpu.region"() ({
      %run_scoped3A = tpu.sem_alloc : memref<!tpu.dma_semaphore, #tpu.memory_space<semaphore_mem>>
      %dma_start3A_211 = arith.constant 0 : i32
      %dma_start3A_212 = tpu.memref_slice %arg5[%arg0, %add3A_192, %dma_start3A_211] : memref<2x10240x64xf32, #tpu.memory_space<hbm>> -> memref<1x64x64xf32, #tpu.memory_space<hbm>>
      %dma_start3A_213 = tpu.memref_squeeze %dma_start3A_212 : memref<1x64x64xf32, #tpu.memory_space<hbm>> -> memref<64x64xf32, #tpu.memory_space<hbm>>
      %dma_start3A_214 = arith.constant 0 : i32
      %dma_start3A_215 = tpu.memref_slice %arg5[%arg0, %add3A_192, %dma_start3A_214] : memref<2x10240x64xf32, #tpu.memory_space<hbm>> -> memref<1x64x64xf32, #tpu.memory_space<hbm>>
      %dma_start3A_216 = tpu.memref_squeeze %dma_start3A_215 : memref<1x64x64xf32, #tpu.memory_space<hbm>> -> memref<64x64xf32, #tpu.memory_space<hbm>>
      tpu.enqueue_dma source(%arg13 : memref<64x64xf32, #tpu.memory_space<vmem>>) target(%dma_start3A_216 : memref<64x64xf32, #tpu.memory_space<hbm>>) target_semaphore(%run_scoped3A : memref<!tpu.dma_semaphore, #tpu.memory_space<semaphore_mem>>)
      %dma_wait3A_217 = arith.constant 0 : i32
      %dma_wait3A_218 = tpu.memref_slice %arg5[%arg0, %add3A_192, %dma_wait3A_217] : memref<2x10240x64xf32, #tpu.memory_space<hbm>> -> memref<1x64x64xf32, #tpu.memory_space<hbm>>
      %dma_wait3A_219 = tpu.memref_squeeze %dma_wait3A_218 : memref<1x64x64xf32, #tpu.memory_space<hbm>> -> memref<64x64xf32, #tpu.memory_space<hbm>>
      %dma_wait3A_220 = arith.constant 0 : i32
      %dma_wait3A_221 = tpu.memref_slice %arg5[%arg0, %add3A_192, %dma_wait3A_220] : memref<2x10240x64xf32, #tpu.memory_space<hbm>> -> memref<1x64x64xf32, #tpu.memory_space<hbm>>
      %dma_wait3A_222 = tpu.memref_squeeze %dma_wait3A_221 : memref<1x64x64xf32, #tpu.memory_space<hbm>> -> memref<64x64xf32, #tpu.memory_space<hbm>>
      tpu.wait_dma2 semaphore(%run_scoped3A : memref<!tpu.dma_semaphore, #tpu.memory_space<semaphore_mem>>) src(%arg13 : memref<64x64xf32, #tpu.memory_space<vmem>>) dst(%dma_wait3A_222 : memref<64x64xf32, #tpu.memory_space<hbm>>)
      tpu.yield
    }) : () -> ()
    %add3A_193 = arith.constant 64 : i32
    %add3A_194 = arith.addi %mul3A_16, %add3A_193 : i32
    "tpu.region"() ({
      %run_scoped3A = tpu.sem_alloc : memref<!tpu.dma_semaphore, #tpu.memory_space<semaphore_mem>>
      %dma_start3A_211 = arith.constant 0 : i32
      %dma_start3A_212 = tpu.memref_slice %arg25[%add3A_194, %dma_start3A_211] : memref<10240x64xf32, #tpu.memory_space<vmem_shared>> -> memref<64x64xf32, #tpu.memory_space<vmem_shared>>
      %dma_start3A_213 = arith.constant 0 : i32
      %dma_start3A_214 = tpu.memref_slice %arg25[%add3A_194, %dma_start3A_213] : memref<10240x64xf32, #tpu.memory_space<vmem_shared>> -> memref<64x64xf32, #tpu.memory_space<vmem_shared>>
      tpu.enqueue_dma source(%dma_start3A_214 : memref<64x64xf32, #tpu.memory_space<vmem_shared>>) target(%arg13 : memref<64x64xf32, #tpu.memory_space<vmem>>) target_semaphore(%run_scoped3A : memref<!tpu.dma_semaphore, #tpu.memory_space<semaphore_mem>>)
      %dma_wait3A_215 = arith.constant 0 : i32
      %dma_wait3A_216 = tpu.memref_slice %arg25[%add3A_194, %dma_wait3A_215] : memref<10240x64xf32, #tpu.memory_space<vmem_shared>> -> memref<64x64xf32, #tpu.memory_space<vmem_shared>>
      %dma_wait3A_217 = arith.constant 0 : i32
      %dma_wait3A_218 = tpu.memref_slice %arg25[%add3A_194, %dma_wait3A_217] : memref<10240x64xf32, #tpu.memory_space<vmem_shared>> -> memref<64x64xf32, #tpu.memory_space<vmem_shared>>
      tpu.wait_dma2 semaphore(%run_scoped3A : memref<!tpu.dma_semaphore, #tpu.memory_space<semaphore_mem>>) src(%dma_wait3A_218 : memref<64x64xf32, #tpu.memory_space<vmem_shared>>) dst(%arg13 : memref<64x64xf32, #tpu.memory_space<vmem>>)
      tpu.yield
    }) : () -> ()
    "tpu.region"() ({
      %run_scoped3A = tpu.sem_alloc : memref<!tpu.dma_semaphore, #tpu.memory_space<semaphore_mem>>
      %dma_start3A_211 = arith.constant 0 : i32
      %dma_start3A_212 = tpu.memref_slice %arg5[%arg0, %add3A_194, %dma_start3A_211] : memref<2x10240x64xf32, #tpu.memory_space<hbm>> -> memref<1x64x64xf32, #tpu.memory_space<hbm>>
      %dma_start3A_213 = tpu.memref_squeeze %dma_start3A_212 : memref<1x64x64xf32, #tpu.memory_space<hbm>> -> memref<64x64xf32, #tpu.memory_space<hbm>>
      %dma_start3A_214 = arith.constant 0 : i32
      %dma_start3A_215 = tpu.memref_slice %arg5[%arg0, %add3A_194, %dma_start3A_214] : memref<2x10240x64xf32, #tpu.memory_space<hbm>> -> memref<1x64x64xf32, #tpu.memory_space<hbm>>
      %dma_start3A_216 = tpu.memref_squeeze %dma_start3A_215 : memref<1x64x64xf32, #tpu.memory_space<hbm>> -> memref<64x64xf32, #tpu.memory_space<hbm>>
      tpu.enqueue_dma source(%arg13 : memref<64x64xf32, #tpu.memory_space<vmem>>) target(%dma_start3A_216 : memref<64x64xf32, #tpu.memory_space<hbm>>) target_semaphore(%run_scoped3A : memref<!tpu.dma_semaphore, #tpu.memory_space<semaphore_mem>>)
      %dma_wait3A_217 = arith.constant 0 : i32
      %dma_wait3A_218 = tpu.memref_slice %arg5[%arg0, %add3A_194, %dma_wait3A_217] : memref<2x10240x64xf32, #tpu.memory_space<hbm>> -> memref<1x64x64xf32, #tpu.memory_space<hbm>>
      %dma_wait3A_219 = tpu.memref_squeeze %dma_wait3A_218 : memref<1x64x64xf32, #tpu.memory_space<hbm>> -> memref<64x64xf32, #tpu.memory_space<hbm>>
      %dma_wait3A_220 = arith.constant 0 : i32
      %dma_wait3A_221 = tpu.memref_slice %arg5[%arg0, %add3A_194, %dma_wait3A_220] : memref<2x10240x64xf32, #tpu.memory_space<hbm>> -> memref<1x64x64xf32, #tpu.memory_space<hbm>>
      %dma_wait3A_222 = tpu.memref_squeeze %dma_wait3A_221 : memref<1x64x64xf32, #tpu.memory_space<hbm>> -> memref<64x64xf32, #tpu.memory_space<hbm>>
      tpu.wait_dma2 semaphore(%run_scoped3A : memref<!tpu.dma_semaphore, #tpu.memory_space<semaphore_mem>>) src(%arg13 : memref<64x64xf32, #tpu.memory_space<vmem>>) dst(%dma_wait3A_222 : memref<64x64xf32, #tpu.memory_space<hbm>>)
      tpu.yield
    }) : () -> ()
    %add3A_195 = arith.constant 128 : i32
    %add3A_196 = arith.addi %mul3A_16, %add3A_195 : i32
    "tpu.region"() ({
      %run_scoped3A = tpu.sem_alloc : memref<!tpu.dma_semaphore, #tpu.memory_space<semaphore_mem>>
      %dma_start3A_211 = arith.constant 0 : i32
      %dma_start3A_212 = tpu.memref_slice %arg25[%add3A_196, %dma_start3A_211] : memref<10240x64xf32, #tpu.memory_space<vmem_shared>> -> memref<64x64xf32, #tpu.memory_space<vmem_shared>>
      %dma_start3A_213 = arith.constant 0 : i32
      %dma_start3A_214 = tpu.memref_slice %arg25[%add3A_196, %dma_start3A_213] : memref<10240x64xf32, #tpu.memory_space<vmem_shared>> -> memref<64x64xf32, #tpu.memory_space<vmem_shared>>
      tpu.enqueue_dma source(%dma_start3A_214 : memref<64x64xf32, #tpu.memory_space<vmem_shared>>) target(%arg13 : memref<64x64xf32, #tpu.memory_space<vmem>>) target_semaphore(%run_scoped3A : memref<!tpu.dma_semaphore, #tpu.memory_space<semaphore_mem>>)
      %dma_wait3A_215 = arith.constant 0 : i32
      %dma_wait3A_216 = tpu.memref_slice %arg25[%add3A_196, %dma_wait3A_215] : memref<10240x64xf32, #tpu.memory_space<vmem_shared>> -> memref<64x64xf32, #tpu.memory_space<vmem_shared>>
      %dma_wait3A_217 = arith.constant 0 : i32
      %dma_wait3A_218 = tpu.memref_slice %arg25[%add3A_196, %dma_wait3A_217] : memref<10240x64xf32, #tpu.memory_space<vmem_shared>> -> memref<64x64xf32, #tpu.memory_space<vmem_shared>>
      tpu.wait_dma2 semaphore(%run_scoped3A : memref<!tpu.dma_semaphore, #tpu.memory_space<semaphore_mem>>) src(%dma_wait3A_218 : memref<64x64xf32, #tpu.memory_space<vmem_shared>>) dst(%arg13 : memref<64x64xf32, #tpu.memory_space<vmem>>)
      tpu.yield
    }) : () -> ()
    "tpu.region"() ({
      %run_scoped3A = tpu.sem_alloc : memref<!tpu.dma_semaphore, #tpu.memory_space<semaphore_mem>>
      %dma_start3A_211 = arith.constant 0 : i32
      %dma_start3A_212 = tpu.memref_slice %arg5[%arg0, %add3A_196, %dma_start3A_211] : memref<2x10240x64xf32, #tpu.memory_space<hbm>> -> memref<1x64x64xf32, #tpu.memory_space<hbm>>
      %dma_start3A_213 = tpu.memref_squeeze %dma_start3A_212 : memref<1x64x64xf32, #tpu.memory_space<hbm>> -> memref<64x64xf32, #tpu.memory_space<hbm>>
      %dma_start3A_214 = arith.constant 0 : i32
      %dma_start3A_215 = tpu.memref_slice %arg5[%arg0, %add3A_196, %dma_start3A_214] : memref<2x10240x64xf32, #tpu.memory_space<hbm>> -> memref<1x64x64xf32, #tpu.memory_space<hbm>>
      %dma_start3A_216 = tpu.memref_squeeze %dma_start3A_215 : memref<1x64x64xf32, #tpu.memory_space<hbm>> -> memref<64x64xf32, #tpu.memory_space<hbm>>
      tpu.enqueue_dma source(%arg13 : memref<64x64xf32, #tpu.memory_space<vmem>>) target(%dma_start3A_216 : memref<64x64xf32, #tpu.memory_space<hbm>>) target_semaphore(%run_scoped3A : memref<!tpu.dma_semaphore, #tpu.memory_space<semaphore_mem>>)
      %dma_wait3A_217 = arith.constant 0 : i32
      %dma_wait3A_218 = tpu.memref_slice %arg5[%arg0, %add3A_196, %dma_wait3A_217] : memref<2x10240x64xf32, #tpu.memory_space<hbm>> -> memref<1x64x64xf32, #tpu.memory_space<hbm>>
      %dma_wait3A_219 = tpu.memref_squeeze %dma_wait3A_218 : memref<1x64x64xf32, #tpu.memory_space<hbm>> -> memref<64x64xf32, #tpu.memory_space<hbm>>
      %dma_wait3A_220 = arith.constant 0 : i32
      %dma_wait3A_221 = tpu.memref_slice %arg5[%arg0, %add3A_196, %dma_wait3A_220] : memref<2x10240x64xf32, #tpu.memory_space<hbm>> -> memref<1x64x64xf32, #tpu.memory_space<hbm>>
      %dma_wait3A_222 = tpu.memref_squeeze %dma_wait3A_221 : memref<1x64x64xf32, #tpu.memory_space<hbm>> -> memref<64x64xf32, #tpu.memory_space<hbm>>
      tpu.wait_dma2 semaphore(%run_scoped3A : memref<!tpu.dma_semaphore, #tpu.memory_space<semaphore_mem>>) src(%arg13 : memref<64x64xf32, #tpu.memory_space<vmem>>) dst(%dma_wait3A_222 : memref<64x64xf32, #tpu.memory_space<hbm>>)
      tpu.yield
    }) : () -> ()
    %add3A_197 = arith.constant 192 : i32
    %add3A_198 = arith.addi %mul3A_16, %add3A_197 : i32
    "tpu.region"() ({
      %run_scoped3A = tpu.sem_alloc : memref<!tpu.dma_semaphore, #tpu.memory_space<semaphore_mem>>
      %dma_start3A_211 = arith.constant 0 : i32
      %dma_start3A_212 = tpu.memref_slice %arg25[%add3A_198, %dma_start3A_211] : memref<10240x64xf32, #tpu.memory_space<vmem_shared>> -> memref<64x64xf32, #tpu.memory_space<vmem_shared>>
      %dma_start3A_213 = arith.constant 0 : i32
      %dma_start3A_214 = tpu.memref_slice %arg25[%add3A_198, %dma_start3A_213] : memref<10240x64xf32, #tpu.memory_space<vmem_shared>> -> memref<64x64xf32, #tpu.memory_space<vmem_shared>>
      tpu.enqueue_dma source(%dma_start3A_214 : memref<64x64xf32, #tpu.memory_space<vmem_shared>>) target(%arg13 : memref<64x64xf32, #tpu.memory_space<vmem>>) target_semaphore(%run_scoped3A : memref<!tpu.dma_semaphore, #tpu.memory_space<semaphore_mem>>)
      %dma_wait3A_215 = arith.constant 0 : i32
      %dma_wait3A_216 = tpu.memref_slice %arg25[%add3A_198, %dma_wait3A_215] : memref<10240x64xf32, #tpu.memory_space<vmem_shared>> -> memref<64x64xf32, #tpu.memory_space<vmem_shared>>
      %dma_wait3A_217 = arith.constant 0 : i32
      %dma_wait3A_218 = tpu.memref_slice %arg25[%add3A_198, %dma_wait3A_217] : memref<10240x64xf32, #tpu.memory_space<vmem_shared>> -> memref<64x64xf32, #tpu.memory_space<vmem_shared>>
      tpu.wait_dma2 semaphore(%run_scoped3A : memref<!tpu.dma_semaphore, #tpu.memory_space<semaphore_mem>>) src(%dma_wait3A_218 : memref<64x64xf32, #tpu.memory_space<vmem_shared>>) dst(%arg13 : memref<64x64xf32, #tpu.memory_space<vmem>>)
      tpu.yield
    }) : () -> ()
    "tpu.region"() ({
      %run_scoped3A = tpu.sem_alloc : memref<!tpu.dma_semaphore, #tpu.memory_space<semaphore_mem>>
      %dma_start3A_211 = arith.constant 0 : i32
      %dma_start3A_212 = tpu.memref_slice %arg5[%arg0, %add3A_198, %dma_start3A_211] : memref<2x10240x64xf32, #tpu.memory_space<hbm>> -> memref<1x64x64xf32, #tpu.memory_space<hbm>>
      %dma_start3A_213 = tpu.memref_squeeze %dma_start3A_212 : memref<1x64x64xf32, #tpu.memory_space<hbm>> -> memref<64x64xf32, #tpu.memory_space<hbm>>
      %dma_start3A_214 = arith.constant 0 : i32
      %dma_start3A_215 = tpu.memref_slice %arg5[%arg0, %add3A_198, %dma_start3A_214] : memref<2x10240x64xf32, #tpu.memory_space<hbm>> -> memref<1x64x64xf32, #tpu.memory_space<hbm>>
      %dma_start3A_216 = tpu.memref_squeeze %dma_start3A_215 : memref<1x64x64xf32, #tpu.memory_space<hbm>> -> memref<64x64xf32, #tpu.memory_space<hbm>>
      tpu.enqueue_dma source(%arg13 : memref<64x64xf32, #tpu.memory_space<vmem>>) target(%dma_start3A_216 : memref<64x64xf32, #tpu.memory_space<hbm>>) target_semaphore(%run_scoped3A : memref<!tpu.dma_semaphore, #tpu.memory_space<semaphore_mem>>)
      %dma_wait3A_217 = arith.constant 0 : i32
      %dma_wait3A_218 = tpu.memref_slice %arg5[%arg0, %add3A_198, %dma_wait3A_217] : memref<2x10240x64xf32, #tpu.memory_space<hbm>> -> memref<1x64x64xf32, #tpu.memory_space<hbm>>
      %dma_wait3A_219 = tpu.memref_squeeze %dma_wait3A_218 : memref<1x64x64xf32, #tpu.memory_space<hbm>> -> memref<64x64xf32, #tpu.memory_space<hbm>>
      %dma_wait3A_220 = arith.constant 0 : i32
      %dma_wait3A_221 = tpu.memref_slice %arg5[%arg0, %add3A_198, %dma_wait3A_220] : memref<2x10240x64xf32, #tpu.memory_space<hbm>> -> memref<1x64x64xf32, #tpu.memory_space<hbm>>
      %dma_wait3A_222 = tpu.memref_squeeze %dma_wait3A_221 : memref<1x64x64xf32, #tpu.memory_space<hbm>> -> memref<64x64xf32, #tpu.memory_space<hbm>>
      tpu.wait_dma2 semaphore(%run_scoped3A : memref<!tpu.dma_semaphore, #tpu.memory_space<semaphore_mem>>) src(%arg13 : memref<64x64xf32, #tpu.memory_space<vmem>>) dst(%dma_wait3A_222 : memref<64x64xf32, #tpu.memory_space<hbm>>)
      tpu.yield
    }) : () -> ()
    %add3A_199 = arith.constant 256 : i32
    %add3A_200 = arith.addi %mul3A_16, %add3A_199 : i32
    "tpu.region"() ({
      %run_scoped3A = tpu.sem_alloc : memref<!tpu.dma_semaphore, #tpu.memory_space<semaphore_mem>>
      %dma_start3A_211 = arith.constant 0 : i32
      %dma_start3A_212 = tpu.memref_slice %arg25[%add3A_200, %dma_start3A_211] : memref<10240x64xf32, #tpu.memory_space<vmem_shared>> -> memref<64x64xf32, #tpu.memory_space<vmem_shared>>
      %dma_start3A_213 = arith.constant 0 : i32
      %dma_start3A_214 = tpu.memref_slice %arg25[%add3A_200, %dma_start3A_213] : memref<10240x64xf32, #tpu.memory_space<vmem_shared>> -> memref<64x64xf32, #tpu.memory_space<vmem_shared>>
      tpu.enqueue_dma source(%dma_start3A_214 : memref<64x64xf32, #tpu.memory_space<vmem_shared>>) target(%arg13 : memref<64x64xf32, #tpu.memory_space<vmem>>) target_semaphore(%run_scoped3A : memref<!tpu.dma_semaphore, #tpu.memory_space<semaphore_mem>>)
      %dma_wait3A_215 = arith.constant 0 : i32
      %dma_wait3A_216 = tpu.memref_slice %arg25[%add3A_200, %dma_wait3A_215] : memref<10240x64xf32, #tpu.memory_space<vmem_shared>> -> memref<64x64xf32, #tpu.memory_space<vmem_shared>>
      %dma_wait3A_217 = arith.constant 0 : i32
      %dma_wait3A_218 = tpu.memref_slice %arg25[%add3A_200, %dma_wait3A_217] : memref<10240x64xf32, #tpu.memory_space<vmem_shared>> -> memref<64x64xf32, #tpu.memory_space<vmem_shared>>
      tpu.wait_dma2 semaphore(%run_scoped3A : memref<!tpu.dma_semaphore, #tpu.memory_space<semaphore_mem>>) src(%dma_wait3A_218 : memref<64x64xf32, #tpu.memory_space<vmem_shared>>) dst(%arg13 : memref<64x64xf32, #tpu.memory_space<vmem>>)
      tpu.yield
    }) : () -> ()
    "tpu.region"() ({
      %run_scoped3A = tpu.sem_alloc : memref<!tpu.dma_semaphore, #tpu.memory_space<semaphore_mem>>
      %dma_start3A_211 = arith.constant 0 : i32
      %dma_start3A_212 = tpu.memref_slice %arg5[%arg0, %add3A_200, %dma_start3A_211] : memref<2x10240x64xf32, #tpu.memory_space<hbm>> -> memref<1x64x64xf32, #tpu.memory_space<hbm>>
      %dma_start3A_213 = tpu.memref_squeeze %dma_start3A_212 : memref<1x64x64xf32, #tpu.memory_space<hbm>> -> memref<64x64xf32, #tpu.memory_space<hbm>>
      %dma_start3A_214 = arith.constant 0 : i32
      %dma_start3A_215 = tpu.memref_slice %arg5[%arg0, %add3A_200, %dma_start3A_214] : memref<2x10240x64xf32, #tpu.memory_space<hbm>> -> memref<1x64x64xf32, #tpu.memory_space<hbm>>
      %dma_start3A_216 = tpu.memref_squeeze %dma_start3A_215 : memref<1x64x64xf32, #tpu.memory_space<hbm>> -> memref<64x64xf32, #tpu.memory_space<hbm>>
      tpu.enqueue_dma source(%arg13 : memref<64x64xf32, #tpu.memory_space<vmem>>) target(%dma_start3A_216 : memref<64x64xf32, #tpu.memory_space<hbm>>) target_semaphore(%run_scoped3A : memref<!tpu.dma_semaphore, #tpu.memory_space<semaphore_mem>>)
      %dma_wait3A_217 = arith.constant 0 : i32
      %dma_wait3A_218 = tpu.memref_slice %arg5[%arg0, %add3A_200, %dma_wait3A_217] : memref<2x10240x64xf32, #tpu.memory_space<hbm>> -> memref<1x64x64xf32, #tpu.memory_space<hbm>>
      %dma_wait3A_219 = tpu.memref_squeeze %dma_wait3A_218 : memref<1x64x64xf32, #tpu.memory_space<hbm>> -> memref<64x64xf32, #tpu.memory_space<hbm>>
      %dma_wait3A_220 = arith.constant 0 : i32
      %dma_wait3A_221 = tpu.memref_slice %arg5[%arg0, %add3A_200, %dma_wait3A_220] : memref<2x10240x64xf32, #tpu.memory_space<hbm>> -> memref<1x64x64xf32, #tpu.memory_space<hbm>>
      %dma_wait3A_222 = tpu.memref_squeeze %dma_wait3A_221 : memref<1x64x64xf32, #tpu.memory_space<hbm>> -> memref<64x64xf32, #tpu.memory_space<hbm>>
      tpu.wait_dma2 semaphore(%run_scoped3A : memref<!tpu.dma_semaphore, #tpu.memory_space<semaphore_mem>>) src(%arg13 : memref<64x64xf32, #tpu.memory_space<vmem>>) dst(%dma_wait3A_222 : memref<64x64xf32, #tpu.memory_space<hbm>>)
      tpu.yield
    }) : () -> ()
    %add3A_201 = arith.constant 320 : i32
    %add3A_202 = arith.addi %mul3A_16, %add3A_201 : i32
    "tpu.region"() ({
      %run_scoped3A = tpu.sem_alloc : memref<!tpu.dma_semaphore, #tpu.memory_space<semaphore_mem>>
      %dma_start3A_211 = arith.constant 0 : i32
      %dma_start3A_212 = tpu.memref_slice %arg25[%add3A_202, %dma_start3A_211] : memref<10240x64xf32, #tpu.memory_space<vmem_shared>> -> memref<64x64xf32, #tpu.memory_space<vmem_shared>>
      %dma_start3A_213 = arith.constant 0 : i32
      %dma_start3A_214 = tpu.memref_slice %arg25[%add3A_202, %dma_start3A_213] : memref<10240x64xf32, #tpu.memory_space<vmem_shared>> -> memref<64x64xf32, #tpu.memory_space<vmem_shared>>
      tpu.enqueue_dma source(%dma_start3A_214 : memref<64x64xf32, #tpu.memory_space<vmem_shared>>) target(%arg13 : memref<64x64xf32, #tpu.memory_space<vmem>>) target_semaphore(%run_scoped3A : memref<!tpu.dma_semaphore, #tpu.memory_space<semaphore_mem>>)
      %dma_wait3A_215 = arith.constant 0 : i32
      %dma_wait3A_216 = tpu.memref_slice %arg25[%add3A_202, %dma_wait3A_215] : memref<10240x64xf32, #tpu.memory_space<vmem_shared>> -> memref<64x64xf32, #tpu.memory_space<vmem_shared>>
      %dma_wait3A_217 = arith.constant 0 : i32
      %dma_wait3A_218 = tpu.memref_slice %arg25[%add3A_202, %dma_wait3A_217] : memref<10240x64xf32, #tpu.memory_space<vmem_shared>> -> memref<64x64xf32, #tpu.memory_space<vmem_shared>>
      tpu.wait_dma2 semaphore(%run_scoped3A : memref<!tpu.dma_semaphore, #tpu.memory_space<semaphore_mem>>) src(%dma_wait3A_218 : memref<64x64xf32, #tpu.memory_space<vmem_shared>>) dst(%arg13 : memref<64x64xf32, #tpu.memory_space<vmem>>)
      tpu.yield
    }) : () -> ()
    "tpu.region"() ({
      %run_scoped3A = tpu.sem_alloc : memref<!tpu.dma_semaphore, #tpu.memory_space<semaphore_mem>>
      %dma_start3A_211 = arith.constant 0 : i32
      %dma_start3A_212 = tpu.memref_slice %arg5[%arg0, %add3A_202, %dma_start3A_211] : memref<2x10240x64xf32, #tpu.memory_space<hbm>> -> memref<1x64x64xf32, #tpu.memory_space<hbm>>
      %dma_start3A_213 = tpu.memref_squeeze %dma_start3A_212 : memref<1x64x64xf32, #tpu.memory_space<hbm>> -> memref<64x64xf32, #tpu.memory_space<hbm>>
      %dma_start3A_214 = arith.constant 0 : i32
      %dma_start3A_215 = tpu.memref_slice %arg5[%arg0, %add3A_202, %dma_start3A_214] : memref<2x10240x64xf32, #tpu.memory_space<hbm>> -> memref<1x64x64xf32, #tpu.memory_space<hbm>>
      %dma_start3A_216 = tpu.memref_squeeze %dma_start3A_215 : memref<1x64x64xf32, #tpu.memory_space<hbm>> -> memref<64x64xf32, #tpu.memory_space<hbm>>
      tpu.enqueue_dma source(%arg13 : memref<64x64xf32, #tpu.memory_space<vmem>>) target(%dma_start3A_216 : memref<64x64xf32, #tpu.memory_space<hbm>>) target_semaphore(%run_scoped3A : memref<!tpu.dma_semaphore, #tpu.memory_space<semaphore_mem>>)
      %dma_wait3A_217 = arith.constant 0 : i32
      %dma_wait3A_218 = tpu.memref_slice %arg5[%arg0, %add3A_202, %dma_wait3A_217] : memref<2x10240x64xf32, #tpu.memory_space<hbm>> -> memref<1x64x64xf32, #tpu.memory_space<hbm>>
      %dma_wait3A_219 = tpu.memref_squeeze %dma_wait3A_218 : memref<1x64x64xf32, #tpu.memory_space<hbm>> -> memref<64x64xf32, #tpu.memory_space<hbm>>
      %dma_wait3A_220 = arith.constant 0 : i32
      %dma_wait3A_221 = tpu.memref_slice %arg5[%arg0, %add3A_202, %dma_wait3A_220] : memref<2x10240x64xf32, #tpu.memory_space<hbm>> -> memref<1x64x64xf32, #tpu.memory_space<hbm>>
      %dma_wait3A_222 = tpu.memref_squeeze %dma_wait3A_221 : memref<1x64x64xf32, #tpu.memory_space<hbm>> -> memref<64x64xf32, #tpu.memory_space<hbm>>
      tpu.wait_dma2 semaphore(%run_scoped3A : memref<!tpu.dma_semaphore, #tpu.memory_space<semaphore_mem>>) src(%arg13 : memref<64x64xf32, #tpu.memory_space<vmem>>) dst(%dma_wait3A_222 : memref<64x64xf32, #tpu.memory_space<hbm>>)
      tpu.yield
    }) : () -> ()
    %add3A_203 = arith.constant 384 : i32
    %add3A_204 = arith.addi %mul3A_16, %add3A_203 : i32
    "tpu.region"() ({
      %run_scoped3A = tpu.sem_alloc : memref<!tpu.dma_semaphore, #tpu.memory_space<semaphore_mem>>
      %dma_start3A_211 = arith.constant 0 : i32
      %dma_start3A_212 = tpu.memref_slice %arg25[%add3A_204, %dma_start3A_211] : memref<10240x64xf32, #tpu.memory_space<vmem_shared>> -> memref<64x64xf32, #tpu.memory_space<vmem_shared>>
      %dma_start3A_213 = arith.constant 0 : i32
      %dma_start3A_214 = tpu.memref_slice %arg25[%add3A_204, %dma_start3A_213] : memref<10240x64xf32, #tpu.memory_space<vmem_shared>> -> memref<64x64xf32, #tpu.memory_space<vmem_shared>>
      tpu.enqueue_dma source(%dma_start3A_214 : memref<64x64xf32, #tpu.memory_space<vmem_shared>>) target(%arg13 : memref<64x64xf32, #tpu.memory_space<vmem>>) target_semaphore(%run_scoped3A : memref<!tpu.dma_semaphore, #tpu.memory_space<semaphore_mem>>)
      %dma_wait3A_215 = arith.constant 0 : i32
      %dma_wait3A_216 = tpu.memref_slice %arg25[%add3A_204, %dma_wait3A_215] : memref<10240x64xf32, #tpu.memory_space<vmem_shared>> -> memref<64x64xf32, #tpu.memory_space<vmem_shared>>
      %dma_wait3A_217 = arith.constant 0 : i32
      %dma_wait3A_218 = tpu.memref_slice %arg25[%add3A_204, %dma_wait3A_217] : memref<10240x64xf32, #tpu.memory_space<vmem_shared>> -> memref<64x64xf32, #tpu.memory_space<vmem_shared>>
      tpu.wait_dma2 semaphore(%run_scoped3A : memref<!tpu.dma_semaphore, #tpu.memory_space<semaphore_mem>>) src(%dma_wait3A_218 : memref<64x64xf32, #tpu.memory_space<vmem_shared>>) dst(%arg13 : memref<64x64xf32, #tpu.memory_space<vmem>>)
      tpu.yield
    }) : () -> ()
    "tpu.region"() ({
      %run_scoped3A = tpu.sem_alloc : memref<!tpu.dma_semaphore, #tpu.memory_space<semaphore_mem>>
      %dma_start3A_211 = arith.constant 0 : i32
      %dma_start3A_212 = tpu.memref_slice %arg5[%arg0, %add3A_204, %dma_start3A_211] : memref<2x10240x64xf32, #tpu.memory_space<hbm>> -> memref<1x64x64xf32, #tpu.memory_space<hbm>>
      %dma_start3A_213 = tpu.memref_squeeze %dma_start3A_212 : memref<1x64x64xf32, #tpu.memory_space<hbm>> -> memref<64x64xf32, #tpu.memory_space<hbm>>
      %dma_start3A_214 = arith.constant 0 : i32
      %dma_start3A_215 = tpu.memref_slice %arg5[%arg0, %add3A_204, %dma_start3A_214] : memref<2x10240x64xf32, #tpu.memory_space<hbm>> -> memref<1x64x64xf32, #tpu.memory_space<hbm>>
      %dma_start3A_216 = tpu.memref_squeeze %dma_start3A_215 : memref<1x64x64xf32, #tpu.memory_space<hbm>> -> memref<64x64xf32, #tpu.memory_space<hbm>>
      tpu.enqueue_dma source(%arg13 : memref<64x64xf32, #tpu.memory_space<vmem>>) target(%dma_start3A_216 : memref<64x64xf32, #tpu.memory_space<hbm>>) target_semaphore(%run_scoped3A : memref<!tpu.dma_semaphore, #tpu.memory_space<semaphore_mem>>)
      %dma_wait3A_217 = arith.constant 0 : i32
      %dma_wait3A_218 = tpu.memref_slice %arg5[%arg0, %add3A_204, %dma_wait3A_217] : memref<2x10240x64xf32, #tpu.memory_space<hbm>> -> memref<1x64x64xf32, #tpu.memory_space<hbm>>
      %dma_wait3A_219 = tpu.memref_squeeze %dma_wait3A_218 : memref<1x64x64xf32, #tpu.memory_space<hbm>> -> memref<64x64xf32, #tpu.memory_space<hbm>>
      %dma_wait3A_220 = arith.constant 0 : i32
      %dma_wait3A_221 = tpu.memref_slice %arg5[%arg0, %add3A_204, %dma_wait3A_220] : memref<2x10240x64xf32, #tpu.memory_space<hbm>> -> memref<1x64x64xf32, #tpu.memory_space<hbm>>
      %dma_wait3A_222 = tpu.memref_squeeze %dma_wait3A_221 : memref<1x64x64xf32, #tpu.memory_space<hbm>> -> memref<64x64xf32, #tpu.memory_space<hbm>>
      tpu.wait_dma2 semaphore(%run_scoped3A : memref<!tpu.dma_semaphore, #tpu.memory_space<semaphore_mem>>) src(%arg13 : memref<64x64xf32, #tpu.memory_space<vmem>>) dst(%dma_wait3A_222 : memref<64x64xf32, #tpu.memory_space<hbm>>)
      tpu.yield
    }) : () -> ()
    %add3A_205 = arith.constant 448 : i32
    %add3A_206 = arith.addi %mul3A_16, %add3A_205 : i32
    "tpu.region"() ({
      %run_scoped3A = tpu.sem_alloc : memref<!tpu.dma_semaphore, #tpu.memory_space<semaphore_mem>>
      %dma_start3A_211 = arith.constant 0 : i32
      %dma_start3A_212 = tpu.memref_slice %arg25[%add3A_206, %dma_start3A_211] : memref<10240x64xf32, #tpu.memory_space<vmem_shared>> -> memref<64x64xf32, #tpu.memory_space<vmem_shared>>
      %dma_start3A_213 = arith.constant 0 : i32
      %dma_start3A_214 = tpu.memref_slice %arg25[%add3A_206, %dma_start3A_213] : memref<10240x64xf32, #tpu.memory_space<vmem_shared>> -> memref<64x64xf32, #tpu.memory_space<vmem_shared>>
      tpu.enqueue_dma source(%dma_start3A_214 : memref<64x64xf32, #tpu.memory_space<vmem_shared>>) target(%arg13 : memref<64x64xf32, #tpu.memory_space<vmem>>) target_semaphore(%run_scoped3A : memref<!tpu.dma_semaphore, #tpu.memory_space<semaphore_mem>>)
      %dma_wait3A_215 = arith.constant 0 : i32
      %dma_wait3A_216 = tpu.memref_slice %arg25[%add3A_206, %dma_wait3A_215] : memref<10240x64xf32, #tpu.memory_space<vmem_shared>> -> memref<64x64xf32, #tpu.memory_space<vmem_shared>>
      %dma_wait3A_217 = arith.constant 0 : i32
      %dma_wait3A_218 = tpu.memref_slice %arg25[%add3A_206, %dma_wait3A_217] : memref<10240x64xf32, #tpu.memory_space<vmem_shared>> -> memref<64x64xf32, #tpu.memory_space<vmem_shared>>
      tpu.wait_dma2 semaphore(%run_scoped3A : memref<!tpu.dma_semaphore, #tpu.memory_space<semaphore_mem>>) src(%dma_wait3A_218 : memref<64x64xf32, #tpu.memory_space<vmem_shared>>) dst(%arg13 : memref<64x64xf32, #tpu.memory_space<vmem>>)
      tpu.yield
    }) : () -> ()
    "tpu.region"() ({
      %run_scoped3A = tpu.sem_alloc : memref<!tpu.dma_semaphore, #tpu.memory_space<semaphore_mem>>
      %dma_start3A_211 = arith.constant 0 : i32
      %dma_start3A_212 = tpu.memref_slice %arg5[%arg0, %add3A_206, %dma_start3A_211] : memref<2x10240x64xf32, #tpu.memory_space<hbm>> -> memref<1x64x64xf32, #tpu.memory_space<hbm>>
      %dma_start3A_213 = tpu.memref_squeeze %dma_start3A_212 : memref<1x64x64xf32, #tpu.memory_space<hbm>> -> memref<64x64xf32, #tpu.memory_space<hbm>>
      %dma_start3A_214 = arith.constant 0 : i32
      %dma_start3A_215 = tpu.memref_slice %arg5[%arg0, %add3A_206, %dma_start3A_214] : memref<2x10240x64xf32, #tpu.memory_space<hbm>> -> memref<1x64x64xf32, #tpu.memory_space<hbm>>
      %dma_start3A_216 = tpu.memref_squeeze %dma_start3A_215 : memref<1x64x64xf32, #tpu.memory_space<hbm>> -> memref<64x64xf32, #tpu.memory_space<hbm>>
      tpu.enqueue_dma source(%arg13 : memref<64x64xf32, #tpu.memory_space<vmem>>) target(%dma_start3A_216 : memref<64x64xf32, #tpu.memory_space<hbm>>) target_semaphore(%run_scoped3A : memref<!tpu.dma_semaphore, #tpu.memory_space<semaphore_mem>>)
      %dma_wait3A_217 = arith.constant 0 : i32
      %dma_wait3A_218 = tpu.memref_slice %arg5[%arg0, %add3A_206, %dma_wait3A_217] : memref<2x10240x64xf32, #tpu.memory_space<hbm>> -> memref<1x64x64xf32, #tpu.memory_space<hbm>>
      %dma_wait3A_219 = tpu.memref_squeeze %dma_wait3A_218 : memref<1x64x64xf32, #tpu.memory_space<hbm>> -> memref<64x64xf32, #tpu.memory_space<hbm>>
      %dma_wait3A_220 = arith.constant 0 : i32
      %dma_wait3A_221 = tpu.memref_slice %arg5[%arg0, %add3A_206, %dma_wait3A_220] : memref<2x10240x64xf32, #tpu.memory_space<hbm>> -> memref<1x64x64xf32, #tpu.memory_space<hbm>>
      %dma_wait3A_222 = tpu.memref_squeeze %dma_wait3A_221 : memref<1x64x64xf32, #tpu.memory_space<hbm>> -> memref<64x64xf32, #tpu.memory_space<hbm>>
      tpu.wait_dma2 semaphore(%run_scoped3A : memref<!tpu.dma_semaphore, #tpu.memory_space<semaphore_mem>>) src(%arg13 : memref<64x64xf32, #tpu.memory_space<vmem>>) dst(%dma_wait3A_222 : memref<64x64xf32, #tpu.memory_space<hbm>>)
      tpu.yield
    }) : () -> ()
    %add3A_207 = arith.constant 512 : i32
    %add3A_208 = arith.addi %mul3A_16, %add3A_207 : i32
    "tpu.region"() ({
      %run_scoped3A = tpu.sem_alloc : memref<!tpu.dma_semaphore, #tpu.memory_space<semaphore_mem>>
      %dma_start3A_211 = arith.constant 0 : i32
      %dma_start3A_212 = tpu.memref_slice %arg25[%add3A_208, %dma_start3A_211] : memref<10240x64xf32, #tpu.memory_space<vmem_shared>> -> memref<64x64xf32, #tpu.memory_space<vmem_shared>>
      %dma_start3A_213 = arith.constant 0 : i32
      %dma_start3A_214 = tpu.memref_slice %arg25[%add3A_208, %dma_start3A_213] : memref<10240x64xf32, #tpu.memory_space<vmem_shared>> -> memref<64x64xf32, #tpu.memory_space<vmem_shared>>
      tpu.enqueue_dma source(%dma_start3A_214 : memref<64x64xf32, #tpu.memory_space<vmem_shared>>) target(%arg13 : memref<64x64xf32, #tpu.memory_space<vmem>>) target_semaphore(%run_scoped3A : memref<!tpu.dma_semaphore, #tpu.memory_space<semaphore_mem>>)
      %dma_wait3A_215 = arith.constant 0 : i32
      %dma_wait3A_216 = tpu.memref_slice %arg25[%add3A_208, %dma_wait3A_215] : memref<10240x64xf32, #tpu.memory_space<vmem_shared>> -> memref<64x64xf32, #tpu.memory_space<vmem_shared>>
      %dma_wait3A_217 = arith.constant 0 : i32
      %dma_wait3A_218 = tpu.memref_slice %arg25[%add3A_208, %dma_wait3A_217] : memref<10240x64xf32, #tpu.memory_space<vmem_shared>> -> memref<64x64xf32, #tpu.memory_space<vmem_shared>>
      tpu.wait_dma2 semaphore(%run_scoped3A : memref<!tpu.dma_semaphore, #tpu.memory_space<semaphore_mem>>) src(%dma_wait3A_218 : memref<64x64xf32, #tpu.memory_space<vmem_shared>>) dst(%arg13 : memref<64x64xf32, #tpu.memory_space<vmem>>)
      tpu.yield
    }) : () -> ()
    "tpu.region"() ({
      %run_scoped3A = tpu.sem_alloc : memref<!tpu.dma_semaphore, #tpu.memory_space<semaphore_mem>>
      %dma_start3A_211 = arith.constant 0 : i32
      %dma_start3A_212 = tpu.memref_slice %arg5[%arg0, %add3A_208, %dma_start3A_211] : memref<2x10240x64xf32, #tpu.memory_space<hbm>> -> memref<1x64x64xf32, #tpu.memory_space<hbm>>
      %dma_start3A_213 = tpu.memref_squeeze %dma_start3A_212 : memref<1x64x64xf32, #tpu.memory_space<hbm>> -> memref<64x64xf32, #tpu.memory_space<hbm>>
      %dma_start3A_214 = arith.constant 0 : i32
      %dma_start3A_215 = tpu.memref_slice %arg5[%arg0, %add3A_208, %dma_start3A_214] : memref<2x10240x64xf32, #tpu.memory_space<hbm>> -> memref<1x64x64xf32, #tpu.memory_space<hbm>>
      %dma_start3A_216 = tpu.memref_squeeze %dma_start3A_215 : memref<1x64x64xf32, #tpu.memory_space<hbm>> -> memref<64x64xf32, #tpu.memory_space<hbm>>
      tpu.enqueue_dma source(%arg13 : memref<64x64xf32, #tpu.memory_space<vmem>>) target(%dma_start3A_216 : memref<64x64xf32, #tpu.memory_space<hbm>>) target_semaphore(%run_scoped3A : memref<!tpu.dma_semaphore, #tpu.memory_space<semaphore_mem>>)
      %dma_wait3A_217 = arith.constant 0 : i32
      %dma_wait3A_218 = tpu.memref_slice %arg5[%arg0, %add3A_208, %dma_wait3A_217] : memref<2x10240x64xf32, #tpu.memory_space<hbm>> -> memref<1x64x64xf32, #tpu.memory_space<hbm>>
      %dma_wait3A_219 = tpu.memref_squeeze %dma_wait3A_218 : memref<1x64x64xf32, #tpu.memory_space<hbm>> -> memref<64x64xf32, #tpu.memory_space<hbm>>
      %dma_wait3A_220 = arith.constant 0 : i32
      %dma_wait3A_221 = tpu.memref_slice %arg5[%arg0, %add3A_208, %dma_wait3A_220] : memref<2x10240x64xf32, #tpu.memory_space<hbm>> -> memref<1x64x64xf32, #tpu.memory_space<hbm>>
      %dma_wait3A_222 = tpu.memref_squeeze %dma_wait3A_221 : memref<1x64x64xf32, #tpu.memory_space<hbm>> -> memref<64x64xf32, #tpu.memory_space<hbm>>
      tpu.wait_dma2 semaphore(%run_scoped3A : memref<!tpu.dma_semaphore, #tpu.memory_space<semaphore_mem>>) src(%arg13 : memref<64x64xf32, #tpu.memory_space<vmem>>) dst(%dma_wait3A_222 : memref<64x64xf32, #tpu.memory_space<hbm>>)
      tpu.yield
    }) : () -> ()
    %add3A_209 = arith.constant 576 : i32
    %add3A_210 = arith.addi %mul3A_16, %add3A_209 : i32
    "tpu.region"() ({
      %run_scoped3A = tpu.sem_alloc : memref<!tpu.dma_semaphore, #tpu.memory_space<semaphore_mem>>
      %dma_start3A_211 = arith.constant 0 : i32
      %dma_start3A_212 = tpu.memref_slice %arg25[%add3A_210, %dma_start3A_211] : memref<10240x64xf32, #tpu.memory_space<vmem_shared>> -> memref<64x64xf32, #tpu.memory_space<vmem_shared>>
      %dma_start3A_213 = arith.constant 0 : i32
      %dma_start3A_214 = tpu.memref_slice %arg25[%add3A_210, %dma_start3A_213] : memref<10240x64xf32, #tpu.memory_space<vmem_shared>> -> memref<64x64xf32, #tpu.memory_space<vmem_shared>>
      tpu.enqueue_dma source(%dma_start3A_214 : memref<64x64xf32, #tpu.memory_space<vmem_shared>>) target(%arg13 : memref<64x64xf32, #tpu.memory_space<vmem>>) target_semaphore(%run_scoped3A : memref<!tpu.dma_semaphore, #tpu.memory_space<semaphore_mem>>)
      %dma_wait3A_215 = arith.constant 0 : i32
      %dma_wait3A_216 = tpu.memref_slice %arg25[%add3A_210, %dma_wait3A_215] : memref<10240x64xf32, #tpu.memory_space<vmem_shared>> -> memref<64x64xf32, #tpu.memory_space<vmem_shared>>
      %dma_wait3A_217 = arith.constant 0 : i32
      %dma_wait3A_218 = tpu.memref_slice %arg25[%add3A_210, %dma_wait3A_217] : memref<10240x64xf32, #tpu.memory_space<vmem_shared>> -> memref<64x64xf32, #tpu.memory_space<vmem_shared>>
      tpu.wait_dma2 semaphore(%run_scoped3A : memref<!tpu.dma_semaphore, #tpu.memory_space<semaphore_mem>>) src(%dma_wait3A_218 : memref<64x64xf32, #tpu.memory_space<vmem_shared>>) dst(%arg13 : memref<64x64xf32, #tpu.memory_space<vmem>>)
      tpu.yield
    }) : () -> ()
    "tpu.region"() ({
      %run_scoped3A = tpu.sem_alloc : memref<!tpu.dma_semaphore, #tpu.memory_space<semaphore_mem>>
      %dma_start3A_211 = arith.constant 0 : i32
      %dma_start3A_212 = tpu.memref_slice %arg5[%arg0, %add3A_210, %dma_start3A_211] : memref<2x10240x64xf32, #tpu.memory_space<hbm>> -> memref<1x64x64xf32, #tpu.memory_space<hbm>>
      %dma_start3A_213 = tpu.memref_squeeze %dma_start3A_212 : memref<1x64x64xf32, #tpu.memory_space<hbm>> -> memref<64x64xf32, #tpu.memory_space<hbm>>
      %dma_start3A_214 = arith.constant 0 : i32
      %dma_start3A_215 = tpu.memref_slice %arg5[%arg0, %add3A_210, %dma_start3A_214] : memref<2x10240x64xf32, #tpu.memory_space<hbm>> -> memref<1x64x64xf32, #tpu.memory_space<hbm>>
      %dma_start3A_216 = tpu.memref_squeeze %dma_start3A_215 : memref<1x64x64xf32, #tpu.memory_space<hbm>> -> memref<64x64xf32, #tpu.memory_space<hbm>>
      tpu.enqueue_dma source(%arg13 : memref<64x64xf32, #tpu.memory_space<vmem>>) target(%dma_start3A_216 : memref<64x64xf32, #tpu.memory_space<hbm>>) target_semaphore(%run_scoped3A : memref<!tpu.dma_semaphore, #tpu.memory_space<semaphore_mem>>)
      %dma_wait3A_217 = arith.constant 0 : i32
      %dma_wait3A_218 = tpu.memref_slice %arg5[%arg0, %add3A_210, %dma_wait3A_217] : memref<2x10240x64xf32, #tpu.memory_space<hbm>> -> memref<1x64x64xf32, #tpu.memory_space<hbm>>
      %dma_wait3A_219 = tpu.memref_squeeze %dma_wait3A_218 : memref<1x64x64xf32, #tpu.memory_space<hbm>> -> memref<64x64xf32, #tpu.memory_space<hbm>>
      %dma_wait3A_220 = arith.constant 0 : i32
      %dma_wait3A_221 = tpu.memref_slice %arg5[%arg0, %add3A_210, %dma_wait3A_220] : memref<2x10240x64xf32, #tpu.memory_space<hbm>> -> memref<1x64x64xf32, #tpu.memory_space<hbm>>
      %dma_wait3A_222 = tpu.memref_squeeze %dma_wait3A_221 : memref<1x64x64xf32, #tpu.memory_space<hbm>> -> memref<64x64xf32, #tpu.memory_space<hbm>>
      tpu.wait_dma2 semaphore(%run_scoped3A : memref<!tpu.dma_semaphore, #tpu.memory_space<semaphore_mem>>) src(%arg13 : memref<64x64xf32, #tpu.memory_space<vmem>>) dst(%dma_wait3A_222 : memref<64x64xf32, #tpu.memory_space<hbm>>)
      tpu.yield
    }) : () -> ()
    return
  }
}

#map = affine_map<(d0, d1) -> (0, 0)>
#map1 = affine_map<(d0, d1) -> (0, 0, 0)>
module attributes {stable_mosaic.version = 14 : i64} {
  func.func @k(%arg0: i32, %arg1: i32, %arg2: memref<10240x64xf32, #tpu.memory_space<hbm>>, %arg3: memref<2560x128xi32, #tpu.memory_space<hbm>>, %arg4: memref<2560x128xi32, #tpu.memory_space<hbm>>, %arg5: memref<2x10240x64xf32, #tpu.memory_space<hbm>>, %arg6: memref<80x128xi32, #tpu.memory_space<vmem>>, %arg7: memref<80x128xi32, #tpu.memory_space<vmem>>, %arg8: memref<128x64xf32, #tpu.memory_space<vmem>>, %arg9: memref<128x64xf32, #tpu.memory_space<vmem>>, %arg10: memref<128x64xf32, #tpu.memory_space<vmem>>, %arg11: memref<128x64xf32, #tpu.memory_space<vmem>>, %arg12: memref<128x64xf32, #tpu.memory_space<vmem>>, %arg13: memref<64x64xf32, #tpu.memory_space<vmem>>, %arg14: memref<!tpu.dma_semaphore, #tpu.memory_space<semaphore_mem>>, %arg15: memref<!tpu.dma_semaphore, #tpu.memory_space<semaphore_mem>>, %arg16: memref<!tpu.dma_semaphore, #tpu.memory_space<semaphore_mem>>, %arg17: memref<!tpu.dma_semaphore, #tpu.memory_space<semaphore_mem>>, %arg18: memref<!tpu.dma_semaphore, #tpu.memory_space<semaphore_mem>>, %arg19: memref<!tpu.dma_semaphore, #tpu.memory_space<semaphore_mem>>, %arg20: memref<!tpu.dma_semaphore, #tpu.memory_space<semaphore_mem>>, %arg21: memref<!tpu.dma_semaphore, #tpu.memory_space<semaphore_mem>>, %arg22: memref<!tpu.dma_semaphore, #tpu.memory_space<semaphore_mem>>, %arg23: memref<!tpu.dma_semaphore, #tpu.memory_space<semaphore_mem>>, %arg24: memref<!tpu.dma_semaphore, #tpu.memory_space<semaphore_mem>>, %arg25: memref<10240x64xf32, #tpu.memory_space<vmem_shared>>) attributes {dimension_semantics = [#tpu.dimension_semantics<core_parallel>, #tpu.dimension_semantics<subcore_parallel>], iteration_bounds = array<i64: 2, 16>, scalar_prefetch = 0 : i64, scratch_operands = 20 : i64, tpu.core_type = #tpu.core_type<sc_vector_subcore>, window_params = [{transform_indices = #map}, {transform_indices = #map}, {transform_indices = #map}, {transform_indices = #map1}]} {
    %mul3A = arith.constant 2 : i32
    %mul3A_0 = arith.muli %arg1, %mul3A : i32
    %add3A = arith.addi %mul3A_0, %arg0 : i32
    %mul3A_1 = arith.constant 80 : i32
    %mul3A_2 = arith.muli %add3A, %mul3A_1 : i32
    %dma_start3A = arith.constant 0 : i32
    %dma_start3A_3 = tpu.memref_slice %arg3[%mul3A_2, %dma_start3A] : memref<2560x128xi32, #tpu.memory_space<hbm>> -> memref<80x128xi32, #tpu.memory_space<hbm>>
    %dma_start3A_4 = arith.constant 0 : i32
    %dma_start3A_5 = tpu.memref_slice %arg3[%mul3A_2, %dma_start3A_4] : memref<2560x128xi32, #tpu.memory_space<hbm>> -> memref<80x128xi32, #tpu.memory_space<hbm>>
    tpu.enqueue_dma source(%dma_start3A_5 : memref<80x128xi32, #tpu.memory_space<hbm>>) target(%arg6 : memref<80x128xi32, #tpu.memory_space<vmem>>) target_semaphore(%arg14 : memref<!tpu.dma_semaphore, #tpu.memory_space<semaphore_mem>>)
    %dma_start3A_6 = arith.constant 0 : i32
    %dma_start3A_7 = tpu.memref_slice %arg4[%mul3A_2, %dma_start3A_6] : memref<2560x128xi32, #tpu.memory_space<hbm>> -> memref<80x128xi32, #tpu.memory_space<hbm>>
    %dma_start3A_8 = arith.constant 0 : i32
    %dma_start3A_9 = tpu.memref_slice %arg4[%mul3A_2, %dma_start3A_8] : memref<2560x128xi32, #tpu.memory_space<hbm>> -> memref<80x128xi32, #tpu.memory_space<hbm>>
    tpu.enqueue_dma source(%dma_start3A_9 : memref<80x128xi32, #tpu.memory_space<hbm>>) target(%arg7 : memref<80x128xi32, #tpu.memory_space<vmem>>) target_semaphore(%arg14 : memref<!tpu.dma_semaphore, #tpu.memory_space<semaphore_mem>>)
    %scan3A = arith.constant 0 : i32
    %scan3A_10 = arith.constant 0 : i32
    %scan3A_11 = arith.constant 256 : i32
    %scan3A_12 = arith.addi %scan3A_10, %scan3A_11 : i32
    %scan3A_13 = arith.constant 1 : i32
    scf.for %scan3A_211 = %scan3A_10 to %scan3A_12 step %scan3A_13  : i32 {
      %jit3A = arith.constant 4 : i32
      %div3A = arith.divsi %scan3A_211, %jit3A : i32
      %sign3A = arith.constant 0 : i32
      %sign3A_212 = arith.cmpi sgt, %scan3A_211, %sign3A : i32
      %sign3A_213 = arith.extui %sign3A_212 : i1 to i32
      %sign3A_214 = arith.constant 0 : i32
      %sign3A_215 = arith.cmpi slt, %scan3A_211, %sign3A_214 : i32
      %sign3A_216 = arith.extui %sign3A_215 : i1 to i32
      %sign3A_217 = arith.subi %sign3A_213, %sign3A_216 : i32
      %sign3A_218 = arith.constant 0 : i32
      %sign3A_219 = arith.cmpi sgt, %jit3A, %sign3A_218 : i32
      %sign3A_220 = arith.extui %sign3A_219 : i1 to i32
      %sign3A_221 = arith.constant 0 : i32
      %sign3A_222 = arith.cmpi slt, %jit3A, %sign3A_221 : i32
      %sign3A_223 = arith.extui %sign3A_222 : i1 to i32
      %sign3A_224 = arith.subi %sign3A_220, %sign3A_223 : i32
      %ne3A = arith.cmpi ne, %sign3A_217, %sign3A_224 : i32
      %rem3A = arith.remsi %scan3A_211, %jit3A : i32
      %ne3A_225 = arith.constant 0 : i32
      %ne3A_226 = arith.cmpi ne, %rem3A, %ne3A_225 : i32
      %and3A = arith.andi %ne3A, %ne3A_226 : i1
      %sub3A = arith.constant 1 : i32
      %sub3A_227 = arith.subi %div3A, %sub3A : i32
      %select_n3A = arith.select %and3A, %sub3A_227, %div3A : i32
      %jit3A_228 = arith.constant 4 : i32
      %eq3A = arith.constant 0 : i32
      %eq3A_229 = arith.cmpi eq, %jit3A_228, %eq3A : i32
      %jit3A_230 = arith.constant 1 : i32
      %select_n3A_231 = arith.select %eq3A_229, %jit3A_230, %jit3A_228 : i32
      %rem3A_232 = arith.remsi %scan3A_211, %select_n3A_231 : i32
      %ne3A_233 = arith.constant 0 : i32
      %ne3A_234 = arith.cmpi ne, %rem3A_232, %ne3A_233 : i32
      %lt3A = arith.constant 0 : i32
      %lt3A_235 = arith.cmpi slt, %rem3A_232, %lt3A : i32
      %lt3A_236 = arith.constant 0 : i32
      %lt3A_237 = arith.cmpi slt, %select_n3A_231, %lt3A_236 : i32
      %ne3A_238 = arith.xori %lt3A_235, %lt3A_237 : i1
      %and3A_239 = arith.andi %ne3A_238, %ne3A_234 : i1
      %add3A_240 = arith.addi %rem3A_232, %select_n3A_231 : i32
      %select_n3A_241 = arith.select %and3A_239, %add3A_240, %rem3A_232 : i32
      %mul3A_242 = arith.constant 16 : i32
      %mul3A_243 = arith.muli %select_n3A_241, %mul3A_242 : i32
      %broadcast_in_dim3A = arith.constant 0.000000e+00 : f32
      %broadcast_in_dim3A_244 = vector.broadcast %broadcast_in_dim3A : f32 to vector<16xf32>
      %swap3A = arith.index_cast %select_n3A : i32 to index
      %swap3A_245 = arith.index_cast %mul3A_243 : i32 to index
      %swap3A_246 = tpu.vector_load %arg13[%swap3A, %swap3A_245] {strides = array<i32>} : memref<64x64xf32, #tpu.memory_space<vmem>>, vector<1x16xf32>,
      %swap3A_247 = vector.shape_cast %swap3A_246 : vector<1x16xf32> to vector<16xf32>
      %swap3A_248 = vector.shape_cast %broadcast_in_dim3A_244 : vector<16xf32> to vector<1x16xf32>
      tpu.vector_store %arg13[%swap3A, %swap3A_245], %swap3A_248 {strides = array<i32>} : memref<64x64xf32, #tpu.memory_space<vmem>>, vector<1x16xf32>,
    }
    %scan3A_14 = arith.constant 256 : i32
    %mul3A_15 = arith.constant 640 : i32
    %mul3A_16 = arith.muli %arg1, %mul3A_15 : i32
    %add3A_17 = arith.constant 0 : i32
    %add3A_18 = arith.addi %mul3A_16, %add3A_17 : i32
    "tpu.region"() ({
      %run_scoped3A = tpu.sem_alloc : memref<!tpu.dma_semaphore, #tpu.memory_space<semaphore_mem>>
      %dma_start3A_211 = arith.constant 0 : i32
      %dma_start3A_212 = tpu.memref_slice %arg25[%add3A_18, %dma_start3A_211] : memref<10240x64xf32, #tpu.memory_space<vmem_shared>> -> memref<64x64xf32, #tpu.memory_space<vmem_shared>>
      %dma_start3A_213 = arith.constant 0 : i32
      %dma_start3A_214 = tpu.memref_slice %arg25[%add3A_18, %dma_start3A_213] : memref<10240x64xf32, #tpu.memory_space<vmem_shared>> -> memref<64x64xf32, #tpu.memory_space<vmem_shared>>
      tpu.enqueue_dma source(%arg13 : memref<64x64xf32, #tpu.memory_space<vmem>>) target(%dma_start3A_214 : memref<64x64xf32, #tpu.memory_space<vmem_shared>>) target_semaphore(%run_scoped3A : memref<!tpu.dma_semaphore, #tpu.memory_space<semaphore_mem>>)
      %dma_wait3A_215 = arith.constant 0 : i32
      %dma_wait3A_216 = tpu.memref_slice %arg25[%add3A_18, %dma_wait3A_215] : memref<10240x64xf32, #tpu.memory_space<vmem_shared>> -> memref<64x64xf32, #tpu.memory_space<vmem_shared>>
      %dma_wait3A_217 = arith.constant 0 : i32
      %dma_wait3A_218 = tpu.memref_slice %arg25[%add3A_18, %dma_wait3A_217] : memref<10240x64xf32, #tpu.memory_space<vmem_shared>> -> memref<64x64xf32, #tpu.memory_space<vmem_shared>>
      tpu.wait_dma2 semaphore(%run_scoped3A : memref<!tpu.dma_semaphore, #tpu.memory_space<semaphore_mem>>) src(%arg13 : memref<64x64xf32, #tpu.memory_space<vmem>>) dst(%dma_wait3A_218 : memref<64x64xf32, #tpu.memory_space<vmem_shared>>)
      tpu.yield
    }) : () -> ()
    %add3A_19 = arith.constant 64 : i32
    %add3A_20 = arith.addi %mul3A_16, %add3A_19 : i32
    "tpu.region"() ({
      %run_scoped3A = tpu.sem_alloc : memref<!tpu.dma_semaphore, #tpu.memory_space<semaphore_mem>>
      %dma_start3A_211 = arith.constant 0 : i32
      %dma_start3A_212 = tpu.memref_slice %arg25[%add3A_20, %dma_start3A_211] : memref<10240x64xf32, #tpu.memory_space<vmem_shared>> -> memref<64x64xf32, #tpu.memory_space<vmem_shared>>
      %dma_start3A_213 = arith.constant 0 : i32
      %dma_start3A_214 = tpu.memref_slice %arg25[%add3A_20, %dma_start3A_213] : memref<10240x64xf32, #tpu.memory_space<vmem_shared>> -> memref<64x64xf32, #tpu.memory_space<vmem_shared>>
      tpu.enqueue_dma source(%arg13 : memref<64x64xf32, #tpu.memory_space<vmem>>) target(%dma_start3A_214 : memref<64x64xf32, #tpu.memory_space<vmem_shared>>) target_semaphore(%run_scoped3A : memref<!tpu.dma_semaphore, #tpu.memory_space<semaphore_mem>>)
      %dma_wait3A_215 = arith.constant 0 : i32
      %dma_wait3A_216 = tpu.memref_slice %arg25[%add3A_20, %dma_wait3A_215] : memref<10240x64xf32, #tpu.memory_space<vmem_shared>> -> memref<64x64xf32, #tpu.memory_space<vmem_shared>>
      %dma_wait3A_217 = arith.constant 0 : i32
      %dma_wait3A_218 = tpu.memref_slice %arg25[%add3A_20, %dma_wait3A_217] : memref<10240x64xf32, #tpu.memory_space<vmem_shared>> -> memref<64x64xf32, #tpu.memory_space<vmem_shared>>
      tpu.wait_dma2 semaphore(%run_scoped3A : memref<!tpu.dma_semaphore, #tpu.memory_space<semaphore_mem>>) src(%arg13 : memref<64x64xf32, #tpu.memory_space<vmem>>) dst(%dma_wait3A_218 : memref<64x64xf32, #tpu.memory_space<vmem_shared>>)
      tpu.yield
    }) : () -> ()
    %add3A_21 = arith.constant 128 : i32
    %add3A_22 = arith.addi %mul3A_16, %add3A_21 : i32
    "tpu.region"() ({
      %run_scoped3A = tpu.sem_alloc : memref<!tpu.dma_semaphore, #tpu.memory_space<semaphore_mem>>
      %dma_start3A_211 = arith.constant 0 : i32
      %dma_start3A_212 = tpu.memref_slice %arg25[%add3A_22, %dma_start3A_211] : memref<10240x64xf32, #tpu.memory_space<vmem_shared>> -> memref<64x64xf32, #tpu.memory_space<vmem_shared>>
      %dma_start3A_213 = arith.constant 0 : i32
      %dma_start3A_214 = tpu.memref_slice %arg25[%add3A_22, %dma_start3A_213] : memref<10240x64xf32, #tpu.memory_space<vmem_shared>> -> memref<64x64xf32, #tpu.memory_space<vmem_shared>>
      tpu.enqueue_dma source(%arg13 : memref<64x64xf32, #tpu.memory_space<vmem>>) target(%dma_start3A_214 : memref<64x64xf32, #tpu.memory_space<vmem_shared>>) target_semaphore(%run_scoped3A : memref<!tpu.dma_semaphore, #tpu.memory_space<semaphore_mem>>)
      %dma_wait3A_215 = arith.constant 0 : i32
      %dma_wait3A_216 = tpu.memref_slice %arg25[%add3A_22, %dma_wait3A_215] : memref<10240x64xf32, #tpu.memory_space<vmem_shared>> -> memref<64x64xf32, #tpu.memory_space<vmem_shared>>
      %dma_wait3A_217 = arith.constant 0 : i32
      %dma_wait3A_218 = tpu.memref_slice %arg25[%add3A_22, %dma_wait3A_217] : memref<10240x64xf32, #tpu.memory_space<vmem_shared>> -> memref<64x64xf32, #tpu.memory_space<vmem_shared>>
      tpu.wait_dma2 semaphore(%run_scoped3A : memref<!tpu.dma_semaphore, #tpu.memory_space<semaphore_mem>>) src(%arg13 : memref<64x64xf32, #tpu.memory_space<vmem>>) dst(%dma_wait3A_218 : memref<64x64xf32, #tpu.memory_space<vmem_shared>>)
      tpu.yield
    }) : () -> ()
    %add3A_23 = arith.constant 192 : i32
    %add3A_24 = arith.addi %mul3A_16, %add3A_23 : i32
    "tpu.region"() ({
      %run_scoped3A = tpu.sem_alloc : memref<!tpu.dma_semaphore, #tpu.memory_space<semaphore_mem>>
      %dma_start3A_211 = arith.constant 0 : i32
      %dma_start3A_212 = tpu.memref_slice %arg25[%add3A_24, %dma_start3A_211] : memref<10240x64xf32, #tpu.memory_space<vmem_shared>> -> memref<64x64xf32, #tpu.memory_space<vmem_shared>>
      %dma_start3A_213 = arith.constant 0 : i32
      %dma_start3A_214 = tpu.memref_slice %arg25[%add3A_24, %dma_start3A_213] : memref<10240x64xf32, #tpu.memory_space<vmem_shared>> -> memref<64x64xf32, #tpu.memory_space<vmem_shared>>
      tpu.enqueue_dma source(%arg13 : memref<64x64xf32, #tpu.memory_space<vmem>>) target(%dma_start3A_214 : memref<64x64xf32, #tpu.memory_space<vmem_shared>>) target_semaphore(%run_scoped3A : memref<!tpu.dma_semaphore, #tpu.memory_space<semaphore_mem>>)
      %dma_wait3A_215 = arith.constant 0 : i32
      %dma_wait3A_216 = tpu.memref_slice %arg25[%add3A_24, %dma_wait3A_215] : memref<10240x64xf32, #tpu.memory_space<vmem_shared>> -> memref<64x64xf32, #tpu.memory_space<vmem_shared>>
      %dma_wait3A_217 = arith.constant 0 : i32
      %dma_wait3A_218 = tpu.memref_slice %arg25[%add3A_24, %dma_wait3A_217] : memref<10240x64xf32, #tpu.memory_space<vmem_shared>> -> memref<64x64xf32, #tpu.memory_space<vmem_shared>>
      tpu.wait_dma2 semaphore(%run_scoped3A : memref<!tpu.dma_semaphore, #tpu.memory_space<semaphore_mem>>) src(%arg13 : memref<64x64xf32, #tpu.memory_space<vmem>>) dst(%dma_wait3A_218 : memref<64x64xf32, #tpu.memory_space<vmem_shared>>)
      tpu.yield
    }) : () -> ()
    %add3A_25 = arith.constant 256 : i32
    %add3A_26 = arith.addi %mul3A_16, %add3A_25 : i32
    "tpu.region"() ({
      %run_scoped3A = tpu.sem_alloc : memref<!tpu.dma_semaphore, #tpu.memory_space<semaphore_mem>>
      %dma_start3A_211 = arith.constant 0 : i32
      %dma_start3A_212 = tpu.memref_slice %arg25[%add3A_26, %dma_start3A_211] : memref<10240x64xf32, #tpu.memory_space<vmem_shared>> -> memref<64x64xf32, #tpu.memory_space<vmem_shared>>
      %dma_start3A_213 = arith.constant 0 : i32
      %dma_start3A_214 = tpu.memref_slice %arg25[%add3A_26, %dma_start3A_213] : memref<10240x64xf32, #tpu.memory_space<vmem_shared>> -> memref<64x64xf32, #tpu.memory_space<vmem_shared>>
      tpu.enqueue_dma source(%arg13 : memref<64x64xf32, #tpu.memory_space<vmem>>) target(%dma_start3A_214 : memref<64x64xf32, #tpu.memory_space<vmem_shared>>) target_semaphore(%run_scoped3A : memref<!tpu.dma_semaphore, #tpu.memory_space<semaphore_mem>>)
      %dma_wait3A_215 = arith.constant 0 : i32
      %dma_wait3A_216 = tpu.memref_slice %arg25[%add3A_26, %dma_wait3A_215] : memref<10240x64xf32, #tpu.memory_space<vmem_shared>> -> memref<64x64xf32, #tpu.memory_space<vmem_shared>>
      %dma_wait3A_217 = arith.constant 0 : i32
      %dma_wait3A_218 = tpu.memref_slice %arg25[%add3A_26, %dma_wait3A_217] : memref<10240x64xf32, #tpu.memory_space<vmem_shared>> -> memref<64x64xf32, #tpu.memory_space<vmem_shared>>
      tpu.wait_dma2 semaphore(%run_scoped3A : memref<!tpu.dma_semaphore, #tpu.memory_space<semaphore_mem>>) src(%arg13 : memref<64x64xf32, #tpu.memory_space<vmem>>) dst(%dma_wait3A_218 : memref<64x64xf32, #tpu.memory_space<vmem_shared>>)
      tpu.yield
    }) : () -> ()
    %add3A_27 = arith.constant 320 : i32
    %add3A_28 = arith.addi %mul3A_16, %add3A_27 : i32
    "tpu.region"() ({
      %run_scoped3A = tpu.sem_alloc : memref<!tpu.dma_semaphore, #tpu.memory_space<semaphore_mem>>
      %dma_start3A_211 = arith.constant 0 : i32
      %dma_start3A_212 = tpu.memref_slice %arg25[%add3A_28, %dma_start3A_211] : memref<10240x64xf32, #tpu.memory_space<vmem_shared>> -> memref<64x64xf32, #tpu.memory_space<vmem_shared>>
      %dma_start3A_213 = arith.constant 0 : i32
      %dma_start3A_214 = tpu.memref_slice %arg25[%add3A_28, %dma_start3A_213] : memref<10240x64xf32, #tpu.memory_space<vmem_shared>> -> memref<64x64xf32, #tpu.memory_space<vmem_shared>>
      tpu.enqueue_dma source(%arg13 : memref<64x64xf32, #tpu.memory_space<vmem>>) target(%dma_start3A_214 : memref<64x64xf32, #tpu.memory_space<vmem_shared>>) target_semaphore(%run_scoped3A : memref<!tpu.dma_semaphore, #tpu.memory_space<semaphore_mem>>)
      %dma_wait3A_215 = arith.constant 0 : i32
      %dma_wait3A_216 = tpu.memref_slice %arg25[%add3A_28, %dma_wait3A_215] : memref<10240x64xf32, #tpu.memory_space<vmem_shared>> -> memref<64x64xf32, #tpu.memory_space<vmem_shared>>
      %dma_wait3A_217 = arith.constant 0 : i32
      %dma_wait3A_218 = tpu.memref_slice %arg25[%add3A_28, %dma_wait3A_217] : memref<10240x64xf32, #tpu.memory_space<vmem_shared>> -> memref<64x64xf32, #tpu.memory_space<vmem_shared>>
      tpu.wait_dma2 semaphore(%run_scoped3A : memref<!tpu.dma_semaphore, #tpu.memory_space<semaphore_mem>>) src(%arg13 : memref<64x64xf32, #tpu.memory_space<vmem>>) dst(%dma_wait3A_218 : memref<64x64xf32, #tpu.memory_space<vmem_shared>>)
      tpu.yield
    }) : () -> ()
    %add3A_29 = arith.constant 384 : i32
    %add3A_30 = arith.addi %mul3A_16, %add3A_29 : i32
    "tpu.region"() ({
      %run_scoped3A = tpu.sem_alloc : memref<!tpu.dma_semaphore, #tpu.memory_space<semaphore_mem>>
      %dma_start3A_211 = arith.constant 0 : i32
      %dma_start3A_212 = tpu.memref_slice %arg25[%add3A_30, %dma_start3A_211] : memref<10240x64xf32, #tpu.memory_space<vmem_shared>> -> memref<64x64xf32, #tpu.memory_space<vmem_shared>>
      %dma_start3A_213 = arith.constant 0 : i32
      %dma_start3A_214 = tpu.memref_slice %arg25[%add3A_30, %dma_start3A_213] : memref<10240x64xf32, #tpu.memory_space<vmem_shared>> -> memref<64x64xf32, #tpu.memory_space<vmem_shared>>
      tpu.enqueue_dma source(%arg13 : memref<64x64xf32, #tpu.memory_space<vmem>>) target(%dma_start3A_214 : memref<64x64xf32, #tpu.memory_space<vmem_shared>>) target_semaphore(%run_scoped3A : memref<!tpu.dma_semaphore, #tpu.memory_space<semaphore_mem>>)
      %dma_wait3A_215 = arith.constant 0 : i32
      %dma_wait3A_216 = tpu.memref_slice %arg25[%add3A_30, %dma_wait3A_215] : memref<10240x64xf32, #tpu.memory_space<vmem_shared>> -> memref<64x64xf32, #tpu.memory_space<vmem_shared>>
      %dma_wait3A_217 = arith.constant 0 : i32
      %dma_wait3A_218 = tpu.memref_slice %arg25[%add3A_30, %dma_wait3A_217] : memref<10240x64xf32, #tpu.memory_space<vmem_shared>> -> memref<64x64xf32, #tpu.memory_space<vmem_shared>>
      tpu.wait_dma2 semaphore(%run_scoped3A : memref<!tpu.dma_semaphore, #tpu.memory_space<semaphore_mem>>) src(%arg13 : memref<64x64xf32, #tpu.memory_space<vmem>>) dst(%dma_wait3A_218 : memref<64x64xf32, #tpu.memory_space<vmem_shared>>)
      tpu.yield
    }) : () -> ()
    %add3A_31 = arith.constant 448 : i32
    %add3A_32 = arith.addi %mul3A_16, %add3A_31 : i32
    "tpu.region"() ({
      %run_scoped3A = tpu.sem_alloc : memref<!tpu.dma_semaphore, #tpu.memory_space<semaphore_mem>>
      %dma_start3A_211 = arith.constant 0 : i32
      %dma_start3A_212 = tpu.memref_slice %arg25[%add3A_32, %dma_start3A_211] : memref<10240x64xf32, #tpu.memory_space<vmem_shared>> -> memref<64x64xf32, #tpu.memory_space<vmem_shared>>
      %dma_start3A_213 = arith.constant 0 : i32
      %dma_start3A_214 = tpu.memref_slice %arg25[%add3A_32, %dma_start3A_213] : memref<10240x64xf32, #tpu.memory_space<vmem_shared>> -> memref<64x64xf32, #tpu.memory_space<vmem_shared>>
      tpu.enqueue_dma source(%arg13 : memref<64x64xf32, #tpu.memory_space<vmem>>) target(%dma_start3A_214 : memref<64x64xf32, #tpu.memory_space<vmem_shared>>) target_semaphore(%run_scoped3A : memref<!tpu.dma_semaphore, #tpu.memory_space<semaphore_mem>>)
      %dma_wait3A_215 = arith.constant 0 : i32
      %dma_wait3A_216 = tpu.memref_slice %arg25[%add3A_32, %dma_wait3A_215] : memref<10240x64xf32, #tpu.memory_space<vmem_shared>> -> memref<64x64xf32, #tpu.memory_space<vmem_shared>>
      %dma_wait3A_217 = arith.constant 0 : i32
      %dma_wait3A_218 = tpu.memref_slice %arg25[%add3A_32, %dma_wait3A_217] : memref<10240x64xf32, #tpu.memory_space<vmem_shared>> -> memref<64x64xf32, #tpu.memory_space<vmem_shared>>
      tpu.wait_dma2 semaphore(%run_scoped3A : memref<!tpu.dma_semaphore, #tpu.memory_space<semaphore_mem>>) src(%arg13 : memref<64x64xf32, #tpu.memory_space<vmem>>) dst(%dma_wait3A_218 : memref<64x64xf32, #tpu.memory_space<vmem_shared>>)
      tpu.yield
    }) : () -> ()
    %add3A_33 = arith.constant 512 : i32
    %add3A_34 = arith.addi %mul3A_16, %add3A_33 : i32
    "tpu.region"() ({
      %run_scoped3A = tpu.sem_alloc : memref<!tpu.dma_semaphore, #tpu.memory_space<semaphore_mem>>
      %dma_start3A_211 = arith.constant 0 : i32
      %dma_start3A_212 = tpu.memref_slice %arg25[%add3A_34, %dma_start3A_211] : memref<10240x64xf32, #tpu.memory_space<vmem_shared>> -> memref<64x64xf32, #tpu.memory_space<vmem_shared>>
      %dma_start3A_213 = arith.constant 0 : i32
      %dma_start3A_214 = tpu.memref_slice %arg25[%add3A_34, %dma_start3A_213] : memref<10240x64xf32, #tpu.memory_space<vmem_shared>> -> memref<64x64xf32, #tpu.memory_space<vmem_shared>>
      tpu.enqueue_dma source(%arg13 : memref<64x64xf32, #tpu.memory_space<vmem>>) target(%dma_start3A_214 : memref<64x64xf32, #tpu.memory_space<vmem_shared>>) target_semaphore(%run_scoped3A : memref<!tpu.dma_semaphore, #tpu.memory_space<semaphore_mem>>)
      %dma_wait3A_215 = arith.constant 0 : i32
      %dma_wait3A_216 = tpu.memref_slice %arg25[%add3A_34, %dma_wait3A_215] : memref<10240x64xf32, #tpu.memory_space<vmem_shared>> -> memref<64x64xf32, #tpu.memory_space<vmem_shared>>
      %dma_wait3A_217 = arith.constant 0 : i32
      %dma_wait3A_218 = tpu.memref_slice %arg25[%add3A_34, %dma_wait3A_217] : memref<10240x64xf32, #tpu.memory_space<vmem_shared>> -> memref<64x64xf32, #tpu.memory_space<vmem_shared>>
      tpu.wait_dma2 semaphore(%run_scoped3A : memref<!tpu.dma_semaphore, #tpu.memory_space<semaphore_mem>>) src(%arg13 : memref<64x64xf32, #tpu.memory_space<vmem>>) dst(%dma_wait3A_218 : memref<64x64xf32, #tpu.memory_space<vmem_shared>>)
      tpu.yield
    }) : () -> ()
    %add3A_35 = arith.constant 576 : i32
    %add3A_36 = arith.addi %mul3A_16, %add3A_35 : i32
    "tpu.region"() ({
      %run_scoped3A = tpu.sem_alloc : memref<!tpu.dma_semaphore, #tpu.memory_space<semaphore_mem>>
      %dma_start3A_211 = arith.constant 0 : i32
      %dma_start3A_212 = tpu.memref_slice %arg25[%add3A_36, %dma_start3A_211] : memref<10240x64xf32, #tpu.memory_space<vmem_shared>> -> memref<64x64xf32, #tpu.memory_space<vmem_shared>>
      %dma_start3A_213 = arith.constant 0 : i32
      %dma_start3A_214 = tpu.memref_slice %arg25[%add3A_36, %dma_start3A_213] : memref<10240x64xf32, #tpu.memory_space<vmem_shared>> -> memref<64x64xf32, #tpu.memory_space<vmem_shared>>
      tpu.enqueue_dma source(%arg13 : memref<64x64xf32, #tpu.memory_space<vmem>>) target(%dma_start3A_214 : memref<64x64xf32, #tpu.memory_space<vmem_shared>>) target_semaphore(%run_scoped3A : memref<!tpu.dma_semaphore, #tpu.memory_space<semaphore_mem>>)
      %dma_wait3A_215 = arith.constant 0 : i32
      %dma_wait3A_216 = tpu.memref_slice %arg25[%add3A_36, %dma_wait3A_215] : memref<10240x64xf32, #tpu.memory_space<vmem_shared>> -> memref<64x64xf32, #tpu.memory_space<vmem_shared>>
      %dma_wait3A_217 = arith.constant 0 : i32
      %dma_wait3A_218 = tpu.memref_slice %arg25[%add3A_36, %dma_wait3A_217] : memref<10240x64xf32, #tpu.memory_space<vmem_shared>> -> memref<64x64xf32, #tpu.memory_space<vmem_shared>>
      tpu.wait_dma2 semaphore(%run_scoped3A : memref<!tpu.dma_semaphore, #tpu.memory_space<semaphore_mem>>) src(%arg13 : memref<64x64xf32, #tpu.memory_space<vmem>>) dst(%dma_wait3A_218 : memref<64x64xf32, #tpu.memory_space<vmem_shared>>)
      tpu.yield
    }) : () -> ()
    %barrier3A = arith.constant 0 : index
    tpu.barrier barrier_id(%barrier3A)
    %dma_wait3A = arith.constant 0 : i32
    %dma_wait3A_37 = tpu.memref_slice %arg3[%mul3A_2, %dma_wait3A] : memref<2560x128xi32, #tpu.memory_space<hbm>> -> memref<80x128xi32, #tpu.memory_space<hbm>>
    %dma_wait3A_38 = arith.constant 0 : i32
    %dma_wait3A_39 = tpu.memref_slice %arg3[%mul3A_2, %dma_wait3A_38] : memref<2560x128xi32, #tpu.memory_space<hbm>> -> memref<80x128xi32, #tpu.memory_space<hbm>>
    tpu.wait_dma2 semaphore(%arg14 : memref<!tpu.dma_semaphore, #tpu.memory_space<semaphore_mem>>) src(%dma_wait3A_39 : memref<80x128xi32, #tpu.memory_space<hbm>>) dst(%arg6 : memref<80x128xi32, #tpu.memory_space<vmem>>)
    %dma_wait3A_40 = arith.constant 0 : i32
    %dma_wait3A_41 = tpu.memref_slice %arg4[%mul3A_2, %dma_wait3A_40] : memref<2560x128xi32, #tpu.memory_space<hbm>> -> memref<80x128xi32, #tpu.memory_space<hbm>>
    %dma_wait3A_42 = arith.constant 0 : i32
    %dma_wait3A_43 = tpu.memref_slice %arg4[%mul3A_2, %dma_wait3A_42] : memref<2560x128xi32, #tpu.memory_space<hbm>> -> memref<80x128xi32, #tpu.memory_space<hbm>>
    tpu.wait_dma2 semaphore(%arg14 : memref<!tpu.dma_semaphore, #tpu.memory_space<semaphore_mem>>) src(%dma_wait3A_43 : memref<80x128xi32, #tpu.memory_space<hbm>>) dst(%arg7 : memref<80x128xi32, #tpu.memory_space<vmem>>)
    %dma_start3A_44 = arith.constant 0 : i32
    %dma_start3A_45 = arith.constant 0 : i32
    %dma_start3A_46 = tpu.memref_slice %arg6[%dma_start3A_44, %dma_start3A_45] : memref<80x128xi32, #tpu.memory_space<vmem>> -> memref<1x128xi32, #tpu.memory_space<vmem>>
    %dma_start3A_47 = tpu.memref_squeeze %dma_start3A_46 : memref<1x128xi32, #tpu.memory_space<vmem>> -> memref<128xi32, #tpu.memory_space<vmem>>
    %dma_start3A_48 = arith.constant 0 : i32
    %dma_start3A_49 = arith.constant 0 : i32
    %dma_start3A_50 = tpu.memref_slice %arg2[%dma_start3A_48, %dma_start3A_49] : memref<10240x64xf32, #tpu.memory_space<hbm>> -> memref<10240x64xf32, #tpu.memory_space<hbm>>
    tpu.enqueue_indirect_dma source(%dma_start3A_50 : memref<10240x64xf32, #tpu.memory_space<hbm>>) target(%arg8 : memref<128x64xf32, #tpu.memory_space<vmem>>) offsets(%dma_start3A_47 : memref<128xi32, #tpu.memory_space<vmem>>) semaphore(%arg15 : memref<!tpu.dma_semaphore, #tpu.memory_space<semaphore_mem>>)
    %dma_start3A_51 = arith.constant 1 : i32
    %dma_start3A_52 = arith.constant 0 : i32
    %dma_start3A_53 = tpu.memref_slice %arg6[%dma_start3A_51, %dma_start3A_52] : memref<80x128xi32, #tpu.memory_space<vmem>> -> memref<1x128xi32, #tpu.memory_space<vmem>>
    %dma_start3A_54 = tpu.memref_squeeze %dma_start3A_53 : memref<1x128xi32, #tpu.memory_space<vmem>> -> memref<128xi32, #tpu.memory_space<vmem>>
    %dma_start3A_55 = arith.constant 0 : i32
    %dma_start3A_56 = arith.constant 0 : i32
    %dma_start3A_57 = tpu.memref_slice %arg2[%dma_start3A_55, %dma_start3A_56] : memref<10240x64xf32, #tpu.memory_space<hbm>> -> memref<10240x64xf32, #tpu.memory_space<hbm>>
    tpu.enqueue_indirect_dma source(%dma_start3A_57 : memref<10240x64xf32, #tpu.memory_space<hbm>>) target(%arg9 : memref<128x64xf32, #tpu.memory_space<vmem>>) offsets(%dma_start3A_54 : memref<128xi32, #tpu.memory_space<vmem>>) semaphore(%arg16 : memref<!tpu.dma_semaphore, #tpu.memory_space<semaphore_mem>>)
    %dma_start3A_58 = arith.constant 2 : i32
    %dma_start3A_59 = arith.constant 0 : i32
    %dma_start3A_60 = tpu.memref_slice %arg6[%dma_start3A_58, %dma_start3A_59] : memref<80x128xi32, #tpu.memory_space<vmem>> -> memref<1x128xi32, #tpu.memory_space<vmem>>
    %dma_start3A_61 = tpu.memref_squeeze %dma_start3A_60 : memref<1x128xi32, #tpu.memory_space<vmem>> -> memref<128xi32, #tpu.memory_space<vmem>>
    %dma_start3A_62 = arith.constant 0 : i32
    %dma_start3A_63 = arith.constant 0 : i32
    %dma_start3A_64 = tpu.memref_slice %arg2[%dma_start3A_62, %dma_start3A_63] : memref<10240x64xf32, #tpu.memory_space<hbm>> -> memref<10240x64xf32, #tpu.memory_space<hbm>>
    tpu.enqueue_indirect_dma source(%dma_start3A_64 : memref<10240x64xf32, #tpu.memory_space<hbm>>) target(%arg10 : memref<128x64xf32, #tpu.memory_space<vmem>>) offsets(%dma_start3A_61 : memref<128xi32, #tpu.memory_space<vmem>>) semaphore(%arg17 : memref<!tpu.dma_semaphore, #tpu.memory_space<semaphore_mem>>)
    %dma_start3A_65 = arith.constant 3 : i32
    %dma_start3A_66 = arith.constant 0 : i32
    %dma_start3A_67 = tpu.memref_slice %arg6[%dma_start3A_65, %dma_start3A_66] : memref<80x128xi32, #tpu.memory_space<vmem>> -> memref<1x128xi32, #tpu.memory_space<vmem>>
    %dma_start3A_68 = tpu.memref_squeeze %dma_start3A_67 : memref<1x128xi32, #tpu.memory_space<vmem>> -> memref<128xi32, #tpu.memory_space<vmem>>
    %dma_start3A_69 = arith.constant 0 : i32
    %dma_start3A_70 = arith.constant 0 : i32
    %dma_start3A_71 = tpu.memref_slice %arg2[%dma_start3A_69, %dma_start3A_70] : memref<10240x64xf32, #tpu.memory_space<hbm>> -> memref<10240x64xf32, #tpu.memory_space<hbm>>
    tpu.enqueue_indirect_dma source(%dma_start3A_71 : memref<10240x64xf32, #tpu.memory_space<hbm>>) target(%arg11 : memref<128x64xf32, #tpu.memory_space<vmem>>) offsets(%dma_start3A_68 : memref<128xi32, #tpu.memory_space<vmem>>) semaphore(%arg18 : memref<!tpu.dma_semaphore, #tpu.memory_space<semaphore_mem>>)
    %dma_start3A_72 = arith.constant 4 : i32
    %dma_start3A_73 = arith.constant 0 : i32
    %dma_start3A_74 = tpu.memref_slice %arg6[%dma_start3A_72, %dma_start3A_73] : memref<80x128xi32, #tpu.memory_space<vmem>> -> memref<1x128xi32, #tpu.memory_space<vmem>>
    %dma_start3A_75 = tpu.memref_squeeze %dma_start3A_74 : memref<1x128xi32, #tpu.memory_space<vmem>> -> memref<128xi32, #tpu.memory_space<vmem>>
    %dma_start3A_76 = arith.constant 0 : i32
    %dma_start3A_77 = arith.constant 0 : i32
    %dma_start3A_78 = tpu.memref_slice %arg2[%dma_start3A_76, %dma_start3A_77] : memref<10240x64xf32, #tpu.memory_space<hbm>> -> memref<10240x64xf32, #tpu.memory_space<hbm>>
    tpu.enqueue_indirect_dma source(%dma_start3A_78 : memref<10240x64xf32, #tpu.memory_space<hbm>>) target(%arg12 : memref<128x64xf32, #tpu.memory_space<vmem>>) offsets(%dma_start3A_75 : memref<128xi32, #tpu.memory_space<vmem>>) semaphore(%arg19 : memref<!tpu.dma_semaphore, #tpu.memory_space<semaphore_mem>>)
    %scan3A_79 = arith.constant 0 : i32
    %scan3A_80 = arith.constant 0 : i32
    %scan3A_81 = arith.constant 15 : i32
    %scan3A_82 = arith.addi %scan3A_80, %scan3A_81 : i32
    %scan3A_83 = arith.constant 1 : i32
    scf.for %scan3A_211 = %scan3A_80 to %scan3A_82 step %scan3A_83  : i32 {
      %mul3A_212 = arith.constant 5 : i32
      %mul3A_213 = arith.muli %scan3A_211, %mul3A_212 : i32
      %dma_wait3A_214 = arith.constant 0 : i32
      %dma_wait3A_215 = arith.constant 0 : i32
      %dma_wait3A_216 = tpu.memref_slice %arg6[%dma_wait3A_214, %dma_wait3A_215] : memref<80x128xi32, #tpu.memory_space<vmem>> -> memref<1x128xi32, #tpu.memory_space<vmem>>
      %dma_wait3A_217 = tpu.memref_squeeze %dma_wait3A_216 : memref<1x128xi32, #tpu.memory_space<vmem>> -> memref<128xi32, #tpu.memory_space<vmem>>
      %dma_wait3A_218 = arith.constant 0 : i32
      %dma_wait3A_219 = arith.constant 0 : i32
      %dma_wait3A_220 = tpu.memref_slice %arg2[%dma_wait3A_218, %dma_wait3A_219] : memref<10240x64xf32, #tpu.memory_space<hbm>> -> memref<10240x64xf32, #tpu.memory_space<hbm>>
      tpu.wait_indirect_dma semaphore(%arg15 : memref<!tpu.dma_semaphore, #tpu.memory_space<semaphore_mem>>) src(%dma_wait3A_220 : memref<10240x64xf32, #tpu.memory_space<hbm>>) dst(%arg8 : memref<128x64xf32, #tpu.memory_space<vmem>>)
      %add3A_221 = arith.constant 0 : i32
      %add3A_222 = arith.addi %mul3A_213, %add3A_221 : i32
      %dma_start3A_223 = arith.constant 0 : i32
      %dma_start3A_224 = tpu.memref_slice %arg7[%add3A_222, %dma_start3A_223] : memref<80x128xi32, #tpu.memory_space<vmem>> -> memref<1x128xi32, #tpu.memory_space<vmem>>
      %dma_start3A_225 = tpu.memref_squeeze %dma_start3A_224 : memref<1x128xi32, #tpu.memory_space<vmem>> -> memref<128xi32, #tpu.memory_space<vmem>>
      %dma_start3A_226 = arith.constant 0 : i32
      %dma_start3A_227 = arith.constant 0 : i32
      %dma_start3A_228 = tpu.memref_slice %arg25[%dma_start3A_226, %dma_start3A_227] : memref<10240x64xf32, #tpu.memory_space<vmem_shared>> -> memref<10240x64xf32, #tpu.memory_space<vmem_shared>>
      tpu.enqueue_indirect_dma source(%arg8 : memref<128x64xf32, #tpu.memory_space<vmem>>) target(%dma_start3A_228 : memref<10240x64xf32, #tpu.memory_space<vmem_shared>>) offsets(%dma_start3A_225 : memref<128xi32, #tpu.memory_space<vmem>>) semaphore(%arg20 : memref<!tpu.dma_semaphore, #tpu.memory_space<semaphore_mem>>) {add = true}
      %dma_wait3A_229 = arith.constant 0 : i32
      %dma_wait3A_230 = arith.constant 0 : i32
      %dma_wait3A_231 = tpu.memref_slice %arg6[%dma_wait3A_229, %dma_wait3A_230] : memref<80x128xi32, #tpu.memory_space<vmem>> -> memref<1x128xi32, #tpu.memory_space<vmem>>
      %dma_wait3A_232 = tpu.memref_squeeze %dma_wait3A_231 : memref<1x128xi32, #tpu.memory_space<vmem>> -> memref<128xi32, #tpu.memory_space<vmem>>
      %dma_wait3A_233 = arith.constant 0 : i32
      %dma_wait3A_234 = arith.constant 0 : i32
      %dma_wait3A_235 = tpu.memref_slice %arg2[%dma_wait3A_233, %dma_wait3A_234] : memref<10240x64xf32, #tpu.memory_space<hbm>> -> memref<10240x64xf32, #tpu.memory_space<hbm>>
      tpu.wait_indirect_dma semaphore(%arg16 : memref<!tpu.dma_semaphore, #tpu.memory_space<semaphore_mem>>) src(%dma_wait3A_235 : memref<10240x64xf32, #tpu.memory_space<hbm>>) dst(%arg9 : memref<128x64xf32, #tpu.memory_space<vmem>>)
      %add3A_236 = arith.constant 1 : i32
      %add3A_237 = arith.addi %mul3A_213, %add3A_236 : i32
      %dma_start3A_238 = arith.constant 0 : i32
      %dma_start3A_239 = tpu.memref_slice %arg7[%add3A_237, %dma_start3A_238] : memref<80x128xi32, #tpu.memory_space<vmem>> -> memref<1x128xi32, #tpu.memory_space<vmem>>
      %dma_start3A_240 = tpu.memref_squeeze %dma_start3A_239 : memref<1x128xi32, #tpu.memory_space<vmem>> -> memref<128xi32, #tpu.memory_space<vmem>>
      %dma_start3A_241 = arith.constant 0 : i32
      %dma_start3A_242 = arith.constant 0 : i32
      %dma_start3A_243 = tpu.memref_slice %arg25[%dma_start3A_241, %dma_start3A_242] : memref<10240x64xf32, #tpu.memory_space<vmem_shared>> -> memref<10240x64xf32, #tpu.memory_space<vmem_shared>>
      tpu.enqueue_indirect_dma source(%arg9 : memref<128x64xf32, #tpu.memory_space<vmem>>) target(%dma_start3A_243 : memref<10240x64xf32, #tpu.memory_space<vmem_shared>>) offsets(%dma_start3A_240 : memref<128xi32, #tpu.memory_space<vmem>>) semaphore(%arg21 : memref<!tpu.dma_semaphore, #tpu.memory_space<semaphore_mem>>) {add = true}
      %dma_wait3A_244 = arith.constant 0 : i32
      %dma_wait3A_245 = arith.constant 0 : i32
      %dma_wait3A_246 = tpu.memref_slice %arg6[%dma_wait3A_244, %dma_wait3A_245] : memref<80x128xi32, #tpu.memory_space<vmem>> -> memref<1x128xi32, #tpu.memory_space<vmem>>
      %dma_wait3A_247 = tpu.memref_squeeze %dma_wait3A_246 : memref<1x128xi32, #tpu.memory_space<vmem>> -> memref<128xi32, #tpu.memory_space<vmem>>
      %dma_wait3A_248 = arith.constant 0 : i32
      %dma_wait3A_249 = arith.constant 0 : i32
      %dma_wait3A_250 = tpu.memref_slice %arg2[%dma_wait3A_248, %dma_wait3A_249] : memref<10240x64xf32, #tpu.memory_space<hbm>> -> memref<10240x64xf32, #tpu.memory_space<hbm>>
      tpu.wait_indirect_dma semaphore(%arg17 : memref<!tpu.dma_semaphore, #tpu.memory_space<semaphore_mem>>) src(%dma_wait3A_250 : memref<10240x64xf32, #tpu.memory_space<hbm>>) dst(%arg10 : memref<128x64xf32, #tpu.memory_space<vmem>>)
      %add3A_251 = arith.constant 2 : i32
      %add3A_252 = arith.addi %mul3A_213, %add3A_251 : i32
      %dma_start3A_253 = arith.constant 0 : i32
      %dma_start3A_254 = tpu.memref_slice %arg7[%add3A_252, %dma_start3A_253] : memref<80x128xi32, #tpu.memory_space<vmem>> -> memref<1x128xi32, #tpu.memory_space<vmem>>
      %dma_start3A_255 = tpu.memref_squeeze %dma_start3A_254 : memref<1x128xi32, #tpu.memory_space<vmem>> -> memref<128xi32, #tpu.memory_space<vmem>>
      %dma_start3A_256 = arith.constant 0 : i32
      %dma_start3A_257 = arith.constant 0 : i32
      %dma_start3A_258 = tpu.memref_slice %arg25[%dma_start3A_256, %dma_start3A_257] : memref<10240x64xf32, #tpu.memory_space<vmem_shared>> -> memref<10240x64xf32, #tpu.memory_space<vmem_shared>>
      tpu.enqueue_indirect_dma source(%arg10 : memref<128x64xf32, #tpu.memory_space<vmem>>) target(%dma_start3A_258 : memref<10240x64xf32, #tpu.memory_space<vmem_shared>>) offsets(%dma_start3A_255 : memref<128xi32, #tpu.memory_space<vmem>>) semaphore(%arg22 : memref<!tpu.dma_semaphore, #tpu.memory_space<semaphore_mem>>) {add = true}
      %dma_wait3A_259 = arith.constant 0 : i32
      %dma_wait3A_260 = arith.constant 0 : i32
      %dma_wait3A_261 = tpu.memref_slice %arg6[%dma_wait3A_259, %dma_wait3A_260] : memref<80x128xi32, #tpu.memory_space<vmem>> -> memref<1x128xi32, #tpu.memory_space<vmem>>
      %dma_wait3A_262 = tpu.memref_squeeze %dma_wait3A_261 : memref<1x128xi32, #tpu.memory_space<vmem>> -> memref<128xi32, #tpu.memory_space<vmem>>
      %dma_wait3A_263 = arith.constant 0 : i32
      %dma_wait3A_264 = arith.constant 0 : i32
      %dma_wait3A_265 = tpu.memref_slice %arg2[%dma_wait3A_263, %dma_wait3A_264] : memref<10240x64xf32, #tpu.memory_space<hbm>> -> memref<10240x64xf32, #tpu.memory_space<hbm>>
      tpu.wait_indirect_dma semaphore(%arg18 : memref<!tpu.dma_semaphore, #tpu.memory_space<semaphore_mem>>) src(%dma_wait3A_265 : memref<10240x64xf32, #tpu.memory_space<hbm>>) dst(%arg11 : memref<128x64xf32, #tpu.memory_space<vmem>>)
      %add3A_266 = arith.constant 3 : i32
      %add3A_267 = arith.addi %mul3A_213, %add3A_266 : i32
      %dma_start3A_268 = arith.constant 0 : i32
      %dma_start3A_269 = tpu.memref_slice %arg7[%add3A_267, %dma_start3A_268] : memref<80x128xi32, #tpu.memory_space<vmem>> -> memref<1x128xi32, #tpu.memory_space<vmem>>
      %dma_start3A_270 = tpu.memref_squeeze %dma_start3A_269 : memref<1x128xi32, #tpu.memory_space<vmem>> -> memref<128xi32, #tpu.memory_space<vmem>>
      %dma_start3A_271 = arith.constant 0 : i32
      %dma_start3A_272 = arith.constant 0 : i32
      %dma_start3A_273 = tpu.memref_slice %arg25[%dma_start3A_271, %dma_start3A_272] : memref<10240x64xf32, #tpu.memory_space<vmem_shared>> -> memref<10240x64xf32, #tpu.memory_space<vmem_shared>>
      tpu.enqueue_indirect_dma source(%arg11 : memref<128x64xf32, #tpu.memory_space<vmem>>) target(%dma_start3A_273 : memref<10240x64xf32, #tpu.memory_space<vmem_shared>>) offsets(%dma_start3A_270 : memref<128xi32, #tpu.memory_space<vmem>>) semaphore(%arg23 : memref<!tpu.dma_semaphore, #tpu.memory_space<semaphore_mem>>) {add = true}
      %dma_wait3A_274 = arith.constant 0 : i32
      %dma_wait3A_275 = arith.constant 0 : i32
      %dma_wait3A_276 = tpu.memref_slice %arg6[%dma_wait3A_274, %dma_wait3A_275] : memref<80x128xi32, #tpu.memory_space<vmem>> -> memref<1x128xi32, #tpu.memory_space<vmem>>
      %dma_wait3A_277 = tpu.memref_squeeze %dma_wait3A_276 : memref<1x128xi32, #tpu.memory_space<vmem>> -> memref<128xi32, #tpu.memory_space<vmem>>
      %dma_wait3A_278 = arith.constant 0 : i32
      %dma_wait3A_279 = arith.constant 0 : i32
      %dma_wait3A_280 = tpu.memref_slice %arg2[%dma_wait3A_278, %dma_wait3A_279] : memref<10240x64xf32, #tpu.memory_space<hbm>> -> memref<10240x64xf32, #tpu.memory_space<hbm>>
      tpu.wait_indirect_dma semaphore(%arg19 : memref<!tpu.dma_semaphore, #tpu.memory_space<semaphore_mem>>) src(%dma_wait3A_280 : memref<10240x64xf32, #tpu.memory_space<hbm>>) dst(%arg12 : memref<128x64xf32, #tpu.memory_space<vmem>>)
      %add3A_281 = arith.constant 4 : i32
      %add3A_282 = arith.addi %mul3A_213, %add3A_281 : i32
      %dma_start3A_283 = arith.constant 0 : i32
      %dma_start3A_284 = tpu.memref_slice %arg7[%add3A_282, %dma_start3A_283] : memref<80x128xi32, #tpu.memory_space<vmem>> -> memref<1x128xi32, #tpu.memory_space<vmem>>
      %dma_start3A_285 = tpu.memref_squeeze %dma_start3A_284 : memref<1x128xi32, #tpu.memory_space<vmem>> -> memref<128xi32, #tpu.memory_space<vmem>>
      %dma_start3A_286 = arith.constant 0 : i32
      %dma_start3A_287 = arith.constant 0 : i32
      %dma_start3A_288 = tpu.memref_slice %arg25[%dma_start3A_286, %dma_start3A_287] : memref<10240x64xf32, #tpu.memory_space<vmem_shared>> -> memref<10240x64xf32, #tpu.memory_space<vmem_shared>>
      tpu.enqueue_indirect_dma source(%arg12 : memref<128x64xf32, #tpu.memory_space<vmem>>) target(%dma_start3A_288 : memref<10240x64xf32, #tpu.memory_space<vmem_shared>>) offsets(%dma_start3A_285 : memref<128xi32, #tpu.memory_space<vmem>>) semaphore(%arg24 : memref<!tpu.dma_semaphore, #tpu.memory_space<semaphore_mem>>) {add = true}
      %dma_wait3A_289 = arith.constant 0 : i32
      %dma_wait3A_290 = arith.constant 0 : i32
      %dma_wait3A_291 = tpu.memref_slice %arg7[%dma_wait3A_289, %dma_wait3A_290] : memref<80x128xi32, #tpu.memory_space<vmem>> -> memref<1x128xi32, #tpu.memory_space<vmem>>
      %dma_wait3A_292 = tpu.memref_squeeze %dma_wait3A_291 : memref<1x128xi32, #tpu.memory_space<vmem>> -> memref<128xi32, #tpu.memory_space<vmem>>
      %dma_wait3A_293 = arith.constant 0 : i32
      %dma_wait3A_294 = arith.constant 0 : i32
      %dma_wait3A_295 = tpu.memref_slice %arg25[%dma_wait3A_293, %dma_wait3A_294] : memref<10240x64xf32, #tpu.memory_space<vmem_shared>> -> memref<10240x64xf32, #tpu.memory_space<vmem_shared>>
      tpu.wait_indirect_dma semaphore(%arg20 : memref<!tpu.dma_semaphore, #tpu.memory_space<semaphore_mem>>) src(%arg8 : memref<128x64xf32, #tpu.memory_space<vmem>>) dst(%dma_wait3A_295 : memref<10240x64xf32, #tpu.memory_space<vmem_shared>>)
      %add3A_296 = arith.constant 5 : i32
      %add3A_297 = arith.addi %mul3A_213, %add3A_296 : i32
      %add3A_298 = arith.constant 0 : i32
      %add3A_299 = arith.addi %add3A_297, %add3A_298 : i32
      %dma_start3A_300 = arith.constant 0 : i32
      %dma_start3A_301 = tpu.memref_slice %arg6[%add3A_299, %dma_start3A_300] : memref<80x128xi32, #tpu.memory_space<vmem>> -> memref<1x128xi32, #tpu.memory_space<vmem>>
      %dma_start3A_302 = tpu.memref_squeeze %dma_start3A_301 : memref<1x128xi32, #tpu.memory_space<vmem>> -> memref<128xi32, #tpu.memory_space<vmem>>
      %dma_start3A_303 = arith.constant 0 : i32
      %dma_start3A_304 = arith.constant 0 : i32
      %dma_start3A_305 = tpu.memref_slice %arg2[%dma_start3A_303, %dma_start3A_304] : memref<10240x64xf32, #tpu.memory_space<hbm>> -> memref<10240x64xf32, #tpu.memory_space<hbm>>
      tpu.enqueue_indirect_dma source(%dma_start3A_305 : memref<10240x64xf32, #tpu.memory_space<hbm>>) target(%arg8 : memref<128x64xf32, #tpu.memory_space<vmem>>) offsets(%dma_start3A_302 : memref<128xi32, #tpu.memory_space<vmem>>) semaphore(%arg15 : memref<!tpu.dma_semaphore, #tpu.memory_space<semaphore_mem>>)
      %dma_wait3A_306 = arith.constant 0 : i32
      %dma_wait3A_307 = arith.constant 0 : i32
      %dma_wait3A_308 = tpu.memref_slice %arg7[%dma_wait3A_306, %dma_wait3A_307] : memref<80x128xi32, #tpu.memory_space<vmem>> -> memref<1x128xi32, #tpu.memory_space<vmem>>
      %dma_wait3A_309 = tpu.memref_squeeze %dma_wait3A_308 : memref<1x128xi32, #tpu.memory_space<vmem>> -> memref<128xi32, #tpu.memory_space<vmem>>
      %dma_wait3A_310 = arith.constant 0 : i32
      %dma_wait3A_311 = arith.constant 0 : i32
      %dma_wait3A_312 = tpu.memref_slice %arg25[%dma_wait3A_310, %dma_wait3A_311] : memref<10240x64xf32, #tpu.memory_space<vmem_shared>> -> memref<10240x64xf32, #tpu.memory_space<vmem_shared>>
      tpu.wait_indirect_dma semaphore(%arg21 : memref<!tpu.dma_semaphore, #tpu.memory_space<semaphore_mem>>) src(%arg9 : memref<128x64xf32, #tpu.memory_space<vmem>>) dst(%dma_wait3A_312 : memref<10240x64xf32, #tpu.memory_space<vmem_shared>>)
      %add3A_313 = arith.constant 5 : i32
      %add3A_314 = arith.addi %mul3A_213, %add3A_313 : i32
      %add3A_315 = arith.constant 1 : i32
      %add3A_316 = arith.addi %add3A_314, %add3A_315 : i32
      %dma_start3A_317 = arith.constant 0 : i32
      %dma_start3A_318 = tpu.memref_slice %arg6[%add3A_316, %dma_start3A_317] : memref<80x128xi32, #tpu.memory_space<vmem>> -> memref<1x128xi32, #tpu.memory_space<vmem>>
      %dma_start3A_319 = tpu.memref_squeeze %dma_start3A_318 : memref<1x128xi32, #tpu.memory_space<vmem>> -> memref<128xi32, #tpu.memory_space<vmem>>
      %dma_start3A_320 = arith.constant 0 : i32
      %dma_start3A_321 = arith.constant 0 : i32
      %dma_start3A_322 = tpu.memref_slice %arg2[%dma_start3A_320, %dma_start3A_321] : memref<10240x64xf32, #tpu.memory_space<hbm>> -> memref<10240x64xf32, #tpu.memory_space<hbm>>
      tpu.enqueue_indirect_dma source(%dma_start3A_322 : memref<10240x64xf32, #tpu.memory_space<hbm>>) target(%arg9 : memref<128x64xf32, #tpu.memory_space<vmem>>) offsets(%dma_start3A_319 : memref<128xi32, #tpu.memory_space<vmem>>) semaphore(%arg16 : memref<!tpu.dma_semaphore, #tpu.memory_space<semaphore_mem>>)
      %dma_wait3A_323 = arith.constant 0 : i32
      %dma_wait3A_324 = arith.constant 0 : i32
      %dma_wait3A_325 = tpu.memref_slice %arg7[%dma_wait3A_323, %dma_wait3A_324] : memref<80x128xi32, #tpu.memory_space<vmem>> -> memref<1x128xi32, #tpu.memory_space<vmem>>
      %dma_wait3A_326 = tpu.memref_squeeze %dma_wait3A_325 : memref<1x128xi32, #tpu.memory_space<vmem>> -> memref<128xi32, #tpu.memory_space<vmem>>
      %dma_wait3A_327 = arith.constant 0 : i32
      %dma_wait3A_328 = arith.constant 0 : i32
      %dma_wait3A_329 = tpu.memref_slice %arg25[%dma_wait3A_327, %dma_wait3A_328] : memref<10240x64xf32, #tpu.memory_space<vmem_shared>> -> memref<10240x64xf32, #tpu.memory_space<vmem_shared>>
      tpu.wait_indirect_dma semaphore(%arg22 : memref<!tpu.dma_semaphore, #tpu.memory_space<semaphore_mem>>) src(%arg10 : memref<128x64xf32, #tpu.memory_space<vmem>>) dst(%dma_wait3A_329 : memref<10240x64xf32, #tpu.memory_space<vmem_shared>>)
      %add3A_330 = arith.constant 5 : i32
      %add3A_331 = arith.addi %mul3A_213, %add3A_330 : i32
      %add3A_332 = arith.constant 2 : i32
      %add3A_333 = arith.addi %add3A_331, %add3A_332 : i32
      %dma_start3A_334 = arith.constant 0 : i32
      %dma_start3A_335 = tpu.memref_slice %arg6[%add3A_333, %dma_start3A_334] : memref<80x128xi32, #tpu.memory_space<vmem>> -> memref<1x128xi32, #tpu.memory_space<vmem>>
      %dma_start3A_336 = tpu.memref_squeeze %dma_start3A_335 : memref<1x128xi32, #tpu.memory_space<vmem>> -> memref<128xi32, #tpu.memory_space<vmem>>
      %dma_start3A_337 = arith.constant 0 : i32
      %dma_start3A_338 = arith.constant 0 : i32
      %dma_start3A_339 = tpu.memref_slice %arg2[%dma_start3A_337, %dma_start3A_338] : memref<10240x64xf32, #tpu.memory_space<hbm>> -> memref<10240x64xf32, #tpu.memory_space<hbm>>
      tpu.enqueue_indirect_dma source(%dma_start3A_339 : memref<10240x64xf32, #tpu.memory_space<hbm>>) target(%arg10 : memref<128x64xf32, #tpu.memory_space<vmem>>) offsets(%dma_start3A_336 : memref<128xi32, #tpu.memory_space<vmem>>) semaphore(%arg17 : memref<!tpu.dma_semaphore, #tpu.memory_space<semaphore_mem>>)
      %dma_wait3A_340 = arith.constant 0 : i32
      %dma_wait3A_341 = arith.constant 0 : i32
      %dma_wait3A_342 = tpu.memref_slice %arg7[%dma_wait3A_340, %dma_wait3A_341] : memref<80x128xi32, #tpu.memory_space<vmem>> -> memref<1x128xi32, #tpu.memory_space<vmem>>
      %dma_wait3A_343 = tpu.memref_squeeze %dma_wait3A_342 : memref<1x128xi32, #tpu.memory_space<vmem>> -> memref<128xi32, #tpu.memory_space<vmem>>
      %dma_wait3A_344 = arith.constant 0 : i32
      %dma_wait3A_345 = arith.constant 0 : i32
      %dma_wait3A_346 = tpu.memref_slice %arg25[%dma_wait3A_344, %dma_wait3A_345] : memref<10240x64xf32, #tpu.memory_space<vmem_shared>> -> memref<10240x64xf32, #tpu.memory_space<vmem_shared>>
      tpu.wait_indirect_dma semaphore(%arg23 : memref<!tpu.dma_semaphore, #tpu.memory_space<semaphore_mem>>) src(%arg11 : memref<128x64xf32, #tpu.memory_space<vmem>>) dst(%dma_wait3A_346 : memref<10240x64xf32, #tpu.memory_space<vmem_shared>>)
      %add3A_347 = arith.constant 5 : i32
      %add3A_348 = arith.addi %mul3A_213, %add3A_347 : i32
      %add3A_349 = arith.constant 3 : i32
      %add3A_350 = arith.addi %add3A_348, %add3A_349 : i32
      %dma_start3A_351 = arith.constant 0 : i32
      %dma_start3A_352 = tpu.memref_slice %arg6[%add3A_350, %dma_start3A_351] : memref<80x128xi32, #tpu.memory_space<vmem>> -> memref<1x128xi32, #tpu.memory_space<vmem>>
      %dma_start3A_353 = tpu.memref_squeeze %dma_start3A_352 : memref<1x128xi32, #tpu.memory_space<vmem>> -> memref<128xi32, #tpu.memory_space<vmem>>
      %dma_start3A_354 = arith.constant 0 : i32
      %dma_start3A_355 = arith.constant 0 : i32
      %dma_start3A_356 = tpu.memref_slice %arg2[%dma_start3A_354, %dma_start3A_355] : memref<10240x64xf32, #tpu.memory_space<hbm>> -> memref<10240x64xf32, #tpu.memory_space<hbm>>
      tpu.enqueue_indirect_dma source(%dma_start3A_356 : memref<10240x64xf32, #tpu.memory_space<hbm>>) target(%arg11 : memref<128x64xf32, #tpu.memory_space<vmem>>) offsets(%dma_start3A_353 : memref<128xi32, #tpu.memory_space<vmem>>) semaphore(%arg18 : memref<!tpu.dma_semaphore, #tpu.memory_space<semaphore_mem>>)
      %dma_wait3A_357 = arith.constant 0 : i32
      %dma_wait3A_358 = arith.constant 0 : i32
      %dma_wait3A_359 = tpu.memref_slice %arg7[%dma_wait3A_357, %dma_wait3A_358] : memref<80x128xi32, #tpu.memory_space<vmem>> -> memref<1x128xi32, #tpu.memory_space<vmem>>
      %dma_wait3A_360 = tpu.memref_squeeze %dma_wait3A_359 : memref<1x128xi32, #tpu.memory_space<vmem>> -> memref<128xi32, #tpu.memory_space<vmem>>
      %dma_wait3A_361 = arith.constant 0 : i32
      %dma_wait3A_362 = arith.constant 0 : i32
      %dma_wait3A_363 = tpu.memref_slice %arg25[%dma_wait3A_361, %dma_wait3A_362] : memref<10240x64xf32, #tpu.memory_space<vmem_shared>> -> memref<10240x64xf32, #tpu.memory_space<vmem_shared>>
      tpu.wait_indirect_dma semaphore(%arg24 : memref<!tpu.dma_semaphore, #tpu.memory_space<semaphore_mem>>) src(%arg12 : memref<128x64xf32, #tpu.memory_space<vmem>>) dst(%dma_wait3A_363 : memref<10240x64xf32, #tpu.memory_space<vmem_shared>>)
      %add3A_364 = arith.constant 5 : i32
      %add3A_365 = arith.addi %mul3A_213, %add3A_364 : i32
      %add3A_366 = arith.constant 4 : i32
      %add3A_367 = arith.addi %add3A_365, %add3A_366 : i32
      %dma_start3A_368 = arith.constant 0 : i32
      %dma_start3A_369 = tpu.memref_slice %arg6[%add3A_367, %dma_start3A_368] : memref<80x128xi32, #tpu.memory_space<vmem>> -> memref<1x128xi32, #tpu.memory_space<vmem>>
      %dma_start3A_370 = tpu.memref_squeeze %dma_start3A_369 : memref<1x128xi32, #tpu.memory_space<vmem>> -> memref<128xi32, #tpu.memory_space<vmem>>
      %dma_start3A_371 = arith.constant 0 : i32
      %dma_start3A_372 = arith.constant 0 : i32
      %dma_start3A_373 = tpu.memref_slice %arg2[%dma_start3A_371, %dma_start3A_372] : memref<10240x64xf32, #tpu.memory_space<hbm>> -> memref<10240x64xf32, #tpu.memory_space<hbm>>
      tpu.enqueue_indirect_dma source(%dma_start3A_373 : memref<10240x64xf32, #tpu.memory_space<hbm>>) target(%arg12 : memref<128x64xf32, #tpu.memory_space<vmem>>) offsets(%dma_start3A_370 : memref<128xi32, #tpu.memory_space<vmem>>) semaphore(%arg19 : memref<!tpu.dma_semaphore, #tpu.memory_space<semaphore_mem>>)
    }
    %scan3A_84 = arith.constant 15 : i32
    %dma_wait3A_85 = arith.constant 0 : i32
    %dma_wait3A_86 = arith.constant 0 : i32
    %dma_wait3A_87 = tpu.memref_slice %arg6[%dma_wait3A_85, %dma_wait3A_86] : memref<80x128xi32, #tpu.memory_space<vmem>> -> memref<1x128xi32, #tpu.memory_space<vmem>>
    %dma_wait3A_88 = tpu.memref_squeeze %dma_wait3A_87 : memref<1x128xi32, #tpu.memory_space<vmem>> -> memref<128xi32, #tpu.memory_space<vmem>>
    %dma_wait3A_89 = arith.constant 0 : i32
    %dma_wait3A_90 = arith.constant 0 : i32
    %dma_wait3A_91 = tpu.memref_slice %arg2[%dma_wait3A_89, %dma_wait3A_90] : memref<10240x64xf32, #tpu.memory_space<hbm>> -> memref<10240x64xf32, #tpu.memory_space<hbm>>
    tpu.wait_indirect_dma semaphore(%arg15 : memref<!tpu.dma_semaphore, #tpu.memory_space<semaphore_mem>>) src(%dma_wait3A_91 : memref<10240x64xf32, #tpu.memory_space<hbm>>) dst(%arg8 : memref<128x64xf32, #tpu.memory_space<vmem>>)
    %dma_start3A_92 = arith.constant 75 : i32
    %dma_start3A_93 = arith.constant 0 : i32
    %dma_start3A_94 = tpu.memref_slice %arg7[%dma_start3A_92, %dma_start3A_93] : memref<80x128xi32, #tpu.memory_space<vmem>> -> memref<1x128xi32, #tpu.memory_space<vmem>>
    %dma_start3A_95 = tpu.memref_squeeze %dma_start3A_94 : memref<1x128xi32, #tpu.memory_space<vmem>> -> memref<128xi32, #tpu.memory_space<vmem>>
    %dma_start3A_96 = arith.constant 0 : i32
    %dma_start3A_97 = arith.constant 0 : i32
    %dma_start3A_98 = tpu.memref_slice %arg25[%dma_start3A_96, %dma_start3A_97] : memref<10240x64xf32, #tpu.memory_space<vmem_shared>> -> memref<10240x64xf32, #tpu.memory_space<vmem_shared>>
    tpu.enqueue_indirect_dma source(%arg8 : memref<128x64xf32, #tpu.memory_space<vmem>>) target(%dma_start3A_98 : memref<10240x64xf32, #tpu.memory_space<vmem_shared>>) offsets(%dma_start3A_95 : memref<128xi32, #tpu.memory_space<vmem>>) semaphore(%arg20 : memref<!tpu.dma_semaphore, #tpu.memory_space<semaphore_mem>>) {add = true}
    %dma_wait3A_99 = arith.constant 0 : i32
    %dma_wait3A_100 = arith.constant 0 : i32
    %dma_wait3A_101 = tpu.memref_slice %arg6[%dma_wait3A_99, %dma_wait3A_100] : memref<80x128xi32, #tpu.memory_space<vmem>> -> memref<1x128xi32, #tpu.memory_space<vmem>>
    %dma_wait3A_102 = tpu.memref_squeeze %dma_wait3A_101 : memref<1x128xi32, #tpu.memory_space<vmem>> -> memref<128xi32, #tpu.memory_space<vmem>>
    %dma_wait3A_103 = arith.constant 0 : i32
    %dma_wait3A_104 = arith.constant 0 : i32
    %dma_wait3A_105 = tpu.memref_slice %arg2[%dma_wait3A_103, %dma_wait3A_104] : memref<10240x64xf32, #tpu.memory_space<hbm>> -> memref<10240x64xf32, #tpu.memory_space<hbm>>
    tpu.wait_indirect_dma semaphore(%arg16 : memref<!tpu.dma_semaphore, #tpu.memory_space<semaphore_mem>>) src(%dma_wait3A_105 : memref<10240x64xf32, #tpu.memory_space<hbm>>) dst(%arg9 : memref<128x64xf32, #tpu.memory_space<vmem>>)
    %dma_start3A_106 = arith.constant 76 : i32
    %dma_start3A_107 = arith.constant 0 : i32
    %dma_start3A_108 = tpu.memref_slice %arg7[%dma_start3A_106, %dma_start3A_107] : memref<80x128xi32, #tpu.memory_space<vmem>> -> memref<1x128xi32, #tpu.memory_space<vmem>>
    %dma_start3A_109 = tpu.memref_squeeze %dma_start3A_108 : memref<1x128xi32, #tpu.memory_space<vmem>> -> memref<128xi32, #tpu.memory_space<vmem>>
    %dma_start3A_110 = arith.constant 0 : i32
    %dma_start3A_111 = arith.constant 0 : i32
    %dma_start3A_112 = tpu.memref_slice %arg25[%dma_start3A_110, %dma_start3A_111] : memref<10240x64xf32, #tpu.memory_space<vmem_shared>> -> memref<10240x64xf32, #tpu.memory_space<vmem_shared>>
    tpu.enqueue_indirect_dma source(%arg9 : memref<128x64xf32, #tpu.memory_space<vmem>>) target(%dma_start3A_112 : memref<10240x64xf32, #tpu.memory_space<vmem_shared>>) offsets(%dma_start3A_109 : memref<128xi32, #tpu.memory_space<vmem>>) semaphore(%arg21 : memref<!tpu.dma_semaphore, #tpu.memory_space<semaphore_mem>>) {add = true}
    %dma_wait3A_113 = arith.constant 0 : i32
    %dma_wait3A_114 = arith.constant 0 : i32
    %dma_wait3A_115 = tpu.memref_slice %arg6[%dma_wait3A_113, %dma_wait3A_114] : memref<80x128xi32, #tpu.memory_space<vmem>> -> memref<1x128xi32, #tpu.memory_space<vmem>>
    %dma_wait3A_116 = tpu.memref_squeeze %dma_wait3A_115 : memref<1x128xi32, #tpu.memory_space<vmem>> -> memref<128xi32, #tpu.memory_space<vmem>>
    %dma_wait3A_117 = arith.constant 0 : i32
    %dma_wait3A_118 = arith.constant 0 : i32
    %dma_wait3A_119 = tpu.memref_slice %arg2[%dma_wait3A_117, %dma_wait3A_118] : memref<10240x64xf32, #tpu.memory_space<hbm>> -> memref<10240x64xf32, #tpu.memory_space<hbm>>
    tpu.wait_indirect_dma semaphore(%arg17 : memref<!tpu.dma_semaphore, #tpu.memory_space<semaphore_mem>>) src(%dma_wait3A_119 : memref<10240x64xf32, #tpu.memory_space<hbm>>) dst(%arg10 : memref<128x64xf32, #tpu.memory_space<vmem>>)
    %dma_start3A_120 = arith.constant 77 : i32
    %dma_start3A_121 = arith.constant 0 : i32
    %dma_start3A_122 = tpu.memref_slice %arg7[%dma_start3A_120, %dma_start3A_121] : memref<80x128xi32, #tpu.memory_space<vmem>> -> memref<1x128xi32, #tpu.memory_space<vmem>>
    %dma_start3A_123 = tpu.memref_squeeze %dma_start3A_122 : memref<1x128xi32, #tpu.memory_space<vmem>> -> memref<128xi32, #tpu.memory_space<vmem>>
    %dma_start3A_124 = arith.constant 0 : i32
    %dma_start3A_125 = arith.constant 0 : i32
    %dma_start3A_126 = tpu.memref_slice %arg25[%dma_start3A_124, %dma_start3A_125] : memref<10240x64xf32, #tpu.memory_space<vmem_shared>> -> memref<10240x64xf32, #tpu.memory_space<vmem_shared>>
    tpu.enqueue_indirect_dma source(%arg10 : memref<128x64xf32, #tpu.memory_space<vmem>>) target(%dma_start3A_126 : memref<10240x64xf32, #tpu.memory_space<vmem_shared>>) offsets(%dma_start3A_123 : memref<128xi32, #tpu.memory_space<vmem>>) semaphore(%arg22 : memref<!tpu.dma_semaphore, #tpu.memory_space<semaphore_mem>>) {add = true}
    %dma_wait3A_127 = arith.constant 0 : i32
    %dma_wait3A_128 = arith.constant 0 : i32
    %dma_wait3A_129 = tpu.memref_slice %arg6[%dma_wait3A_127, %dma_wait3A_128] : memref<80x128xi32, #tpu.memory_space<vmem>> -> memref<1x128xi32, #tpu.memory_space<vmem>>
    %dma_wait3A_130 = tpu.memref_squeeze %dma_wait3A_129 : memref<1x128xi32, #tpu.memory_space<vmem>> -> memref<128xi32, #tpu.memory_space<vmem>>
    %dma_wait3A_131 = arith.constant 0 : i32
    %dma_wait3A_132 = arith.constant 0 : i32
    %dma_wait3A_133 = tpu.memref_slice %arg2[%dma_wait3A_131, %dma_wait3A_132] : memref<10240x64xf32, #tpu.memory_space<hbm>> -> memref<10240x64xf32, #tpu.memory_space<hbm>>
    tpu.wait_indirect_dma semaphore(%arg18 : memref<!tpu.dma_semaphore, #tpu.memory_space<semaphore_mem>>) src(%dma_wait3A_133 : memref<10240x64xf32, #tpu.memory_space<hbm>>) dst(%arg11 : memref<128x64xf32, #tpu.memory_space<vmem>>)
    %dma_start3A_134 = arith.constant 78 : i32
    %dma_start3A_135 = arith.constant 0 : i32
    %dma_start3A_136 = tpu.memref_slice %arg7[%dma_start3A_134, %dma_start3A_135] : memref<80x128xi32, #tpu.memory_space<vmem>> -> memref<1x128xi32, #tpu.memory_space<vmem>>
    %dma_start3A_137 = tpu.memref_squeeze %dma_start3A_136 : memref<1x128xi32, #tpu.memory_space<vmem>> -> memref<128xi32, #tpu.memory_space<vmem>>
    %dma_start3A_138 = arith.constant 0 : i32
    %dma_start3A_139 = arith.constant 0 : i32
    %dma_start3A_140 = tpu.memref_slice %arg25[%dma_start3A_138, %dma_start3A_139] : memref<10240x64xf32, #tpu.memory_space<vmem_shared>> -> memref<10240x64xf32, #tpu.memory_space<vmem_shared>>
    tpu.enqueue_indirect_dma source(%arg11 : memref<128x64xf32, #tpu.memory_space<vmem>>) target(%dma_start3A_140 : memref<10240x64xf32, #tpu.memory_space<vmem_shared>>) offsets(%dma_start3A_137 : memref<128xi32, #tpu.memory_space<vmem>>) semaphore(%arg23 : memref<!tpu.dma_semaphore, #tpu.memory_space<semaphore_mem>>) {add = true}
    %dma_wait3A_141 = arith.constant 0 : i32
    %dma_wait3A_142 = arith.constant 0 : i32
    %dma_wait3A_143 = tpu.memref_slice %arg6[%dma_wait3A_141, %dma_wait3A_142] : memref<80x128xi32, #tpu.memory_space<vmem>> -> memref<1x128xi32, #tpu.memory_space<vmem>>
    %dma_wait3A_144 = tpu.memref_squeeze %dma_wait3A_143 : memref<1x128xi32, #tpu.memory_space<vmem>> -> memref<128xi32, #tpu.memory_space<vmem>>
    %dma_wait3A_145 = arith.constant 0 : i32
    %dma_wait3A_146 = arith.constant 0 : i32
    %dma_wait3A_147 = tpu.memref_slice %arg2[%dma_wait3A_145, %dma_wait3A_146] : memref<10240x64xf32, #tpu.memory_space<hbm>> -> memref<10240x64xf32, #tpu.memory_space<hbm>>
    tpu.wait_indirect_dma semaphore(%arg19 : memref<!tpu.dma_semaphore, #tpu.memory_space<semaphore_mem>>) src(%dma_wait3A_147 : memref<10240x64xf32, #tpu.memory_space<hbm>>) dst(%arg12 : memref<128x64xf32, #tpu.memory_space<vmem>>)
    %dma_start3A_148 = arith.constant 79 : i32
    %dma_start3A_149 = arith.constant 0 : i32
    %dma_start3A_150 = tpu.memref_slice %arg7[%dma_start3A_148, %dma_start3A_149] : memref<80x128xi32, #tpu.memory_space<vmem>> -> memref<1x128xi32, #tpu.memory_space<vmem>>
    %dma_start3A_151 = tpu.memref_squeeze %dma_start3A_150 : memref<1x128xi32, #tpu.memory_space<vmem>> -> memref<128xi32, #tpu.memory_space<vmem>>
    %dma_start3A_152 = arith.constant 0 : i32
    %dma_start3A_153 = arith.constant 0 : i32
    %dma_start3A_154 = tpu.memref_slice %arg25[%dma_start3A_152, %dma_start3A_153] : memref<10240x64xf32, #tpu.memory_space<vmem_shared>> -> memref<10240x64xf32, #tpu.memory_space<vmem_shared>>
    tpu.enqueue_indirect_dma source(%arg12 : memref<128x64xf32, #tpu.memory_space<vmem>>) target(%dma_start3A_154 : memref<10240x64xf32, #tpu.memory_space<vmem_shared>>) offsets(%dma_start3A_151 : memref<128xi32, #tpu.memory_space<vmem>>) semaphore(%arg24 : memref<!tpu.dma_semaphore, #tpu.memory_space<semaphore_mem>>) {add = true}
    %dma_wait3A_155 = arith.constant 0 : i32
    %dma_wait3A_156 = arith.constant 0 : i32
    %dma_wait3A_157 = tpu.memref_slice %arg7[%dma_wait3A_155, %dma_wait3A_156] : memref<80x128xi32, #tpu.memory_space<vmem>> -> memref<1x128xi32, #tpu.memory_space<vmem>>
    %dma_wait3A_158 = tpu.memref_squeeze %dma_wait3A_157 : memref<1x128xi32, #tpu.memory_space<vmem>> -> memref<128xi32, #tpu.memory_space<vmem>>
    %dma_wait3A_159 = arith.constant 0 : i32
    %dma_wait3A_160 = arith.constant 0 : i32
    %dma_wait3A_161 = tpu.memref_slice %arg25[%dma_wait3A_159, %dma_wait3A_160] : memref<10240x64xf32, #tpu.memory_space<vmem_shared>> -> memref<10240x64xf32, #tpu.memory_space<vmem_shared>>
    tpu.wait_indirect_dma semaphore(%arg20 : memref<!tpu.dma_semaphore, #tpu.memory_space<semaphore_mem>>) src(%arg8 : memref<128x64xf32, #tpu.memory_space<vmem>>) dst(%dma_wait3A_161 : memref<10240x64xf32, #tpu.memory_space<vmem_shared>>)
    %dma_wait3A_162 = arith.constant 0 : i32
    %dma_wait3A_163 = arith.constant 0 : i32
    %dma_wait3A_164 = tpu.memref_slice %arg7[%dma_wait3A_162, %dma_wait3A_163] : memref<80x128xi32, #tpu.memory_space<vmem>> -> memref<1x128xi32, #tpu.memory_space<vmem>>
    %dma_wait3A_165 = tpu.memref_squeeze %dma_wait3A_164 : memref<1x128xi32, #tpu.memory_space<vmem>> -> memref<128xi32, #tpu.memory_space<vmem>>
    %dma_wait3A_166 = arith.constant 0 : i32
    %dma_wait3A_167 = arith.constant 0 : i32
    %dma_wait3A_168 = tpu.memref_slice %arg25[%dma_wait3A_166, %dma_wait3A_167] : memref<10240x64xf32, #tpu.memory_space<vmem_shared>> -> memref<10240x64xf32, #tpu.memory_space<vmem_shared>>
    tpu.wait_indirect_dma semaphore(%arg21 : memref<!tpu.dma_semaphore, #tpu.memory_space<semaphore_mem>>) src(%arg9 : memref<128x64xf32, #tpu.memory_space<vmem>>) dst(%dma_wait3A_168 : memref<10240x64xf32, #tpu.memory_space<vmem_shared>>)
    %dma_wait3A_169 = arith.constant 0 : i32
    %dma_wait3A_170 = arith.constant 0 : i32
    %dma_wait3A_171 = tpu.memref_slice %arg7[%dma_wait3A_169, %dma_wait3A_170] : memref<80x128xi32, #tpu.memory_space<vmem>> -> memref<1x128xi32, #tpu.memory_space<vmem>>
    %dma_wait3A_172 = tpu.memref_squeeze %dma_wait3A_171 : memref<1x128xi32, #tpu.memory_space<vmem>> -> memref<128xi32, #tpu.memory_space<vmem>>
    %dma_wait3A_173 = arith.constant 0 : i32
    %dma_wait3A_174 = arith.constant 0 : i32
    %dma_wait3A_175 = tpu.memref_slice %arg25[%dma_wait3A_173, %dma_wait3A_174] : memref<10240x64xf32, #tpu.memory_space<vmem_shared>> -> memref<10240x64xf32, #tpu.memory_space<vmem_shared>>
    tpu.wait_indirect_dma semaphore(%arg22 : memref<!tpu.dma_semaphore, #tpu.memory_space<semaphore_mem>>) src(%arg10 : memref<128x64xf32, #tpu.memory_space<vmem>>) dst(%dma_wait3A_175 : memref<10240x64xf32, #tpu.memory_space<vmem_shared>>)
    %dma_wait3A_176 = arith.constant 0 : i32
    %dma_wait3A_177 = arith.constant 0 : i32
    %dma_wait3A_178 = tpu.memref_slice %arg7[%dma_wait3A_176, %dma_wait3A_177] : memref<80x128xi32, #tpu.memory_space<vmem>> -> memref<1x128xi32, #tpu.memory_space<vmem>>
    %dma_wait3A_179 = tpu.memref_squeeze %dma_wait3A_178 : memref<1x128xi32, #tpu.memory_space<vmem>> -> memref<128xi32, #tpu.memory_space<vmem>>
    %dma_wait3A_180 = arith.constant 0 : i32
    %dma_wait3A_181 = arith.constant 0 : i32
    %dma_wait3A_182 = tpu.memref_slice %arg25[%dma_wait3A_180, %dma_wait3A_181] : memref<10240x64xf32, #tpu.memory_space<vmem_shared>> -> memref<10240x64xf32, #tpu.memory_space<vmem_shared>>
    tpu.wait_indirect_dma semaphore(%arg23 : memref<!tpu.dma_semaphore, #tpu.memory_space<semaphore_mem>>) src(%arg11 : memref<128x64xf32, #tpu.memory_space<vmem>>) dst(%dma_wait3A_182 : memref<10240x64xf32, #tpu.memory_space<vmem_shared>>)
    %dma_wait3A_183 = arith.constant 0 : i32
    %dma_wait3A_184 = arith.constant 0 : i32
    %dma_wait3A_185 = tpu.memref_slice %arg7[%dma_wait3A_183, %dma_wait3A_184] : memref<80x128xi32, #tpu.memory_space<vmem>> -> memref<1x128xi32, #tpu.memory_space<vmem>>
    %dma_wait3A_186 = tpu.memref_squeeze %dma_wait3A_185 : memref<1x128xi32, #tpu.memory_space<vmem>> -> memref<128xi32, #tpu.memory_space<vmem>>
    %dma_wait3A_187 = arith.constant 0 : i32
    %dma_wait3A_188 = arith.constant 0 : i32
    %dma_wait3A_189 = tpu.memref_slice %arg25[%dma_wait3A_187, %dma_wait3A_188] : memref<10240x64xf32, #tpu.memory_space<vmem_shared>> -> memref<10240x64xf32, #tpu.memory_space<vmem_shared>>
    tpu.wait_indirect_dma semaphore(%arg24 : memref<!tpu.dma_semaphore, #tpu.memory_space<semaphore_mem>>) src(%arg12 : memref<128x64xf32, #tpu.memory_space<vmem>>) dst(%dma_wait3A_189 : memref<10240x64xf32, #tpu.memory_space<vmem_shared>>)
    %barrier3A_190 = arith.constant 0 : index
    tpu.barrier barrier_id(%barrier3A_190)
    %add3A_191 = arith.constant 0 : i32
    %add3A_192 = arith.addi %mul3A_16, %add3A_191 : i32
    "tpu.region"() ({
      %run_scoped3A = tpu.sem_alloc : memref<!tpu.dma_semaphore, #tpu.memory_space<semaphore_mem>>
      %dma_start3A_211 = arith.constant 0 : i32
      %dma_start3A_212 = tpu.memref_slice %arg25[%add3A_192, %dma_start3A_211] : memref<10240x64xf32, #tpu.memory_space<vmem_shared>> -> memref<64x64xf32, #tpu.memory_space<vmem_shared>>
      %dma_start3A_213 = arith.constant 0 : i32
      %dma_start3A_214 = tpu.memref_slice %arg25[%add3A_192, %dma_start3A_213] : memref<10240x64xf32, #tpu.memory_space<vmem_shared>> -> memref<64x64xf32, #tpu.memory_space<vmem_shared>>
      tpu.enqueue_dma source(%dma_start3A_214 : memref<64x64xf32, #tpu.memory_space<vmem_shared>>) target(%arg13 : memref<64x64xf32, #tpu.memory_space<vmem>>) target_semaphore(%run_scoped3A : memref<!tpu.dma_semaphore, #tpu.memory_space<semaphore_mem>>)
      %dma_wait3A_215 = arith.constant 0 : i32
      %dma_wait3A_216 = tpu.memref_slice %arg25[%add3A_192, %dma_wait3A_215] : memref<10240x64xf32, #tpu.memory_space<vmem_shared>> -> memref<64x64xf32, #tpu.memory_space<vmem_shared>>
      %dma_wait3A_217 = arith.constant 0 : i32
      %dma_wait3A_218 = tpu.memref_slice %arg25[%add3A_192, %dma_wait3A_217] : memref<10240x64xf32, #tpu.memory_space<vmem_shared>> -> memref<64x64xf32, #tpu.memory_space<vmem_shared>>
      tpu.wait_dma2 semaphore(%run_scoped3A : memref<!tpu.dma_semaphore, #tpu.memory_space<semaphore_mem>>) src(%dma_wait3A_218 : memref<64x64xf32, #tpu.memory_space<vmem_shared>>) dst(%arg13 : memref<64x64xf32, #tpu.memory_space<vmem>>)
      tpu.yield
    }) : () -> ()
    "tpu.region"() ({
      %run_scoped3A = tpu.sem_alloc : memref<!tpu.dma_semaphore, #tpu.memory_space<semaphore_mem>>
      %dma_start3A_211 = arith.constant 0 : i32
      %dma_start3A_212 = tpu.memref_slice %arg5[%arg0, %add3A_192, %dma_start3A_211] : memref<2x10240x64xf32, #tpu.memory_space<hbm>> -> memref<1x64x64xf32, #tpu.memory_space<hbm>>
      %dma_start3A_213 = tpu.memref_squeeze %dma_start3A_212 : memref<1x64x64xf32, #tpu.memory_space<hbm>> -> memref<64x64xf32, #tpu.memory_space<hbm>>
      %dma_start3A_214 = arith.constant 0 : i32
      %dma_start3A_215 = tpu.memref_slice %arg5[%arg0, %add3A_192, %dma_start3A_214] : memref<2x10240x64xf32, #tpu.memory_space<hbm>> -> memref<1x64x64xf32, #tpu.memory_space<hbm>>
      %dma_start3A_216 = tpu.memref_squeeze %dma_start3A_215 : memref<1x64x64xf32, #tpu.memory_space<hbm>> -> memref<64x64xf32, #tpu.memory_space<hbm>>
      tpu.enqueue_dma source(%arg13 : memref<64x64xf32, #tpu.memory_space<vmem>>) target(%dma_start3A_216 : memref<64x64xf32, #tpu.memory_space<hbm>>) target_semaphore(%run_scoped3A : memref<!tpu.dma_semaphore, #tpu.memory_space<semaphore_mem>>)
      %dma_wait3A_217 = arith.constant 0 : i32
      %dma_wait3A_218 = tpu.memref_slice %arg5[%arg0, %add3A_192, %dma_wait3A_217] : memref<2x10240x64xf32, #tpu.memory_space<hbm>> -> memref<1x64x64xf32, #tpu.memory_space<hbm>>
      %dma_wait3A_219 = tpu.memref_squeeze %dma_wait3A_218 : memref<1x64x64xf32, #tpu.memory_space<hbm>> -> memref<64x64xf32, #tpu.memory_space<hbm>>
      %dma_wait3A_220 = arith.constant 0 : i32
      %dma_wait3A_221 = tpu.memref_slice %arg5[%arg0, %add3A_192, %dma_wait3A_220] : memref<2x10240x64xf32, #tpu.memory_space<hbm>> -> memref<1x64x64xf32, #tpu.memory_space<hbm>>
      %dma_wait3A_222 = tpu.memref_squeeze %dma_wait3A_221 : memref<1x64x64xf32, #tpu.memory_space<hbm>> -> memref<64x64xf32, #tpu.memory_space<hbm>>
      tpu.wait_dma2 semaphore(%run_scoped3A : memref<!tpu.dma_semaphore, #tpu.memory_space<semaphore_mem>>) src(%arg13 : memref<64x64xf32, #tpu.memory_space<vmem>>) dst(%dma_wait3A_222 : memref<64x64xf32, #tpu.memory_space<hbm>>)
      tpu.yield
    }) : () -> ()
    %add3A_193 = arith.constant 64 : i32
    %add3A_194 = arith.addi %mul3A_16, %add3A_193 : i32
    "tpu.region"() ({
      %run_scoped3A = tpu.sem_alloc : memref<!tpu.dma_semaphore, #tpu.memory_space<semaphore_mem>>
      %dma_start3A_211 = arith.constant 0 : i32
      %dma_start3A_212 = tpu.memref_slice %arg25[%add3A_194, %dma_start3A_211] : memref<10240x64xf32, #tpu.memory_space<vmem_shared>> -> memref<64x64xf32, #tpu.memory_space<vmem_shared>>
      %dma_start3A_213 = arith.constant 0 : i32
      %dma_start3A_214 = tpu.memref_slice %arg25[%add3A_194, %dma_start3A_213] : memref<10240x64xf32, #tpu.memory_space<vmem_shared>> -> memref<64x64xf32, #tpu.memory_space<vmem_shared>>
      tpu.enqueue_dma source(%dma_start3A_214 : memref<64x64xf32, #tpu.memory_space<vmem_shared>>) target(%arg13 : memref<64x64xf32, #tpu.memory_space<vmem>>) target_semaphore(%run_scoped3A : memref<!tpu.dma_semaphore, #tpu.memory_space<semaphore_mem>>)
      %dma_wait3A_215 = arith.constant 0 : i32
      %dma_wait3A_216 = tpu.memref_slice %arg25[%add3A_194, %dma_wait3A_215] : memref<10240x64xf32, #tpu.memory_space<vmem_shared>> -> memref<64x64xf32, #tpu.memory_space<vmem_shared>>
      %dma_wait3A_217 = arith.constant 0 : i32
      %dma_wait3A_218 = tpu.memref_slice %arg25[%add3A_194, %dma_wait3A_217] : memref<10240x64xf32, #tpu.memory_space<vmem_shared>> -> memref<64x64xf32, #tpu.memory_space<vmem_shared>>
      tpu.wait_dma2 semaphore(%run_scoped3A : memref<!tpu.dma_semaphore, #tpu.memory_space<semaphore_mem>>) src(%dma_wait3A_218 : memref<64x64xf32, #tpu.memory_space<vmem_shared>>) dst(%arg13 : memref<64x64xf32, #tpu.memory_space<vmem>>)
      tpu.yield
    }) : () -> ()
    "tpu.region"() ({
      %run_scoped3A = tpu.sem_alloc : memref<!tpu.dma_semaphore, #tpu.memory_space<semaphore_mem>>
      %dma_start3A_211 = arith.constant 0 : i32
      %dma_start3A_212 = tpu.memref_slice %arg5[%arg0, %add3A_194, %dma_start3A_211] : memref<2x10240x64xf32, #tpu.memory_space<hbm>> -> memref<1x64x64xf32, #tpu.memory_space<hbm>>
      %dma_start3A_213 = tpu.memref_squeeze %dma_start3A_212 : memref<1x64x64xf32, #tpu.memory_space<hbm>> -> memref<64x64xf32, #tpu.memory_space<hbm>>
      %dma_start3A_214 = arith.constant 0 : i32
      %dma_start3A_215 = tpu.memref_slice %arg5[%arg0, %add3A_194, %dma_start3A_214] : memref<2x10240x64xf32, #tpu.memory_space<hbm>> -> memref<1x64x64xf32, #tpu.memory_space<hbm>>
      %dma_start3A_216 = tpu.memref_squeeze %dma_start3A_215 : memref<1x64x64xf32, #tpu.memory_space<hbm>> -> memref<64x64xf32, #tpu.memory_space<hbm>>
      tpu.enqueue_dma source(%arg13 : memref<64x64xf32, #tpu.memory_space<vmem>>) target(%dma_start3A_216 : memref<64x64xf32, #tpu.memory_space<hbm>>) target_semaphore(%run_scoped3A : memref<!tpu.dma_semaphore, #tpu.memory_space<semaphore_mem>>)
      %dma_wait3A_217 = arith.constant 0 : i32
      %dma_wait3A_218 = tpu.memref_slice %arg5[%arg0, %add3A_194, %dma_wait3A_217] : memref<2x10240x64xf32, #tpu.memory_space<hbm>> -> memref<1x64x64xf32, #tpu.memory_space<hbm>>
      %dma_wait3A_219 = tpu.memref_squeeze %dma_wait3A_218 : memref<1x64x64xf32, #tpu.memory_space<hbm>> -> memref<64x64xf32, #tpu.memory_space<hbm>>
      %dma_wait3A_220 = arith.constant 0 : i32
      %dma_wait3A_221 = tpu.memref_slice %arg5[%arg0, %add3A_194, %dma_wait3A_220] : memref<2x10240x64xf32, #tpu.memory_space<hbm>> -> memref<1x64x64xf32, #tpu.memory_space<hbm>>
      %dma_wait3A_222 = tpu.memref_squeeze %dma_wait3A_221 : memref<1x64x64xf32, #tpu.memory_space<hbm>> -> memref<64x64xf32, #tpu.memory_space<hbm>>
      tpu.wait_dma2 semaphore(%run_scoped3A : memref<!tpu.dma_semaphore, #tpu.memory_space<semaphore_mem>>) src(%arg13 : memref<64x64xf32, #tpu.memory_space<vmem>>) dst(%dma_wait3A_222 : memref<64x64xf32, #tpu.memory_space<hbm>>)
      tpu.yield
    }) : () -> ()
    %add3A_195 = arith.constant 128 : i32
    %add3A_196 = arith.addi %mul3A_16, %add3A_195 : i32
    "tpu.region"() ({
      %run_scoped3A = tpu.sem_alloc : memref<!tpu.dma_semaphore, #tpu.memory_space<semaphore_mem>>
      %dma_start3A_211 = arith.constant 0 : i32
      %dma_start3A_212 = tpu.memref_slice %arg25[%add3A_196, %dma_start3A_211] : memref<10240x64xf32, #tpu.memory_space<vmem_shared>> -> memref<64x64xf32, #tpu.memory_space<vmem_shared>>
      %dma_start3A_213 = arith.constant 0 : i32
      %dma_start3A_214 = tpu.memref_slice %arg25[%add3A_196, %dma_start3A_213] : memref<10240x64xf32, #tpu.memory_space<vmem_shared>> -> memref<64x64xf32, #tpu.memory_space<vmem_shared>>
      tpu.enqueue_dma source(%dma_start3A_214 : memref<64x64xf32, #tpu.memory_space<vmem_shared>>) target(%arg13 : memref<64x64xf32, #tpu.memory_space<vmem>>) target_semaphore(%run_scoped3A : memref<!tpu.dma_semaphore, #tpu.memory_space<semaphore_mem>>)
      %dma_wait3A_215 = arith.constant 0 : i32
      %dma_wait3A_216 = tpu.memref_slice %arg25[%add3A_196, %dma_wait3A_215] : memref<10240x64xf32, #tpu.memory_space<vmem_shared>> -> memref<64x64xf32, #tpu.memory_space<vmem_shared>>
      %dma_wait3A_217 = arith.constant 0 : i32
      %dma_wait3A_218 = tpu.memref_slice %arg25[%add3A_196, %dma_wait3A_217] : memref<10240x64xf32, #tpu.memory_space<vmem_shared>> -> memref<64x64xf32, #tpu.memory_space<vmem_shared>>
      tpu.wait_dma2 semaphore(%run_scoped3A : memref<!tpu.dma_semaphore, #tpu.memory_space<semaphore_mem>>) src(%dma_wait3A_218 : memref<64x64xf32, #tpu.memory_space<vmem_shared>>) dst(%arg13 : memref<64x64xf32, #tpu.memory_space<vmem>>)
      tpu.yield
    }) : () -> ()
    "tpu.region"() ({
      %run_scoped3A = tpu.sem_alloc : memref<!tpu.dma_semaphore, #tpu.memory_space<semaphore_mem>>
      %dma_start3A_211 = arith.constant 0 : i32
      %dma_start3A_212 = tpu.memref_slice %arg5[%arg0, %add3A_196, %dma_start3A_211] : memref<2x10240x64xf32, #tpu.memory_space<hbm>> -> memref<1x64x64xf32, #tpu.memory_space<hbm>>
      %dma_start3A_213 = tpu.memref_squeeze %dma_start3A_212 : memref<1x64x64xf32, #tpu.memory_space<hbm>> -> memref<64x64xf32, #tpu.memory_space<hbm>>
      %dma_start3A_214 = arith.constant 0 : i32
      %dma_start3A_215 = tpu.memref_slice %arg5[%arg0, %add3A_196, %dma_start3A_214] : memref<2x10240x64xf32, #tpu.memory_space<hbm>> -> memref<1x64x64xf32, #tpu.memory_space<hbm>>
      %dma_start3A_216 = tpu.memref_squeeze %dma_start3A_215 : memref<1x64x64xf32, #tpu.memory_space<hbm>> -> memref<64x64xf32, #tpu.memory_space<hbm>>
      tpu.enqueue_dma source(%arg13 : memref<64x64xf32, #tpu.memory_space<vmem>>) target(%dma_start3A_216 : memref<64x64xf32, #tpu.memory_space<hbm>>) target_semaphore(%run_scoped3A : memref<!tpu.dma_semaphore, #tpu.memory_space<semaphore_mem>>)
      %dma_wait3A_217 = arith.constant 0 : i32
      %dma_wait3A_218 = tpu.memref_slice %arg5[%arg0, %add3A_196, %dma_wait3A_217] : memref<2x10240x64xf32, #tpu.memory_space<hbm>> -> memref<1x64x64xf32, #tpu.memory_space<hbm>>
      %dma_wait3A_219 = tpu.memref_squeeze %dma_wait3A_218 : memref<1x64x64xf32, #tpu.memory_space<hbm>> -> memref<64x64xf32, #tpu.memory_space<hbm>>
      %dma_wait3A_220 = arith.constant 0 : i32
      %dma_wait3A_221 = tpu.memref_slice %arg5[%arg0, %add3A_196, %dma_wait3A_220] : memref<2x10240x64xf32, #tpu.memory_space<hbm>> -> memref<1x64x64xf32, #tpu.memory_space<hbm>>
      %dma_wait3A_222 = tpu.memref_squeeze %dma_wait3A_221 : memref<1x64x64xf32, #tpu.memory_space<hbm>> -> memref<64x64xf32, #tpu.memory_space<hbm>>
      tpu.wait_dma2 semaphore(%run_scoped3A : memref<!tpu.dma_semaphore, #tpu.memory_space<semaphore_mem>>) src(%arg13 : memref<64x64xf32, #tpu.memory_space<vmem>>) dst(%dma_wait3A_222 : memref<64x64xf32, #tpu.memory_space<hbm>>)
      tpu.yield
    }) : () -> ()
    %add3A_197 = arith.constant 192 : i32
    %add3A_198 = arith.addi %mul3A_16, %add3A_197 : i32
    "tpu.region"() ({
      %run_scoped3A = tpu.sem_alloc : memref<!tpu.dma_semaphore, #tpu.memory_space<semaphore_mem>>
      %dma_start3A_211 = arith.constant 0 : i32
      %dma_start3A_212 = tpu.memref_slice %arg25[%add3A_198, %dma_start3A_211] : memref<10240x64xf32, #tpu.memory_space<vmem_shared>> -> memref<64x64xf32, #tpu.memory_space<vmem_shared>>
      %dma_start3A_213 = arith.constant 0 : i32
      %dma_start3A_214 = tpu.memref_slice %arg25[%add3A_198, %dma_start3A_213] : memref<10240x64xf32, #tpu.memory_space<vmem_shared>> -> memref<64x64xf32, #tpu.memory_space<vmem_shared>>
      tpu.enqueue_dma source(%dma_start3A_214 : memref<64x64xf32, #tpu.memory_space<vmem_shared>>) target(%arg13 : memref<64x64xf32, #tpu.memory_space<vmem>>) target_semaphore(%run_scoped3A : memref<!tpu.dma_semaphore, #tpu.memory_space<semaphore_mem>>)
      %dma_wait3A_215 = arith.constant 0 : i32
      %dma_wait3A_216 = tpu.memref_slice %arg25[%add3A_198, %dma_wait3A_215] : memref<10240x64xf32, #tpu.memory_space<vmem_shared>> -> memref<64x64xf32, #tpu.memory_space<vmem_shared>>
      %dma_wait3A_217 = arith.constant 0 : i32
      %dma_wait3A_218 = tpu.memref_slice %arg25[%add3A_198, %dma_wait3A_217] : memref<10240x64xf32, #tpu.memory_space<vmem_shared>> -> memref<64x64xf32, #tpu.memory_space<vmem_shared>>
      tpu.wait_dma2 semaphore(%run_scoped3A : memref<!tpu.dma_semaphore, #tpu.memory_space<semaphore_mem>>) src(%dma_wait3A_218 : memref<64x64xf32, #tpu.memory_space<vmem_shared>>) dst(%arg13 : memref<64x64xf32, #tpu.memory_space<vmem>>)
      tpu.yield
    }) : () -> ()
    "tpu.region"() ({
      %run_scoped3A = tpu.sem_alloc : memref<!tpu.dma_semaphore, #tpu.memory_space<semaphore_mem>>
      %dma_start3A_211 = arith.constant 0 : i32
      %dma_start3A_212 = tpu.memref_slice %arg5[%arg0, %add3A_198, %dma_start3A_211] : memref<2x10240x64xf32, #tpu.memory_space<hbm>> -> memref<1x64x64xf32, #tpu.memory_space<hbm>>
      %dma_start3A_213 = tpu.memref_squeeze %dma_start3A_212 : memref<1x64x64xf32, #tpu.memory_space<hbm>> -> memref<64x64xf32, #tpu.memory_space<hbm>>
      %dma_start3A_214 = arith.constant 0 : i32
      %dma_start3A_215 = tpu.memref_slice %arg5[%arg0, %add3A_198, %dma_start3A_214] : memref<2x10240x64xf32, #tpu.memory_space<hbm>> -> memref<1x64x64xf32, #tpu.memory_space<hbm>>
      %dma_start3A_216 = tpu.memref_squeeze %dma_start3A_215 : memref<1x64x64xf32, #tpu.memory_space<hbm>> -> memref<64x64xf32, #tpu.memory_space<hbm>>
      tpu.enqueue_dma source(%arg13 : memref<64x64xf32, #tpu.memory_space<vmem>>) target(%dma_start3A_216 : memref<64x64xf32, #tpu.memory_space<hbm>>) target_semaphore(%run_scoped3A : memref<!tpu.dma_semaphore, #tpu.memory_space<semaphore_mem>>)
      %dma_wait3A_217 = arith.constant 0 : i32
      %dma_wait3A_218 = tpu.memref_slice %arg5[%arg0, %add3A_198, %dma_wait3A_217] : memref<2x10240x64xf32, #tpu.memory_space<hbm>> -> memref<1x64x64xf32, #tpu.memory_space<hbm>>
      %dma_wait3A_219 = tpu.memref_squeeze %dma_wait3A_218 : memref<1x64x64xf32, #tpu.memory_space<hbm>> -> memref<64x64xf32, #tpu.memory_space<hbm>>
      %dma_wait3A_220 = arith.constant 0 : i32
      %dma_wait3A_221 = tpu.memref_slice %arg5[%arg0, %add3A_198, %dma_wait3A_220] : memref<2x10240x64xf32, #tpu.memory_space<hbm>> -> memref<1x64x64xf32, #tpu.memory_space<hbm>>
      %dma_wait3A_222 = tpu.memref_squeeze %dma_wait3A_221 : memref<1x64x64xf32, #tpu.memory_space<hbm>> -> memref<64x64xf32, #tpu.memory_space<hbm>>
      tpu.wait_dma2 semaphore(%run_scoped3A : memref<!tpu.dma_semaphore, #tpu.memory_space<semaphore_mem>>) src(%arg13 : memref<64x64xf32, #tpu.memory_space<vmem>>) dst(%dma_wait3A_222 : memref<64x64xf32, #tpu.memory_space<hbm>>)
      tpu.yield
    }) : () -> ()
    %add3A_199 = arith.constant 256 : i32
    %add3A_200 = arith.addi %mul3A_16, %add3A_199 : i32
    "tpu.region"() ({
      %run_scoped3A = tpu.sem_alloc : memref<!tpu.dma_semaphore, #tpu.memory_space<semaphore_mem>>
      %dma_start3A_211 = arith.constant 0 : i32
      %dma_start3A_212 = tpu.memref_slice %arg25[%add3A_200, %dma_start3A_211] : memref<10240x64xf32, #tpu.memory_space<vmem_shared>> -> memref<64x64xf32, #tpu.memory_space<vmem_shared>>
      %dma_start3A_213 = arith.constant 0 : i32
      %dma_start3A_214 = tpu.memref_slice %arg25[%add3A_200, %dma_start3A_213] : memref<10240x64xf32, #tpu.memory_space<vmem_shared>> -> memref<64x64xf32, #tpu.memory_space<vmem_shared>>
      tpu.enqueue_dma source(%dma_start3A_214 : memref<64x64xf32, #tpu.memory_space<vmem_shared>>) target(%arg13 : memref<64x64xf32, #tpu.memory_space<vmem>>) target_semaphore(%run_scoped3A : memref<!tpu.dma_semaphore, #tpu.memory_space<semaphore_mem>>)
      %dma_wait3A_215 = arith.constant 0 : i32
      %dma_wait3A_216 = tpu.memref_slice %arg25[%add3A_200, %dma_wait3A_215] : memref<10240x64xf32, #tpu.memory_space<vmem_shared>> -> memref<64x64xf32, #tpu.memory_space<vmem_shared>>
      %dma_wait3A_217 = arith.constant 0 : i32
      %dma_wait3A_218 = tpu.memref_slice %arg25[%add3A_200, %dma_wait3A_217] : memref<10240x64xf32, #tpu.memory_space<vmem_shared>> -> memref<64x64xf32, #tpu.memory_space<vmem_shared>>
      tpu.wait_dma2 semaphore(%run_scoped3A : memref<!tpu.dma_semaphore, #tpu.memory_space<semaphore_mem>>) src(%dma_wait3A_218 : memref<64x64xf32, #tpu.memory_space<vmem_shared>>) dst(%arg13 : memref<64x64xf32, #tpu.memory_space<vmem>>)
      tpu.yield
    }) : () -> ()
    "tpu.region"() ({
      %run_scoped3A = tpu.sem_alloc : memref<!tpu.dma_semaphore, #tpu.memory_space<semaphore_mem>>
      %dma_start3A_211 = arith.constant 0 : i32
      %dma_start3A_212 = tpu.memref_slice %arg5[%arg0, %add3A_200, %dma_start3A_211] : memref<2x10240x64xf32, #tpu.memory_space<hbm>> -> memref<1x64x64xf32, #tpu.memory_space<hbm>>
      %dma_start3A_213 = tpu.memref_squeeze %dma_start3A_212 : memref<1x64x64xf32, #tpu.memory_space<hbm>> -> memref<64x64xf32, #tpu.memory_space<hbm>>
      %dma_start3A_214 = arith.constant 0 : i32
      %dma_start3A_215 = tpu.memref_slice %arg5[%arg0, %add3A_200, %dma_start3A_214] : memref<2x10240x64xf32, #tpu.memory_space<hbm>> -> memref<1x64x64xf32, #tpu.memory_space<hbm>>
      %dma_start3A_216 = tpu.memref_squeeze %dma_start3A_215 : memref<1x64x64xf32, #tpu.memory_space<hbm>> -> memref<64x64xf32, #tpu.memory_space<hbm>>
      tpu.enqueue_dma source(%arg13 : memref<64x64xf32, #tpu.memory_space<vmem>>) target(%dma_start3A_216 : memref<64x64xf32, #tpu.memory_space<hbm>>) target_semaphore(%run_scoped3A : memref<!tpu.dma_semaphore, #tpu.memory_space<semaphore_mem>>)
      %dma_wait3A_217 = arith.constant 0 : i32
      %dma_wait3A_218 = tpu.memref_slice %arg5[%arg0, %add3A_200, %dma_wait3A_217] : memref<2x10240x64xf32, #tpu.memory_space<hbm>> -> memref<1x64x64xf32, #tpu.memory_space<hbm>>
      %dma_wait3A_219 = tpu.memref_squeeze %dma_wait3A_218 : memref<1x64x64xf32, #tpu.memory_space<hbm>> -> memref<64x64xf32, #tpu.memory_space<hbm>>
      %dma_wait3A_220 = arith.constant 0 : i32
      %dma_wait3A_221 = tpu.memref_slice %arg5[%arg0, %add3A_200, %dma_wait3A_220] : memref<2x10240x64xf32, #tpu.memory_space<hbm>> -> memref<1x64x64xf32, #tpu.memory_space<hbm>>
      %dma_wait3A_222 = tpu.memref_squeeze %dma_wait3A_221 : memref<1x64x64xf32, #tpu.memory_space<hbm>> -> memref<64x64xf32, #tpu.memory_space<hbm>>
      tpu.wait_dma2 semaphore(%run_scoped3A : memref<!tpu.dma_semaphore, #tpu.memory_space<semaphore_mem>>) src(%arg13 : memref<64x64xf32, #tpu.memory_space<vmem>>) dst(%dma_wait3A_222 : memref<64x64xf32, #tpu.memory_space<hbm>>)
      tpu.yield
    }) : () -> ()
    %add3A_201 = arith.constant 320 : i32
    %add3A_202 = arith.addi %mul3A_16, %add3A_201 : i32
    "tpu.region"() ({
      %run_scoped3A = tpu.sem_alloc : memref<!tpu.dma_semaphore, #tpu.memory_space<semaphore_mem>>
      %dma_start3A_211 = arith.constant 0 : i32
      %dma_start3A_212 = tpu.memref_slice %arg25[%add3A_202, %dma_start3A_211] : memref<10240x64xf32, #tpu.memory_space<vmem_shared>> -> memref<64x64xf32, #tpu.memory_space<vmem_shared>>
      %dma_start3A_213 = arith.constant 0 : i32
      %dma_start3A_214 = tpu.memref_slice %arg25[%add3A_202, %dma_start3A_213] : memref<10240x64xf32, #tpu.memory_space<vmem_shared>> -> memref<64x64xf32, #tpu.memory_space<vmem_shared>>
      tpu.enqueue_dma source(%dma_start3A_214 : memref<64x64xf32, #tpu.memory_space<vmem_shared>>) target(%arg13 : memref<64x64xf32, #tpu.memory_space<vmem>>) target_semaphore(%run_scoped3A : memref<!tpu.dma_semaphore, #tpu.memory_space<semaphore_mem>>)
      %dma_wait3A_215 = arith.constant 0 : i32
      %dma_wait3A_216 = tpu.memref_slice %arg25[%add3A_202, %dma_wait3A_215] : memref<10240x64xf32, #tpu.memory_space<vmem_shared>> -> memref<64x64xf32, #tpu.memory_space<vmem_shared>>
      %dma_wait3A_217 = arith.constant 0 : i32
      %dma_wait3A_218 = tpu.memref_slice %arg25[%add3A_202, %dma_wait3A_217] : memref<10240x64xf32, #tpu.memory_space<vmem_shared>> -> memref<64x64xf32, #tpu.memory_space<vmem_shared>>
      tpu.wait_dma2 semaphore(%run_scoped3A : memref<!tpu.dma_semaphore, #tpu.memory_space<semaphore_mem>>) src(%dma_wait3A_218 : memref<64x64xf32, #tpu.memory_space<vmem_shared>>) dst(%arg13 : memref<64x64xf32, #tpu.memory_space<vmem>>)
      tpu.yield
    }) : () -> ()
    "tpu.region"() ({
      %run_scoped3A = tpu.sem_alloc : memref<!tpu.dma_semaphore, #tpu.memory_space<semaphore_mem>>
      %dma_start3A_211 = arith.constant 0 : i32
      %dma_start3A_212 = tpu.memref_slice %arg5[%arg0, %add3A_202, %dma_start3A_211] : memref<2x10240x64xf32, #tpu.memory_space<hbm>> -> memref<1x64x64xf32, #tpu.memory_space<hbm>>
      %dma_start3A_213 = tpu.memref_squeeze %dma_start3A_212 : memref<1x64x64xf32, #tpu.memory_space<hbm>> -> memref<64x64xf32, #tpu.memory_space<hbm>>
      %dma_start3A_214 = arith.constant 0 : i32
      %dma_start3A_215 = tpu.memref_slice %arg5[%arg0, %add3A_202, %dma_start3A_214] : memref<2x10240x64xf32, #tpu.memory_space<hbm>> -> memref<1x64x64xf32, #tpu.memory_space<hbm>>
      %dma_start3A_216 = tpu.memref_squeeze %dma_start3A_215 : memref<1x64x64xf32, #tpu.memory_space<hbm>> -> memref<64x64xf32, #tpu.memory_space<hbm>>
      tpu.enqueue_dma source(%arg13 : memref<64x64xf32, #tpu.memory_space<vmem>>) target(%dma_start3A_216 : memref<64x64xf32, #tpu.memory_space<hbm>>) target_semaphore(%run_scoped3A : memref<!tpu.dma_semaphore, #tpu.memory_space<semaphore_mem>>)
      %dma_wait3A_217 = arith.constant 0 : i32
      %dma_wait3A_218 = tpu.memref_slice %arg5[%arg0, %add3A_202, %dma_wait3A_217] : memref<2x10240x64xf32, #tpu.memory_space<hbm>> -> memref<1x64x64xf32, #tpu.memory_space<hbm>>
      %dma_wait3A_219 = tpu.memref_squeeze %dma_wait3A_218 : memref<1x64x64xf32, #tpu.memory_space<hbm>> -> memref<64x64xf32, #tpu.memory_space<hbm>>
      %dma_wait3A_220 = arith.constant 0 : i32
      %dma_wait3A_221 = tpu.memref_slice %arg5[%arg0, %add3A_202, %dma_wait3A_220] : memref<2x10240x64xf32, #tpu.memory_space<hbm>> -> memref<1x64x64xf32, #tpu.memory_space<hbm>>
      %dma_wait3A_222 = tpu.memref_squeeze %dma_wait3A_221 : memref<1x64x64xf32, #tpu.memory_space<hbm>> -> memref<64x64xf32, #tpu.memory_space<hbm>>
      tpu.wait_dma2 semaphore(%run_scoped3A : memref<!tpu.dma_semaphore, #tpu.memory_space<semaphore_mem>>) src(%arg13 : memref<64x64xf32, #tpu.memory_space<vmem>>) dst(%dma_wait3A_222 : memref<64x64xf32, #tpu.memory_space<hbm>>)
      tpu.yield
    }) : () -> ()
    %add3A_203 = arith.constant 384 : i32
    %add3A_204 = arith.addi %mul3A_16, %add3A_203 : i32
    "tpu.region"() ({
      %run_scoped3A = tpu.sem_alloc : memref<!tpu.dma_semaphore, #tpu.memory_space<semaphore_mem>>
      %dma_start3A_211 = arith.constant 0 : i32
      %dma_start3A_212 = tpu.memref_slice %arg25[%add3A_204, %dma_start3A_211] : memref<10240x64xf32, #tpu.memory_space<vmem_shared>> -> memref<64x64xf32, #tpu.memory_space<vmem_shared>>
      %dma_start3A_213 = arith.constant 0 : i32
      %dma_start3A_214 = tpu.memref_slice %arg25[%add3A_204, %dma_start3A_213] : memref<10240x64xf32, #tpu.memory_space<vmem_shared>> -> memref<64x64xf32, #tpu.memory_space<vmem_shared>>
      tpu.enqueue_dma source(%dma_start3A_214 : memref<64x64xf32, #tpu.memory_space<vmem_shared>>) target(%arg13 : memref<64x64xf32, #tpu.memory_space<vmem>>) target_semaphore(%run_scoped3A : memref<!tpu.dma_semaphore, #tpu.memory_space<semaphore_mem>>)
      %dma_wait3A_215 = arith.constant 0 : i32
      %dma_wait3A_216 = tpu.memref_slice %arg25[%add3A_204, %dma_wait3A_215] : memref<10240x64xf32, #tpu.memory_space<vmem_shared>> -> memref<64x64xf32, #tpu.memory_space<vmem_shared>>
      %dma_wait3A_217 = arith.constant 0 : i32
      %dma_wait3A_218 = tpu.memref_slice %arg25[%add3A_204, %dma_wait3A_217] : memref<10240x64xf32, #tpu.memory_space<vmem_shared>> -> memref<64x64xf32, #tpu.memory_space<vmem_shared>>
      tpu.wait_dma2 semaphore(%run_scoped3A : memref<!tpu.dma_semaphore, #tpu.memory_space<semaphore_mem>>) src(%dma_wait3A_218 : memref<64x64xf32, #tpu.memory_space<vmem_shared>>) dst(%arg13 : memref<64x64xf32, #tpu.memory_space<vmem>>)
      tpu.yield
    }) : () -> ()
    "tpu.region"() ({
      %run_scoped3A = tpu.sem_alloc : memref<!tpu.dma_semaphore, #tpu.memory_space<semaphore_mem>>
      %dma_start3A_211 = arith.constant 0 : i32
      %dma_start3A_212 = tpu.memref_slice %arg5[%arg0, %add3A_204, %dma_start3A_211] : memref<2x10240x64xf32, #tpu.memory_space<hbm>> -> memref<1x64x64xf32, #tpu.memory_space<hbm>>
      %dma_start3A_213 = tpu.memref_squeeze %dma_start3A_212 : memref<1x64x64xf32, #tpu.memory_space<hbm>> -> memref<64x64xf32, #tpu.memory_space<hbm>>
      %dma_start3A_214 = arith.constant 0 : i32
      %dma_start3A_215 = tpu.memref_slice %arg5[%arg0, %add3A_204, %dma_start3A_214] : memref<2x10240x64xf32, #tpu.memory_space<hbm>> -> memref<1x64x64xf32, #tpu.memory_space<hbm>>
      %dma_start3A_216 = tpu.memref_squeeze %dma_start3A_215 : memref<1x64x64xf32, #tpu.memory_space<hbm>> -> memref<64x64xf32, #tpu.memory_space<hbm>>
      tpu.enqueue_dma source(%arg13 : memref<64x64xf32, #tpu.memory_space<vmem>>) target(%dma_start3A_216 : memref<64x64xf32, #tpu.memory_space<hbm>>) target_semaphore(%run_scoped3A : memref<!tpu.dma_semaphore, #tpu.memory_space<semaphore_mem>>)
      %dma_wait3A_217 = arith.constant 0 : i32
      %dma_wait3A_218 = tpu.memref_slice %arg5[%arg0, %add3A_204, %dma_wait3A_217] : memref<2x10240x64xf32, #tpu.memory_space<hbm>> -> memref<1x64x64xf32, #tpu.memory_space<hbm>>
      %dma_wait3A_219 = tpu.memref_squeeze %dma_wait3A_218 : memref<1x64x64xf32, #tpu.memory_space<hbm>> -> memref<64x64xf32, #tpu.memory_space<hbm>>
      %dma_wait3A_220 = arith.constant 0 : i32
      %dma_wait3A_221 = tpu.memref_slice %arg5[%arg0, %add3A_204, %dma_wait3A_220] : memref<2x10240x64xf32, #tpu.memory_space<hbm>> -> memref<1x64x64xf32, #tpu.memory_space<hbm>>
      %dma_wait3A_222 = tpu.memref_squeeze %dma_wait3A_221 : memref<1x64x64xf32, #tpu.memory_space<hbm>> -> memref<64x64xf32, #tpu.memory_space<hbm>>
      tpu.wait_dma2 semaphore(%run_scoped3A : memref<!tpu.dma_semaphore, #tpu.memory_space<semaphore_mem>>) src(%arg13 : memref<64x64xf32, #tpu.memory_space<vmem>>) dst(%dma_wait3A_222 : memref<64x64xf32, #tpu.memory_space<hbm>>)
      tpu.yield
    }) : () -> ()
    %add3A_205 = arith.constant 448 : i32
    %add3A_206 = arith.addi %mul3A_16, %add3A_205 : i32
    "tpu.region"() ({
      %run_scoped3A = tpu.sem_alloc : memref<!tpu.dma_semaphore, #tpu.memory_space<semaphore_mem>>
      %dma_start3A_211 = arith.constant 0 : i32
      %dma_start3A_212 = tpu.memref_slice %arg25[%add3A_206, %dma_start3A_211] : memref<10240x64xf32, #tpu.memory_space<vmem_shared>> -> memref<64x64xf32, #tpu.memory_space<vmem_shared>>
      %dma_start3A_213 = arith.constant 0 : i32
      %dma_start3A_214 = tpu.memref_slice %arg25[%add3A_206, %dma_start3A_213] : memref<10240x64xf32, #tpu.memory_space<vmem_shared>> -> memref<64x64xf32, #tpu.memory_space<vmem_shared>>
      tpu.enqueue_dma source(%dma_start3A_214 : memref<64x64xf32, #tpu.memory_space<vmem_shared>>) target(%arg13 : memref<64x64xf32, #tpu.memory_space<vmem>>) target_semaphore(%run_scoped3A : memref<!tpu.dma_semaphore, #tpu.memory_space<semaphore_mem>>)
      %dma_wait3A_215 = arith.constant 0 : i32
      %dma_wait3A_216 = tpu.memref_slice %arg25[%add3A_206, %dma_wait3A_215] : memref<10240x64xf32, #tpu.memory_space<vmem_shared>> -> memref<64x64xf32, #tpu.memory_space<vmem_shared>>
      %dma_wait3A_217 = arith.constant 0 : i32
      %dma_wait3A_218 = tpu.memref_slice %arg25[%add3A_206, %dma_wait3A_217] : memref<10240x64xf32, #tpu.memory_space<vmem_shared>> -> memref<64x64xf32, #tpu.memory_space<vmem_shared>>
      tpu.wait_dma2 semaphore(%run_scoped3A : memref<!tpu.dma_semaphore, #tpu.memory_space<semaphore_mem>>) src(%dma_wait3A_218 : memref<64x64xf32, #tpu.memory_space<vmem_shared>>) dst(%arg13 : memref<64x64xf32, #tpu.memory_space<vmem>>)
      tpu.yield
    }) : () -> ()
    "tpu.region"() ({
      %run_scoped3A = tpu.sem_alloc : memref<!tpu.dma_semaphore, #tpu.memory_space<semaphore_mem>>
      %dma_start3A_211 = arith.constant 0 : i32
      %dma_start3A_212 = tpu.memref_slice %arg5[%arg0, %add3A_206, %dma_start3A_211] : memref<2x10240x64xf32, #tpu.memory_space<hbm>> -> memref<1x64x64xf32, #tpu.memory_space<hbm>>
      %dma_start3A_213 = tpu.memref_squeeze %dma_start3A_212 : memref<1x64x64xf32, #tpu.memory_space<hbm>> -> memref<64x64xf32, #tpu.memory_space<hbm>>
      %dma_start3A_214 = arith.constant 0 : i32
      %dma_start3A_215 = tpu.memref_slice %arg5[%arg0, %add3A_206, %dma_start3A_214] : memref<2x10240x64xf32, #tpu.memory_space<hbm>> -> memref<1x64x64xf32, #tpu.memory_space<hbm>>
      %dma_start3A_216 = tpu.memref_squeeze %dma_start3A_215 : memref<1x64x64xf32, #tpu.memory_space<hbm>> -> memref<64x64xf32, #tpu.memory_space<hbm>>
      tpu.enqueue_dma source(%arg13 : memref<64x64xf32, #tpu.memory_space<vmem>>) target(%dma_start3A_216 : memref<64x64xf32, #tpu.memory_space<hbm>>) target_semaphore(%run_scoped3A : memref<!tpu.dma_semaphore, #tpu.memory_space<semaphore_mem>>)
      %dma_wait3A_217 = arith.constant 0 : i32
      %dma_wait3A_218 = tpu.memref_slice %arg5[%arg0, %add3A_206, %dma_wait3A_217] : memref<2x10240x64xf32, #tpu.memory_space<hbm>> -> memref<1x64x64xf32, #tpu.memory_space<hbm>>
      %dma_wait3A_219 = tpu.memref_squeeze %dma_wait3A_218 : memref<1x64x64xf32, #tpu.memory_space<hbm>> -> memref<64x64xf32, #tpu.memory_space<hbm>>
      %dma_wait3A_220 = arith.constant 0 : i32
      %dma_wait3A_221 = tpu.memref_slice %arg5[%arg0, %add3A_206, %dma_wait3A_220] : memref<2x10240x64xf32, #tpu.memory_space<hbm>> -> memref<1x64x64xf32, #tpu.memory_space<hbm>>
      %dma_wait3A_222 = tpu.memref_squeeze %dma_wait3A_221 : memref<1x64x64xf32, #tpu.memory_space<hbm>> -> memref<64x64xf32, #tpu.memory_space<hbm>>
      tpu.wait_dma2 semaphore(%run_scoped3A : memref<!tpu.dma_semaphore, #tpu.memory_space<semaphore_mem>>) src(%arg13 : memref<64x64xf32, #tpu.memory_space<vmem>>) dst(%dma_wait3A_222 : memref<64x64xf32, #tpu.memory_space<hbm>>)
      tpu.yield
    }) : () -> ()
    %add3A_207 = arith.constant 512 : i32
    %add3A_208 = arith.addi %mul3A_16, %add3A_207 : i32
    "tpu.region"() ({
      %run_scoped3A = tpu.sem_alloc : memref<!tpu.dma_semaphore, #tpu.memory_space<semaphore_mem>>
      %dma_start3A_211 = arith.constant 0 : i32
      %dma_start3A_212 = tpu.memref_slice %arg25[%add3A_208, %dma_start3A_211] : memref<10240x64xf32, #tpu.memory_space<vmem_shared>> -> memref<64x64xf32, #tpu.memory_space<vmem_shared>>
      %dma_start3A_213 = arith.constant 0 : i32
      %dma_start3A_214 = tpu.memref_slice %arg25[%add3A_208, %dma_start3A_213] : memref<10240x64xf32, #tpu.memory_space<vmem_shared>> -> memref<64x64xf32, #tpu.memory_space<vmem_shared>>
      tpu.enqueue_dma source(%dma_start3A_214 : memref<64x64xf32, #tpu.memory_space<vmem_shared>>) target(%arg13 : memref<64x64xf32, #tpu.memory_space<vmem>>) target_semaphore(%run_scoped3A : memref<!tpu.dma_semaphore, #tpu.memory_space<semaphore_mem>>)
      %dma_wait3A_215 = arith.constant 0 : i32
      %dma_wait3A_216 = tpu.memref_slice %arg25[%add3A_208, %dma_wait3A_215] : memref<10240x64xf32, #tpu.memory_space<vmem_shared>> -> memref<64x64xf32, #tpu.memory_space<vmem_shared>>
      %dma_wait3A_217 = arith.constant 0 : i32
      %dma_wait3A_218 = tpu.memref_slice %arg25[%add3A_208, %dma_wait3A_217] : memref<10240x64xf32, #tpu.memory_space<vmem_shared>> -> memref<64x64xf32, #tpu.memory_space<vmem_shared>>
      tpu.wait_dma2 semaphore(%run_scoped3A : memref<!tpu.dma_semaphore, #tpu.memory_space<semaphore_mem>>) src(%dma_wait3A_218 : memref<64x64xf32, #tpu.memory_space<vmem_shared>>) dst(%arg13 : memref<64x64xf32, #tpu.memory_space<vmem>>)
      tpu.yield
    }) : () -> ()
    "tpu.region"() ({
      %run_scoped3A = tpu.sem_alloc : memref<!tpu.dma_semaphore, #tpu.memory_space<semaphore_mem>>
      %dma_start3A_211 = arith.constant 0 : i32
      %dma_start3A_212 = tpu.memref_slice %arg5[%arg0, %add3A_208, %dma_start3A_211] : memref<2x10240x64xf32, #tpu.memory_space<hbm>> -> memref<1x64x64xf32, #tpu.memory_space<hbm>>
      %dma_start3A_213 = tpu.memref_squeeze %dma_start3A_212 : memref<1x64x64xf32, #tpu.memory_space<hbm>> -> memref<64x64xf32, #tpu.memory_space<hbm>>
      %dma_start3A_214 = arith.constant 0 : i32
      %dma_start3A_215 = tpu.memref_slice %arg5[%arg0, %add3A_208, %dma_start3A_214] : memref<2x10240x64xf32, #tpu.memory_space<hbm>> -> memref<1x64x64xf32, #tpu.memory_space<hbm>>
      %dma_start3A_216 = tpu.memref_squeeze %dma_start3A_215 : memref<1x64x64xf32, #tpu.memory_space<hbm>> -> memref<64x64xf32, #tpu.memory_space<hbm>>
      tpu.enqueue_dma source(%arg13 : memref<64x64xf32, #tpu.memory_space<vmem>>) target(%dma_start3A_216 : memref<64x64xf32, #tpu.memory_space<hbm>>) target_semaphore(%run_scoped3A : memref<!tpu.dma_semaphore, #tpu.memory_space<semaphore_mem>>)
      %dma_wait3A_217 = arith.constant 0 : i32
      %dma_wait3A_218 = tpu.memref_slice %arg5[%arg0, %add3A_208, %dma_wait3A_217] : memref<2x10240x64xf32, #tpu.memory_space<hbm>> -> memref<1x64x64xf32, #tpu.memory_space<hbm>>
      %dma_wait3A_219 = tpu.memref_squeeze %dma_wait3A_218 : memref<1x64x64xf32, #tpu.memory_space<hbm>> -> memref<64x64xf32, #tpu.memory_space<hbm>>
      %dma_wait3A_220 = arith.constant 0 : i32
      %dma_wait3A_221 = tpu.memref_slice %arg5[%arg0, %add3A_208, %dma_wait3A_220] : memref<2x10240x64xf32, #tpu.memory_space<hbm>> -> memref<1x64x64xf32, #tpu.memory_space<hbm>>
      %dma_wait3A_222 = tpu.memref_squeeze %dma_wait3A_221 : memref<1x64x64xf32, #tpu.memory_space<hbm>> -> memref<64x64xf32, #tpu.memory_space<hbm>>
      tpu.wait_dma2 semaphore(%run_scoped3A : memref<!tpu.dma_semaphore, #tpu.memory_space<semaphore_mem>>) src(%arg13 : memref<64x64xf32, #tpu.memory_space<vmem>>) dst(%dma_wait3A_222 : memref<64x64xf32, #tpu.memory_space<hbm>>)
      tpu.yield
    }) : () -> ()
    %add3A_209 = arith.constant 576 : i32
    %add3A_210 = arith.addi %mul3A_16, %add3A_209 : i32
    "tpu.region"() ({
      %run_scoped3A = tpu.sem_alloc : memref<!tpu.dma_semaphore, #tpu.memory_space<semaphore_mem>>
      %dma_start3A_211 = arith.constant 0 : i32
      %dma_start3A_212 = tpu.memref_slice %arg25[%add3A_210, %dma_start3A_211] : memref<10240x64xf32, #tpu.memory_space<vmem_shared>> -> memref<64x64xf32, #tpu.memory_space<vmem_shared>>
      %dma_start3A_213 = arith.constant 0 : i32
      %dma_start3A_214 = tpu.memref_slice %arg25[%add3A_210, %dma_start3A_213] : memref<10240x64xf32, #tpu.memory_space<vmem_shared>> -> memref<64x64xf32, #tpu.memory_space<vmem_shared>>
      tpu.enqueue_dma source(%dma_start3A_214 : memref<64x64xf32, #tpu.memory_space<vmem_shared>>) target(%arg13 : memref<64x64xf32, #tpu.memory_space<vmem>>) target_semaphore(%run_scoped3A : memref<!tpu.dma_semaphore, #tpu.memory_space<semaphore_mem>>)
      %dma_wait3A_215 = arith.constant 0 : i32
      %dma_wait3A_216 = tpu.memref_slice %arg25[%add3A_210, %dma_wait3A_215] : memref<10240x64xf32, #tpu.memory_space<vmem_shared>> -> memref<64x64xf32, #tpu.memory_space<vmem_shared>>
      %dma_wait3A_217 = arith.constant 0 : i32
      %dma_wait3A_218 = tpu.memref_slice %arg25[%add3A_210, %dma_wait3A_217] : memref<10240x64xf32, #tpu.memory_space<vmem_shared>> -> memref<64x64xf32, #tpu.memory_space<vmem_shared>>
      tpu.wait_dma2 semaphore(%run_scoped3A : memref<!tpu.dma_semaphore, #tpu.memory_space<semaphore_mem>>) src(%dma_wait3A_218 : memref<64x64xf32, #tpu.memory_space<vmem_shared>>) dst(%arg13 : memref<64x64xf32, #tpu.memory_space<vmem>>)
      tpu.yield
    }) : () -> ()
    "tpu.region"() ({
      %run_scoped3A = tpu.sem_alloc : memref<!tpu.dma_semaphore, #tpu.memory_space<semaphore_mem>>
      %dma_start3A_211 = arith.constant 0 : i32
      %dma_start3A_212 = tpu.memref_slice %arg5[%arg0, %add3A_210, %dma_start3A_211] : memref<2x10240x64xf32, #tpu.memory_space<hbm>> -> memref<1x64x64xf32, #tpu.memory_space<hbm>>
      %dma_start3A_213 = tpu.memref_squeeze %dma_start3A_212 : memref<1x64x64xf32, #tpu.memory_space<hbm>> -> memref<64x64xf32, #tpu.memory_space<hbm>>
      %dma_start3A_214 = arith.constant 0 : i32
      %dma_start3A_215 = tpu.memref_slice %arg5[%arg0, %add3A_210, %dma_start3A_214] : memref<2x10240x64xf32, #tpu.memory_space<hbm>> -> memref<1x64x64xf32, #tpu.memory_space<hbm>>
      %dma_start3A_216 = tpu.memref_squeeze %dma_start3A_215 : memref<1x64x64xf32, #tpu.memory_space<hbm>> -> memref<64x64xf32, #tpu.memory_space<hbm>>
      tpu.enqueue_dma source(%arg13 : memref<64x64xf32, #tpu.memory_space<vmem>>) target(%dma_start3A_216 : memref<64x64xf32, #tpu.memory_space<hbm>>) target_semaphore(%run_scoped3A : memref<!tpu.dma_semaphore, #tpu.memory_space<semaphore_mem>>)
      %dma_wait3A_217 = arith.constant 0 : i32
      %dma_wait3A_218 = tpu.memref_slice %arg5[%arg0, %add3A_210, %dma_wait3A_217] : memref<2x10240x64xf32, #tpu.memory_space<hbm>> -> memref<1x64x64xf32, #tpu.memory_space<hbm>>
      %dma_wait3A_219 = tpu.memref_squeeze %dma_wait3A_218 : memref<1x64x64xf32, #tpu.memory_space<hbm>> -> memref<64x64xf32, #tpu.memory_space<hbm>>
      %dma_wait3A_220 = arith.constant 0 : i32
      %dma_wait3A_221 = tpu.memref_slice %arg5[%arg0, %add3A_210, %dma_wait3A_220] : memref<2x10240x64xf32, #tpu.memory_space<hbm>> -> memref<1x64x64xf32, #tpu.memory_space<hbm>>
      %dma_wait3A_222 = tpu.memref_squeeze %dma_wait3A_221 : memref<1x64x64xf32, #tpu.memory_space<hbm>> -> memref<64x64xf32, #tpu.memory_space<hbm>>
      tpu.wait_dma2 semaphore(%run_scoped3A : memref<!tpu.dma_semaphore, #tpu.memory_space<semaphore_mem>>) src(%arg13 : memref<64x64xf32, #tpu.memory_space<vmem>>) dst(%dma_wait3A_222 : memref<64x64xf32, #tpu.memory_space<hbm>>)
      tpu.yield
    }) : () -> ()
    return
  }
}

module attributes {stable_mosaic.version = 14 : i64} {
  func.func @body(%arg0: memref<5000x256xf32, #tpu.memory_space<vmem>>, %arg1: memref<256x128xf32, #tpu.memory_space<vmem>>, %arg2: memref<5120x128xf32, #tpu.memory_space<vmem>>) attributes {dimension_semantics = [], scalar_prefetch = 0 : i64, scratch_operands = 0 : i64, tpu.core_type = #tpu.core_type<tc>} {
    %get3A = arith.constant 0 : index
    %get3A_0 = arith.constant 0 : index
    %get3A_1 = vector.load %arg0[%get3A, %get3A_0] : memref<5000x256xf32, #tpu.memory_space<vmem>>, vector<5000x256xf32>
    %get3A_2 = arith.constant 0 : index
    %get3A_3 = arith.constant 0 : index
    %get3A_4 = vector.load %arg1[%get3A_2, %get3A_3] : memref<256x128xf32, #tpu.memory_space<vmem>>, vector<256x128xf32>
    %dot_general3A = arith.constant dense<0.000000e+00> : vector<5000x128xf32>
    %dot_general3A_5 = tpu.matmul %get3A_1, %get3A_4, %dot_general3A {dimension_numbers = #tpu.dot_dimension_numbers<[1], [0], [0], [1], [0, 0, 1, 1], [], []>, transpose_lhs_hint = false} : vector<5000x256xf32>, vector<256x128xf32>, vector<5000x128xf32> -> vector<5000x128xf32>
    %swap3A = arith.constant 0 : index
    %swap3A_6 = arith.constant 0 : index
    %swap3A_7 = vector.load %arg2[%swap3A, %swap3A_6] : memref<5120x128xf32, #tpu.memory_space<vmem>>, vector<5000x128xf32>
    tpu.vector_store %arg2[%swap3A, %swap3A_6], %dot_general3A_5 {strides = array<i32>} : memref<5120x128xf32, #tpu.memory_space<vmem>>, vector<5000x128xf32>,
    %broadcast_in_dim3A = arith.constant 0.000000e+00 : f32
    %broadcast_in_dim3A_8 = vector.broadcast %broadcast_in_dim3A : f32 to vector<120x128xf32>
    %swap3A_9 = arith.constant 5000 : index
    %swap3A_10 = arith.constant 0 : index
    %swap3A_11 = vector.load %arg2[%swap3A_9, %swap3A_10] : memref<5120x128xf32, #tpu.memory_space<vmem>>, vector<120x128xf32>
    tpu.vector_store %arg2[%swap3A_9, %swap3A_10], %broadcast_in_dim3A_8 {strides = array<i32>} : memref<5120x128xf32, #tpu.memory_space<vmem>>, vector<120x128xf32>,
    return
  }
}

module attributes {stable_mosaic.version = 14 : i64} {
  func.func @body(%arg0: memref<2x5120x128xf32, #tpu.memory_space<vmem>>, %arg1: memref<5120x128xf32, #tpu.memory_space<vmem>>, %arg2: memref<5120x128xf32, #tpu.memory_space<vmem>>, %arg3: memref<1x128xf32, #tpu.memory_space<vmem>>, %arg4: memref<128x128xf32, #tpu.memory_space<vmem>>, %arg5: memref<5120x128xf32, #tpu.memory_space<vmem>>) attributes {dimension_semantics = [], scalar_prefetch = 0 : i64, scratch_operands = 0 : i64, tpu.core_type = #tpu.core_type<tc>} {
    %get3A = arith.constant 0 : index
    %get3A_0 = arith.constant 0 : index
    %get3A_1 = vector.load %arg2[%get3A, %get3A_0] : memref<5120x128xf32, #tpu.memory_space<vmem>>, vector<5120x128xf32>
    %get3A_2 = arith.constant 0 : index
    %get3A_3 = arith.constant 0 : index
    %get3A_4 = arith.constant 0 : index
    %get3A_5 = vector.load %arg0[%get3A_2, %get3A_3, %get3A_4] : memref<2x5120x128xf32, #tpu.memory_space<vmem>>, vector<1x5120x128xf32>
    %get3A_6 = vector.shape_cast %get3A_5 : vector<1x5120x128xf32> to vector<5120x128xf32>
    %get3A_7 = arith.constant 1 : index
    %get3A_8 = arith.constant 0 : index
    %get3A_9 = arith.constant 0 : index
    %get3A_10 = vector.load %arg0[%get3A_7, %get3A_8, %get3A_9] : memref<2x5120x128xf32, #tpu.memory_space<vmem>>, vector<1x5120x128xf32>
    %get3A_11 = vector.shape_cast %get3A_10 : vector<1x5120x128xf32> to vector<5120x128xf32>
    %add3A = arith.addf %get3A_6, %get3A_11 : vector<5120x128xf32>
    %get3A_12 = arith.constant 0 : index
    %get3A_13 = arith.constant 0 : index
    %get3A_14 = vector.load %arg1[%get3A_12, %get3A_13] : memref<5120x128xf32, #tpu.memory_space<vmem>>, vector<5120x128xf32>
    %add3A_15 = arith.addf %add3A, %get3A_14 : vector<5120x128xf32>
    %mul3A = arith.mulf %get3A_1, %add3A_15 : vector<5120x128xf32>
    %get3A_16 = arith.constant 0 : index
    %get3A_17 = arith.constant 0 : index
    %get3A_18 = vector.load %arg3[%get3A_16, %get3A_17] : memref<1x128xf32, #tpu.memory_space<vmem>>, vector<1x128xf32>
    %add3A_19 = vector.broadcast %get3A_18 : vector<1x128xf32> to vector<5120x128xf32>
    %add3A_20 = arith.addf %mul3A, %add3A_19 : vector<5120x128xf32>
    %max3A = arith.constant 0.000000e+00 : f32
    %max3A_21 = vector.broadcast %max3A : f32 to vector<5120x128xf32>
    %max3A_22 = arith.maximumf %add3A_20, %max3A_21 : vector<5120x128xf32>
    %get3A_23 = arith.constant 0 : index
    %get3A_24 = arith.constant 0 : index
    %get3A_25 = vector.load %arg4[%get3A_23, %get3A_24] : memref<128x128xf32, #tpu.memory_space<vmem>>, vector<128x128xf32>
    %dot_general3A = arith.constant dense<0.000000e+00> : vector<5120x128xf32>
    %dot_general3A_26 = tpu.matmul %max3A_22, %get3A_25, %dot_general3A {dimension_numbers = #tpu.dot_dimension_numbers<[1], [0], [0], [1], [0, 0, 1, 1], [], []>, transpose_lhs_hint = false} : vector<5120x128xf32>, vector<128x128xf32>, vector<5120x128xf32> -> vector<5120x128xf32>
    %mul3A_27 = arith.mulf %dot_general3A_26, %get3A_1 : vector<5120x128xf32>
    %swap3A = arith.constant 0 : index
    %swap3A_28 = arith.constant 0 : index
    %swap3A_29 = vector.load %arg5[%swap3A, %swap3A_28] : memref<5120x128xf32, #tpu.memory_space<vmem>>, vector<5120x128xf32>
    tpu.vector_store %arg5[%swap3A, %swap3A_28], %mul3A_27 {strides = array<i32>} : memref<5120x128xf32, #tpu.memory_space<vmem>>, vector<5120x128xf32>,
    return
  }
}

module attributes {stable_mosaic.version = 14 : i64} {
  func.func @body(%arg0: memref<2x5120x128xf32, #tpu.memory_space<vmem>>, %arg1: memref<5120x128xf32, #tpu.memory_space<vmem>>, %arg2: memref<5120x128xf32, #tpu.memory_space<vmem>>, %arg3: memref<1x128xf32, #tpu.memory_space<vmem>>, %arg4: memref<1x5120xi32, #tpu.memory_space<vmem>>, %arg5: memref<1x5120xi32, #tpu.memory_space<vmem>>, %arg6: memref<64x32xf32, #tpu.memory_space<vmem>>, %arg7: memref<1x32xf32, #tpu.memory_space<vmem>>, %arg8: memref<32x1xf32, #tpu.memory_space<vmem>>, %arg9: memref<1x1xf32, #tpu.memory_space<vmem>>, %arg10: memref<64x1xf32, #tpu.memory_space<vmem>>) attributes {dimension_semantics = [], scalar_prefetch = 0 : i64, scratch_operands = 0 : i64, tpu.core_type = #tpu.core_type<tc>} {
    %get3A = arith.constant 0 : index
    %get3A_0 = arith.constant 0 : index
    %get3A_1 = vector.load %arg2[%get3A, %get3A_0] : memref<5120x128xf32, #tpu.memory_space<vmem>>, vector<5120x128xf32>
    %get3A_2 = arith.constant 0 : index
    %get3A_3 = arith.constant 0 : index
    %get3A_4 = arith.constant 0 : index
    %get3A_5 = vector.load %arg0[%get3A_2, %get3A_3, %get3A_4] : memref<2x5120x128xf32, #tpu.memory_space<vmem>>, vector<1x5120x128xf32>
    %get3A_6 = vector.shape_cast %get3A_5 : vector<1x5120x128xf32> to vector<5120x128xf32>
    %get3A_7 = arith.constant 1 : index
    %get3A_8 = arith.constant 0 : index
    %get3A_9 = arith.constant 0 : index
    %get3A_10 = vector.load %arg0[%get3A_7, %get3A_8, %get3A_9] : memref<2x5120x128xf32, #tpu.memory_space<vmem>>, vector<1x5120x128xf32>
    %get3A_11 = vector.shape_cast %get3A_10 : vector<1x5120x128xf32> to vector<5120x128xf32>
    %add3A = arith.addf %get3A_6, %get3A_11 : vector<5120x128xf32>
    %get3A_12 = arith.constant 0 : index
    %get3A_13 = arith.constant 0 : index
    %get3A_14 = vector.load %arg1[%get3A_12, %get3A_13] : memref<5120x128xf32, #tpu.memory_space<vmem>>, vector<5120x128xf32>
    %add3A_15 = arith.addf %add3A, %get3A_14 : vector<5120x128xf32>
    %mul3A = arith.mulf %get3A_1, %add3A_15 : vector<5120x128xf32>
    %get3A_16 = arith.constant 0 : index
    %get3A_17 = arith.constant 0 : index
    %get3A_18 = vector.load %arg3[%get3A_16, %get3A_17] : memref<1x128xf32, #tpu.memory_space<vmem>>, vector<1x128xf32>
    %add3A_19 = vector.broadcast %get3A_18 : vector<1x128xf32> to vector<5120x128xf32>
    %add3A_20 = arith.addf %mul3A, %add3A_19 : vector<5120x128xf32>
    %slice3A = vector.extract_strided_slice %add3A_20 {offsets = [0, 0], sizes = [5120, 64], strides = [1, 1]} : vector<5120x128xf32> to vector<5120x64xf32>
    %slice3A_21 = vector.extract_strided_slice %add3A_20 {offsets = [0, 64], sizes = [5120, 64], strides = [1, 1]} : vector<5120x128xf32> to vector<5120x64xf32>
    %iota3A = tpu.iota {dimensions = array<i32: 0>} : vector<64x5120xi32>
    %get3A_22 = arith.constant 0 : index
    %get3A_23 = arith.constant 0 : index
    %get3A_24 = vector.load %arg4[%get3A_22, %get3A_23] : memref<1x5120xi32, #tpu.memory_space<vmem>>, vector<1x5120xi32>
    %eq3A = vector.broadcast %get3A_24 : vector<1x5120xi32> to vector<64x5120xi32>
    %eq3A_25 = arith.cmpi eq, %iota3A, %eq3A : vector<64x5120xi32>
    %convert_element_type3A = arith.extui %eq3A_25 : vector<64x5120xi1> to vector<64x5120xi32>
    %convert_element_type3A_26 = arith.sitofp %convert_element_type3A : vector<64x5120xi32> to vector<64x5120xf32>
    %get3A_27 = arith.constant 0 : index
    %get3A_28 = arith.constant 0 : index
    %get3A_29 = vector.load %arg5[%get3A_27, %get3A_28] : memref<1x5120xi32, #tpu.memory_space<vmem>>, vector<1x5120xi32>
    %eq3A_30 = vector.broadcast %get3A_29 : vector<1x5120xi32> to vector<64x5120xi32>
    %eq3A_31 = arith.cmpi eq, %iota3A, %eq3A_30 : vector<64x5120xi32>
    %convert_element_type3A_32 = arith.extui %eq3A_31 : vector<64x5120xi1> to vector<64x5120xi32>
    %convert_element_type3A_33 = arith.sitofp %convert_element_type3A_32 : vector<64x5120xi32> to vector<64x5120xf32>
    %dot_general3A = arith.constant dense<0.000000e+00> : vector<64x64xf32>
    %dot_general3A_34 = tpu.matmul %convert_element_type3A_26, %slice3A, %dot_general3A {dimension_numbers = #tpu.dot_dimension_numbers<[1], [0], [0], [1], [0, 0, 1, 1], [], []>, transpose_lhs_hint = false} : vector<64x5120xf32>, vector<5120x64xf32>, vector<64x64xf32> -> vector<64x64xf32>
    %dot_general3A_35 = arith.constant dense<0.000000e+00> : vector<64x64xf32>
    %dot_general3A_36 = tpu.matmul %convert_element_type3A_33, %slice3A_21, %dot_general3A_35 {dimension_numbers = #tpu.dot_dimension_numbers<[1], [0], [0], [1], [0, 0, 1, 1], [], []>, transpose_lhs_hint = false} : vector<64x5120xf32>, vector<5120x64xf32>, vector<64x64xf32> -> vector<64x64xf32>
    %add3A_37 = arith.addf %dot_general3A_34, %dot_general3A_36 : vector<64x64xf32>
    %get3A_38 = arith.constant 0 : index
    %get3A_39 = arith.constant 0 : index
    %get3A_40 = vector.load %arg6[%get3A_38, %get3A_39] : memref<64x32xf32, #tpu.memory_space<vmem>>, vector<64x32xf32>
    %dot_general3A_41 = arith.constant dense<0.000000e+00> : vector<64x32xf32>
    %dot_general3A_42 = tpu.matmul %add3A_37, %get3A_40, %dot_general3A_41 {dimension_numbers = #tpu.dot_dimension_numbers<[1], [0], [0], [1], [0, 0, 1, 1], [], []>, transpose_lhs_hint = false} : vector<64x64xf32>, vector<64x32xf32>, vector<64x32xf32> -> vector<64x32xf32>
    %get3A_43 = arith.constant 0 : index
    %get3A_44 = arith.constant 0 : index
    %get3A_45 = vector.load %arg7[%get3A_43, %get3A_44] : memref<1x32xf32, #tpu.memory_space<vmem>>, vector<1x32xf32>
    %add3A_46 = vector.broadcast %get3A_45 : vector<1x32xf32> to vector<64x32xf32>
    %add3A_47 = arith.addf %dot_general3A_42, %add3A_46 : vector<64x32xf32>
    %max3A = arith.constant 0.000000e+00 : f32
    %max3A_48 = vector.broadcast %max3A : f32 to vector<64x32xf32>
    %max3A_49 = arith.maximumf %add3A_47, %max3A_48 : vector<64x32xf32>
    %get3A_50 = arith.constant 0 : index
    %get3A_51 = arith.constant 0 : index
    %get3A_52 = vector.load %arg8[%get3A_50, %get3A_51] : memref<32x1xf32, #tpu.memory_space<vmem>>, vector<32x1xf32>
    %dot_general3A_53 = arith.constant dense<0.000000e+00> : vector<64x1xf32>
    %dot_general3A_54 = tpu.matmul %max3A_49, %get3A_52, %dot_general3A_53 {dimension_numbers = #tpu.dot_dimension_numbers<[1], [0], [0], [1], [0, 0, 1, 1], [], []>, transpose_lhs_hint = false} : vector<64x32xf32>, vector<32x1xf32>, vector<64x1xf32> -> vector<64x1xf32>
    %get3A_55 = arith.constant 0 : index
    %get3A_56 = arith.constant 0 : index
    %get3A_57 = vector.load %arg9[%get3A_55, %get3A_56] : memref<1x1xf32, #tpu.memory_space<vmem>>, vector<1x1xf32>
    %add3A_58 = vector.broadcast %get3A_57 : vector<1x1xf32> to vector<64x1xf32>
    %add3A_59 = arith.addf %dot_general3A_54, %add3A_58 : vector<64x1xf32>
    %swap3A = arith.constant 0 : index
    %swap3A_60 = arith.constant 0 : index
    %swap3A_61 = vector.load %arg10[%swap3A, %swap3A_60] : memref<64x1xf32, #tpu.memory_space<vmem>>, vector<64x1xf32>
    tpu.vector_store %arg10[%swap3A, %swap3A_60], %add3A_59 {strides = array<i32>} : memref<64x1xf32, #tpu.memory_space<vmem>>, vector<64x1xf32>,
    return
  }
}

</mosaic_0001>

<sc_bundles>
// kernel: kernel.10.cloned.1.call-start
scs
__scs_entry_jumppad:
0x0: {  	(pc) =	sbr.rel $0x88, $3  }
0x1: {  	(tag) =	ssettag $0x0;
	lr =	simm.s32 $0x1  }
0x2: {  	[smem:$0x3F94] =	sst lr;
	_ =	strace $0xD0000000  }
0x3: {  	_ = 	snop  }
0x4: {  	_ = 	snop  }
0x5: {  	_ = 	snop  }
0x6: {  	_ = 	snop  }
0x7: {  	_ = 	snop  }
__scs_overlays_trampoline_lowered:
0x8: {  	[smem:$0x3FA3] =	sst s0  }
0x9: {  	[smem:$0x3FA4] =	sst s1  }
0xa: {  	[smem:$0x3FA5] =	sst s2  }
0xb: {  	[smem:$0x3FA6] =	sst s3  }
0xc: {  	[smem:$0x3FA7] =	sst s4  }
0xd: {  	[smem:$0x3FA8] =	sst s5  }
0xe: {  	[smem:$0x3FA9] =	sst s6  }
0xf: {  	[smem:$0x3FAA] =	sst s7  }
0x10: {  	[smem:$0x3FAB] =	sst s8  }
0x11: {  	[smem:$0x3FAC] =	sst s9;
	s0 =	simm.s32 @!p0 $0x0  }
0x12: {  	s1 =	sld [smem:$0x3F92];
	s0 =	simm.s32 @p0 $0x1  }
0x13: {  	[smem:$0x3FAD] =	sst s0;
	s0 =	simm.s32 @!p1 $0x0  }
0x14: {  	s2 =	sld [smem:$0x3F91];
	s0 =	simm.s32 @p1 $0x1  }
0x15: {  	[smem:$0x3FAE] =	sst s0;
	s0 =	simm.s32 @!p2 $0x0  }
0x16: {  	s3 =	sld [smem:$0x3FDB];
	s0 =	simm.s32 @p2 $0x1  }
0x17: {  	s4 =	simm.s32 $0x1BF5;
	[smem:$0x3FB0] =	sst s0  }
0x18: {  	s0 =	sld [smem:$0x3F93];
	_ =	swait.ge [sflag:s4], $0x0  }
0x19: {  	s7 =	sld [smem:$0x3F94]  }
0x1a: {  	s8 =	sadd.s32 $0xFFFFE003, lr  }
0x1b: {  	s9 =	sadd.s32 $0xFFFFFEF7, lr;
	s5 =	simm.s32 $0xFFFFFFFF;
	p2 =	slt.u32 s8, $0xFFFFF086  }
0x1c: {  	p1 =	slt.u32 s9, $0xF7A;
	s5 =	simm.s32 @!p2 $0x0  }
0x1d: {  	s5 =	simm.s32 @p1 $0x1;
	p0 =	seq.s32 s7, s2  }
0x1e: {  	s7 =	smul.u32 @!p0 $0xF7A, s2;
	p2 =	seq.s32 @!p0 s5, $0x0  }
0x1f: {  	s9 =	smul.u32 $0xF7A, s1;
	s8 =	simm.s32 @!p0 $0x1BF5;
	p2 =	por !p2, p0  }
0x20: {  	[sflag:s8] =	ssyncset.s32 @!p0 $0xFFFFF086;
	s6 =	sadd.s32 @!p0 s3, s7;
	s7 =	simm.s32 @!p0 $0x108  }
0x21: {  	s3 =	sadd.s32 s3, s9;
	s6 =	sadd.s32 @!p0 $0x88, s6;
	s7 =	simm.s32 @p2 $0x1082  }
0x22: {  	[simem:s7], [sflag:s8] =	dma.local @!p0 [hbm:s6], $0xF7A  }
0x23: {  	s9 =	sor.u32 $0xD0000000, s2;
	s6 =	simm.s32 $0x108;
	_ =	swait.ge @!p0 [sflag:s8], $0x0  }
0x24: {  	s3 =	sadd.s32 $0x88, s3;
	s6 =	simm.s32 @!p1 $0x1082;
	[sflag:s4] =	ssyncset.s32 $0xFFFFF086  }
0x25: {  	[simem:s6], [sflag:s4] =	dma.local [hbm:s3], $0xF7A  }
0x26: {  	[smem:$0x3F94] =	sst s1;
	(tag) =	ssettag s2;
	_ =	strace s9  }
0x27: {  	s1 =	sld [smem:$0x3FA4]  }
0x28: {  	s2 =	sld [smem:$0x3FA5]  }
0x29: {  	s4 =	sld [smem:$0x3FA7]  }
0x2a: {  	p0 =	seq.s32 s5, $0x0;
	s5 =	sld [smem:$0x3FA8]  }
0x2b: {  	s6 =	sld [smem:$0x3FA9]  }
0x2c: {  	s7 =	sld [smem:$0x3FAA]  }
0x2d: {  	s3 =	simm.s32 $0x108;
	s8 =	sld [smem:$0x3FAB]  }
0x2e: {  	s3 =	simm.s32 @!p0 $0x1082;
	s9 =	sld [smem:$0x3FAC]  }
0x2f: {  	lr =	sadd.s32 s0, s3;
	s0 =	sld [smem:$0x3FA3]  }
0x30: {  	s3 =	sld [smem:$0x3FA6]  }
0x31: {  	[smem:$0x3FAF] =	sst s10  }
0x32: {  	s10 =	sld [smem:$0x3FAD];
	_ =	sdelay $0x3  }
0x33: {  	p0 =	seq.s32 s10, $0x1;
	s10 =	sld [smem:$0x3FAF];
	_ =	sdelay $0x3  }
0x34: {  	[smem:$0x3FAF] =	sst s10  }
0x35: {  	s10 =	sld [smem:$0x3FAE];
	_ =	sdelay $0x3  }
0x36: {  	p1 =	seq.s32 s10, $0x1;
	s10 =	sld [smem:$0x3FAF];
	_ =	sdelay $0x3  }
0x37: {  	[smem:$0x3FAF] =	sst s10  }
0x38: {  	s10 =	sld [smem:$0x3FB0]  }
0x39: {  	_ = 	snop;
	(pc) =	sbr.ind lr, $3  }
0x3a: {  	_ = 	snop  }
0x3b: {  	_ = 	snop  }
0x3c: {  	p2 =	seq.s32 s10, $0x1;
	s10 =	sld [smem:$0x3FAF]  }
0x3d: {  	_ =	shalt  }
0x3e: {  	_ =	shalt  }
0x3f: {  	_ =	shalt  }
0x40: {  	_ =	shalt  }
0x41: {  	_ =	shalt  }
0x42: {  	_ =	shalt  }
0x43: {  	_ =	shalt  }
0x44: {  	_ =	shalt  }
0x45: {  	_ =	shalt  }
0x46: {  	_ =	shalt  }
0x47: {  	_ =	shalt  }
0x48: {  	_ =	shalt  }
0x49: {  	_ =	shalt  }
0x4a: {  	_ =	shalt  }
0x4b: {  	_ =	shalt  }
0x4c: {  	_ =	shalt  }
0x4d: {  	_ =	shalt  }
0x4e: {  	_ =	shalt  }
0x4f: {  	_ =	shalt  }
0x50: {  	_ =	shalt  }
0x51: {  	_ =	shalt  }
0x52: {  	_ =	shalt  }
0x53: {  	_ =	shalt  }
0x54: {  	_ =	shalt  }
0x55: {  	_ =	shalt  }
0x56: {  	_ =	shalt  }
0x57: {  	_ =	shalt  }
0x58: {  	_ =	shalt  }
0x59: {  	_ =	shalt  }
0x5a: {  	_ =	shalt  }
0x5b: {  	_ =	shalt  }
0x5c: {  	_ =	shalt  }
0x5d: {  	_ =	shalt  }
0x5e: {  	_ =	shalt  }
0x5f: {  	_ =	shalt  }
0x60: {  	_ =	shalt  }
0x61: {  	_ =	shalt  }
0x62: {  	_ =	shalt  }
0x63: {  	_ =	shalt  }
0x64: {  	_ =	shalt  }
0x65: {  	_ =	shalt  }
0x66: {  	_ =	shalt  }
0x67: {  	_ =	shalt  }
0x68: {  	_ =	shalt  }
0x69: {  	_ =	shalt  }
0x6a: {  	_ =	shalt  }
0x6b: {  	_ =	shalt  }
0x6c: {  	_ =	shalt  }
0x6d: {  	_ =	shalt  }
0x6e: {  	_ =	shalt  }
0x6f: {  	_ =	shalt  }
0x70: {  	_ =	shalt  }
0x71: {  	_ =	shalt  }
0x72: {  	_ =	shalt  }
0x73: {  	_ =	shalt  }
0x74: {  	_ =	shalt  }
0x75: {  	_ =	shalt  }
0x76: {  	_ =	shalt  }
0x77: {  	_ =	shalt  }
0x78: {  	_ =	shalt  }
0x79: {  	_ =	shalt  }
0x7a: {  	_ =	shalt  }
0x7b: {  	_ =	shalt  }
0x7c: {  	_ =	shalt  }
0x7d: {  	_ =	shalt  }
0x7e: {  	_ =	shalt  }
0x7f: {  	_ =	shalt  }
0x80: {  	_ =	shalt  }
0x81: {  	_ =	shalt  }
0x82: {  	_ =	shalt  }
0x83: {  	_ =	shalt  }
0x84: {  	_ =	shalt  }
0x85: {  	_ =	shalt  }
0x86: {  	_ =	shalt  }
0x87: {  	_ =	shalt  }
.Lfunc_end0:
.L_simem_size_0:
called_computation_lowered:
.L_overlay_start_0:
0x88: {  	s2 =	sld [smem:$0x3FD9]  }
0x89: {  	s3 =	sld [smem:$0x3FFE];
	_ =	sdelay $0x1  }
0x8a: {  	s1 =	srdreg.scid  }
0x8b: {  	s0 =	sand.u32 $0x1, s1  }
0x8c: {  	s16 =	sshll.u32 s0, $0xA;
	s2 =	sadd.s32 s3, s2  }
0x8d: {  	s2 =	sadd.s32 s2, s16  }
0x8e: {  	[smem:$0x3FBB] =	sst s2  }
0x8f: {  	_ = 	snop  }
0x90: {  	(tm) =	ssettm $0x1  }
0x91: {  	s17 =	sld [smem:$0x3FFB];
	_ =	sdelay $0x3  }
0x92: {  	_ =	strace s17  }
0x93: {  	s2 =	sld [smem:$0x3FFC];
	_ =	sdelay $0x3  }
0x94: {  	_ =	strace s2  }
0x95: {  	s2 =	sld [smem:$0x3FFD];
	_ =	sdelay $0x3  }
0x96: {  	_ =	strace s2  }
0x97: {  	_ =	strace $0x8FFFFFFF  }
0x98: {  	s18 =	sld [smem:$0x3FDB];
	_ =	sdelay $0x1  }
0x99: {  	s19 =	simm.s32 $_scs_section_size  }
0x9a: {  	s4 =	simm.s32 $_size__tile_overlayer_lowered;
	s5 =	simm.s32 $_tile_overlayer_lowered  }
0x9b: {  	s22 =	simm.s32 $0x1BFF;
	s21 =	sshll.u32 s5, $0x1;
	s2 =	sadd.s32 s19, s18  }
0x9c: {  	s6 =	simm.s32 $0x0;
	s20 =	sshll.u32 s4, $0x1;
	s4 =	sadd.s32 s21, s2  }
0x9d: {  	[timem:s6], [sflag:s22] =	dma.local [hbm:s4], s20  }
0x9e: {  	_ =	swait.ge [sflag:s22], s20  }
0x9f: {  	s3 =	ssub.s32 $0x0, s20;
	[sflag:s22] =	ssyncset.done $0x0  }
0xa0: {  	[sflag:s22] =	ssyncadd.s32 s3;
	_ =	sdelay $0x1  }
0xa1: {  	s23 =	simm.s32 $0x1B8B  }
0xa2: {  	_ =	swait.ge [sflag:s23], $0x1  }
0xa3: {  	[sflag:s23] =	ssyncset.done $0x0  }
0xa4: {  	s25 =	simm.s32 $0x1B8E;
	s24 =	sld [smem:$0x3FFE];
	[sflag:s23] =	ssyncadd.s32 $0xFFFFFFFF  }
0xa5: {  	s26 =	simm.s32 $execute0_lowered;
	[smem:$0x3FD2] =	sst s25  }
0xa6: {  	s4 =	sshll.u32 s26, $0x1;
	_ =	strace $0x80000046;
	[dreg:$0x1] =	wrdreg $0xFFFFFFFF  }
0xa7: {  	s28 =	simm.s32 $_size_execute0_lowered;
	s2 =	sadd.s32 s2, s4;
	[dreg:$0x0] =	wrdreg $0x0  }
0xa8: {  	s4 =	sshll.u32 s28, $0x1;
	[dreg:$0x2] =	wrdreg s2  }
0xa9: {  	[dreg:$0x3] =	wrdreg s4  }
0xaa: {  	[dreg:$0x4] =	wrdreg $0xC0  }
0xab: {  	_ =	task [dreg:s6], $0x5FFFF  }
0xac: {  	[dreg:$0x1] =	wrdreg $0xFFFFFFFF  }
0xad: {  	[dreg:$0x0] =	wrdreg $0x60  }
0xae: {  	[dreg:$0x2] =	wrdreg s24  }
0xaf: {  	[dreg:$0x3] =	wrdreg $0x2B000  }
0xb0: {  	[dreg:$0x4] =	wrdreg $0x9  }
0xb1: {  	_ =	task.clear_ibuf [dreg:s6], $0x5FFFF;
	_ =	strace $0x90000046  }
0xb2: {  	s29 =	simm.s32 $0x9;
	_ =	strace $0x80000048  }
0xb3: {  	_ =	swait.ge [sflag:s29], $0x1  }
0xb4: {  	[sflag:s29] =	ssyncadd.s32 $0xFFFFFFFF  }
0xb5: {  	_ =	strace $0x90000048  }
0xb6: {  	_ =	sfence  }
0xb7: {  	s30 =	sld [smem:$0x0];
	_ =	sdelay $0x2  }
0xb8: {  	s31 =	sshll.u32 s1, $0xD;
	s1 =	sshrl.u32 s1, $0x2  }
0xb9: {  	s3 =	sand.u32 $0x4000, s31;
	s1 =	sadd.s32 s1, s30  }
0xba: {  	s0 =	sor.u32 s3, s0;
	s1 =	sshll.u32 s1, $0x11  }
0xbb: {  	s0 =	sor.u32 s1, s0  }
0xbc: {  	s0 =	sadd.s32 $0x8F2B, s0  }
0xbd: {  	[sflag:s0] =	ssyncadd.remote.s32 $0x1  }
0xbe: {  	_ =	sfence.sel $0xFFFF  }
0xbf: {  	[dreg:$0x0] =	wrdreg $0xFFFFFFFF;
	(pc) =	sbr.abs _section_cstart, $3  }
0xc0: {  	[dreg:$0x1] =	wrdreg $0xFFFFFFFF  }
0xc1: {  	_ =	task.clear_ibuf [dreg:s6], $0x2FFFF;
	_ =	strace $0x9FFFFFFF  }
0xc2: {  	(tm) =	ssettm $0x7FFFFFFF  }
0xc3: {  	_ =	shalt  }
tec
execute0_lowered:
.L_overlay_start_1:
0x0: {  	(tag) =	ssettag $0x1  }
0x1: {  	s4 =	rddreg [dreg:$0x0]  }
0x2: {  	s2 =	rddreg [dreg:$0x1]  }
0x3: {  	s0 =	rddreg [dreg:$0x2];
	s3 =	srdreg.scid  }
0x4: {  	s1 =	stileid.u32;
	s10 =	simm.s32 $0x1;
	s11 =	simm.s32 $0x80  }
0x5: {  	s12 =	simm.s32 $0x2800;
	s13 =	simm.s32 $0x100;
	s14 =	simm.s32 $0x180  }
0x6: {  	s15 =	simm.s32 $0x2;
	s16 =	simm.s32 $0x0;
	s5 =	sand.u32 $0x1, s3  }
0x7: {  	s6 =	sshll.u32 s1, $0x1;
	s7 =	smul.u32 $0x280, s1;
	s3 =	simm.s32 $0x0  }
0x8: {  	s6 =	sor.u32 s5, s6;
	s8 =	smul.u32 $0x2800, s5;
	s5 =	ssub.s32 $0x2, s5  }
0x9: {  	[smem:$0x7FF] =	sst s3;
	s6 =	smul.u32 $0x500, s6;
	s9 =	sshrl.u32 s5, $0x1  }
0xa: {  	_ =	strace $0x80000047;
	s8 =	sadd.s32 s7, s8;
	s9 =	ssub.s32 s5, s9  }
0xb: {  	s5 =	sadd.s32 s7, s2;
	s6 =	sadd.s32 s6, s4;
	s8 =	sshrl.u32 s8, $0x3  }
0xc: {  	s7 =	smax.u32 s9, $0x1;
	s9 =	simm.s32 $0x3;
	s8 =	sadd.s32 s8, s4  }
0xd: {  	v0 =	vimm.f32 $1.000000000e+00;
	v1 =	vimm.f32 $0.0e+00;
	s4 =	sadd.s32 $0x3000, s6;
	s6 =	sadd.s32 $0x17000, s8;
	s8 =	simm.s32 $0x2880  }
.LBB2_1:
0xe: {  	[tilespmem:s3], [sflag:$0x1] =	stream.linear.gather [hbm4b:s4+s3], $0x2800, $0x38;
	[tilespmem:$0x2D80] =	vst v63  }
0xf: {  	[tilespmem:$0x2800] =	vst v0  }
0x10: {  	[tilespmem:$0x2810] =	vst v0  }
0x11: {  	[tilespmem:$0x2820] =	vst v0  }
0x12: {  	[tilespmem:$0x2830] =	vst v0  }
0x13: {  	[tilespmem:$0x2840] =	vst v0  }
0x14: {  	[tilespmem:$0x2850] =	vst v0  }
0x15: {  	[tilespmem:$0x2860] =	vst v0  }
0x16: {  	[tilespmem:$0x2870] =	vst v0  }
0x17: {  	[tilespmem:$0x2880] =	vst v1  }
0x18: {  	[tilespmem:$0x2890] =	vst v1  }
0x19: {  	[tilespmem:$0x28A0] =	vst v1  }
0x1a: {  	[tilespmem:$0x28B0] =	vst v1  }
0x1b: {  	[tilespmem:$0x28C0] =	vst v1  }
0x1c: {  	[tilespmem:$0x28D0] =	vst v1  }
0x1d: {  	[tilespmem:$0x28E0] =	vst v1  }
0x1e: {  	[tilespmem:$0x28F0] =	vst v1  }
0x1f: {  	[tilespmem:$0x2900] =	vst v1  }
0x20: {  	[tilespmem:$0x2910] =	vst v1  }
0x21: {  	[tilespmem:$0x2920] =	vst v1  }
0x22: {  	[tilespmem:$0x2930] =	vst v1  }
0x23: {  	[tilespmem:$0x2940] =	vst v1  }
0x24: {  	[tilespmem:$0x2950] =	vst v1  }
0x25: {  	[tilespmem:$0x2960] =	vst v1  }
0x26: {  	[tilespmem:$0x2970] =	vst v1  }
0x27: {  	[tilespmem:$0x2980] =	vst v1  }
0x28: {  	[tilespmem:$0x2990] =	vst v1  }
0x29: {  	[tilespmem:$0x29A0] =	vst v1  }
0x2a: {  	[tilespmem:$0x29B0] =	vst v1  }
0x2b: {  	[tilespmem:$0x29C0] =	vst v1  }
0x2c: {  	[tilespmem:$0x29D0] =	vst v1  }
0x2d: {  	[tilespmem:$0x29E0] =	vst v1  }
0x2e: {  	[tilespmem:$0x29F0] =	vst v1  }
0x2f: {  	[tilespmem:$0x2A00] =	vst v1  }
0x30: {  	[tilespmem:$0x2A10] =	vst v1  }
0x31: {  	[tilespmem:$0x2A20] =	vst v1  }
0x32: {  	[tilespmem:$0x2A30] =	vst v1  }
0x33: {  	[tilespmem:$0x2A40] =	vst v1  }
0x34: {  	[tilespmem:$0x2A50] =	vst v1  }
0x35: {  	[tilespmem:$0x2A60] =	vst v1  }
0x36: {  	[tilespmem:$0x2A70] =	vst v1  }
0x37: {  	[tilespmem:$0x2A80] =	vst v1  }
0x38: {  	[tilespmem:$0x2A90] =	vst v1  }
0x39: {  	[tilespmem:$0x2AA0] =	vst v1  }
0x3a: {  	[tilespmem:$0x2AB0] =	vst v1  }
0x3b: {  	[tilespmem:$0x2AC0] =	vst v1  }
0x3c: {  	[tilespmem:$0x2AD0] =	vst v1  }
0x3d: {  	[tilespmem:$0x2AE0] =	vst v1  }
0x3e: {  	[tilespmem:$0x2AF0] =	vst v1  }
0x3f: {  	[spmem:s5] =	stream.linear.scatter [tilespmem:s8], [sflag:$0x3], $0x280, $0x38;
	[tilespmem:$0x2D80] =	vst v63  }
0x40: {  	_ =	swait.ge [sflag:s9], $0x280  }
0x41: {  	[sflag:s9] =	ssyncset.done $0x0  }
0x42: {  	[sflag:s9] =	ssyncadd.s32 $0xFFFFFD80  }
0x43: {  	[bflag:$0x0] =	sbarrier.arrive $0xFFFF  }
0x44: {  	_ =	swait.ge [sflag:s10], $0x2800  }
0x45: {  	[sflag:s10] =	ssyncset.done $0x0  }
0x46: {  	[sflag:s10] =	ssyncadd.s32 $0xFFFFD800  }
0x47: {  	[spmem:s2] =	stream.indirect.scatter.add.f32 [tilespmem:s12], [sflag:$0x2], $0x1, s3, s11, $0xb8;
	[tilespmem:$0x2D80] =	vst v63  }
0x48: {  	_ = 	snop  }
0x49: {  	[spmem:s2] =	stream.indirect.scatter.add.f32 [tilespmem:s12], [sflag:$0x2], $0x1, s11, s11, $0xb8;
	[tilespmem:$0x2D80] =	vst v63  }
0x4a: {  	_ = 	snop  }
0x4b: {  	[spmem:s2] =	stream.indirect.scatter.add.f32 [tilespmem:s12], [sflag:$0x2], $0x1, s13, s11, $0xb8;
	[tilespmem:$0x2D80] =	vst v63  }
0x4c: {  	_ = 	snop  }
0x4d: {  	[spmem:s2] =	stream.indirect.scatter.add.f32 [tilespmem:s12], [sflag:$0x2], $0x1, s14, s11, $0xb8;
	[tilespmem:$0x2D80] =	vst v63  }
0x4e: {  	_ =	swait.ge [sflag:s15], $0x80  }
0x4f: {  	[sflag:s15] =	ssyncset.done $0x0  }
0x50: {  	s17 =	simm.s32 $0xA00;
	s18 =	simm.s32 $0x200;
	[sflag:s15] =	ssyncadd.s32 $0xFFFFFF80  }
.LBB2_2:
0x51: {  	[spmem:s2] =	stream.indirect.scatter.add.f32 [tilespmem:s12], [sflag:$0x2], $0x1, s18, s11, $0xb8;
	[tilespmem:$0x2D80] =	vst v63  }
0x52: {  	s18 =	smov.u32 s17;
	p0 =	sne.s32 s17, $0x9E00  }
.Ltmp0:
0x53: {  	s17 =	sadd.s32 $0x200, s17;
	(pc) =	sbr.rel @p0 .LBB2_2-.Ltmp0, $4  }
0x54: {  	_ = 	snop  }
0x55: {  	_ =	swait.ge [sflag:s15], $0x80  }
0x56: {  	[sflag:s15] =	ssyncset.done $0x0  }
0x57: {  	s18 =	sshra.s32 s18, $0x2;
	[sflag:s15] =	ssyncadd.s32 $0xFFFFFF80  }
0x58: {  	[spmem:s2] =	stream.indirect.scatter.add.f32 [tilespmem:s12], [sflag:$0x2], $0x1, s18, s11, $0xb8;
	[tilespmem:$0x2D80] =	vst v63  }
0x59: {  	_ =	swait.ge [sflag:s15], $0x80  }
0x5a: {  	[sflag:s15] =	ssyncset.done $0x0  }
0x5b: {  	[sflag:s15] =	ssyncadd.s32 $0xFFFFFF80  }
0x5c: {  	_ =	swait.ge [sflag:s15], $0x80  }
0x5d: {  	[sflag:s15] =	ssyncset.done $0x0  }
0x5e: {  	[sflag:s15] =	ssyncadd.s32 $0xFFFFFF80  }
0x5f: {  	_ =	swait.ge [sflag:s15], $0x80  }
0x60: {  	[sflag:s15] =	ssyncset.done $0x0  }
0x61: {  	[sflag:s15] =	ssyncadd.s32 $0xFFFFFF80  }
0x62: {  	_ =	swait.ge [sflag:s15], $0x80  }
0x63: {  	[sflag:s15] =	ssyncset.done $0x0  }
0x64: {  	[sflag:s15] =	ssyncadd.s32 $0xFFFFFF80  }
0x65: {  	[bflag:$0x0] =	sbarrier.arrive $0xFFFF  }
0x66: {  	[tilespmem:s8], [sflag:$0x3] =	stream.linear.gather [spmem:s5], $0x280, $0x38;
	[tilespmem:$0x2D80] =	vst v63  }
0x67: {  	s16 =	sadd.s32 $0x1, s16;
	_ =	swait.ge [sflag:s9], $0x280  }
0x68: {  	p0 =	sne.s32 s16, s7;
	[sflag:s9] =	ssyncset.done $0x0  }
.Ltmp1:
0x69: {  	[sflag:s9] =	ssyncadd.s32 $0xFFFFFD80;
	(pc) =	sbr.rel @p0 .LBB2_1-.Ltmp1, $4  }
0x6a: {  	[hbm4b:s6+s3] =	stream.linear.scatter [tilespmem:s8], [sflag:$0x3], $0x280, $0x38;
	[tilespmem:$0x2D80] =	vst v63  }
0x6b: {  	_ =	swait.ge [sflag:s9], $0x280  }
0x6c: {  	[sflag:s9] =	ssyncset.done $0x0  }
0x6d: {  	[sflag:s9] =	ssyncadd.s32 $0xFFFFFD80  }
0x6e: {  	_ =	sfence.sel $0x180000  }
0x6f: {  	[bflag:$0x0] =	sbarrier.arrive $0xFFFF  }
0x70: {  	p0 =	sne.s32 s1, $0x0;
	_ =	strace $0x90000047  }
0x71: {  	s0 =	sadd.s32 @!p0 $0x100000, s0;
	[bflag:$0x2] =	sbarrier.arrive $0xFFFF  }
0x72: {  	[sflag:s0] =	ssyncadd.tile.s32 @!p0 $0x1;
	_ =	shalt  }
.Lfunc_end2:
_tile_overlayer_lowered:
.L_overlay_start_2:
0x73: {  	(tag) =	ssettag $0x2  }
0x74: {  	s0 =	rddreg [dreg:$0x0];
	s2 =	stileid.u32  }
0x75: {  	s1 =	rddreg [dreg:$0x1];
	p0 =	sne.s32 s2, $0x0  }
0x76: {  	s3 =	rddreg [dreg:$0x2];
	[bflag:$0x3] =	sbarrier.arrive $0xFFFF;
	s2 =	simm.s32 @!p0 $0x1C03  }
0x77: {  	[timem:s3], [sflag:s2] =	dma.local @!p0 [hbm:s0], s1  }
0x78: {  	s0 =	simm.s32 @!p0 $0x3  }
0x79: {  	_ =	swait.ge @!p0 [sflag:s0], s1  }
0x7a: {  	s1 =	ssub.s32 @!p0 $0x0, s1;
	[sflag:s0] =	ssyncset.done @!p0 $0x0  }
0x7b: {  	[sflag:s0] =	ssyncadd.s32 @!p0 s1  }
0x7c: {  	[bflag:$0x3] =	sbarrier.arrive $0xFFFF  }
0x7d: {  	_ =	shalt  }

// kernel: kernel.13.cloned.1.call-start
scs
__scs_entry_jumppad:
0x0: {  	(pc) =	sbr.rel $0x88, $3  }
0x1: {  	(tag) =	ssettag $0x0;
	lr =	simm.s32 $0x1  }
0x2: {  	[smem:$0x3F94] =	sst lr;
	_ =	strace $0xD0000000  }
0x3: {  	_ = 	snop  }
0x4: {  	_ = 	snop  }
0x5: {  	_ = 	snop  }
0x6: {  	_ = 	snop  }
0x7: {  	_ = 	snop  }
__scs_overlays_trampoline_lowered:
0x8: {  	[smem:$0x3FA3] =	sst s0  }
0x9: {  	[smem:$0x3FA4] =	sst s1  }
0xa: {  	[smem:$0x3FA5] =	sst s2  }
0xb: {  	[smem:$0x3FA6] =	sst s3  }
0xc: {  	[smem:$0x3FA7] =	sst s4  }
0xd: {  	[smem:$0x3FA8] =	sst s5  }
0xe: {  	[smem:$0x3FA9] =	sst s6  }
0xf: {  	[smem:$0x3FAA] =	sst s7  }
0x10: {  	[smem:$0x3FAB] =	sst s8  }
0x11: {  	[smem:$0x3FAC] =	sst s9;
	s0 =	simm.s32 @!p0 $0x0  }
0x12: {  	s1 =	sld [smem:$0x3F92];
	s0 =	simm.s32 @p0 $0x1  }
0x13: {  	[smem:$0x3FAD] =	sst s0;
	s0 =	simm.s32 @!p1 $0x0  }
0x14: {  	s2 =	sld [smem:$0x3F91];
	s0 =	simm.s32 @p1 $0x1  }
0x15: {  	[smem:$0x3FAE] =	sst s0;
	s0 =	simm.s32 @!p2 $0x0  }
0x16: {  	s3 =	sld [smem:$0x3FDB];
	s0 =	simm.s32 @p2 $0x1  }
0x17: {  	s4 =	simm.s32 $0x1BF5;
	[smem:$0x3FB0] =	sst s0  }
0x18: {  	s0 =	sld [smem:$0x3F93];
	_ =	swait.ge [sflag:s4], $0x0  }
0x19: {  	s7 =	sld [smem:$0x3F94]  }
0x1a: {  	s8 =	sadd.s32 $0xFFFFE003, lr  }
0x1b: {  	s9 =	sadd.s32 $0xFFFFFEF7, lr;
	s5 =	simm.s32 $0xFFFFFFFF;
	p2 =	slt.u32 s8, $0xFFFFF086  }
0x1c: {  	p1 =	slt.u32 s9, $0xF7A;
	s5 =	simm.s32 @!p2 $0x0  }
0x1d: {  	s5 =	simm.s32 @p1 $0x1;
	p0 =	seq.s32 s7, s2  }
0x1e: {  	s7 =	smul.u32 @!p0 $0xF7A, s2;
	p2 =	seq.s32 @!p0 s5, $0x0  }
0x1f: {  	s9 =	smul.u32 $0xF7A, s1;
	s8 =	simm.s32 @!p0 $0x1BF5;
	p2 =	por !p2, p0  }
0x20: {  	[sflag:s8] =	ssyncset.s32 @!p0 $0xFFFFF086;
	s6 =	sadd.s32 @!p0 s3, s7;
	s7 =	simm.s32 @!p0 $0x108  }
0x21: {  	s3 =	sadd.s32 s3, s9;
	s6 =	sadd.s32 @!p0 $0x88, s6;
	s7 =	simm.s32 @p2 $0x1082  }
0x22: {  	[simem:s7], [sflag:s8] =	dma.local @!p0 [hbm:s6], $0xF7A  }
0x23: {  	s9 =	sor.u32 $0xD0000000, s2;
	s6 =	simm.s32 $0x108;
	_ =	swait.ge @!p0 [sflag:s8], $0x0  }
0x24: {  	s3 =	sadd.s32 $0x88, s3;
	s6 =	simm.s32 @!p1 $0x1082;
	[sflag:s4] =	ssyncset.s32 $0xFFFFF086  }
0x25: {  	[simem:s6], [sflag:s4] =	dma.local [hbm:s3], $0xF7A  }
0x26: {  	[smem:$0x3F94] =	sst s1;
	(tag) =	ssettag s2;
	_ =	strace s9  }
0x27: {  	s1 =	sld [smem:$0x3FA4]  }
0x28: {  	s2 =	sld [smem:$0x3FA5]  }
0x29: {  	s4 =	sld [smem:$0x3FA7]  }
0x2a: {  	p0 =	seq.s32 s5, $0x0;
	s5 =	sld [smem:$0x3FA8]  }
0x2b: {  	s6 =	sld [smem:$0x3FA9]  }
0x2c: {  	s7 =	sld [smem:$0x3FAA]  }
0x2d: {  	s3 =	simm.s32 $0x108;
	s8 =	sld [smem:$0x3FAB]  }
0x2e: {  	s3 =	simm.s32 @!p0 $0x1082;
	s9 =	sld [smem:$0x3FAC]  }
0x2f: {  	lr =	sadd.s32 s0, s3;
	s0 =	sld [smem:$0x3FA3]  }
0x30: {  	s3 =	sld [smem:$0x3FA6]  }
0x31: {  	[smem:$0x3FAF] =	sst s10  }
0x32: {  	s10 =	sld [smem:$0x3FAD];
	_ =	sdelay $0x3  }
0x33: {  	p0 =	seq.s32 s10, $0x1;
	s10 =	sld [smem:$0x3FAF];
	_ =	sdelay $0x3  }
0x34: {  	[smem:$0x3FAF] =	sst s10  }
0x35: {  	s10 =	sld [smem:$0x3FAE];
	_ =	sdelay $0x3  }
0x36: {  	p1 =	seq.s32 s10, $0x1;
	s10 =	sld [smem:$0x3FAF];
	_ =	sdelay $0x3  }
0x37: {  	[smem:$0x3FAF] =	sst s10  }
0x38: {  	s10 =	sld [smem:$0x3FB0]  }
0x39: {  	_ = 	snop;
	(pc) =	sbr.ind lr, $3  }
0x3a: {  	_ = 	snop  }
0x3b: {  	_ = 	snop  }
0x3c: {  	p2 =	seq.s32 s10, $0x1;
	s10 =	sld [smem:$0x3FAF]  }
0x3d: {  	_ =	shalt  }
0x3e: {  	_ =	shalt  }
0x3f: {  	_ =	shalt  }
0x40: {  	_ =	shalt  }
0x41: {  	_ =	shalt  }
0x42: {  	_ =	shalt  }
0x43: {  	_ =	shalt  }
0x44: {  	_ =	shalt  }
0x45: {  	_ =	shalt  }
0x46: {  	_ =	shalt  }
0x47: {  	_ =	shalt  }
0x48: {  	_ =	shalt  }
0x49: {  	_ =	shalt  }
0x4a: {  	_ =	shalt  }
0x4b: {  	_ =	shalt  }
0x4c: {  	_ =	shalt  }
0x4d: {  	_ =	shalt  }
0x4e: {  	_ =	shalt  }
0x4f: {  	_ =	shalt  }
0x50: {  	_ =	shalt  }
0x51: {  	_ =	shalt  }
0x52: {  	_ =	shalt  }
0x53: {  	_ =	shalt  }
0x54: {  	_ =	shalt  }
0x55: {  	_ =	shalt  }
0x56: {  	_ =	shalt  }
0x57: {  	_ =	shalt  }
0x58: {  	_ =	shalt  }
0x59: {  	_ =	shalt  }
0x5a: {  	_ =	shalt  }
0x5b: {  	_ =	shalt  }
0x5c: {  	_ =	shalt  }
0x5d: {  	_ =	shalt  }
0x5e: {  	_ =	shalt  }
0x5f: {  	_ =	shalt  }
0x60: {  	_ =	shalt  }
0x61: {  	_ =	shalt  }
0x62: {  	_ =	shalt  }
0x63: {  	_ =	shalt  }
0x64: {  	_ =	shalt  }
0x65: {  	_ =	shalt  }
0x66: {  	_ =	shalt  }
0x67: {  	_ =	shalt  }
0x68: {  	_ =	shalt  }
0x69: {  	_ =	shalt  }
0x6a: {  	_ =	shalt  }
0x6b: {  	_ =	shalt  }
0x6c: {  	_ =	shalt  }
0x6d: {  	_ =	shalt  }
0x6e: {  	_ =	shalt  }
0x6f: {  	_ =	shalt  }
0x70: {  	_ =	shalt  }
0x71: {  	_ =	shalt  }
0x72: {  	_ =	shalt  }
0x73: {  	_ =	shalt  }
0x74: {  	_ =	shalt  }
0x75: {  	_ =	shalt  }
0x76: {  	_ =	shalt  }
0x77: {  	_ =	shalt  }
0x78: {  	_ =	shalt  }
0x79: {  	_ =	shalt  }
0x7a: {  	_ =	shalt  }
0x7b: {  	_ =	shalt  }
0x7c: {  	_ =	shalt  }
0x7d: {  	_ =	shalt  }
0x7e: {  	_ =	shalt  }
0x7f: {  	_ =	shalt  }
0x80: {  	_ =	shalt  }
0x81: {  	_ =	shalt  }
0x82: {  	_ =	shalt  }
0x83: {  	_ =	shalt  }
0x84: {  	_ =	shalt  }
0x85: {  	_ =	shalt  }
0x86: {  	_ =	shalt  }
0x87: {  	_ =	shalt  }
.Lfunc_end0:
.L_simem_size_0:
called_computation.1_lowered:
.L_overlay_start_0:
0x88: {  	s2 =	sld [smem:$0x3FD9]  }
0x89: {  	s3 =	sld [smem:$0x3FFE];
	_ =	sdelay $0x1  }
0x8a: {  	s1 =	srdreg.scid  }
0x8b: {  	s0 =	sand.u32 $0x1, s1  }
0x8c: {  	s16 =	sshll.u32 s0, $0xA;
	s2 =	sadd.s32 s3, s2  }
0x8d: {  	s2 =	sadd.s32 s2, s16  }
0x8e: {  	[smem:$0x3FBB] =	sst s2  }
0x8f: {  	_ = 	snop  }
0x90: {  	(tm) =	ssettm $0x1  }
0x91: {  	s17 =	sld [smem:$0x3FFB];
	_ =	sdelay $0x3  }
0x92: {  	_ =	strace s17  }
0x93: {  	s2 =	sld [smem:$0x3FFC];
	_ =	sdelay $0x3  }
0x94: {  	_ =	strace s2  }
0x95: {  	s2 =	sld [smem:$0x3FFD];
	_ =	sdelay $0x3  }
0x96: {  	_ =	strace s2  }
0x97: {  	_ =	strace $0x8FFFFFFF  }
0x98: {  	s18 =	sld [smem:$0x3FDB];
	_ =	sdelay $0x1  }
0x99: {  	s19 =	simm.s32 $_scs_section_size  }
0x9a: {  	s4 =	simm.s32 $_size__tile_overlayer_lowered;
	s5 =	simm.s32 $_tile_overlayer_lowered  }
0x9b: {  	s22 =	simm.s32 $0x1BFF;
	s21 =	sshll.u32 s5, $0x1;
	s2 =	sadd.s32 s19, s18  }
0x9c: {  	s6 =	simm.s32 $0x0;
	s20 =	sshll.u32 s4, $0x1;
	s4 =	sadd.s32 s21, s2  }
0x9d: {  	[timem:s6], [sflag:s22] =	dma.local [hbm:s4], s20  }
0x9e: {  	_ =	swait.ge [sflag:s22], s20  }
0x9f: {  	s3 =	ssub.s32 $0x0, s20;
	[sflag:s22] =	ssyncset.done $0x0  }
0xa0: {  	[sflag:s22] =	ssyncadd.s32 s3;
	_ =	sdelay $0x1  }
0xa1: {  	s23 =	simm.s32 $0x1B8B  }
0xa2: {  	_ =	swait.ge [sflag:s23], $0x1  }
0xa3: {  	[sflag:s23] =	ssyncset.done $0x0  }
0xa4: {  	s25 =	simm.s32 $0x1B8E;
	s24 =	sld [smem:$0x3FFE];
	[sflag:s23] =	ssyncadd.s32 $0xFFFFFFFF  }
0xa5: {  	s26 =	simm.s32 $execute0_lowered;
	[smem:$0x3FD2] =	sst s25  }
0xa6: {  	s4 =	sshll.u32 s26, $0x1;
	_ =	strace $0x80000049;
	[dreg:$0x1] =	wrdreg $0xFFFFFFFF  }
0xa7: {  	s28 =	simm.s32 $_size_execute0_lowered;
	s2 =	sadd.s32 s2, s4;
	[dreg:$0x0] =	wrdreg $0x0  }
0xa8: {  	s4 =	sshll.u32 s28, $0x1;
	[dreg:$0x2] =	wrdreg s2  }
0xa9: {  	[dreg:$0x3] =	wrdreg s4  }
0xaa: {  	[dreg:$0x4] =	wrdreg $0xC0  }
0xab: {  	_ =	task [dreg:s6], $0x5FFFF  }
0xac: {  	[dreg:$0x1] =	wrdreg $0xFFFFFFFF  }
0xad: {  	[dreg:$0x0] =	wrdreg $0x60  }
0xae: {  	[dreg:$0x2] =	wrdreg s24  }
0xaf: {  	[dreg:$0x3] =	wrdreg $0x100000  }
0xb0: {  	[dreg:$0x4] =	wrdreg $0x9  }
0xb1: {  	_ =	task.clear_ibuf [dreg:s6], $0x5FFFF;
	_ =	strace $0x90000049  }
0xb2: {  	s29 =	simm.s32 $0x9;
	_ =	strace $0x8000004B  }
0xb3: {  	_ =	swait.ge [sflag:s29], $0x1  }
0xb4: {  	[sflag:s29] =	ssyncadd.s32 $0xFFFFFFFF  }
0xb5: {  	_ =	strace $0x9000004B  }
0xb6: {  	_ =	sfence  }
0xb7: {  	s30 =	sld [smem:$0x0];
	_ =	sdelay $0x2  }
0xb8: {  	s31 =	sshll.u32 s1, $0xD;
	s1 =	sshrl.u32 s1, $0x2  }
0xb9: {  	s3 =	sand.u32 $0x4000, s31;
	s1 =	sadd.s32 s1, s30  }
0xba: {  	s0 =	sor.u32 s3, s0;
	s1 =	sshll.u32 s1, $0x11  }
0xbb: {  	s0 =	sor.u32 s1, s0  }
0xbc: {  	s0 =	sadd.s32 $0x8F2B, s0  }
0xbd: {  	[sflag:s0] =	ssyncadd.remote.s32 $0x1  }
0xbe: {  	_ =	sfence.sel $0xFFFF  }
0xbf: {  	[dreg:$0x0] =	wrdreg $0xFFFFFFFF;
	(pc) =	sbr.abs _section_cstart, $3  }
0xc0: {  	[dreg:$0x1] =	wrdreg $0xFFFFFFFF  }
0xc1: {  	_ =	task.clear_ibuf [dreg:s6], $0x2FFFF;
	_ =	strace $0x9FFFFFFF  }
0xc2: {  	(tm) =	ssettm $0x7FFFFFFF  }
0xc3: {  	_ =	shalt  }
tec
execute0_lowered:
.L_overlay_start_1:
0x0: {  	(tag) =	ssettag $0x1  }
0x1: {  	s0 =	rddreg [dreg:$0x0]  }
0x2: {  	s2 =	srdreg.scid;
	s20 =	simm.s32 $0x0;
	s6 =	stileid.u32  }
0x3: {  	s30 =	simm.s32 $0xF000;
	s31 =	simm.s32 $0xC;
	s29 =	simm.s32 $0x5000  }
0x4: {  	s28 =	simm.s32 $0xA;
	s2 =	sand.u32 $0x1, s2;
	[smem:$0x7FF] =	sst s20  }
0x5: {  	s3 =	sshll.u32 s6, $0x1;
	s6 =	smul.u32 $0xA000, s6;
	s7 =	sadd.s32 $0x2B000, s0  }
0x6: {  	s4 =	ssub.s32 $0x2, s2;
	s3 =	sor.u32 s2, s3;
	s2 =	smul.u32 $0xA0000, s2  }
0x7: {  	s5 =	sshrl.u32 s4, $0x1;
	s3 =	smul.u32 $0x500, s3;
	s8 =	sadd.s32 $0x2000, s6  }
0x8: {  	s9 =	sadd.s32 $0x3000, s6;
	s10 =	sadd.s32 $0x4000, s6;
	s12 =	sadd.s32 $0x5000, s6  }
0x9: {  	s13 =	sadd.s32 $0x6000, s6;
	s15 =	sadd.s32 $0x7000, s6;
	s16 =	sadd.s32 $0x8000, s6  }
0xa: {  	s17 =	sadd.s32 $0x9000, s6;
	s4 =	ssub.s32 s4, s5;
	s5 =	sor.u32 $0x1000, s6  }
0xb: {  	s11 =	sadd.s32 s6, s2;
	s26 =	sadd.s32 s2, s8;
	s1 =	sadd.s32 s2, s9  }
0xc: {  	s18 =	sadd.s32 s2, s10;
	s19 =	sadd.s32 s2, s12;
	s21 =	sadd.s32 s2, s13  }
0xd: {  	s22 =	sadd.s32 s2, s15;
	s11 =	sshrl.u32 s11, $0x3;
	s14 =	sadd.s32 s2, s5  }
0xe: {  	s18 =	sshrl.u32 s18, $0x3;
	s24 =	sshrl.u32 s22, $0x3;
	s11 =	sadd.s32 s7, s11  }
0xf: {  	s25 =	sshrl.u32 s14, $0x3;
	s14 =	sshrl.u32 s1, $0x3;
	s1 =	sadd.s32 s3, s0  }
0x10: {  	[dreg:$0x3] =	wrdreg s11;
	s11 =	sadd.s32 s7, s25;
	s14 =	sadd.s32 s7, s14  }
0x11: {  	s25 =	sadd.s32 s2, s16;
	[dreg:$0x4] =	wrdreg s11;
	s11 =	sshrl.u32 s26, $0x3  }
0x12: {  	[dreg:$0x6] =	wrdreg s14;
	s14 =	sshrl.u32 s21, $0x3;
	s11 =	sadd.s32 s7, s11  }
0x13: {  	s26 =	sshrl.u32 s25, $0x3;
	s23 =	sadd.s32 s7, s14;
	[dreg:$0x5] =	wrdreg s11  }
0x14: {  	s2 =	sadd.s32 s2, s17;
	s14 =	sadd.s32 s7, s26;
	[dreg:$0x9] =	wrdreg s23  }
0x15: {  	s2 =	sshrl.u32 s2, $0x3;
	s11 =	sadd.s32 s7, s18;
	[dreg:$0xb] =	wrdreg s14  }
0x16: {  	s2 =	sadd.s32 s7, s2;
	[dreg:$0x7] =	wrdreg s11;
	s11 =	sshrl.u32 s19, $0x3  }
0x17: {  	s3 =	sadd.s32 $0xD000, s1;
	[dreg:$0xc] =	wrdreg s2;
	s11 =	sadd.s32 s7, s11  }
0x18: {  	s21 =	smax.u32 s4, $0x1;
	[dreg:$0x8] =	wrdreg s11;
	s11 =	sadd.s32 s7, s24  }
0x19: {  	s4 =	simm.s32 $0xB000;
	s14 =	sadd.s32 $0x17000, s0;
	[dreg:$0xa] =	wrdreg s11  }
0x1a: {  	s0 =	simm.s32 $0x80;
	s2 =	simm.s32 $0x7000;
	s11 =	rddreg [dreg:$0x1]  }
0x1b: {  	s7 =	sadd.s32 $0x3000, s1;
	_ =	strace $0x8000004A;
	[dreg:$0xd] =	wrdreg s3  }
0x1c: {  	[dreg:$0xe] =	wrdreg s7;
	s22 =	sadd.s32 s6, s11;
	s23 =	sadd.s32 s5, s11  }
0x1d: {  	s24 =	sadd.s32 s8, s11;
	s25 =	sadd.s32 s9, s11;
	s26 =	sadd.s32 s10, s11  }
0x1e: {  	s10 =	sadd.s32 s12, s11;
	s1 =	sadd.s32 s13, s11;
	s18 =	sadd.s32 s15, s11  }
0x1f: {  	s16 =	sadd.s32 s16, s11;
	s19 =	sadd.s32 s17, s11;
	[dreg:$0x12] =	wrdreg s21  }
0x20: {  	s3 =	simm.s32 $0x9000;
	s5 =	simm.s32 $0xD000;
	s6 =	simm.s32 $0x2  }
0x21: {  	s7 =	simm.s32 $0x3;
	s8 =	simm.s32 $0x4;
	s9 =	simm.s32 $0x5  }
0x22: {  	s12 =	simm.s32 $0x6;
	s13 =	simm.s32 $0x7;
	[dreg:$0x10] =	wrdreg s16  }
0x23: {  	s15 =	simm.s32 $0x8;
	s17 =	simm.s32 $0xB;
	[dreg:$0x11] =	wrdreg s19  }
0x24: {  	v0 =	vimm.f32 $0.0e+00;
	s21 =	simm.s32 $0x0;
	s16 =	simm.s32 $0x9;
	[dreg:$0xf] =	wrdreg s18  }
.LBB2_1:
0x25: {  	[dreg:$0x13] =	wrdreg s21;
	s18 =	smov.u32 s1  }
0x26: {  	s1 =	smov.u32 s10;
	s10 =	smov.u32 s26;
	s26 =	smov.u32 s25  }
0x27: {  	s25 =	smov.u32 s24;
	s24 =	smov.u32 s23;
	s19 =	rddreg [dreg:$0xd]  }
0x28: {  	[tilespmem:s20], [sflag:$0x1] =	stream.linear.gather [hbm4b:s19+s20], $0x2800, $0x38;
	[tilespmem:$0x1A000] =	vst v63  }
0x29: {  	s23 =	smov.u32 s22;
	s21 =	rddreg [dreg:$0xe];
	s22 =	simm.s32 $0x2800  }
0x2a: {  	[tilespmem:s22], [sflag:$0x1] =	stream.linear.gather [hbm4b:s21+s20], $0x2800, $0x38;
	[tilespmem:$0x1A000] =	vst v63  }
0x2b: {  	s22 =	sand.u32 $0x3F00, s20;
	s21 =	simm.s32 $0x0  }
0x2c: {  	s20 =	sand.u32 $0x30, s21;
	s22 =	sshrl.u32 s22, $0x2  }
0x2d: {  	s19 =	simm.s32 $0x40;
	s21 =	sor.u32 s20, s22;
	s20 =	simm.s32 $0x0  }
.LBB2_2:
0x2e: {  	p0 =	sne.s32 s19, $0x3FC0  }
0x2f: {  	[tilespmem:s21+$0xF000] =	vst v0;
	s20 =	sadd.s32 $0x10, s20;
	s21 =	smov.u32 s19;
	s19 =	sadd.s32 $0x40, s19  }
.Ltmp0:
0x30: {  	(pc) =	sbr.rel @p0 .LBB2_2-.Ltmp0, $4  }
0x31: {  	_ = 	snop  }
0x32: {  	s21 =	sand.u32 $0x3F00, s21  }
0x33: {  	s22 =	sand.u32 $0x30, s20;
	s21 =	sshrl.u32 s21, $0x2  }
0x34: {  	s21 =	sor.u32 s22, s21  }
0x35: {  	[tilespmem:s21+$0xF000] =	vst v0  }
0x36: {  	[spmem:s23] =	stream.linear.scatter [tilespmem:s30], [sflag:$0xC], $0x1000, $0x38;
	[tilespmem:$0x1A000] =	vst v63  }
0x37: {  	_ =	swait.ge [sflag:s31], $0x1000  }
0x38: {  	[sflag:s31] =	ssyncset.done $0x0  }
0x39: {  	[sflag:s31] =	ssyncadd.s32 $0xFFFFF000  }
0x3a: {  	[spmem:s24] =	stream.linear.scatter [tilespmem:s30], [sflag:$0xC], $0x1000, $0x38;
	[tilespmem:$0x1A000] =	vst v63  }
0x3b: {  	_ =	swait.ge [sflag:s31], $0x1000  }
0x3c: {  	[sflag:s31] =	ssyncset.done $0x0  }
0x3d: {  	[sflag:s31] =	ssyncadd.s32 $0xFFFFF000  }
0x3e: {  	[spmem:s25] =	stream.linear.scatter [tilespmem:s30], [sflag:$0xC], $0x1000, $0x38;
	[tilespmem:$0x1A000] =	vst v63  }
0x3f: {  	_ =	swait.ge [sflag:s31], $0x1000  }
0x40: {  	[sflag:s31] =	ssyncset.done $0x0  }
0x41: {  	[sflag:s31] =	ssyncadd.s32 $0xFFFFF000  }
0x42: {  	[spmem:s26] =	stream.linear.scatter [tilespmem:s30], [sflag:$0xC], $0x1000, $0x38;
	[tilespmem:$0x1A000] =	vst v63  }
0x43: {  	_ =	swait.ge [sflag:s31], $0x1000  }
0x44: {  	[sflag:s31] =	ssyncset.done $0x0  }
0x45: {  	[sflag:s31] =	ssyncadd.s32 $0xFFFFF000  }
0x46: {  	[spmem:s10] =	stream.linear.scatter [tilespmem:s30], [sflag:$0xC], $0x1000, $0x38;
	[tilespmem:$0x1A000] =	vst v63  }
0x47: {  	_ =	swait.ge [sflag:s31], $0x1000  }
0x48: {  	[sflag:s31] =	ssyncset.done $0x0  }
0x49: {  	[sflag:s31] =	ssyncadd.s32 $0xFFFFF000  }
0x4a: {  	[spmem:s1] =	stream.linear.scatter [tilespmem:s30], [sflag:$0xC], $0x1000, $0x38;
	[tilespmem:$0x1A000] =	vst v63  }
0x4b: {  	_ =	swait.ge [sflag:s31], $0x1000  }
0x4c: {  	[sflag:s31] =	ssyncset.done $0x0  }
0x4d: {  	s22 =	smov.u32 s23;
	s23 =	smov.u32 s24;
	[sflag:s31] =	ssyncadd.s32 $0xFFFFF000  }
0x4e: {  	[spmem:s18] =	stream.linear.scatter [tilespmem:s30], [sflag:$0xC], $0x1000, $0x38;
	[tilespmem:$0x1A000] =	vst v63  }
0x4f: {  	s24 =	smov.u32 s25;
	s25 =	smov.u32 s26;
	_ =	swait.ge [sflag:s31], $0x1000  }
0x50: {  	s26 =	smov.u32 s10;
	s10 =	smov.u32 s1;
	[sflag:s31] =	ssyncset.done $0x0  }
0x51: {  	s1 =	smov.u32 s18;
	s18 =	rddreg [dreg:$0xf];
	[sflag:s31] =	ssyncadd.s32 $0xFFFFF000  }
0x52: {  	[spmem:s18] =	stream.linear.scatter [tilespmem:s30], [sflag:$0xC], $0x1000, $0x38;
	[tilespmem:$0x1A000] =	vst v63  }
0x53: {  	_ =	swait.ge [sflag:s31], $0x1000  }
0x54: {  	[sflag:s31] =	ssyncset.done $0x0  }
0x55: {  	s19 =	rddreg [dreg:$0x10];
	[sflag:s31] =	ssyncadd.s32 $0xFFFFF000  }
0x56: {  	[spmem:s19] =	stream.linear.scatter [tilespmem:s30], [sflag:$0xC], $0x1000, $0x38;
	[tilespmem:$0x1A000] =	vst v63  }
0x57: {  	_ =	swait.ge [sflag:s31], $0x1000  }
0x58: {  	[sflag:s31] =	ssyncset.done $0x0  }
0x59: {  	s21 =	rddreg [dreg:$0x11];
	[sflag:s31] =	ssyncadd.s32 $0xFFFFF000  }
0x5a: {  	[spmem:s21] =	stream.linear.scatter [tilespmem:s30], [sflag:$0xC], $0x1000, $0x38;
	[tilespmem:$0x1A000] =	vst v63  }
0x5b: {  	_ =	swait.ge [sflag:s31], $0x1000  }
0x5c: {  	[sflag:s31] =	ssyncset.done $0x0  }
0x5d: {  	[sflag:s31] =	ssyncadd.s32 $0xFFFFF000  }
0x5e: {  	s20 =	simm.s32 $0x1;
	[bflag:$0x0] =	sbarrier.arrive $0xFFFF  }
0x5f: {  	_ =	swait.ge [sflag:s20], $0x2800  }
0x60: {  	[sflag:s20] =	ssyncset.done $0x0  }
0x61: {  	[sflag:s20] =	ssyncadd.s32 $0xFFFFD800  }
0x62: {  	_ =	swait.ge [sflag:s20], $0x2800  }
0x63: {  	[sflag:s20] =	ssyncset.done $0x0  }
0x64: {  	s21 =	simm.s32 $0x0;
	[sflag:s20] =	ssyncadd.s32 $0xFFFFD800  }
0x65: {  	[tilespmem:s29], [sflag:$0x2] =	stream.indirect.gather [hbm4b:s14+s0], $0x40, s21, s0, $0xb8;
	[tilespmem:$0x1A000] =	vst v63  }
0x66: {  	_ = 	snop  }
0x67: {  	[tilespmem:s2], [sflag:$0x3] =	stream.indirect.gather [hbm4b:s14+s0], $0x40, s0, s0, $0xb8;
	[tilespmem:$0x1A000] =	vst v63  }
0x68: {  	s20 =	simm.s32 $0x100  }
0x69: {  	[tilespmem:s3], [sflag:$0x4] =	stream.indirect.gather [hbm4b:s14+s0], $0x40, s20, s0, $0xb8;
	[tilespmem:$0x1A000] =	vst v63  }
0x6a: {  	s21 =	simm.s32 $0x180  }
0x6b: {  	[tilespmem:s4], [sflag:$0x5] =	stream.indirect.gather [hbm4b:s14+s0], $0x40, s21, s0, $0xb8;
	[tilespmem:$0x1A000] =	vst v63  }
0x6c: {  	s20 =	simm.s32 $0x200  }
0x6d: {  	[tilespmem:s5], [sflag:$0x6] =	stream.indirect.gather [hbm4b:s14+s0], $0x40, s20, s0, $0xb8;
	[tilespmem:$0x1A000] =	vst v63  }
0x6e: {  	_ =	swait.ge [sflag:s6], $0x2000  }
0x6f: {  	[sflag:s6] =	ssyncset.done $0x0  }
0x70: {  	s21 =	simm.s32 $0x2800;
	[sflag:s6] =	ssyncadd.s32 $0xFFFFE000  }
0x71: {  	[spmem:s11] =	stream.indirect.scatter.add.f32 [tilespmem:s29], [sflag:$0x7], $0x40, s21, s0, $0xb8;
	[tilespmem:$0x1A000] =	vst v63  }
0x72: {  	_ =	swait.ge [sflag:s7], $0x2000  }
0x73: {  	[sflag:s7] =	ssyncset.done $0x0  }
0x74: {  	s20 =	simm.s32 $0x2880;
	[sflag:s7] =	ssyncadd.s32 $0xFFFFE000  }
0x75: {  	[spmem:s11] =	stream.indirect.scatter.add.f32 [tilespmem:s2], [sflag:$0x8], $0x40, s20, s0, $0xb8;
	[tilespmem:$0x1A000] =	vst v63  }
0x76: {  	_ =	swait.ge [sflag:s8], $0x2000  }
0x77: {  	[sflag:s8] =	ssyncset.done $0x0  }
0x78: {  	s21 =	simm.s32 $0x2900;
	[sflag:s8] =	ssyncadd.s32 $0xFFFFE000  }
0x79: {  	[spmem:s11] =	stream.indirect.scatter.add.f32 [tilespmem:s3], [sflag:$0x9], $0x40, s21, s0, $0xb8;
	[tilespmem:$0x1A000] =	vst v63  }
0x7a: {  	_ =	swait.ge [sflag:s9], $0x2000  }
0x7b: {  	[sflag:s9] =	ssyncset.done $0x0  }
0x7c: {  	s20 =	simm.s32 $0x2980;
	[sflag:s9] =	ssyncadd.s32 $0xFFFFE000  }
0x7d: {  	[spmem:s11] =	stream.indirect.scatter.add.f32 [tilespmem:s4], [sflag:$0xA], $0x40, s20, s0, $0xb8;
	[tilespmem:$0x1A000] =	vst v63  }
0x7e: {  	_ =	swait.ge [sflag:s12], $0x2000  }
0x7f: {  	[sflag:s12] =	ssyncset.done $0x0  }
0x80: {  	s21 =	simm.s32 $0x2A00;
	[sflag:s12] =	ssyncadd.s32 $0xFFFFE000  }
0x81: {  	[spmem:s11] =	stream.indirect.scatter.add.f32 [tilespmem:s5], [sflag:$0xB], $0x40, s21, s0, $0xb8;
	[tilespmem:$0x1A000] =	vst v63  }
0x82: {  	_ =	swait.ge [sflag:s13], $0x2000  }
0x83: {  	[sflag:s13] =	ssyncset.done $0x0  }
0x84: {  	s20 =	simm.s32 $0x280;
	[sflag:s13] =	ssyncadd.s32 $0xFFFFE000  }
0x85: {  	[tilespmem:s29], [sflag:$0x2] =	stream.indirect.gather [hbm4b:s14+s0], $0x40, s20, s0, $0xb8;
	[tilespmem:$0x1A000] =	vst v63  }
0x86: {  	_ =	swait.ge [sflag:s15], $0x2000  }
0x87: {  	[sflag:s15] =	ssyncset.done $0x0  }
0x88: {  	s21 =	simm.s32 $0x300;
	[sflag:s15] =	ssyncadd.s32 $0xFFFFE000  }
0x89: {  	[tilespmem:s2], [sflag:$0x3] =	stream.indirect.gather [hbm4b:s14+s0], $0x40, s21, s0, $0xb8;
	[tilespmem:$0x1A000] =	vst v63  }
0x8a: {  	_ =	swait.ge [sflag:s16], $0x2000  }
0x8b: {  	[sflag:s16] =	ssyncset.done $0x0  }
0x8c: {  	s20 =	simm.s32 $0x380;
	[sflag:s16] =	ssyncadd.s32 $0xFFFFE000  }
0x8d: {  	[tilespmem:s3], [sflag:$0x4] =	stream.indirect.gather [hbm4b:s14+s0], $0x40, s20, s0, $0xb8;
	[tilespmem:$0x1A000] =	vst v63  }
0x8e: {  	_ =	swait.ge [sflag:s28], $0x2000  }
0x8f: {  	[sflag:s28] =	ssyncset.done $0x0  }
0x90: {  	s21 =	simm.s32 $0x400;
	[sflag:s28] =	ssyncadd.s32 $0xFFFFE000  }
0x91: {  	[tilespmem:s4], [sflag:$0x5] =	stream.indirect.gather [hbm4b:s14+s0], $0x40, s21, s0, $0xb8;
	[tilespmem:$0x1A000] =	vst v63  }
0x92: {  	_ =	swait.ge [sflag:s17], $0x2000  }
0x93: {  	[sflag:s17] =	ssyncset.done $0x0  }
0x94: {  	s19 =	simm.s32 $0xA00;
	s20 =	simm.s32 $0x480;
	[sflag:s17] =	ssyncadd.s32 $0xFFFFE000  }
.LBB2_4:
0x95: {  	[tilespmem:s5], [sflag:$0x6] =	stream.indirect.gather [hbm4b:s14+s0], $0x40, s20, s0, $0xb8;
	[tilespmem:$0x1A000] =	vst v63  }
0x96: {  	s20 =	smov.u32 s19  }
0x97: {  	p0 =	sne.s32 s19, $0x8C00;
	s19 =	sadd.s32 $0xA00, s19;
	_ =	swait.ge [sflag:s6], $0x2000  }
0x98: {  	s20 =	sshra.s32 s20, $0x2;
	[sflag:s6] =	ssyncset.done $0x0  }
0x99: {  	s21 =	sadd.s32 $0x2800, s20;
	[sflag:s6] =	ssyncadd.s32 $0xFFFFE000  }
0x9a: {  	[spmem:s11] =	stream.indirect.scatter.add.f32 [tilespmem:s29], [sflag:$0x7], $0x40, s21, s0, $0xb8;
	[tilespmem:$0x1A000] =	vst v63  }
0x9b: {  	_ =	swait.ge [sflag:s7], $0x2000  }
0x9c: {  	[sflag:s7] =	ssyncset.done $0x0  }
0x9d: {  	s21 =	sadd.s32 $0x2880, s20;
	[sflag:s7] =	ssyncadd.s32 $0xFFFFE000  }
0x9e: {  	[spmem:s11] =	stream.indirect.scatter.add.f32 [tilespmem:s2], [sflag:$0x8], $0x40, s21, s0, $0xb8;
	[tilespmem:$0x1A000] =	vst v63  }
0x9f: {  	_ =	swait.ge [sflag:s8], $0x2000  }
0xa0: {  	[sflag:s8] =	ssyncset.done $0x0  }
0xa1: {  	s21 =	sadd.s32 $0x2900, s20;
	[sflag:s8] =	ssyncadd.s32 $0xFFFFE000  }
0xa2: {  	[spmem:s11] =	stream.indirect.scatter.add.f32 [tilespmem:s3], [sflag:$0x9], $0x40, s21, s0, $0xb8;
	[tilespmem:$0x1A000] =	vst v63  }
0xa3: {  	_ =	swait.ge [sflag:s9], $0x2000  }
0xa4: {  	[sflag:s9] =	ssyncset.done $0x0  }
0xa5: {  	s21 =	sadd.s32 $0x2980, s20;
	[sflag:s9] =	ssyncadd.s32 $0xFFFFE000  }
0xa6: {  	[spmem:s11] =	stream.indirect.scatter.add.f32 [tilespmem:s4], [sflag:$0xA], $0x40, s21, s0, $0xb8;
	[tilespmem:$0x1A000] =	vst v63  }
0xa7: {  	_ =	swait.ge [sflag:s12], $0x2000  }
0xa8: {  	[sflag:s12] =	ssyncset.done $0x0  }
0xa9: {  	s21 =	sadd.s32 $0x2A00, s20;
	[sflag:s12] =	ssyncadd.s32 $0xFFFFE000  }
0xaa: {  	[spmem:s11] =	stream.indirect.scatter.add.f32 [tilespmem:s5], [sflag:$0xB], $0x40, s21, s0, $0xb8;
	[tilespmem:$0x1A000] =	vst v63  }
0xab: {  	_ =	swait.ge [sflag:s13], $0x2000  }
0xac: {  	[sflag:s13] =	ssyncset.done $0x0  }
0xad: {  	s21 =	sadd.s32 $0x280, s20;
	[sflag:s13] =	ssyncadd.s32 $0xFFFFE000  }
0xae: {  	[tilespmem:s29], [sflag:$0x2] =	stream.indirect.gather [hbm4b:s14+s0], $0x40, s21, s0, $0xb8;
	[tilespmem:$0x1A000] =	vst v63  }
0xaf: {  	_ =	swait.ge [sflag:s15], $0x2000  }
0xb0: {  	[sflag:s15] =	ssyncset.done $0x0  }
0xb1: {  	s21 =	sadd.s32 $0x300, s20;
	[sflag:s15] =	ssyncadd.s32 $0xFFFFE000  }
0xb2: {  	[tilespmem:s2], [sflag:$0x3] =	stream.indirect.gather [hbm4b:s14+s0], $0x40, s21, s0, $0xb8;
	[tilespmem:$0x1A000] =	vst v63  }
0xb3: {  	_ =	swait.ge [sflag:s16], $0x2000  }
0xb4: {  	[sflag:s16] =	ssyncset.done $0x0  }
0xb5: {  	s21 =	sadd.s32 $0x380, s20;
	[sflag:s16] =	ssyncadd.s32 $0xFFFFE000  }
0xb6: {  	[tilespmem:s3], [sflag:$0x4] =	stream.indirect.gather [hbm4b:s14+s0], $0x40, s21, s0, $0xb8;
	[tilespmem:$0x1A000] =	vst v63  }
0xb7: {  	_ =	swait.ge [sflag:s28], $0x2000  }
0xb8: {  	[sflag:s28] =	ssyncset.done $0x0  }
.Ltmp1:
0xb9: {  	s21 =	sadd.s32 $0x400, s20;
	[sflag:s28] =	ssyncadd.s32 $0xFFFFE000;
	(pc) =	sbr.rel @p0 .LBB2_4-.Ltmp1, $4  }
0xba: {  	[tilespmem:s4], [sflag:$0x5] =	stream.indirect.gather [hbm4b:s14+s0], $0x40, s21, s0, $0xb8;
	[tilespmem:$0x1A000] =	vst v63  }
0xbb: {  	_ =	swait.ge [sflag:s17], $0x2000  }
0xbc: {  	[sflag:s17] =	ssyncset.done $0x0  }
0xbd: {  	s20 =	sadd.s32 $0x480, s20;
	[sflag:s17] =	ssyncadd.s32 $0xFFFFE000  }
0xbe: {  	[tilespmem:s5], [sflag:$0x6] =	stream.indirect.gather [hbm4b:s14+s0], $0x40, s20, s0, $0xb8;
	[tilespmem:$0x1A000] =	vst v63  }
0xbf: {  	_ =	swait.ge [sflag:s6], $0x2000  }
0xc0: {  	[sflag:s6] =	ssyncset.done $0x0  }
0xc1: {  	s19 =	simm.s32 $0x4D80;
	[sflag:s6] =	ssyncadd.s32 $0xFFFFE000  }
0xc2: {  	[spmem:s11] =	stream.indirect.scatter.add.f32 [tilespmem:s29], [sflag:$0x7], $0x40, s19, s0, $0xb8;
	[tilespmem:$0x1A000] =	vst v63  }
0xc3: {  	_ =	swait.ge [sflag:s7], $0x2000  }
0xc4: {  	[sflag:s7] =	ssyncset.done $0x0  }
0xc5: {  	s21 =	simm.s32 $0x4E00;
	[sflag:s7] =	ssyncadd.s32 $0xFFFFE000  }
0xc6: {  	[spmem:s11] =	stream.indirect.scatter.add.f32 [tilespmem:s2], [sflag:$0x8], $0x40, s21, s0, $0xb8;
	[tilespmem:$0x1A000] =	vst v63  }
0xc7: {  	_ =	swait.ge [sflag:s8], $0x2000  }
0xc8: {  	[sflag:s8] =	ssyncset.done $0x0  }
0xc9: {  	s20 =	simm.s32 $0x4E80;
	[sflag:s8] =	ssyncadd.s32 $0xFFFFE000  }
0xca: {  	[spmem:s11] =	stream.indirect.scatter.add.f32 [tilespmem:s3], [sflag:$0x9], $0x40, s20, s0, $0xb8;
	[tilespmem:$0x1A000] =	vst v63  }
0xcb: {  	_ =	swait.ge [sflag:s9], $0x2000  }
0xcc: {  	[sflag:s9] =	ssyncset.done $0x0  }
0xcd: {  	s21 =	simm.s32 $0x4F00;
	[sflag:s9] =	ssyncadd.s32 $0xFFFFE000  }
0xce: {  	[spmem:s11] =	stream.indirect.scatter.add.f32 [tilespmem:s4], [sflag:$0xA], $0x40, s21, s0, $0xb8;
	[tilespmem:$0x1A000] =	vst v63  }
0xcf: {  	_ =	swait.ge [sflag:s12], $0x2000  }
0xd0: {  	[sflag:s12] =	ssyncset.done $0x0  }
0xd1: {  	s20 =	simm.s32 $0x4F80;
	[sflag:s12] =	ssyncadd.s32 $0xFFFFE000  }
0xd2: {  	[spmem:s11] =	stream.indirect.scatter.add.f32 [tilespmem:s5], [sflag:$0xB], $0x40, s20, s0, $0xb8;
	[tilespmem:$0x1A000] =	vst v63  }
0xd3: {  	_ =	swait.ge [sflag:s13], $0x2000  }
0xd4: {  	[sflag:s13] =	ssyncset.done $0x0  }
0xd5: {  	[sflag:s13] =	ssyncadd.s32 $0xFFFFE000  }
0xd6: {  	_ =	swait.ge [sflag:s15], $0x2000  }
0xd7: {  	[sflag:s15] =	ssyncset.done $0x0  }
0xd8: {  	[sflag:s15] =	ssyncadd.s32 $0xFFFFE000  }
0xd9: {  	_ =	swait.ge [sflag:s16], $0x2000  }
0xda: {  	[sflag:s16] =	ssyncset.done $0x0  }
0xdb: {  	[sflag:s16] =	ssyncadd.s32 $0xFFFFE000  }
0xdc: {  	_ =	swait.ge [sflag:s28], $0x2000  }
0xdd: {  	[sflag:s28] =	ssyncset.done $0x0  }
0xde: {  	[sflag:s28] =	ssyncadd.s32 $0xFFFFE000  }
0xdf: {  	_ =	swait.ge [sflag:s17], $0x2000  }
0xe0: {  	[sflag:s17] =	ssyncset.done $0x0  }
0xe1: {  	[sflag:s17] =	ssyncadd.s32 $0xFFFFE000  }
0xe2: {  	[bflag:$0x0] =	sbarrier.arrive $0xFFFF  }
0xe3: {  	[tilespmem:s30], [sflag:$0xC] =	stream.linear.gather [spmem:s22], $0x1000, $0x38;
	[tilespmem:$0x1A000] =	vst v63  }
0xe4: {  	_ =	swait.ge [sflag:s31], $0x1000  }
0xe5: {  	[sflag:s31] =	ssyncset.done $0x0  }
0xe6: {  	s20 =	simm.s32 $0x0;
	s21 =	rddreg [dreg:$0x3];
	[sflag:s31] =	ssyncadd.s32 $0xFFFFF000  }
0xe7: {  	[hbm4b:s21+s20] =	stream.linear.scatter [tilespmem:s30], [sflag:$0xC], $0x1000, $0x38;
	[tilespmem:$0x1A000] =	vst v63  }
0xe8: {  	_ =	swait.ge [sflag:s31], $0x1000  }
0xe9: {  	[sflag:s31] =	ssyncset.done $0x0  }
0xea: {  	[sflag:s31] =	ssyncadd.s32 $0xFFFFF000  }
0xeb: {  	[tilespmem:s30], [sflag:$0xC] =	stream.linear.gather [spmem:s23], $0x1000, $0x38;
	[tilespmem:$0x1A000] =	vst v63  }
0xec: {  	_ =	swait.ge [sflag:s31], $0x1000  }
0xed: {  	[sflag:s31] =	ssyncset.done $0x0  }
0xee: {  	s21 =	rddreg [dreg:$0x4];
	[sflag:s31] =	ssyncadd.s32 $0xFFFFF000  }
0xef: {  	[hbm4b:s21+s20] =	stream.linear.scatter [tilespmem:s30], [sflag:$0xC], $0x1000, $0x38;
	[tilespmem:$0x1A000] =	vst v63  }
0xf0: {  	_ =	swait.ge [sflag:s31], $0x1000  }
0xf1: {  	[sflag:s31] =	ssyncset.done $0x0  }
0xf2: {  	[sflag:s31] =	ssyncadd.s32 $0xFFFFF000  }
0xf3: {  	[tilespmem:s30], [sflag:$0xC] =	stream.linear.gather [spmem:s24], $0x1000, $0x38;
	[tilespmem:$0x1A000] =	vst v63  }
0xf4: {  	_ =	swait.ge [sflag:s31], $0x1000  }
0xf5: {  	[sflag:s31] =	ssyncset.done $0x0  }
0xf6: {  	s21 =	rddreg [dreg:$0x5];
	[sflag:s31] =	ssyncadd.s32 $0xFFFFF000  }
0xf7: {  	[hbm4b:s21+s20] =	stream.linear.scatter [tilespmem:s30], [sflag:$0xC], $0x1000, $0x38;
	[tilespmem:$0x1A000] =	vst v63  }
0xf8: {  	_ =	swait.ge [sflag:s31], $0x1000  }
0xf9: {  	[sflag:s31] =	ssyncset.done $0x0  }
0xfa: {  	[sflag:s31] =	ssyncadd.s32 $0xFFFFF000  }
0xfb: {  	[tilespmem:s30], [sflag:$0xC] =	stream.linear.gather [spmem:s25], $0x1000, $0x38;
	[tilespmem:$0x1A000] =	vst v63  }
0xfc: {  	_ =	swait.ge [sflag:s31], $0x1000  }
0xfd: {  	[sflag:s31] =	ssyncset.done $0x0  }
0xfe: {  	s21 =	rddreg [dreg:$0x6];
	[sflag:s31] =	ssyncadd.s32 $0xFFFFF000  }
0xff: {  	[hbm4b:s21+s20] =	stream.linear.scatter [tilespmem:s30], [sflag:$0xC], $0x1000, $0x38;
	[tilespmem:$0x1A000] =	vst v63  }
0x100: {  	_ =	swait.ge [sflag:s31], $0x1000  }
0x101: {  	[sflag:s31] =	ssyncset.done $0x0  }
0x102: {  	[sflag:s31] =	ssyncadd.s32 $0xFFFFF000  }
0x103: {  	[tilespmem:s30], [sflag:$0xC] =	stream.linear.gather [spmem:s26], $0x1000, $0x38;
	[tilespmem:$0x1A000] =	vst v63  }
0x104: {  	_ =	swait.ge [sflag:s31], $0x1000  }
0x105: {  	[sflag:s31] =	ssyncset.done $0x0  }
0x106: {  	s21 =	rddreg [dreg:$0x7];
	[sflag:s31] =	ssyncadd.s32 $0xFFFFF000  }
0x107: {  	[hbm4b:s21+s20] =	stream.linear.scatter [tilespmem:s30], [sflag:$0xC], $0x1000, $0x38;
	[tilespmem:$0x1A000] =	vst v63  }
0x108: {  	_ =	swait.ge [sflag:s31], $0x1000  }
0x109: {  	[sflag:s31] =	ssyncset.done $0x0  }
0x10a: {  	[sflag:s31] =	ssyncadd.s32 $0xFFFFF000  }
0x10b: {  	[tilespmem:s30], [sflag:$0xC] =	stream.linear.gather [spmem:s10], $0x1000, $0x38;
	[tilespmem:$0x1A000] =	vst v63  }
0x10c: {  	_ =	swait.ge [sflag:s31], $0x1000  }
0x10d: {  	[sflag:s31] =	ssyncset.done $0x0  }
0x10e: {  	s21 =	rddreg [dreg:$0x8];
	[sflag:s31] =	ssyncadd.s32 $0xFFFFF000  }
0x10f: {  	[hbm4b:s21+s20] =	stream.linear.scatter [tilespmem:s30], [sflag:$0xC], $0x1000, $0x38;
	[tilespmem:$0x1A000] =	vst v63  }
0x110: {  	_ =	swait.ge [sflag:s31], $0x1000  }
0x111: {  	[sflag:s31] =	ssyncset.done $0x0  }
0x112: {  	[sflag:s31] =	ssyncadd.s32 $0xFFFFF000  }
0x113: {  	[tilespmem:s30], [sflag:$0xC] =	stream.linear.gather [spmem:s1], $0x1000, $0x38;
	[tilespmem:$0x1A000] =	vst v63  }
0x114: {  	_ =	swait.ge [sflag:s31], $0x1000  }
0x115: {  	[sflag:s31] =	ssyncset.done $0x0  }
0x116: {  	s21 =	rddreg [dreg:$0x9];
	[sflag:s31] =	ssyncadd.s32 $0xFFFFF000  }
0x117: {  	[hbm4b:s21+s20] =	stream.linear.scatter [tilespmem:s30], [sflag:$0xC], $0x1000, $0x38;
	[tilespmem:$0x1A000] =	vst v63  }
0x118: {  	_ =	swait.ge [sflag:s31], $0x1000  }
0x119: {  	[sflag:s31] =	ssyncset.done $0x0  }
0x11a: {  	[sflag:s31] =	ssyncadd.s32 $0xFFFFF000  }
0x11b: {  	[tilespmem:s30], [sflag:$0xC] =	stream.linear.gather [spmem:s18], $0x1000, $0x38;
	[tilespmem:$0x1A000] =	vst v63  }
0x11c: {  	_ =	swait.ge [sflag:s31], $0x1000  }
0x11d: {  	[sflag:s31] =	ssyncset.done $0x0  }
0x11e: {  	s21 =	rddreg [dreg:$0xa];
	[sflag:s31] =	ssyncadd.s32 $0xFFFFF000  }
0x11f: {  	[hbm4b:s21+s20] =	stream.linear.scatter [tilespmem:s30], [sflag:$0xC], $0x1000, $0x38;
	[tilespmem:$0x1A000] =	vst v63  }
0x120: {  	_ =	swait.ge [sflag:s31], $0x1000  }
0x121: {  	[sflag:s31] =	ssyncset.done $0x0  }
0x122: {  	s18 =	rddreg [dreg:$0x10];
	[sflag:s31] =	ssyncadd.s32 $0xFFFFF000  }
0x123: {  	[tilespmem:s30], [sflag:$0xC] =	stream.linear.gather [spmem:s18], $0x1000, $0x38;
	[tilespmem:$0x1A000] =	vst v63  }
0x124: {  	_ =	swait.ge [sflag:s31], $0x1000  }
0x125: {  	[sflag:s31] =	ssyncset.done $0x0  }
0x126: {  	s21 =	rddreg [dreg:$0xb];
	[sflag:s31] =	ssyncadd.s32 $0xFFFFF000  }
0x127: {  	[hbm4b:s21+s20] =	stream.linear.scatter [tilespmem:s30], [sflag:$0xC], $0x1000, $0x38;
	[tilespmem:$0x1A000] =	vst v63  }
0x128: {  	_ =	swait.ge [sflag:s31], $0x1000  }
0x129: {  	[sflag:s31] =	ssyncset.done $0x0  }
0x12a: {  	s18 =	rddreg [dreg:$0x11];
	[sflag:s31] =	ssyncadd.s32 $0xFFFFF000  }
0x12b: {  	[tilespmem:s30], [sflag:$0xC] =	stream.linear.gather [spmem:s18], $0x1000, $0x38;
	[tilespmem:$0x1A000] =	vst v63  }
0x12c: {  	_ =	swait.ge [sflag:s31], $0x1000  }
0x12d: {  	[sflag:s31] =	ssyncset.done $0x0  }
0x12e: {  	s21 =	rddreg [dreg:$0xc];
	[sflag:s31] =	ssyncadd.s32 $0xFFFFF000  }
0x12f: {  	[hbm4b:s21+s20] =	stream.linear.scatter [tilespmem:s30], [sflag:$0xC], $0x1000, $0x38;
	[tilespmem:$0x1A000] =	vst v63  }
0x130: {  	_ =	swait.ge [sflag:s31], $0x1000  }
0x131: {  	s21 =	rddreg [dreg:$0x13]  }
0x132: {  	s18 =	rddreg [dreg:$0x12];
	s21 =	sadd.s32 $0x1, s21  }
0x133: {  	p0 =	sne.s32 s21, s18  }
.Ltmp2:
0x134: {  	_ = 	snop;
	(pc) =	sbr.rel @p0 .LBB2_1-.Ltmp2, $3  }
0x135: {  	_ =	sdelay $0x1  }
0x136: {  	[sflag:s31] =	ssyncset.done $0x0  }
0x137: {  	[sflag:s31] =	ssyncadd.s32 $0xFFFFF000  }
0x138: {  	_ =	sfence.sel $0x180000  }
0x139: {  	[bflag:$0x0] =	sbarrier.arrive $0xFFFF  }
0x13a: {  	_ =	strace $0x9000004A  }
0x13b: {  	s0 =	stileid.u32;
	[bflag:$0x2] =	sbarrier.arrive $0xFFFF  }
0x13c: {  	p0 =	sne.s32 s0, $0x0;
	s0 =	rddreg [dreg:$0x2]  }
0x13d: {  	s0 =	sadd.s32 @!p0 $0x100000, s0  }
0x13e: {  	[sflag:s0] =	ssyncadd.tile.s32 @!p0 $0x1;
	_ =	shalt  }
.Lfunc_end2:
_tile_overlayer_lowered:
.L_overlay_start_2:
0x13f: {  	(tag) =	ssettag $0x2  }
0x140: {  	s0 =	rddreg [dreg:$0x0];
	s2 =	stileid.u32  }
0x141: {  	s1 =	rddreg [dreg:$0x1];
	p0 =	sne.s32 s2, $0x0  }
0x142: {  	s3 =	rddreg [dreg:$0x2];
	[bflag:$0x3] =	sbarrier.arrive $0xFFFF;
	s2 =	simm.s32 @!p0 $0x1C0C  }
0x143: {  	[timem:s3], [sflag:s2] =	dma.local @!p0 [hbm:s0], s1  }
0x144: {  	s0 =	simm.s32 @!p0 $0xC  }
0x145: {  	_ =	swait.ge @!p0 [sflag:s0], s1  }
0x146: {  	s1 =	ssub.s32 @!p0 $0x0, s1;
	[sflag:s0] =	ssyncset.done @!p0 $0x0  }
0x147: {  	[sflag:s0] =	ssyncadd.s32 @!p0 s1  }
0x148: {  	[bflag:$0x3] =	sbarrier.arrive $0xFFFF  }
0x149: {  	_ =	shalt  }

// kernel: kernel.16.cloned.1.call-start
scs
__scs_entry_jumppad:
0x0: {  	(pc) =	sbr.rel $0x88, $3  }
0x1: {  	(tag) =	ssettag $0x0;
	lr =	simm.s32 $0x1  }
0x2: {  	[smem:$0x3F94] =	sst lr;
	_ =	strace $0xD0000000  }
0x3: {  	_ = 	snop  }
0x4: {  	_ = 	snop  }
0x5: {  	_ = 	snop  }
0x6: {  	_ = 	snop  }
0x7: {  	_ = 	snop  }
__scs_overlays_trampoline_lowered:
0x8: {  	[smem:$0x3FA3] =	sst s0  }
0x9: {  	[smem:$0x3FA4] =	sst s1  }
0xa: {  	[smem:$0x3FA5] =	sst s2  }
0xb: {  	[smem:$0x3FA6] =	sst s3  }
0xc: {  	[smem:$0x3FA7] =	sst s4  }
0xd: {  	[smem:$0x3FA8] =	sst s5  }
0xe: {  	[smem:$0x3FA9] =	sst s6  }
0xf: {  	[smem:$0x3FAA] =	sst s7  }
0x10: {  	[smem:$0x3FAB] =	sst s8  }
0x11: {  	[smem:$0x3FAC] =	sst s9;
	s0 =	simm.s32 @!p0 $0x0  }
0x12: {  	s1 =	sld [smem:$0x3F92];
	s0 =	simm.s32 @p0 $0x1  }
0x13: {  	[smem:$0x3FAD] =	sst s0;
	s0 =	simm.s32 @!p1 $0x0  }
0x14: {  	s2 =	sld [smem:$0x3F91];
	s0 =	simm.s32 @p1 $0x1  }
0x15: {  	[smem:$0x3FAE] =	sst s0;
	s0 =	simm.s32 @!p2 $0x0  }
0x16: {  	s3 =	sld [smem:$0x3FDB];
	s0 =	simm.s32 @p2 $0x1  }
0x17: {  	s4 =	simm.s32 $0x1BF5;
	[smem:$0x3FB0] =	sst s0  }
0x18: {  	s0 =	sld [smem:$0x3F93];
	_ =	swait.ge [sflag:s4], $0x0  }
0x19: {  	s7 =	sld [smem:$0x3F94]  }
0x1a: {  	s8 =	sadd.s32 $0xFFFFE003, lr  }
0x1b: {  	s9 =	sadd.s32 $0xFFFFFEF7, lr;
	s5 =	simm.s32 $0xFFFFFFFF;
	p2 =	slt.u32 s8, $0xFFFFF086  }
0x1c: {  	p1 =	slt.u32 s9, $0xF7A;
	s5 =	simm.s32 @!p2 $0x0  }
0x1d: {  	s5 =	simm.s32 @p1 $0x1;
	p0 =	seq.s32 s7, s2  }
0x1e: {  	s7 =	smul.u32 @!p0 $0xF7A, s2;
	p2 =	seq.s32 @!p0 s5, $0x0  }
0x1f: {  	s9 =	smul.u32 $0xF7A, s1;
	s8 =	simm.s32 @!p0 $0x1BF5;
	p2 =	por !p2, p0  }
0x20: {  	[sflag:s8] =	ssyncset.s32 @!p0 $0xFFFFF086;
	s6 =	sadd.s32 @!p0 s3, s7;
	s7 =	simm.s32 @!p0 $0x108  }
0x21: {  	s3 =	sadd.s32 s3, s9;
	s6 =	sadd.s32 @!p0 $0x88, s6;
	s7 =	simm.s32 @p2 $0x1082  }
0x22: {  	[simem:s7], [sflag:s8] =	dma.local @!p0 [hbm:s6], $0xF7A  }
0x23: {  	s9 =	sor.u32 $0xD0000000, s2;
	s6 =	simm.s32 $0x108;
	_ =	swait.ge @!p0 [sflag:s8], $0x0  }
0x24: {  	s3 =	sadd.s32 $0x88, s3;
	s6 =	simm.s32 @!p1 $0x1082;
	[sflag:s4] =	ssyncset.s32 $0xFFFFF086  }
0x25: {  	[simem:s6], [sflag:s4] =	dma.local [hbm:s3], $0xF7A  }
0x26: {  	[smem:$0x3F94] =	sst s1;
	(tag) =	ssettag s2;
	_ =	strace s9  }
0x27: {  	s1 =	sld [smem:$0x3FA4]  }
0x28: {  	s2 =	sld [smem:$0x3FA5]  }
0x29: {  	s4 =	sld [smem:$0x3FA7]  }
0x2a: {  	p0 =	seq.s32 s5, $0x0;
	s5 =	sld [smem:$0x3FA8]  }
0x2b: {  	s6 =	sld [smem:$0x3FA9]  }
0x2c: {  	s7 =	sld [smem:$0x3FAA]  }
0x2d: {  	s3 =	simm.s32 $0x108;
	s8 =	sld [smem:$0x3FAB]  }
0x2e: {  	s3 =	simm.s32 @!p0 $0x1082;
	s9 =	sld [smem:$0x3FAC]  }
0x2f: {  	lr =	sadd.s32 s0, s3;
	s0 =	sld [smem:$0x3FA3]  }
0x30: {  	s3 =	sld [smem:$0x3FA6]  }
0x31: {  	[smem:$0x3FAF] =	sst s10  }
0x32: {  	s10 =	sld [smem:$0x3FAD];
	_ =	sdelay $0x3  }
0x33: {  	p0 =	seq.s32 s10, $0x1;
	s10 =	sld [smem:$0x3FAF];
	_ =	sdelay $0x3  }
0x34: {  	[smem:$0x3FAF] =	sst s10  }
0x35: {  	s10 =	sld [smem:$0x3FAE];
	_ =	sdelay $0x3  }
0x36: {  	p1 =	seq.s32 s10, $0x1;
	s10 =	sld [smem:$0x3FAF];
	_ =	sdelay $0x3  }
0x37: {  	[smem:$0x3FAF] =	sst s10  }
0x38: {  	s10 =	sld [smem:$0x3FB0]  }
0x39: {  	_ = 	snop;
	(pc) =	sbr.ind lr, $3  }
0x3a: {  	_ = 	snop  }
0x3b: {  	_ = 	snop  }
0x3c: {  	p2 =	seq.s32 s10, $0x1;
	s10 =	sld [smem:$0x3FAF]  }
0x3d: {  	_ =	shalt  }
0x3e: {  	_ =	shalt  }
0x3f: {  	_ =	shalt  }
0x40: {  	_ =	shalt  }
0x41: {  	_ =	shalt  }
0x42: {  	_ =	shalt  }
0x43: {  	_ =	shalt  }
0x44: {  	_ =	shalt  }
0x45: {  	_ =	shalt  }
0x46: {  	_ =	shalt  }
0x47: {  	_ =	shalt  }
0x48: {  	_ =	shalt  }
0x49: {  	_ =	shalt  }
0x4a: {  	_ =	shalt  }
0x4b: {  	_ =	shalt  }
0x4c: {  	_ =	shalt  }
0x4d: {  	_ =	shalt  }
0x4e: {  	_ =	shalt  }
0x4f: {  	_ =	shalt  }
0x50: {  	_ =	shalt  }
0x51: {  	_ =	shalt  }
0x52: {  	_ =	shalt  }
0x53: {  	_ =	shalt  }
0x54: {  	_ =	shalt  }
0x55: {  	_ =	shalt  }
0x56: {  	_ =	shalt  }
0x57: {  	_ =	shalt  }
0x58: {  	_ =	shalt  }
0x59: {  	_ =	shalt  }
0x5a: {  	_ =	shalt  }
0x5b: {  	_ =	shalt  }
0x5c: {  	_ =	shalt  }
0x5d: {  	_ =	shalt  }
0x5e: {  	_ =	shalt  }
0x5f: {  	_ =	shalt  }
0x60: {  	_ =	shalt  }
0x61: {  	_ =	shalt  }
0x62: {  	_ =	shalt  }
0x63: {  	_ =	shalt  }
0x64: {  	_ =	shalt  }
0x65: {  	_ =	shalt  }
0x66: {  	_ =	shalt  }
0x67: {  	_ =	shalt  }
0x68: {  	_ =	shalt  }
0x69: {  	_ =	shalt  }
0x6a: {  	_ =	shalt  }
0x6b: {  	_ =	shalt  }
0x6c: {  	_ =	shalt  }
0x6d: {  	_ =	shalt  }
0x6e: {  	_ =	shalt  }
0x6f: {  	_ =	shalt  }
0x70: {  	_ =	shalt  }
0x71: {  	_ =	shalt  }
0x72: {  	_ =	shalt  }
0x73: {  	_ =	shalt  }
0x74: {  	_ =	shalt  }
0x75: {  	_ =	shalt  }
0x76: {  	_ =	shalt  }
0x77: {  	_ =	shalt  }
0x78: {  	_ =	shalt  }
0x79: {  	_ =	shalt  }
0x7a: {  	_ =	shalt  }
0x7b: {  	_ =	shalt  }
0x7c: {  	_ =	shalt  }
0x7d: {  	_ =	shalt  }
0x7e: {  	_ =	shalt  }
0x7f: {  	_ =	shalt  }
0x80: {  	_ =	shalt  }
0x81: {  	_ =	shalt  }
0x82: {  	_ =	shalt  }
0x83: {  	_ =	shalt  }
0x84: {  	_ =	shalt  }
0x85: {  	_ =	shalt  }
0x86: {  	_ =	shalt  }
0x87: {  	_ =	shalt  }
.Lfunc_end0:
.L_simem_size_0:
called_computation.2_lowered:
.L_overlay_start_0:
0x88: {  	s2 =	sld [smem:$0x3FD9]  }
0x89: {  	s3 =	sld [smem:$0x3FFE];
	_ =	sdelay $0x1  }
0x8a: {  	s1 =	srdreg.scid  }
0x8b: {  	s0 =	sand.u32 $0x1, s1  }
0x8c: {  	s16 =	sshll.u32 s0, $0xA;
	s2 =	sadd.s32 s3, s2  }
0x8d: {  	s2 =	sadd.s32 s2, s16  }
0x8e: {  	[smem:$0x3FBB] =	sst s2  }
0x8f: {  	_ = 	snop  }
0x90: {  	(tm) =	ssettm $0x1  }
0x91: {  	s17 =	sld [smem:$0x3FFB];
	_ =	sdelay $0x3  }
0x92: {  	_ =	strace s17  }
0x93: {  	s2 =	sld [smem:$0x3FFC];
	_ =	sdelay $0x3  }
0x94: {  	_ =	strace s2  }
0x95: {  	s2 =	sld [smem:$0x3FFD];
	_ =	sdelay $0x3  }
0x96: {  	_ =	strace s2  }
0x97: {  	_ =	strace $0x8FFFFFFF  }
0x98: {  	s18 =	sld [smem:$0x3FDB];
	_ =	sdelay $0x1  }
0x99: {  	s19 =	simm.s32 $_scs_section_size  }
0x9a: {  	s4 =	simm.s32 $_size__tile_overlayer_lowered;
	s5 =	simm.s32 $_tile_overlayer_lowered  }
0x9b: {  	s22 =	simm.s32 $0x1BFF;
	s21 =	sshll.u32 s5, $0x1;
	s2 =	sadd.s32 s19, s18  }
0x9c: {  	s6 =	simm.s32 $0x0;
	s20 =	sshll.u32 s4, $0x1;
	s4 =	sadd.s32 s21, s2  }
0x9d: {  	[timem:s6], [sflag:s22] =	dma.local [hbm:s4], s20  }
0x9e: {  	_ =	swait.ge [sflag:s22], s20  }
0x9f: {  	s3 =	ssub.s32 $0x0, s20;
	[sflag:s22] =	ssyncset.done $0x0  }
0xa0: {  	[sflag:s22] =	ssyncadd.s32 s3;
	_ =	sdelay $0x1  }
0xa1: {  	s23 =	simm.s32 $0x1B8B  }
0xa2: {  	_ =	swait.ge [sflag:s23], $0x1  }
0xa3: {  	[sflag:s23] =	ssyncset.done $0x0  }
0xa4: {  	s25 =	simm.s32 $0x1B8E;
	s24 =	sld [smem:$0x3FFE];
	[sflag:s23] =	ssyncadd.s32 $0xFFFFFFFF  }
0xa5: {  	s26 =	simm.s32 $execute0_lowered;
	[smem:$0x3FD2] =	sst s25  }
0xa6: {  	s4 =	sshll.u32 s26, $0x1;
	_ =	strace $0x8000004C;
	[dreg:$0x1] =	wrdreg $0xFFFFFFFF  }
0xa7: {  	s28 =	simm.s32 $_size_execute0_lowered;
	s2 =	sadd.s32 s2, s4;
	[dreg:$0x0] =	wrdreg $0x0  }
0xa8: {  	s4 =	sshll.u32 s28, $0x1;
	[dreg:$0x2] =	wrdreg s2  }
0xa9: {  	[dreg:$0x3] =	wrdreg s4  }
0xaa: {  	[dreg:$0x4] =	wrdreg $0xC0  }
0xab: {  	_ =	task [dreg:s6], $0x5FFFF  }
0xac: {  	[dreg:$0x1] =	wrdreg $0xFFFFFFFF  }
0xad: {  	[dreg:$0x0] =	wrdreg $0x60  }
0xae: {  	[dreg:$0x2] =	wrdreg s24  }
0xaf: {  	[dreg:$0x3] =	wrdreg $0x100000  }
0xb0: {  	[dreg:$0x4] =	wrdreg $0x9  }
0xb1: {  	_ =	task.clear_ibuf [dreg:s6], $0x5FFFF;
	_ =	strace $0x9000004C  }
0xb2: {  	s29 =	simm.s32 $0x9;
	_ =	strace $0x8000004E  }
0xb3: {  	_ =	swait.ge [sflag:s29], $0x1  }
0xb4: {  	[sflag:s29] =	ssyncadd.s32 $0xFFFFFFFF  }
0xb5: {  	_ =	strace $0x9000004E  }
0xb6: {  	_ =	sfence  }
0xb7: {  	s30 =	sld [smem:$0x0];
	_ =	sdelay $0x2  }
0xb8: {  	s31 =	sshll.u32 s1, $0xD;
	s1 =	sshrl.u32 s1, $0x2  }
0xb9: {  	s3 =	sand.u32 $0x4000, s31;
	s1 =	sadd.s32 s1, s30  }
0xba: {  	s0 =	sor.u32 s3, s0;
	s1 =	sshll.u32 s1, $0x11  }
0xbb: {  	s0 =	sor.u32 s1, s0  }
0xbc: {  	s0 =	sadd.s32 $0x8F2B, s0  }
0xbd: {  	[sflag:s0] =	ssyncadd.remote.s32 $0x1  }
0xbe: {  	_ =	sfence.sel $0xFFFF  }
0xbf: {  	[dreg:$0x0] =	wrdreg $0xFFFFFFFF;
	(pc) =	sbr.abs _section_cstart, $3  }
0xc0: {  	[dreg:$0x1] =	wrdreg $0xFFFFFFFF  }
0xc1: {  	_ =	task.clear_ibuf [dreg:s6], $0x2FFFF;
	_ =	strace $0x9FFFFFFF  }
0xc2: {  	(tm) =	ssettm $0x7FFFFFFF  }
0xc3: {  	_ =	shalt  }
tec
execute0_lowered:
.L_overlay_start_1:
0x0: {  	(tag) =	ssettag $0x1  }
0x1: {  	s0 =	rddreg [dreg:$0x0]  }
0x2: {  	s2 =	srdreg.scid;
	s20 =	simm.s32 $0x0;
	s6 =	stileid.u32  }
0x3: {  	s30 =	simm.s32 $0xF000;
	s31 =	simm.s32 $0xC;
	s29 =	simm.s32 $0x5000  }
0x4: {  	s28 =	simm.s32 $0xA;
	s2 =	sand.u32 $0x1, s2;
	[smem:$0x7FF] =	sst s20  }
0x5: {  	s3 =	sshll.u32 s6, $0x1;
	s6 =	smul.u32 $0xA000, s6;
	s7 =	sadd.s32 $0x2B000, s0  }
0x6: {  	s4 =	ssub.s32 $0x2, s2;
	s3 =	sor.u32 s2, s3;
	s2 =	smul.u32 $0xA0000, s2  }
0x7: {  	s5 =	sshrl.u32 s4, $0x1;
	s3 =	smul.u32 $0x500, s3;
	s8 =	sadd.s32 $0x2000, s6  }
0x8: {  	s9 =	sadd.s32 $0x3000, s6;
	s10 =	sadd.s32 $0x4000, s6;
	s12 =	sadd.s32 $0x5000, s6  }
0x9: {  	s13 =	sadd.s32 $0x6000, s6;
	s15 =	sadd.s32 $0x7000, s6;
	s16 =	sadd.s32 $0x8000, s6  }
0xa: {  	s17 =	sadd.s32 $0x9000, s6;
	s4 =	ssub.s32 s4, s5;
	s5 =	sor.u32 $0x1000, s6  }
0xb: {  	s11 =	sadd.s32 s6, s2;
	s26 =	sadd.s32 s2, s8;
	s1 =	sadd.s32 s2, s9  }
0xc: {  	s18 =	sadd.s32 s2, s10;
	s19 =	sadd.s32 s2, s12;
	s21 =	sadd.s32 s2, s13  }
0xd: {  	s22 =	sadd.s32 s2, s15;
	s11 =	sshrl.u32 s11, $0x3;
	s14 =	sadd.s32 s2, s5  }
0xe: {  	s18 =	sshrl.u32 s18, $0x3;
	s24 =	sshrl.u32 s22, $0x3;
	s11 =	sadd.s32 s7, s11  }
0xf: {  	s25 =	sshrl.u32 s14, $0x3;
	s14 =	sshrl.u32 s1, $0x3;
	s1 =	sadd.s32 s3, s0  }
0x10: {  	[dreg:$0x3] =	wrdreg s11;
	s11 =	sadd.s32 s7, s25;
	s14 =	sadd.s32 s7, s14  }
0x11: {  	s25 =	sadd.s32 s2, s16;
	[dreg:$0x4] =	wrdreg s11;
	s11 =	sshrl.u32 s26, $0x3  }
0x12: {  	[dreg:$0x6] =	wrdreg s14;
	s14 =	sshrl.u32 s21, $0x3;
	s11 =	sadd.s32 s7, s11  }
0x13: {  	s26 =	sshrl.u32 s25, $0x3;
	s23 =	sadd.s32 s7, s14;
	[dreg:$0x5] =	wrdreg s11  }
0x14: {  	s2 =	sadd.s32 s2, s17;
	s14 =	sadd.s32 s7, s26;
	[dreg:$0x9] =	wrdreg s23  }
0x15: {  	s2 =	sshrl.u32 s2, $0x3;
	s11 =	sadd.s32 s7, s18;
	[dreg:$0xb] =	wrdreg s14  }
0x16: {  	s2 =	sadd.s32 s7, s2;
	[dreg:$0x7] =	wrdreg s11;
	s11 =	sshrl.u32 s19, $0x3  }
0x17: {  	s3 =	sadd.s32 $0xD000, s1;
	[dreg:$0xc] =	wrdreg s2;
	s11 =	sadd.s32 s7, s11  }
0x18: {  	s21 =	smax.u32 s4, $0x1;
	[dreg:$0x8] =	wrdreg s11;
	s11 =	sadd.s32 s7, s24  }
0x19: {  	s4 =	simm.s32 $0xB000;
	s14 =	sadd.s32 $0x17000, s0;
	[dreg:$0xa] =	wrdreg s11  }
0x1a: {  	s0 =	simm.s32 $0x80;
	s2 =	simm.s32 $0x7000;
	s11 =	rddreg [dreg:$0x1]  }
0x1b: {  	s7 =	sadd.s32 $0x3000, s1;
	_ =	strace $0x8000004D;
	[dreg:$0xd] =	wrdreg s3  }
0x1c: {  	[dreg:$0xe] =	wrdreg s7;
	s22 =	sadd.s32 s6, s11;
	s23 =	sadd.s32 s5, s11  }
0x1d: {  	s24 =	sadd.s32 s8, s11;
	s25 =	sadd.s32 s9, s11;
	s26 =	sadd.s32 s10, s11  }
0x1e: {  	s10 =	sadd.s32 s12, s11;
	s1 =	sadd.s32 s13, s11;
	s18 =	sadd.s32 s15, s11  }
0x1f: {  	s16 =	sadd.s32 s16, s11;
	s19 =	sadd.s32 s17, s11;
	[dreg:$0x12] =	wrdreg s21  }
0x20: {  	s3 =	simm.s32 $0x9000;
	s5 =	simm.s32 $0xD000;
	s6 =	simm.s32 $0x2  }
0x21: {  	s7 =	simm.s32 $0x3;
	s8 =	simm.s32 $0x4;
	s9 =	simm.s32 $0x5  }
0x22: {  	s12 =	simm.s32 $0x6;
	s13 =	simm.s32 $0x7;
	[dreg:$0x10] =	wrdreg s16  }
0x23: {  	s15 =	simm.s32 $0x8;
	s17 =	simm.s32 $0xB;
	[dreg:$0x11] =	wrdreg s19  }
0x24: {  	v0 =	vimm.f32 $0.0e+00;
	s21 =	simm.s32 $0x0;
	s16 =	simm.s32 $0x9;
	[dreg:$0xf] =	wrdreg s18  }
.LBB2_1:
0x25: {  	[dreg:$0x13] =	wrdreg s21;
	s18 =	smov.u32 s1  }
0x26: {  	s1 =	smov.u32 s10;
	s10 =	smov.u32 s26;
	s26 =	smov.u32 s25  }
0x27: {  	s25 =	smov.u32 s24;
	s24 =	smov.u32 s23;
	s19 =	rddreg [dreg:$0xd]  }
0x28: {  	[tilespmem:s20], [sflag:$0x1] =	stream.linear.gather [hbm4b:s19+s20], $0x2800, $0x38;
	[tilespmem:$0x1A000] =	vst v63  }
0x29: {  	s23 =	smov.u32 s22;
	s21 =	rddreg [dreg:$0xe];
	s22 =	simm.s32 $0x2800  }
0x2a: {  	[tilespmem:s22], [sflag:$0x1] =	stream.linear.gather [hbm4b:s21+s20], $0x2800, $0x38;
	[tilespmem:$0x1A000] =	vst v63  }
0x2b: {  	s22 =	sand.u32 $0x3F00, s20;
	s21 =	simm.s32 $0x0  }
0x2c: {  	s20 =	sand.u32 $0x30, s21;
	s22 =	sshrl.u32 s22, $0x2  }
0x2d: {  	s19 =	simm.s32 $0x40;
	s21 =	sor.u32 s20, s22;
	s20 =	simm.s32 $0x0  }
.LBB2_2:
0x2e: {  	p0 =	sne.s32 s19, $0x3FC0  }
0x2f: {  	[tilespmem:s21+$0xF000] =	vst v0;
	s20 =	sadd.s32 $0x10, s20;
	s21 =	smov.u32 s19;
	s19 =	sadd.s32 $0x40, s19  }
.Ltmp0:
0x30: {  	(pc) =	sbr.rel @p0 .LBB2_2-.Ltmp0, $4  }
0x31: {  	_ = 	snop  }
0x32: {  	s21 =	sand.u32 $0x3F00, s21  }
0x33: {  	s22 =	sand.u32 $0x30, s20;
	s21 =	sshrl.u32 s21, $0x2  }
0x34: {  	s21 =	sor.u32 s22, s21  }
0x35: {  	[tilespmem:s21+$0xF000] =	vst v0  }
0x36: {  	[spmem:s23] =	stream.linear.scatter [tilespmem:s30], [sflag:$0xC], $0x1000, $0x38;
	[tilespmem:$0x1A000] =	vst v63  }
0x37: {  	_ =	swait.ge [sflag:s31], $0x1000  }
0x38: {  	[sflag:s31] =	ssyncset.done $0x0  }
0x39: {  	[sflag:s31] =	ssyncadd.s32 $0xFFFFF000  }
0x3a: {  	[spmem:s24] =	stream.linear.scatter [tilespmem:s30], [sflag:$0xC], $0x1000, $0x38;
	[tilespmem:$0x1A000] =	vst v63  }
0x3b: {  	_ =	swait.ge [sflag:s31], $0x1000  }
0x3c: {  	[sflag:s31] =	ssyncset.done $0x0  }
0x3d: {  	[sflag:s31] =	ssyncadd.s32 $0xFFFFF000  }
0x3e: {  	[spmem:s25] =	stream.linear.scatter [tilespmem:s30], [sflag:$0xC], $0x1000, $0x38;
	[tilespmem:$0x1A000] =	vst v63  }
0x3f: {  	_ =	swait.ge [sflag:s31], $0x1000  }
0x40: {  	[sflag:s31] =	ssyncset.done $0x0  }
0x41: {  	[sflag:s31] =	ssyncadd.s32 $0xFFFFF000  }
0x42: {  	[spmem:s26] =	stream.linear.scatter [tilespmem:s30], [sflag:$0xC], $0x1000, $0x38;
	[tilespmem:$0x1A000] =	vst v63  }
0x43: {  	_ =	swait.ge [sflag:s31], $0x1000  }
0x44: {  	[sflag:s31] =	ssyncset.done $0x0  }
0x45: {  	[sflag:s31] =	ssyncadd.s32 $0xFFFFF000  }
0x46: {  	[spmem:s10] =	stream.linear.scatter [tilespmem:s30], [sflag:$0xC], $0x1000, $0x38;
	[tilespmem:$0x1A000] =	vst v63  }
0x47: {  	_ =	swait.ge [sflag:s31], $0x1000  }
0x48: {  	[sflag:s31] =	ssyncset.done $0x0  }
0x49: {  	[sflag:s31] =	ssyncadd.s32 $0xFFFFF000  }
0x4a: {  	[spmem:s1] =	stream.linear.scatter [tilespmem:s30], [sflag:$0xC], $0x1000, $0x38;
	[tilespmem:$0x1A000] =	vst v63  }
0x4b: {  	_ =	swait.ge [sflag:s31], $0x1000  }
0x4c: {  	[sflag:s31] =	ssyncset.done $0x0  }
0x4d: {  	s22 =	smov.u32 s23;
	s23 =	smov.u32 s24;
	[sflag:s31] =	ssyncadd.s32 $0xFFFFF000  }
0x4e: {  	[spmem:s18] =	stream.linear.scatter [tilespmem:s30], [sflag:$0xC], $0x1000, $0x38;
	[tilespmem:$0x1A000] =	vst v63  }
0x4f: {  	s24 =	smov.u32 s25;
	s25 =	smov.u32 s26;
	_ =	swait.ge [sflag:s31], $0x1000  }
0x50: {  	s26 =	smov.u32 s10;
	s10 =	smov.u32 s1;
	[sflag:s31] =	ssyncset.done $0x0  }
0x51: {  	s1 =	smov.u32 s18;
	s18 =	rddreg [dreg:$0xf];
	[sflag:s31] =	ssyncadd.s32 $0xFFFFF000  }
0x52: {  	[spmem:s18] =	stream.linear.scatter [tilespmem:s30], [sflag:$0xC], $0x1000, $0x38;
	[tilespmem:$0x1A000] =	vst v63  }
0x53: {  	_ =	swait.ge [sflag:s31], $0x1000  }
0x54: {  	[sflag:s31] =	ssyncset.done $0x0  }
0x55: {  	s19 =	rddreg [dreg:$0x10];
	[sflag:s31] =	ssyncadd.s32 $0xFFFFF000  }
0x56: {  	[spmem:s19] =	stream.linear.scatter [tilespmem:s30], [sflag:$0xC], $0x1000, $0x38;
	[tilespmem:$0x1A000] =	vst v63  }
0x57: {  	_ =	swait.ge [sflag:s31], $0x1000  }
0x58: {  	[sflag:s31] =	ssyncset.done $0x0  }
0x59: {  	s21 =	rddreg [dreg:$0x11];
	[sflag:s31] =	ssyncadd.s32 $0xFFFFF000  }
0x5a: {  	[spmem:s21] =	stream.linear.scatter [tilespmem:s30], [sflag:$0xC], $0x1000, $0x38;
	[tilespmem:$0x1A000] =	vst v63  }
0x5b: {  	_ =	swait.ge [sflag:s31], $0x1000  }
0x5c: {  	[sflag:s31] =	ssyncset.done $0x0  }
0x5d: {  	[sflag:s31] =	ssyncadd.s32 $0xFFFFF000  }
0x5e: {  	s20 =	simm.s32 $0x1;
	[bflag:$0x0] =	sbarrier.arrive $0xFFFF  }
0x5f: {  	_ =	swait.ge [sflag:s20], $0x2800  }
0x60: {  	[sflag:s20] =	ssyncset.done $0x0  }
0x61: {  	[sflag:s20] =	ssyncadd.s32 $0xFFFFD800  }
0x62: {  	_ =	swait.ge [sflag:s20], $0x2800  }
0x63: {  	[sflag:s20] =	ssyncset.done $0x0  }
0x64: {  	s21 =	simm.s32 $0x0;
	[sflag:s20] =	ssyncadd.s32 $0xFFFFD800  }
0x65: {  	[tilespmem:s29], [sflag:$0x2] =	stream.indirect.gather [hbm4b:s14+s0], $0x40, s21, s0, $0xb8;
	[tilespmem:$0x1A000] =	vst v63  }
0x66: {  	_ = 	snop  }
0x67: {  	[tilespmem:s2], [sflag:$0x3] =	stream.indirect.gather [hbm4b:s14+s0], $0x40, s0, s0, $0xb8;
	[tilespmem:$0x1A000] =	vst v63  }
0x68: {  	s20 =	simm.s32 $0x100  }
0x69: {  	[tilespmem:s3], [sflag:$0x4] =	stream.indirect.gather [hbm4b:s14+s0], $0x40, s20, s0, $0xb8;
	[tilespmem:$0x1A000] =	vst v63  }
0x6a: {  	s21 =	simm.s32 $0x180  }
0x6b: {  	[tilespmem:s4], [sflag:$0x5] =	stream.indirect.gather [hbm4b:s14+s0], $0x40, s21, s0, $0xb8;
	[tilespmem:$0x1A000] =	vst v63  }
0x6c: {  	s20 =	simm.s32 $0x200  }
0x6d: {  	[tilespmem:s5], [sflag:$0x6] =	stream.indirect.gather [hbm4b:s14+s0], $0x40, s20, s0, $0xb8;
	[tilespmem:$0x1A000] =	vst v63  }
0x6e: {  	_ =	swait.ge [sflag:s6], $0x2000  }
0x6f: {  	[sflag:s6] =	ssyncset.done $0x0  }
0x70: {  	s21 =	simm.s32 $0x2800;
	[sflag:s6] =	ssyncadd.s32 $0xFFFFE000  }
0x71: {  	[spmem:s11] =	stream.indirect.scatter.add.f32 [tilespmem:s29], [sflag:$0x7], $0x40, s21, s0, $0xb8;
	[tilespmem:$0x1A000] =	vst v63  }
0x72: {  	_ =	swait.ge [sflag:s7], $0x2000  }
0x73: {  	[sflag:s7] =	ssyncset.done $0x0  }
0x74: {  	s20 =	simm.s32 $0x2880;
	[sflag:s7] =	ssyncadd.s32 $0xFFFFE000  }
0x75: {  	[spmem:s11] =	stream.indirect.scatter.add.f32 [tilespmem:s2], [sflag:$0x8], $0x40, s20, s0, $0xb8;
	[tilespmem:$0x1A000] =	vst v63  }
0x76: {  	_ =	swait.ge [sflag:s8], $0x2000  }
0x77: {  	[sflag:s8] =	ssyncset.done $0x0  }
0x78: {  	s21 =	simm.s32 $0x2900;
	[sflag:s8] =	ssyncadd.s32 $0xFFFFE000  }
0x79: {  	[spmem:s11] =	stream.indirect.scatter.add.f32 [tilespmem:s3], [sflag:$0x9], $0x40, s21, s0, $0xb8;
	[tilespmem:$0x1A000] =	vst v63  }
0x7a: {  	_ =	swait.ge [sflag:s9], $0x2000  }
0x7b: {  	[sflag:s9] =	ssyncset.done $0x0  }
0x7c: {  	s20 =	simm.s32 $0x2980;
	[sflag:s9] =	ssyncadd.s32 $0xFFFFE000  }
0x7d: {  	[spmem:s11] =	stream.indirect.scatter.add.f32 [tilespmem:s4], [sflag:$0xA], $0x40, s20, s0, $0xb8;
	[tilespmem:$0x1A000] =	vst v63  }
0x7e: {  	_ =	swait.ge [sflag:s12], $0x2000  }
0x7f: {  	[sflag:s12] =	ssyncset.done $0x0  }
0x80: {  	s21 =	simm.s32 $0x2A00;
	[sflag:s12] =	ssyncadd.s32 $0xFFFFE000  }
0x81: {  	[spmem:s11] =	stream.indirect.scatter.add.f32 [tilespmem:s5], [sflag:$0xB], $0x40, s21, s0, $0xb8;
	[tilespmem:$0x1A000] =	vst v63  }
0x82: {  	_ =	swait.ge [sflag:s13], $0x2000  }
0x83: {  	[sflag:s13] =	ssyncset.done $0x0  }
0x84: {  	s20 =	simm.s32 $0x280;
	[sflag:s13] =	ssyncadd.s32 $0xFFFFE000  }
0x85: {  	[tilespmem:s29], [sflag:$0x2] =	stream.indirect.gather [hbm4b:s14+s0], $0x40, s20, s0, $0xb8;
	[tilespmem:$0x1A000] =	vst v63  }
0x86: {  	_ =	swait.ge [sflag:s15], $0x2000  }
0x87: {  	[sflag:s15] =	ssyncset.done $0x0  }
0x88: {  	s21 =	simm.s32 $0x300;
	[sflag:s15] =	ssyncadd.s32 $0xFFFFE000  }
0x89: {  	[tilespmem:s2], [sflag:$0x3] =	stream.indirect.gather [hbm4b:s14+s0], $0x40, s21, s0, $0xb8;
	[tilespmem:$0x1A000] =	vst v63  }
0x8a: {  	_ =	swait.ge [sflag:s16], $0x2000  }
0x8b: {  	[sflag:s16] =	ssyncset.done $0x0  }
0x8c: {  	s20 =	simm.s32 $0x380;
	[sflag:s16] =	ssyncadd.s32 $0xFFFFE000  }
0x8d: {  	[tilespmem:s3], [sflag:$0x4] =	stream.indirect.gather [hbm4b:s14+s0], $0x40, s20, s0, $0xb8;
	[tilespmem:$0x1A000] =	vst v63  }
0x8e: {  	_ =	swait.ge [sflag:s28], $0x2000  }
0x8f: {  	[sflag:s28] =	ssyncset.done $0x0  }
0x90: {  	s21 =	simm.s32 $0x400;
	[sflag:s28] =	ssyncadd.s32 $0xFFFFE000  }
0x91: {  	[tilespmem:s4], [sflag:$0x5] =	stream.indirect.gather [hbm4b:s14+s0], $0x40, s21, s0, $0xb8;
	[tilespmem:$0x1A000] =	vst v63  }
0x92: {  	_ =	swait.ge [sflag:s17], $0x2000  }
0x93: {  	[sflag:s17] =	ssyncset.done $0x0  }
0x94: {  	s19 =	simm.s32 $0xA00;
	s20 =	simm.s32 $0x480;
	[sflag:s17] =	ssyncadd.s32 $0xFFFFE000  }
.LBB2_4:
0x95: {  	[tilespmem:s5], [sflag:$0x6] =	stream.indirect.gather [hbm4b:s14+s0], $0x40, s20, s0, $0xb8;
	[tilespmem:$0x1A000] =	vst v63  }
0x96: {  	s20 =	smov.u32 s19  }
0x97: {  	p0 =	sne.s32 s19, $0x8C00;
	s19 =	sadd.s32 $0xA00, s19;
	_ =	swait.ge [sflag:s6], $0x2000  }
0x98: {  	s20 =	sshra.s32 s20, $0x2;
	[sflag:s6] =	ssyncset.done $0x0  }
0x99: {  	s21 =	sadd.s32 $0x2800, s20;
	[sflag:s6] =	ssyncadd.s32 $0xFFFFE000  }
0x9a: {  	[spmem:s11] =	stream.indirect.scatter.add.f32 [tilespmem:s29], [sflag:$0x7], $0x40, s21, s0, $0xb8;
	[tilespmem:$0x1A000] =	vst v63  }
0x9b: {  	_ =	swait.ge [sflag:s7], $0x2000  }
0x9c: {  	[sflag:s7] =	ssyncset.done $0x0  }
0x9d: {  	s21 =	sadd.s32 $0x2880, s20;
	[sflag:s7] =	ssyncadd.s32 $0xFFFFE000  }
0x9e: {  	[spmem:s11] =	stream.indirect.scatter.add.f32 [tilespmem:s2], [sflag:$0x8], $0x40, s21, s0, $0xb8;
	[tilespmem:$0x1A000] =	vst v63  }
0x9f: {  	_ =	swait.ge [sflag:s8], $0x2000  }
0xa0: {  	[sflag:s8] =	ssyncset.done $0x0  }
0xa1: {  	s21 =	sadd.s32 $0x2900, s20;
	[sflag:s8] =	ssyncadd.s32 $0xFFFFE000  }
0xa2: {  	[spmem:s11] =	stream.indirect.scatter.add.f32 [tilespmem:s3], [sflag:$0x9], $0x40, s21, s0, $0xb8;
	[tilespmem:$0x1A000] =	vst v63  }
0xa3: {  	_ =	swait.ge [sflag:s9], $0x2000  }
0xa4: {  	[sflag:s9] =	ssyncset.done $0x0  }
0xa5: {  	s21 =	sadd.s32 $0x2980, s20;
	[sflag:s9] =	ssyncadd.s32 $0xFFFFE000  }
0xa6: {  	[spmem:s11] =	stream.indirect.scatter.add.f32 [tilespmem:s4], [sflag:$0xA], $0x40, s21, s0, $0xb8;
	[tilespmem:$0x1A000] =	vst v63  }
0xa7: {  	_ =	swait.ge [sflag:s12], $0x2000  }
0xa8: {  	[sflag:s12] =	ssyncset.done $0x0  }
0xa9: {  	s21 =	sadd.s32 $0x2A00, s20;
	[sflag:s12] =	ssyncadd.s32 $0xFFFFE000  }
0xaa: {  	[spmem:s11] =	stream.indirect.scatter.add.f32 [tilespmem:s5], [sflag:$0xB], $0x40, s21, s0, $0xb8;
	[tilespmem:$0x1A000] =	vst v63  }
0xab: {  	_ =	swait.ge [sflag:s13], $0x2000  }
0xac: {  	[sflag:s13] =	ssyncset.done $0x0  }
0xad: {  	s21 =	sadd.s32 $0x280, s20;
	[sflag:s13] =	ssyncadd.s32 $0xFFFFE000  }
0xae: {  	[tilespmem:s29], [sflag:$0x2] =	stream.indirect.gather [hbm4b:s14+s0], $0x40, s21, s0, $0xb8;
	[tilespmem:$0x1A000] =	vst v63  }
0xaf: {  	_ =	swait.ge [sflag:s15], $0x2000  }
0xb0: {  	[sflag:s15] =	ssyncset.done $0x0  }
0xb1: {  	s21 =	sadd.s32 $0x300, s20;
	[sflag:s15] =	ssyncadd.s32 $0xFFFFE000  }
0xb2: {  	[tilespmem:s2], [sflag:$0x3] =	stream.indirect.gather [hbm4b:s14+s0], $0x40, s21, s0, $0xb8;
	[tilespmem:$0x1A000] =	vst v63  }
0xb3: {  	_ =	swait.ge [sflag:s16], $0x2000  }
0xb4: {  	[sflag:s16] =	ssyncset.done $0x0  }
0xb5: {  	s21 =	sadd.s32 $0x380, s20;
	[sflag:s16] =	ssyncadd.s32 $0xFFFFE000  }
0xb6: {  	[tilespmem:s3], [sflag:$0x4] =	stream.indirect.gather [hbm4b:s14+s0], $0x40, s21, s0, $0xb8;
	[tilespmem:$0x1A000] =	vst v63  }
0xb7: {  	_ =	swait.ge [sflag:s28], $0x2000  }
0xb8: {  	[sflag:s28] =	ssyncset.done $0x0  }
.Ltmp1:
0xb9: {  	s21 =	sadd.s32 $0x400, s20;
	[sflag:s28] =	ssyncadd.s32 $0xFFFFE000;
	(pc) =	sbr.rel @p0 .LBB2_4-.Ltmp1, $4  }
0xba: {  	[tilespmem:s4], [sflag:$0x5] =	stream.indirect.gather [hbm4b:s14+s0], $0x40, s21, s0, $0xb8;
	[tilespmem:$0x1A000] =	vst v63  }
0xbb: {  	_ =	swait.ge [sflag:s17], $0x2000  }
0xbc: {  	[sflag:s17] =	ssyncset.done $0x0  }
0xbd: {  	s20 =	sadd.s32 $0x480, s20;
	[sflag:s17] =	ssyncadd.s32 $0xFFFFE000  }
0xbe: {  	[tilespmem:s5], [sflag:$0x6] =	stream.indirect.gather [hbm4b:s14+s0], $0x40, s20, s0, $0xb8;
	[tilespmem:$0x1A000] =	vst v63  }
0xbf: {  	_ =	swait.ge [sflag:s6], $0x2000  }
0xc0: {  	[sflag:s6] =	ssyncset.done $0x0  }
0xc1: {  	s19 =	simm.s32 $0x4D80;
	[sflag:s6] =	ssyncadd.s32 $0xFFFFE000  }
0xc2: {  	[spmem:s11] =	stream.indirect.scatter.add.f32 [tilespmem:s29], [sflag:$0x7], $0x40, s19, s0, $0xb8;
	[tilespmem:$0x1A000] =	vst v63  }
0xc3: {  	_ =	swait.ge [sflag:s7], $0x2000  }
0xc4: {  	[sflag:s7] =	ssyncset.done $0x0  }
0xc5: {  	s21 =	simm.s32 $0x4E00;
	[sflag:s7] =	ssyncadd.s32 $0xFFFFE000  }
0xc6: {  	[spmem:s11] =	stream.indirect.scatter.add.f32 [tilespmem:s2], [sflag:$0x8], $0x40, s21, s0, $0xb8;
	[tilespmem:$0x1A000] =	vst v63  }
0xc7: {  	_ =	swait.ge [sflag:s8], $0x2000  }
0xc8: {  	[sflag:s8] =	ssyncset.done $0x0  }
0xc9: {  	s20 =	simm.s32 $0x4E80;
	[sflag:s8] =	ssyncadd.s32 $0xFFFFE000  }
0xca: {  	[spmem:s11] =	stream.indirect.scatter.add.f32 [tilespmem:s3], [sflag:$0x9], $0x40, s20, s0, $0xb8;
	[tilespmem:$0x1A000] =	vst v63  }
0xcb: {  	_ =	swait.ge [sflag:s9], $0x2000  }
0xcc: {  	[sflag:s9] =	ssyncset.done $0x0  }
0xcd: {  	s21 =	simm.s32 $0x4F00;
	[sflag:s9] =	ssyncadd.s32 $0xFFFFE000  }
0xce: {  	[spmem:s11] =	stream.indirect.scatter.add.f32 [tilespmem:s4], [sflag:$0xA], $0x40, s21, s0, $0xb8;
	[tilespmem:$0x1A000] =	vst v63  }
0xcf: {  	_ =	swait.ge [sflag:s12], $0x2000  }
0xd0: {  	[sflag:s12] =	ssyncset.done $0x0  }
0xd1: {  	s20 =	simm.s32 $0x4F80;
	[sflag:s12] =	ssyncadd.s32 $0xFFFFE000  }
0xd2: {  	[spmem:s11] =	stream.indirect.scatter.add.f32 [tilespmem:s5], [sflag:$0xB], $0x40, s20, s0, $0xb8;
	[tilespmem:$0x1A000] =	vst v63  }
0xd3: {  	_ =	swait.ge [sflag:s13], $0x2000  }
0xd4: {  	[sflag:s13] =	ssyncset.done $0x0  }
0xd5: {  	[sflag:s13] =	ssyncadd.s32 $0xFFFFE000  }
0xd6: {  	_ =	swait.ge [sflag:s15], $0x2000  }
0xd7: {  	[sflag:s15] =	ssyncset.done $0x0  }
0xd8: {  	[sflag:s15] =	ssyncadd.s32 $0xFFFFE000  }
0xd9: {  	_ =	swait.ge [sflag:s16], $0x2000  }
0xda: {  	[sflag:s16] =	ssyncset.done $0x0  }
0xdb: {  	[sflag:s16] =	ssyncadd.s32 $0xFFFFE000  }
0xdc: {  	_ =	swait.ge [sflag:s28], $0x2000  }
0xdd: {  	[sflag:s28] =	ssyncset.done $0x0  }
0xde: {  	[sflag:s28] =	ssyncadd.s32 $0xFFFFE000  }
0xdf: {  	_ =	swait.ge [sflag:s17], $0x2000  }
0xe0: {  	[sflag:s17] =	ssyncset.done $0x0  }
0xe1: {  	[sflag:s17] =	ssyncadd.s32 $0xFFFFE000  }
0xe2: {  	[bflag:$0x0] =	sbarrier.arrive $0xFFFF  }
0xe3: {  	[tilespmem:s30], [sflag:$0xC] =	stream.linear.gather [spmem:s22], $0x1000, $0x38;
	[tilespmem:$0x1A000] =	vst v63  }
0xe4: {  	_ =	swait.ge [sflag:s31], $0x1000  }
0xe5: {  	[sflag:s31] =	ssyncset.done $0x0  }
0xe6: {  	s20 =	simm.s32 $0x0;
	s21 =	rddreg [dreg:$0x3];
	[sflag:s31] =	ssyncadd.s32 $0xFFFFF000  }
0xe7: {  	[hbm4b:s21+s20] =	stream.linear.scatter [tilespmem:s30], [sflag:$0xC], $0x1000, $0x38;
	[tilespmem:$0x1A000] =	vst v63  }
0xe8: {  	_ =	swait.ge [sflag:s31], $0x1000  }
0xe9: {  	[sflag:s31] =	ssyncset.done $0x0  }
0xea: {  	[sflag:s31] =	ssyncadd.s32 $0xFFFFF000  }
0xeb: {  	[tilespmem:s30], [sflag:$0xC] =	stream.linear.gather [spmem:s23], $0x1000, $0x38;
	[tilespmem:$0x1A000] =	vst v63  }
0xec: {  	_ =	swait.ge [sflag:s31], $0x1000  }
0xed: {  	[sflag:s31] =	ssyncset.done $0x0  }
0xee: {  	s21 =	rddreg [dreg:$0x4];
	[sflag:s31] =	ssyncadd.s32 $0xFFFFF000  }
0xef: {  	[hbm4b:s21+s20] =	stream.linear.scatter [tilespmem:s30], [sflag:$0xC], $0x1000, $0x38;
	[tilespmem:$0x1A000] =	vst v63  }
0xf0: {  	_ =	swait.ge [sflag:s31], $0x1000  }
0xf1: {  	[sflag:s31] =	ssyncset.done $0x0  }
0xf2: {  	[sflag:s31] =	ssyncadd.s32 $0xFFFFF000  }
0xf3: {  	[tilespmem:s30], [sflag:$0xC] =	stream.linear.gather [spmem:s24], $0x1000, $0x38;
	[tilespmem:$0x1A000] =	vst v63  }
0xf4: {  	_ =	swait.ge [sflag:s31], $0x1000  }
0xf5: {  	[sflag:s31] =	ssyncset.done $0x0  }
0xf6: {  	s21 =	rddreg [dreg:$0x5];
	[sflag:s31] =	ssyncadd.s32 $0xFFFFF000  }
0xf7: {  	[hbm4b:s21+s20] =	stream.linear.scatter [tilespmem:s30], [sflag:$0xC], $0x1000, $0x38;
	[tilespmem:$0x1A000] =	vst v63  }
0xf8: {  	_ =	swait.ge [sflag:s31], $0x1000  }
0xf9: {  	[sflag:s31] =	ssyncset.done $0x0  }
0xfa: {  	[sflag:s31] =	ssyncadd.s32 $0xFFFFF000  }
0xfb: {  	[tilespmem:s30], [sflag:$0xC] =	stream.linear.gather [spmem:s25], $0x1000, $0x38;
	[tilespmem:$0x1A000] =	vst v63  }
0xfc: {  	_ =	swait.ge [sflag:s31], $0x1000  }
0xfd: {  	[sflag:s31] =	ssyncset.done $0x0  }
0xfe: {  	s21 =	rddreg [dreg:$0x6];
	[sflag:s31] =	ssyncadd.s32 $0xFFFFF000  }
0xff: {  	[hbm4b:s21+s20] =	stream.linear.scatter [tilespmem:s30], [sflag:$0xC], $0x1000, $0x38;
	[tilespmem:$0x1A000] =	vst v63  }
0x100: {  	_ =	swait.ge [sflag:s31], $0x1000  }
0x101: {  	[sflag:s31] =	ssyncset.done $0x0  }
0x102: {  	[sflag:s31] =	ssyncadd.s32 $0xFFFFF000  }
0x103: {  	[tilespmem:s30], [sflag:$0xC] =	stream.linear.gather [spmem:s26], $0x1000, $0x38;
	[tilespmem:$0x1A000] =	vst v63  }
0x104: {  	_ =	swait.ge [sflag:s31], $0x1000  }
0x105: {  	[sflag:s31] =	ssyncset.done $0x0  }
0x106: {  	s21 =	rddreg [dreg:$0x7];
	[sflag:s31] =	ssyncadd.s32 $0xFFFFF000  }
0x107: {  	[hbm4b:s21+s20] =	stream.linear.scatter [tilespmem:s30], [sflag:$0xC], $0x1000, $0x38;
	[tilespmem:$0x1A000] =	vst v63  }
0x108: {  	_ =	swait.ge [sflag:s31], $0x1000  }
0x109: {  	[sflag:s31] =	ssyncset.done $0x0  }
0x10a: {  	[sflag:s31] =	ssyncadd.s32 $0xFFFFF000  }
0x10b: {  	[tilespmem:s30], [sflag:$0xC] =	stream.linear.gather [spmem:s10], $0x1000, $0x38;
	[tilespmem:$0x1A000] =	vst v63  }
0x10c: {  	_ =	swait.ge [sflag:s31], $0x1000  }
0x10d: {  	[sflag:s31] =	ssyncset.done $0x0  }
0x10e: {  	s21 =	rddreg [dreg:$0x8];
	[sflag:s31] =	ssyncadd.s32 $0xFFFFF000  }
0x10f: {  	[hbm4b:s21+s20] =	stream.linear.scatter [tilespmem:s30], [sflag:$0xC], $0x1000, $0x38;
	[tilespmem:$0x1A000] =	vst v63  }
0x110: {  	_ =	swait.ge [sflag:s31], $0x1000  }
0x111: {  	[sflag:s31] =	ssyncset.done $0x0  }
0x112: {  	[sflag:s31] =	ssyncadd.s32 $0xFFFFF000  }
0x113: {  	[tilespmem:s30], [sflag:$0xC] =	stream.linear.gather [spmem:s1], $0x1000, $0x38;
	[tilespmem:$0x1A000] =	vst v63  }
0x114: {  	_ =	swait.ge [sflag:s31], $0x1000  }
0x115: {  	[sflag:s31] =	ssyncset.done $0x0  }
0x116: {  	s21 =	rddreg [dreg:$0x9];
	[sflag:s31] =	ssyncadd.s32 $0xFFFFF000  }
0x117: {  	[hbm4b:s21+s20] =	stream.linear.scatter [tilespmem:s30], [sflag:$0xC], $0x1000, $0x38;
	[tilespmem:$0x1A000] =	vst v63  }
0x118: {  	_ =	swait.ge [sflag:s31], $0x1000  }
0x119: {  	[sflag:s31] =	ssyncset.done $0x0  }
0x11a: {  	[sflag:s31] =	ssyncadd.s32 $0xFFFFF000  }
0x11b: {  	[tilespmem:s30], [sflag:$0xC] =	stream.linear.gather [spmem:s18], $0x1000, $0x38;
	[tilespmem:$0x1A000] =	vst v63  }
0x11c: {  	_ =	swait.ge [sflag:s31], $0x1000  }
0x11d: {  	[sflag:s31] =	ssyncset.done $0x0  }
0x11e: {  	s21 =	rddreg [dreg:$0xa];
	[sflag:s31] =	ssyncadd.s32 $0xFFFFF000  }
0x11f: {  	[hbm4b:s21+s20] =	stream.linear.scatter [tilespmem:s30], [sflag:$0xC], $0x1000, $0x38;
	[tilespmem:$0x1A000] =	vst v63  }
0x120: {  	_ =	swait.ge [sflag:s31], $0x1000  }
0x121: {  	[sflag:s31] =	ssyncset.done $0x0  }
0x122: {  	s18 =	rddreg [dreg:$0x10];
	[sflag:s31] =	ssyncadd.s32 $0xFFFFF000  }
0x123: {  	[tilespmem:s30], [sflag:$0xC] =	stream.linear.gather [spmem:s18], $0x1000, $0x38;
	[tilespmem:$0x1A000] =	vst v63  }
0x124: {  	_ =	swait.ge [sflag:s31], $0x1000  }
0x125: {  	[sflag:s31] =	ssyncset.done $0x0  }
0x126: {  	s21 =	rddreg [dreg:$0xb];
	[sflag:s31] =	ssyncadd.s32 $0xFFFFF000  }
0x127: {  	[hbm4b:s21+s20] =	stream.linear.scatter [tilespmem:s30], [sflag:$0xC], $0x1000, $0x38;
	[tilespmem:$0x1A000] =	vst v63  }
0x128: {  	_ =	swait.ge [sflag:s31], $0x1000  }
0x129: {  	[sflag:s31] =	ssyncset.done $0x0  }
0x12a: {  	s18 =	rddreg [dreg:$0x11];
	[sflag:s31] =	ssyncadd.s32 $0xFFFFF000  }
0x12b: {  	[tilespmem:s30], [sflag:$0xC] =	stream.linear.gather [spmem:s18], $0x1000, $0x38;
	[tilespmem:$0x1A000] =	vst v63  }
0x12c: {  	_ =	swait.ge [sflag:s31], $0x1000  }
0x12d: {  	[sflag:s31] =	ssyncset.done $0x0  }
0x12e: {  	s21 =	rddreg [dreg:$0xc];
	[sflag:s31] =	ssyncadd.s32 $0xFFFFF000  }
0x12f: {  	[hbm4b:s21+s20] =	stream.linear.scatter [tilespmem:s30], [sflag:$0xC], $0x1000, $0x38;
	[tilespmem:$0x1A000] =	vst v63  }
0x130: {  	_ =	swait.ge [sflag:s31], $0x1000  }
0x131: {  	s21 =	rddreg [dreg:$0x13]  }
0x132: {  	s18 =	rddreg [dreg:$0x12];
	s21 =	sadd.s32 $0x1, s21  }
0x133: {  	p0 =	sne.s32 s21, s18  }
.Ltmp2:
0x134: {  	_ = 	snop;
	(pc) =	sbr.rel @p0 .LBB2_1-.Ltmp2, $3  }
0x135: {  	_ =	sdelay $0x1  }
0x136: {  	[sflag:s31] =	ssyncset.done $0x0  }
0x137: {  	[sflag:s31] =	ssyncadd.s32 $0xFFFFF000  }
0x138: {  	_ =	sfence.sel $0x180000  }
0x139: {  	[bflag:$0x0] =	sbarrier.arrive $0xFFFF  }
0x13a: {  	_ =	strace $0x9000004D  }
0x13b: {  	s0 =	stileid.u32;
	[bflag:$0x2] =	sbarrier.arrive $0xFFFF  }
0x13c: {  	p0 =	sne.s32 s0, $0x0;
	s0 =	rddreg [dreg:$0x2]  }
0x13d: {  	s0 =	sadd.s32 @!p0 $0x100000, s0  }
0x13e: {  	[sflag:s0] =	ssyncadd.tile.s32 @!p0 $0x1;
	_ =	shalt  }
.Lfunc_end2:
_tile_overlayer_lowered:
.L_overlay_start_2:
0x13f: {  	(tag) =	ssettag $0x2  }
0x140: {  	s0 =	rddreg [dreg:$0x0];
	s2 =	stileid.u32  }
0x141: {  	s1 =	rddreg [dreg:$0x1];
	p0 =	sne.s32 s2, $0x0  }
0x142: {  	s3 =	rddreg [dreg:$0x2];
	[bflag:$0x3] =	sbarrier.arrive $0xFFFF;
	s2 =	simm.s32 @!p0 $0x1C0C  }
0x143: {  	[timem:s3], [sflag:s2] =	dma.local @!p0 [hbm:s0], s1  }
0x144: {  	s0 =	simm.s32 @!p0 $0xC  }
0x145: {  	_ =	swait.ge @!p0 [sflag:s0], s1  }
0x146: {  	s1 =	ssub.s32 @!p0 $0x0, s1;
	[sflag:s0] =	ssyncset.done @!p0 $0x0  }
0x147: {  	[sflag:s0] =	ssyncadd.s32 @!p0 s1  }
0x148: {  	[bflag:$0x3] =	sbarrier.arrive $0xFFFF  }
0x149: {  	_ =	shalt  }

// kernel: kernel.19.cloned.1.call-start
scs
__scs_entry_jumppad:
0x0: {  	(pc) =	sbr.rel $0x88, $3  }
0x1: {  	(tag) =	ssettag $0x0;
	lr =	simm.s32 $0x1  }
0x2: {  	[smem:$0x3F94] =	sst lr;
	_ =	strace $0xD0000000  }
0x3: {  	_ = 	snop  }
0x4: {  	_ = 	snop  }
0x5: {  	_ = 	snop  }
0x6: {  	_ = 	snop  }
0x7: {  	_ = 	snop  }
__scs_overlays_trampoline_lowered:
0x8: {  	[smem:$0x3FA3] =	sst s0  }
0x9: {  	[smem:$0x3FA4] =	sst s1  }
0xa: {  	[smem:$0x3FA5] =	sst s2  }
0xb: {  	[smem:$0x3FA6] =	sst s3  }
0xc: {  	[smem:$0x3FA7] =	sst s4  }
0xd: {  	[smem:$0x3FA8] =	sst s5  }
0xe: {  	[smem:$0x3FA9] =	sst s6  }
0xf: {  	[smem:$0x3FAA] =	sst s7  }
0x10: {  	[smem:$0x3FAB] =	sst s8  }
0x11: {  	[smem:$0x3FAC] =	sst s9;
	s0 =	simm.s32 @!p0 $0x0  }
0x12: {  	s1 =	sld [smem:$0x3F92];
	s0 =	simm.s32 @p0 $0x1  }
0x13: {  	[smem:$0x3FAD] =	sst s0;
	s0 =	simm.s32 @!p1 $0x0  }
0x14: {  	s2 =	sld [smem:$0x3F91];
	s0 =	simm.s32 @p1 $0x1  }
0x15: {  	[smem:$0x3FAE] =	sst s0;
	s0 =	simm.s32 @!p2 $0x0  }
0x16: {  	s3 =	sld [smem:$0x3FDB];
	s0 =	simm.s32 @p2 $0x1  }
0x17: {  	s4 =	simm.s32 $0x1BF5;
	[smem:$0x3FB0] =	sst s0  }
0x18: {  	s0 =	sld [smem:$0x3F93];
	_ =	swait.ge [sflag:s4], $0x0  }
0x19: {  	s7 =	sld [smem:$0x3F94]  }
0x1a: {  	s8 =	sadd.s32 $0xFFFFE003, lr  }
0x1b: {  	s9 =	sadd.s32 $0xFFFFFEF7, lr;
	s5 =	simm.s32 $0xFFFFFFFF;
	p2 =	slt.u32 s8, $0xFFFFF086  }
0x1c: {  	p1 =	slt.u32 s9, $0xF7A;
	s5 =	simm.s32 @!p2 $0x0  }
0x1d: {  	s5 =	simm.s32 @p1 $0x1;
	p0 =	seq.s32 s7, s2  }
0x1e: {  	s7 =	smul.u32 @!p0 $0xF7A, s2;
	p2 =	seq.s32 @!p0 s5, $0x0  }
0x1f: {  	s9 =	smul.u32 $0xF7A, s1;
	s8 =	simm.s32 @!p0 $0x1BF5;
	p2 =	por !p2, p0  }
0x20: {  	[sflag:s8] =	ssyncset.s32 @!p0 $0xFFFFF086;
	s6 =	sadd.s32 @!p0 s3, s7;
	s7 =	simm.s32 @!p0 $0x108  }
0x21: {  	s3 =	sadd.s32 s3, s9;
	s6 =	sadd.s32 @!p0 $0x88, s6;
	s7 =	simm.s32 @p2 $0x1082  }
0x22: {  	[simem:s7], [sflag:s8] =	dma.local @!p0 [hbm:s6], $0xF7A  }
0x23: {  	s9 =	sor.u32 $0xD0000000, s2;
	s6 =	simm.s32 $0x108;
	_ =	swait.ge @!p0 [sflag:s8], $0x0  }
0x24: {  	s3 =	sadd.s32 $0x88, s3;
	s6 =	simm.s32 @!p1 $0x1082;
	[sflag:s4] =	ssyncset.s32 $0xFFFFF086  }
0x25: {  	[simem:s6], [sflag:s4] =	dma.local [hbm:s3], $0xF7A  }
0x26: {  	[smem:$0x3F94] =	sst s1;
	(tag) =	ssettag s2;
	_ =	strace s9  }
0x27: {  	s1 =	sld [smem:$0x3FA4]  }
0x28: {  	s2 =	sld [smem:$0x3FA5]  }
0x29: {  	s4 =	sld [smem:$0x3FA7]  }
0x2a: {  	p0 =	seq.s32 s5, $0x0;
	s5 =	sld [smem:$0x3FA8]  }
0x2b: {  	s6 =	sld [smem:$0x3FA9]  }
0x2c: {  	s7 =	sld [smem:$0x3FAA]  }
0x2d: {  	s3 =	simm.s32 $0x108;
	s8 =	sld [smem:$0x3FAB]  }
0x2e: {  	s3 =	simm.s32 @!p0 $0x1082;
	s9 =	sld [smem:$0x3FAC]  }
0x2f: {  	lr =	sadd.s32 s0, s3;
	s0 =	sld [smem:$0x3FA3]  }
0x30: {  	s3 =	sld [smem:$0x3FA6]  }
0x31: {  	[smem:$0x3FAF] =	sst s10  }
0x32: {  	s10 =	sld [smem:$0x3FAD];
	_ =	sdelay $0x3  }
0x33: {  	p0 =	seq.s32 s10, $0x1;
	s10 =	sld [smem:$0x3FAF];
	_ =	sdelay $0x3  }
0x34: {  	[smem:$0x3FAF] =	sst s10  }
0x35: {  	s10 =	sld [smem:$0x3FAE];
	_ =	sdelay $0x3  }
0x36: {  	p1 =	seq.s32 s10, $0x1;
	s10 =	sld [smem:$0x3FAF];
	_ =	sdelay $0x3  }
0x37: {  	[smem:$0x3FAF] =	sst s10  }
0x38: {  	s10 =	sld [smem:$0x3FB0]  }
0x39: {  	_ = 	snop;
	(pc) =	sbr.ind lr, $3  }
0x3a: {  	_ = 	snop  }
0x3b: {  	_ = 	snop  }
0x3c: {  	p2 =	seq.s32 s10, $0x1;
	s10 =	sld [smem:$0x3FAF]  }
0x3d: {  	_ =	shalt  }
0x3e: {  	_ =	shalt  }
0x3f: {  	_ =	shalt  }
0x40: {  	_ =	shalt  }
0x41: {  	_ =	shalt  }
0x42: {  	_ =	shalt  }
0x43: {  	_ =	shalt  }
0x44: {  	_ =	shalt  }
0x45: {  	_ =	shalt  }
0x46: {  	_ =	shalt  }
0x47: {  	_ =	shalt  }
0x48: {  	_ =	shalt  }
0x49: {  	_ =	shalt  }
0x4a: {  	_ =	shalt  }
0x4b: {  	_ =	shalt  }
0x4c: {  	_ =	shalt  }
0x4d: {  	_ =	shalt  }
0x4e: {  	_ =	shalt  }
0x4f: {  	_ =	shalt  }
0x50: {  	_ =	shalt  }
0x51: {  	_ =	shalt  }
0x52: {  	_ =	shalt  }
0x53: {  	_ =	shalt  }
0x54: {  	_ =	shalt  }
0x55: {  	_ =	shalt  }
0x56: {  	_ =	shalt  }
0x57: {  	_ =	shalt  }
0x58: {  	_ =	shalt  }
0x59: {  	_ =	shalt  }
0x5a: {  	_ =	shalt  }
0x5b: {  	_ =	shalt  }
0x5c: {  	_ =	shalt  }
0x5d: {  	_ =	shalt  }
0x5e: {  	_ =	shalt  }
0x5f: {  	_ =	shalt  }
0x60: {  	_ =	shalt  }
0x61: {  	_ =	shalt  }
0x62: {  	_ =	shalt  }
0x63: {  	_ =	shalt  }
0x64: {  	_ =	shalt  }
0x65: {  	_ =	shalt  }
0x66: {  	_ =	shalt  }
0x67: {  	_ =	shalt  }
0x68: {  	_ =	shalt  }
0x69: {  	_ =	shalt  }
0x6a: {  	_ =	shalt  }
0x6b: {  	_ =	shalt  }
0x6c: {  	_ =	shalt  }
0x6d: {  	_ =	shalt  }
0x6e: {  	_ =	shalt  }
0x6f: {  	_ =	shalt  }
0x70: {  	_ =	shalt  }
0x71: {  	_ =	shalt  }
0x72: {  	_ =	shalt  }
0x73: {  	_ =	shalt  }
0x74: {  	_ =	shalt  }
0x75: {  	_ =	shalt  }
0x76: {  	_ =	shalt  }
0x77: {  	_ =	shalt  }
0x78: {  	_ =	shalt  }
0x79: {  	_ =	shalt  }
0x7a: {  	_ =	shalt  }
0x7b: {  	_ =	shalt  }
0x7c: {  	_ =	shalt  }
0x7d: {  	_ =	shalt  }
0x7e: {  	_ =	shalt  }
0x7f: {  	_ =	shalt  }
0x80: {  	_ =	shalt  }
0x81: {  	_ =	shalt  }
0x82: {  	_ =	shalt  }
0x83: {  	_ =	shalt  }
0x84: {  	_ =	shalt  }
0x85: {  	_ =	shalt  }
0x86: {  	_ =	shalt  }
0x87: {  	_ =	shalt  }
.Lfunc_end0:
.L_simem_size_0:
called_computation.3_lowered:
.L_overlay_start_0:
0x88: {  	s2 =	sld [smem:$0x3FD9]  }
0x89: {  	s3 =	sld [smem:$0x3FFE];
	_ =	sdelay $0x1  }
0x8a: {  	s1 =	srdreg.scid  }
0x8b: {  	s0 =	sand.u32 $0x1, s1  }
0x8c: {  	s16 =	sshll.u32 s0, $0xA;
	s2 =	sadd.s32 s3, s2  }
0x8d: {  	s2 =	sadd.s32 s2, s16  }
0x8e: {  	[smem:$0x3FBB] =	sst s2  }
0x8f: {  	_ = 	snop  }
0x90: {  	(tm) =	ssettm $0x1  }
0x91: {  	s17 =	sld [smem:$0x3FFB];
	_ =	sdelay $0x3  }
0x92: {  	_ =	strace s17  }
0x93: {  	s2 =	sld [smem:$0x3FFC];
	_ =	sdelay $0x3  }
0x94: {  	_ =	strace s2  }
0x95: {  	s2 =	sld [smem:$0x3FFD];
	_ =	sdelay $0x3  }
0x96: {  	_ =	strace s2  }
0x97: {  	_ =	strace $0x8FFFFFFF  }
0x98: {  	s18 =	sld [smem:$0x3FDB];
	_ =	sdelay $0x1  }
0x99: {  	s19 =	simm.s32 $_scs_section_size  }
0x9a: {  	s4 =	simm.s32 $_size__tile_overlayer_lowered;
	s5 =	simm.s32 $_tile_overlayer_lowered  }
0x9b: {  	s22 =	simm.s32 $0x1BFF;
	s21 =	sshll.u32 s5, $0x1;
	s2 =	sadd.s32 s19, s18  }
0x9c: {  	s6 =	simm.s32 $0x0;
	s20 =	sshll.u32 s4, $0x1;
	s4 =	sadd.s32 s21, s2  }
0x9d: {  	[timem:s6], [sflag:s22] =	dma.local [hbm:s4], s20  }
0x9e: {  	_ =	swait.ge [sflag:s22], s20  }
0x9f: {  	s3 =	ssub.s32 $0x0, s20;
	[sflag:s22] =	ssyncset.done $0x0  }
0xa0: {  	[sflag:s22] =	ssyncadd.s32 s3;
	_ =	sdelay $0x1  }
0xa1: {  	s23 =	simm.s32 $0x1B8B  }
0xa2: {  	_ =	swait.ge [sflag:s23], $0x1  }
0xa3: {  	[sflag:s23] =	ssyncset.done $0x0  }
0xa4: {  	s25 =	simm.s32 $0x1B8E;
	s24 =	sld [smem:$0x3FFE];
	[sflag:s23] =	ssyncadd.s32 $0xFFFFFFFF  }
0xa5: {  	s26 =	simm.s32 $execute0_lowered;
	[smem:$0x3FD2] =	sst s25  }
0xa6: {  	s4 =	sshll.u32 s26, $0x1;
	_ =	strace $0x8000004F;
	[dreg:$0x1] =	wrdreg $0xFFFFFFFF  }
0xa7: {  	s28 =	simm.s32 $_size_execute0_lowered;
	s2 =	sadd.s32 s2, s4;
	[dreg:$0x0] =	wrdreg $0x0  }
0xa8: {  	s4 =	sshll.u32 s28, $0x1;
	[dreg:$0x2] =	wrdreg s2  }
0xa9: {  	[dreg:$0x3] =	wrdreg s4  }
0xaa: {  	[dreg:$0x4] =	wrdreg $0xC0  }
0xab: {  	_ =	task [dreg:s6], $0x5FFFF  }
0xac: {  	[dreg:$0x1] =	wrdreg $0xFFFFFFFF  }
0xad: {  	[dreg:$0x0] =	wrdreg $0x60  }
0xae: {  	[dreg:$0x2] =	wrdreg s24  }
0xaf: {  	[dreg:$0x3] =	wrdreg $0x100000  }
0xb0: {  	[dreg:$0x4] =	wrdreg $0x9  }
0xb1: {  	_ =	task.clear_ibuf [dreg:s6], $0x5FFFF;
	_ =	strace $0x9000004F  }
0xb2: {  	s29 =	simm.s32 $0x9;
	_ =	strace $0x80000051  }
0xb3: {  	_ =	swait.ge [sflag:s29], $0x1  }
0xb4: {  	[sflag:s29] =	ssyncadd.s32 $0xFFFFFFFF  }
0xb5: {  	_ =	strace $0x90000051  }
0xb6: {  	_ =	sfence  }
0xb7: {  	s30 =	sld [smem:$0x0];
	_ =	sdelay $0x2  }
0xb8: {  	s31 =	sshll.u32 s1, $0xD;
	s1 =	sshrl.u32 s1, $0x2  }
0xb9: {  	s3 =	sand.u32 $0x4000, s31;
	s1 =	sadd.s32 s1, s30  }
0xba: {  	s0 =	sor.u32 s3, s0;
	s1 =	sshll.u32 s1, $0x11  }
0xbb: {  	s0 =	sor.u32 s1, s0  }
0xbc: {  	s0 =	sadd.s32 $0x8F2B, s0  }
0xbd: {  	[sflag:s0] =	ssyncadd.remote.s32 $0x1  }
0xbe: {  	_ =	sfence.sel $0xFFFF  }
0xbf: {  	[dreg:$0x0] =	wrdreg $0xFFFFFFFF;
	(pc) =	sbr.abs _section_cstart, $3  }
0xc0: {  	[dreg:$0x1] =	wrdreg $0xFFFFFFFF  }
0xc1: {  	_ =	task.clear_ibuf [dreg:s6], $0x2FFFF;
	_ =	strace $0x9FFFFFFF  }
0xc2: {  	(tm) =	ssettm $0x7FFFFFFF  }
0xc3: {  	_ =	shalt  }
tec
execute0_lowered:
.L_overlay_start_1:
0x0: {  	(tag) =	ssettag $0x1  }
0x1: {  	s0 =	rddreg [dreg:$0x0]  }
0x2: {  	s2 =	srdreg.scid;
	s20 =	simm.s32 $0x0;
	s6 =	stileid.u32  }
0x3: {  	s30 =	simm.s32 $0xF000;
	s31 =	simm.s32 $0xC;
	s29 =	simm.s32 $0x5000  }
0x4: {  	s28 =	simm.s32 $0xA;
	s2 =	sand.u32 $0x1, s2;
	[smem:$0x7FF] =	sst s20  }
0x5: {  	s3 =	sshll.u32 s6, $0x1;
	s6 =	smul.u32 $0xA000, s6;
	s7 =	sadd.s32 $0x2B000, s0  }
0x6: {  	s4 =	ssub.s32 $0x2, s2;
	s3 =	sor.u32 s2, s3;
	s2 =	smul.u32 $0xA0000, s2  }
0x7: {  	s5 =	sshrl.u32 s4, $0x1;
	s3 =	smul.u32 $0x500, s3;
	s8 =	sadd.s32 $0x2000, s6  }
0x8: {  	s9 =	sadd.s32 $0x3000, s6;
	s10 =	sadd.s32 $0x4000, s6;
	s12 =	sadd.s32 $0x5000, s6  }
0x9: {  	s13 =	sadd.s32 $0x6000, s6;
	s15 =	sadd.s32 $0x7000, s6;
	s16 =	sadd.s32 $0x8000, s6  }
0xa: {  	s17 =	sadd.s32 $0x9000, s6;
	s4 =	ssub.s32 s4, s5;
	s5 =	sor.u32 $0x1000, s6  }
0xb: {  	s11 =	sadd.s32 s6, s2;
	s26 =	sadd.s32 s2, s8;
	s1 =	sadd.s32 s2, s9  }
0xc: {  	s18 =	sadd.s32 s2, s10;
	s19 =	sadd.s32 s2, s12;
	s21 =	sadd.s32 s2, s13  }
0xd: {  	s22 =	sadd.s32 s2, s15;
	s11 =	sshrl.u32 s11, $0x3;
	s14 =	sadd.s32 s2, s5  }
0xe: {  	s18 =	sshrl.u32 s18, $0x3;
	s24 =	sshrl.u32 s22, $0x3;
	s11 =	sadd.s32 s7, s11  }
0xf: {  	s25 =	sshrl.u32 s14, $0x3;
	s14 =	sshrl.u32 s1, $0x3;
	s1 =	sadd.s32 s3, s0  }
0x10: {  	[dreg:$0x3] =	wrdreg s11;
	s11 =	sadd.s32 s7, s25;
	s14 =	sadd.s32 s7, s14  }
0x11: {  	s25 =	sadd.s32 s2, s16;
	[dreg:$0x4] =	wrdreg s11;
	s11 =	sshrl.u32 s26, $0x3  }
0x12: {  	[dreg:$0x6] =	wrdreg s14;
	s14 =	sshrl.u32 s21, $0x3;
	s11 =	sadd.s32 s7, s11  }
0x13: {  	s26 =	sshrl.u32 s25, $0x3;
	s23 =	sadd.s32 s7, s14;
	[dreg:$0x5] =	wrdreg s11  }
0x14: {  	s2 =	sadd.s32 s2, s17;
	s14 =	sadd.s32 s7, s26;
	[dreg:$0x9] =	wrdreg s23  }
0x15: {  	s2 =	sshrl.u32 s2, $0x3;
	s11 =	sadd.s32 s7, s18;
	[dreg:$0xb] =	wrdreg s14  }
0x16: {  	s2 =	sadd.s32 s7, s2;
	[dreg:$0x7] =	wrdreg s11;
	s11 =	sshrl.u32 s19, $0x3  }
0x17: {  	s3 =	sadd.s32 $0xD000, s1;
	[dreg:$0xc] =	wrdreg s2;
	s11 =	sadd.s32 s7, s11  }
0x18: {  	s21 =	smax.u32 s4, $0x1;
	[dreg:$0x8] =	wrdreg s11;
	s11 =	sadd.s32 s7, s24  }
0x19: {  	s4 =	simm.s32 $0xB000;
	s14 =	sadd.s32 $0x17000, s0;
	[dreg:$0xa] =	wrdreg s11  }
0x1a: {  	s0 =	simm.s32 $0x80;
	s2 =	simm.s32 $0x7000;
	s11 =	rddreg [dreg:$0x1]  }
0x1b: {  	s7 =	sadd.s32 $0x3000, s1;
	_ =	strace $0x80000050;
	[dreg:$0xd] =	wrdreg s3  }
0x1c: {  	[dreg:$0xe] =	wrdreg s7;
	s22 =	sadd.s32 s6, s11;
	s23 =	sadd.s32 s5, s11  }
0x1d: {  	s24 =	sadd.s32 s8, s11;
	s25 =	sadd.s32 s9, s11;
	s26 =	sadd.s32 s10, s11  }
0x1e: {  	s10 =	sadd.s32 s12, s11;
	s1 =	sadd.s32 s13, s11;
	s18 =	sadd.s32 s15, s11  }
0x1f: {  	s16 =	sadd.s32 s16, s11;
	s19 =	sadd.s32 s17, s11;
	[dreg:$0x12] =	wrdreg s21  }
0x20: {  	s3 =	simm.s32 $0x9000;
	s5 =	simm.s32 $0xD000;
	s6 =	simm.s32 $0x2  }
0x21: {  	s7 =	simm.s32 $0x3;
	s8 =	simm.s32 $0x4;
	s9 =	simm.s32 $0x5  }
0x22: {  	s12 =	simm.s32 $0x6;
	s13 =	simm.s32 $0x7;
	[dreg:$0x10] =	wrdreg s16  }
0x23: {  	s15 =	simm.s32 $0x8;
	s17 =	simm.s32 $0xB;
	[dreg:$0x11] =	wrdreg s19  }
0x24: {  	v0 =	vimm.f32 $0.0e+00;
	s21 =	simm.s32 $0x0;
	s16 =	simm.s32 $0x9;
	[dreg:$0xf] =	wrdreg s18  }
.LBB2_1:
0x25: {  	[dreg:$0x13] =	wrdreg s21;
	s18 =	smov.u32 s1  }
0x26: {  	s1 =	smov.u32 s10;
	s10 =	smov.u32 s26;
	s26 =	smov.u32 s25  }
0x27: {  	s25 =	smov.u32 s24;
	s24 =	smov.u32 s23;
	s19 =	rddreg [dreg:$0xd]  }
0x28: {  	[tilespmem:s20], [sflag:$0x1] =	stream.linear.gather [hbm4b:s19+s20], $0x2800, $0x38;
	[tilespmem:$0x1A000] =	vst v63  }
0x29: {  	s23 =	smov.u32 s22;
	s21 =	rddreg [dreg:$0xe];
	s22 =	simm.s32 $0x2800  }
0x2a: {  	[tilespmem:s22], [sflag:$0x1] =	stream.linear.gather [hbm4b:s21+s20], $0x2800, $0x38;
	[tilespmem:$0x1A000] =	vst v63  }
0x2b: {  	s22 =	sand.u32 $0x3F00, s20;
	s21 =	simm.s32 $0x0  }
0x2c: {  	s20 =	sand.u32 $0x30, s21;
	s22 =	sshrl.u32 s22, $0x2  }
0x2d: {  	s19 =	simm.s32 $0x40;
	s21 =	sor.u32 s20, s22;
	s20 =	simm.s32 $0x0  }
.LBB2_2:
0x2e: {  	p0 =	sne.s32 s19, $0x3FC0  }
0x2f: {  	[tilespmem:s21+$0xF000] =	vst v0;
	s20 =	sadd.s32 $0x10, s20;
	s21 =	smov.u32 s19;
	s19 =	sadd.s32 $0x40, s19  }
.Ltmp0:
0x30: {  	(pc) =	sbr.rel @p0 .LBB2_2-.Ltmp0, $4  }
0x31: {  	_ = 	snop  }
0x32: {  	s21 =	sand.u32 $0x3F00, s21  }
0x33: {  	s22 =	sand.u32 $0x30, s20;
	s21 =	sshrl.u32 s21, $0x2  }
0x34: {  	s21 =	sor.u32 s22, s21  }
0x35: {  	[tilespmem:s21+$0xF000] =	vst v0  }
0x36: {  	[spmem:s23] =	stream.linear.scatter [tilespmem:s30], [sflag:$0xC], $0x1000, $0x38;
	[tilespmem:$0x1A000] =	vst v63  }
0x37: {  	_ =	swait.ge [sflag:s31], $0x1000  }
0x38: {  	[sflag:s31] =	ssyncset.done $0x0  }
0x39: {  	[sflag:s31] =	ssyncadd.s32 $0xFFFFF000  }
0x3a: {  	[spmem:s24] =	stream.linear.scatter [tilespmem:s30], [sflag:$0xC], $0x1000, $0x38;
	[tilespmem:$0x1A000] =	vst v63  }
0x3b: {  	_ =	swait.ge [sflag:s31], $0x1000  }
0x3c: {  	[sflag:s31] =	ssyncset.done $0x0  }
0x3d: {  	[sflag:s31] =	ssyncadd.s32 $0xFFFFF000  }
0x3e: {  	[spmem:s25] =	stream.linear.scatter [tilespmem:s30], [sflag:$0xC], $0x1000, $0x38;
	[tilespmem:$0x1A000] =	vst v63  }
0x3f: {  	_ =	swait.ge [sflag:s31], $0x1000  }
0x40: {  	[sflag:s31] =	ssyncset.done $0x0  }
0x41: {  	[sflag:s31] =	ssyncadd.s32 $0xFFFFF000  }
0x42: {  	[spmem:s26] =	stream.linear.scatter [tilespmem:s30], [sflag:$0xC], $0x1000, $0x38;
	[tilespmem:$0x1A000] =	vst v63  }
0x43: {  	_ =	swait.ge [sflag:s31], $0x1000  }
0x44: {  	[sflag:s31] =	ssyncset.done $0x0  }
0x45: {  	[sflag:s31] =	ssyncadd.s32 $0xFFFFF000  }
0x46: {  	[spmem:s10] =	stream.linear.scatter [tilespmem:s30], [sflag:$0xC], $0x1000, $0x38;
	[tilespmem:$0x1A000] =	vst v63  }
0x47: {  	_ =	swait.ge [sflag:s31], $0x1000  }
0x48: {  	[sflag:s31] =	ssyncset.done $0x0  }
0x49: {  	[sflag:s31] =	ssyncadd.s32 $0xFFFFF000  }
0x4a: {  	[spmem:s1] =	stream.linear.scatter [tilespmem:s30], [sflag:$0xC], $0x1000, $0x38;
	[tilespmem:$0x1A000] =	vst v63  }
0x4b: {  	_ =	swait.ge [sflag:s31], $0x1000  }
0x4c: {  	[sflag:s31] =	ssyncset.done $0x0  }
0x4d: {  	s22 =	smov.u32 s23;
	s23 =	smov.u32 s24;
	[sflag:s31] =	ssyncadd.s32 $0xFFFFF000  }
0x4e: {  	[spmem:s18] =	stream.linear.scatter [tilespmem:s30], [sflag:$0xC], $0x1000, $0x38;
	[tilespmem:$0x1A000] =	vst v63  }
0x4f: {  	s24 =	smov.u32 s25;
	s25 =	smov.u32 s26;
	_ =	swait.ge [sflag:s31], $0x1000  }
0x50: {  	s26 =	smov.u32 s10;
	s10 =	smov.u32 s1;
	[sflag:s31] =	ssyncset.done $0x0  }
0x51: {  	s1 =	smov.u32 s18;
	s18 =	rddreg [dreg:$0xf];
	[sflag:s31] =	ssyncadd.s32 $0xFFFFF000  }
0x52: {  	[spmem:s18] =	stream.linear.scatter [tilespmem:s30], [sflag:$0xC], $0x1000, $0x38;
	[tilespmem:$0x1A000] =	vst v63  }
0x53: {  	_ =	swait.ge [sflag:s31], $0x1000  }
0x54: {  	[sflag:s31] =	ssyncset.done $0x0  }
0x55: {  	s19 =	rddreg [dreg:$0x10];
	[sflag:s31] =	ssyncadd.s32 $0xFFFFF000  }
0x56: {  	[spmem:s19] =	stream.linear.scatter [tilespmem:s30], [sflag:$0xC], $0x1000, $0x38;
	[tilespmem:$0x1A000] =	vst v63  }
0x57: {  	_ =	swait.ge [sflag:s31], $0x1000  }
0x58: {  	[sflag:s31] =	ssyncset.done $0x0  }
0x59: {  	s21 =	rddreg [dreg:$0x11];
	[sflag:s31] =	ssyncadd.s32 $0xFFFFF000  }
0x5a: {  	[spmem:s21] =	stream.linear.scatter [tilespmem:s30], [sflag:$0xC], $0x1000, $0x38;
	[tilespmem:$0x1A000] =	vst v63  }
0x5b: {  	_ =	swait.ge [sflag:s31], $0x1000  }
0x5c: {  	[sflag:s31] =	ssyncset.done $0x0  }
0x5d: {  	[sflag:s31] =	ssyncadd.s32 $0xFFFFF000  }
0x5e: {  	s20 =	simm.s32 $0x1;
	[bflag:$0x0] =	sbarrier.arrive $0xFFFF  }
0x5f: {  	_ =	swait.ge [sflag:s20], $0x2800  }
0x60: {  	[sflag:s20] =	ssyncset.done $0x0  }
0x61: {  	[sflag:s20] =	ssyncadd.s32 $0xFFFFD800  }
0x62: {  	_ =	swait.ge [sflag:s20], $0x2800  }
0x63: {  	[sflag:s20] =	ssyncset.done $0x0  }
0x64: {  	s21 =	simm.s32 $0x0;
	[sflag:s20] =	ssyncadd.s32 $0xFFFFD800  }
0x65: {  	[tilespmem:s29], [sflag:$0x2] =	stream.indirect.gather [hbm4b:s14+s0], $0x40, s21, s0, $0xb8;
	[tilespmem:$0x1A000] =	vst v63  }
0x66: {  	_ = 	snop  }
0x67: {  	[tilespmem:s2], [sflag:$0x3] =	stream.indirect.gather [hbm4b:s14+s0], $0x40, s0, s0, $0xb8;
	[tilespmem:$0x1A000] =	vst v63  }
0x68: {  	s20 =	simm.s32 $0x100  }
0x69: {  	[tilespmem:s3], [sflag:$0x4] =	stream.indirect.gather [hbm4b:s14+s0], $0x40, s20, s0, $0xb8;
	[tilespmem:$0x1A000] =	vst v63  }
0x6a: {  	s21 =	simm.s32 $0x180  }
0x6b: {  	[tilespmem:s4], [sflag:$0x5] =	stream.indirect.gather [hbm4b:s14+s0], $0x40, s21, s0, $0xb8;
	[tilespmem:$0x1A000] =	vst v63  }
0x6c: {  	s20 =	simm.s32 $0x200  }
0x6d: {  	[tilespmem:s5], [sflag:$0x6] =	stream.indirect.gather [hbm4b:s14+s0], $0x40, s20, s0, $0xb8;
	[tilespmem:$0x1A000] =	vst v63  }
0x6e: {  	_ =	swait.ge [sflag:s6], $0x2000  }
0x6f: {  	[sflag:s6] =	ssyncset.done $0x0  }
0x70: {  	s21 =	simm.s32 $0x2800;
	[sflag:s6] =	ssyncadd.s32 $0xFFFFE000  }
0x71: {  	[spmem:s11] =	stream.indirect.scatter.add.f32 [tilespmem:s29], [sflag:$0x7], $0x40, s21, s0, $0xb8;
	[tilespmem:$0x1A000] =	vst v63  }
0x72: {  	_ =	swait.ge [sflag:s7], $0x2000  }
0x73: {  	[sflag:s7] =	ssyncset.done $0x0  }
0x74: {  	s20 =	simm.s32 $0x2880;
	[sflag:s7] =	ssyncadd.s32 $0xFFFFE000  }
0x75: {  	[spmem:s11] =	stream.indirect.scatter.add.f32 [tilespmem:s2], [sflag:$0x8], $0x40, s20, s0, $0xb8;
	[tilespmem:$0x1A000] =	vst v63  }
0x76: {  	_ =	swait.ge [sflag:s8], $0x2000  }
0x77: {  	[sflag:s8] =	ssyncset.done $0x0  }
0x78: {  	s21 =	simm.s32 $0x2900;
	[sflag:s8] =	ssyncadd.s32 $0xFFFFE000  }
0x79: {  	[spmem:s11] =	stream.indirect.scatter.add.f32 [tilespmem:s3], [sflag:$0x9], $0x40, s21, s0, $0xb8;
	[tilespmem:$0x1A000] =	vst v63  }
0x7a: {  	_ =	swait.ge [sflag:s9], $0x2000  }
0x7b: {  	[sflag:s9] =	ssyncset.done $0x0  }
0x7c: {  	s20 =	simm.s32 $0x2980;
	[sflag:s9] =	ssyncadd.s32 $0xFFFFE000  }
0x7d: {  	[spmem:s11] =	stream.indirect.scatter.add.f32 [tilespmem:s4], [sflag:$0xA], $0x40, s20, s0, $0xb8;
	[tilespmem:$0x1A000] =	vst v63  }
0x7e: {  	_ =	swait.ge [sflag:s12], $0x2000  }
0x7f: {  	[sflag:s12] =	ssyncset.done $0x0  }
0x80: {  	s21 =	simm.s32 $0x2A00;
	[sflag:s12] =	ssyncadd.s32 $0xFFFFE000  }
0x81: {  	[spmem:s11] =	stream.indirect.scatter.add.f32 [tilespmem:s5], [sflag:$0xB], $0x40, s21, s0, $0xb8;
	[tilespmem:$0x1A000] =	vst v63  }
0x82: {  	_ =	swait.ge [sflag:s13], $0x2000  }
0x83: {  	[sflag:s13] =	ssyncset.done $0x0  }
0x84: {  	s20 =	simm.s32 $0x280;
	[sflag:s13] =	ssyncadd.s32 $0xFFFFE000  }
0x85: {  	[tilespmem:s29], [sflag:$0x2] =	stream.indirect.gather [hbm4b:s14+s0], $0x40, s20, s0, $0xb8;
	[tilespmem:$0x1A000] =	vst v63  }
0x86: {  	_ =	swait.ge [sflag:s15], $0x2000  }
0x87: {  	[sflag:s15] =	ssyncset.done $0x0  }
0x88: {  	s21 =	simm.s32 $0x300;
	[sflag:s15] =	ssyncadd.s32 $0xFFFFE000  }
0x89: {  	[tilespmem:s2], [sflag:$0x3] =	stream.indirect.gather [hbm4b:s14+s0], $0x40, s21, s0, $0xb8;
	[tilespmem:$0x1A000] =	vst v63  }
0x8a: {  	_ =	swait.ge [sflag:s16], $0x2000  }
0x8b: {  	[sflag:s16] =	ssyncset.done $0x0  }
0x8c: {  	s20 =	simm.s32 $0x380;
	[sflag:s16] =	ssyncadd.s32 $0xFFFFE000  }
0x8d: {  	[tilespmem:s3], [sflag:$0x4] =	stream.indirect.gather [hbm4b:s14+s0], $0x40, s20, s0, $0xb8;
	[tilespmem:$0x1A000] =	vst v63  }
0x8e: {  	_ =	swait.ge [sflag:s28], $0x2000  }
0x8f: {  	[sflag:s28] =	ssyncset.done $0x0  }
0x90: {  	s21 =	simm.s32 $0x400;
	[sflag:s28] =	ssyncadd.s32 $0xFFFFE000  }
0x91: {  	[tilespmem:s4], [sflag:$0x5] =	stream.indirect.gather [hbm4b:s14+s0], $0x40, s21, s0, $0xb8;
	[tilespmem:$0x1A000] =	vst v63  }
0x92: {  	_ =	swait.ge [sflag:s17], $0x2000  }
0x93: {  	[sflag:s17] =	ssyncset.done $0x0  }
0x94: {  	s19 =	simm.s32 $0xA00;
	s20 =	simm.s32 $0x480;
	[sflag:s17] =	ssyncadd.s32 $0xFFFFE000  }
.LBB2_4:
0x95: {  	[tilespmem:s5], [sflag:$0x6] =	stream.indirect.gather [hbm4b:s14+s0], $0x40, s20, s0, $0xb8;
	[tilespmem:$0x1A000] =	vst v63  }
0x96: {  	s20 =	smov.u32 s19  }
0x97: {  	p0 =	sne.s32 s19, $0x8C00;
	s19 =	sadd.s32 $0xA00, s19;
	_ =	swait.ge [sflag:s6], $0x2000  }
0x98: {  	s20 =	sshra.s32 s20, $0x2;
	[sflag:s6] =	ssyncset.done $0x0  }
0x99: {  	s21 =	sadd.s32 $0x2800, s20;
	[sflag:s6] =	ssyncadd.s32 $0xFFFFE000  }
0x9a: {  	[spmem:s11] =	stream.indirect.scatter.add.f32 [tilespmem:s29], [sflag:$0x7], $0x40, s21, s0, $0xb8;
	[tilespmem:$0x1A000] =	vst v63  }
0x9b: {  	_ =	swait.ge [sflag:s7], $0x2000  }
0x9c: {  	[sflag:s7] =	ssyncset.done $0x0  }
0x9d: {  	s21 =	sadd.s32 $0x2880, s20;
	[sflag:s7] =	ssyncadd.s32 $0xFFFFE000  }
0x9e: {  	[spmem:s11] =	stream.indirect.scatter.add.f32 [tilespmem:s2], [sflag:$0x8], $0x40, s21, s0, $0xb8;
	[tilespmem:$0x1A000] =	vst v63  }
0x9f: {  	_ =	swait.ge [sflag:s8], $0x2000  }
0xa0: {  	[sflag:s8] =	ssyncset.done $0x0  }
0xa1: {  	s21 =	sadd.s32 $0x2900, s20;
	[sflag:s8] =	ssyncadd.s32 $0xFFFFE000  }
0xa2: {  	[spmem:s11] =	stream.indirect.scatter.add.f32 [tilespmem:s3], [sflag:$0x9], $0x40, s21, s0, $0xb8;
	[tilespmem:$0x1A000] =	vst v63  }
0xa3: {  	_ =	swait.ge [sflag:s9], $0x2000  }
0xa4: {  	[sflag:s9] =	ssyncset.done $0x0  }
0xa5: {  	s21 =	sadd.s32 $0x2980, s20;
	[sflag:s9] =	ssyncadd.s32 $0xFFFFE000  }
0xa6: {  	[spmem:s11] =	stream.indirect.scatter.add.f32 [tilespmem:s4], [sflag:$0xA], $0x40, s21, s0, $0xb8;
	[tilespmem:$0x1A000] =	vst v63  }
0xa7: {  	_ =	swait.ge [sflag:s12], $0x2000  }
0xa8: {  	[sflag:s12] =	ssyncset.done $0x0  }
0xa9: {  	s21 =	sadd.s32 $0x2A00, s20;
	[sflag:s12] =	ssyncadd.s32 $0xFFFFE000  }
0xaa: {  	[spmem:s11] =	stream.indirect.scatter.add.f32 [tilespmem:s5], [sflag:$0xB], $0x40, s21, s0, $0xb8;
	[tilespmem:$0x1A000] =	vst v63  }
0xab: {  	_ =	swait.ge [sflag:s13], $0x2000  }
0xac: {  	[sflag:s13] =	ssyncset.done $0x0  }
0xad: {  	s21 =	sadd.s32 $0x280, s20;
	[sflag:s13] =	ssyncadd.s32 $0xFFFFE000  }
0xae: {  	[tilespmem:s29], [sflag:$0x2] =	stream.indirect.gather [hbm4b:s14+s0], $0x40, s21, s0, $0xb8;
	[tilespmem:$0x1A000] =	vst v63  }
0xaf: {  	_ =	swait.ge [sflag:s15], $0x2000  }
0xb0: {  	[sflag:s15] =	ssyncset.done $0x0  }
0xb1: {  	s21 =	sadd.s32 $0x300, s20;
	[sflag:s15] =	ssyncadd.s32 $0xFFFFE000  }
0xb2: {  	[tilespmem:s2], [sflag:$0x3] =	stream.indirect.gather [hbm4b:s14+s0], $0x40, s21, s0, $0xb8;
	[tilespmem:$0x1A000] =	vst v63  }
0xb3: {  	_ =	swait.ge [sflag:s16], $0x2000  }
0xb4: {  	[sflag:s16] =	ssyncset.done $0x0  }
0xb5: {  	s21 =	sadd.s32 $0x380, s20;
	[sflag:s16] =	ssyncadd.s32 $0xFFFFE000  }
0xb6: {  	[tilespmem:s3], [sflag:$0x4] =	stream.indirect.gather [hbm4b:s14+s0], $0x40, s21, s0, $0xb8;
	[tilespmem:$0x1A000] =	vst v63  }
0xb7: {  	_ =	swait.ge [sflag:s28], $0x2000  }
0xb8: {  	[sflag:s28] =	ssyncset.done $0x0  }
.Ltmp1:
0xb9: {  	s21 =	sadd.s32 $0x400, s20;
	[sflag:s28] =	ssyncadd.s32 $0xFFFFE000;
	(pc) =	sbr.rel @p0 .LBB2_4-.Ltmp1, $4  }
0xba: {  	[tilespmem:s4], [sflag:$0x5] =	stream.indirect.gather [hbm4b:s14+s0], $0x40, s21, s0, $0xb8;
	[tilespmem:$0x1A000] =	vst v63  }
0xbb: {  	_ =	swait.ge [sflag:s17], $0x2000  }
0xbc: {  	[sflag:s17] =	ssyncset.done $0x0  }
0xbd: {  	s20 =	sadd.s32 $0x480, s20;
	[sflag:s17] =	ssyncadd.s32 $0xFFFFE000  }
0xbe: {  	[tilespmem:s5], [sflag:$0x6] =	stream.indirect.gather [hbm4b:s14+s0], $0x40, s20, s0, $0xb8;
	[tilespmem:$0x1A000] =	vst v63  }
0xbf: {  	_ =	swait.ge [sflag:s6], $0x2000  }
0xc0: {  	[sflag:s6] =	ssyncset.done $0x0  }
0xc1: {  	s19 =	simm.s32 $0x4D80;
	[sflag:s6] =	ssyncadd.s32 $0xFFFFE000  }
0xc2: {  	[spmem:s11] =	stream.indirect.scatter.add.f32 [tilespmem:s29], [sflag:$0x7], $0x40, s19, s0, $0xb8;
	[tilespmem:$0x1A000] =	vst v63  }
0xc3: {  	_ =	swait.ge [sflag:s7], $0x2000  }
0xc4: {  	[sflag:s7] =	ssyncset.done $0x0  }
0xc5: {  	s21 =	simm.s32 $0x4E00;
	[sflag:s7] =	ssyncadd.s32 $0xFFFFE000  }
0xc6: {  	[spmem:s11] =	stream.indirect.scatter.add.f32 [tilespmem:s2], [sflag:$0x8], $0x40, s21, s0, $0xb8;
	[tilespmem:$0x1A000] =	vst v63  }
0xc7: {  	_ =	swait.ge [sflag:s8], $0x2000  }
0xc8: {  	[sflag:s8] =	ssyncset.done $0x0  }
0xc9: {  	s20 =	simm.s32 $0x4E80;
	[sflag:s8] =	ssyncadd.s32 $0xFFFFE000  }
0xca: {  	[spmem:s11] =	stream.indirect.scatter.add.f32 [tilespmem:s3], [sflag:$0x9], $0x40, s20, s0, $0xb8;
	[tilespmem:$0x1A000] =	vst v63  }
0xcb: {  	_ =	swait.ge [sflag:s9], $0x2000  }
0xcc: {  	[sflag:s9] =	ssyncset.done $0x0  }
0xcd: {  	s21 =	simm.s32 $0x4F00;
	[sflag:s9] =	ssyncadd.s32 $0xFFFFE000  }
0xce: {  	[spmem:s11] =	stream.indirect.scatter.add.f32 [tilespmem:s4], [sflag:$0xA], $0x40, s21, s0, $0xb8;
	[tilespmem:$0x1A000] =	vst v63  }
0xcf: {  	_ =	swait.ge [sflag:s12], $0x2000  }
0xd0: {  	[sflag:s12] =	ssyncset.done $0x0  }
0xd1: {  	s20 =	simm.s32 $0x4F80;
	[sflag:s12] =	ssyncadd.s32 $0xFFFFE000  }
0xd2: {  	[spmem:s11] =	stream.indirect.scatter.add.f32 [tilespmem:s5], [sflag:$0xB], $0x40, s20, s0, $0xb8;
	[tilespmem:$0x1A000] =	vst v63  }
0xd3: {  	_ =	swait.ge [sflag:s13], $0x2000  }
0xd4: {  	[sflag:s13] =	ssyncset.done $0x0  }
0xd5: {  	[sflag:s13] =	ssyncadd.s32 $0xFFFFE000  }
0xd6: {  	_ =	swait.ge [sflag:s15], $0x2000  }
0xd7: {  	[sflag:s15] =	ssyncset.done $0x0  }
0xd8: {  	[sflag:s15] =	ssyncadd.s32 $0xFFFFE000  }
0xd9: {  	_ =	swait.ge [sflag:s16], $0x2000  }
0xda: {  	[sflag:s16] =	ssyncset.done $0x0  }
0xdb: {  	[sflag:s16] =	ssyncadd.s32 $0xFFFFE000  }
0xdc: {  	_ =	swait.ge [sflag:s28], $0x2000  }
0xdd: {  	[sflag:s28] =	ssyncset.done $0x0  }
0xde: {  	[sflag:s28] =	ssyncadd.s32 $0xFFFFE000  }
0xdf: {  	_ =	swait.ge [sflag:s17], $0x2000  }
0xe0: {  	[sflag:s17] =	ssyncset.done $0x0  }
0xe1: {  	[sflag:s17] =	ssyncadd.s32 $0xFFFFE000  }
0xe2: {  	[bflag:$0x0] =	sbarrier.arrive $0xFFFF  }
0xe3: {  	[tilespmem:s30], [sflag:$0xC] =	stream.linear.gather [spmem:s22], $0x1000, $0x38;
	[tilespmem:$0x1A000] =	vst v63  }
0xe4: {  	_ =	swait.ge [sflag:s31], $0x1000  }
0xe5: {  	[sflag:s31] =	ssyncset.done $0x0  }
0xe6: {  	s20 =	simm.s32 $0x0;
	s21 =	rddreg [dreg:$0x3];
	[sflag:s31] =	ssyncadd.s32 $0xFFFFF000  }
0xe7: {  	[hbm4b:s21+s20] =	stream.linear.scatter [tilespmem:s30], [sflag:$0xC], $0x1000, $0x38;
	[tilespmem:$0x1A000] =	vst v63  }
0xe8: {  	_ =	swait.ge [sflag:s31], $0x1000  }
0xe9: {  	[sflag:s31] =	ssyncset.done $0x0  }
0xea: {  	[sflag:s31] =	ssyncadd.s32 $0xFFFFF000  }
0xeb: {  	[tilespmem:s30], [sflag:$0xC] =	stream.linear.gather [spmem:s23], $0x1000, $0x38;
	[tilespmem:$0x1A000] =	vst v63  }
0xec: {  	_ =	swait.ge [sflag:s31], $0x1000  }
0xed: {  	[sflag:s31] =	ssyncset.done $0x0  }
0xee: {  	s21 =	rddreg [dreg:$0x4];
	[sflag:s31] =	ssyncadd.s32 $0xFFFFF000  }
0xef: {  	[hbm4b:s21+s20] =	stream.linear.scatter [tilespmem:s30], [sflag:$0xC], $0x1000, $0x38;
	[tilespmem:$0x1A000] =	vst v63  }
0xf0: {  	_ =	swait.ge [sflag:s31], $0x1000  }
0xf1: {  	[sflag:s31] =	ssyncset.done $0x0  }
0xf2: {  	[sflag:s31] =	ssyncadd.s32 $0xFFFFF000  }
0xf3: {  	[tilespmem:s30], [sflag:$0xC] =	stream.linear.gather [spmem:s24], $0x1000, $0x38;
	[tilespmem:$0x1A000] =	vst v63  }
0xf4: {  	_ =	swait.ge [sflag:s31], $0x1000  }
0xf5: {  	[sflag:s31] =	ssyncset.done $0x0  }
0xf6: {  	s21 =	rddreg [dreg:$0x5];
	[sflag:s31] =	ssyncadd.s32 $0xFFFFF000  }
0xf7: {  	[hbm4b:s21+s20] =	stream.linear.scatter [tilespmem:s30], [sflag:$0xC], $0x1000, $0x38;
	[tilespmem:$0x1A000] =	vst v63  }
0xf8: {  	_ =	swait.ge [sflag:s31], $0x1000  }
0xf9: {  	[sflag:s31] =	ssyncset.done $0x0  }
0xfa: {  	[sflag:s31] =	ssyncadd.s32 $0xFFFFF000  }
0xfb: {  	[tilespmem:s30], [sflag:$0xC] =	stream.linear.gather [spmem:s25], $0x1000, $0x38;
	[tilespmem:$0x1A000] =	vst v63  }
0xfc: {  	_ =	swait.ge [sflag:s31], $0x1000  }
0xfd: {  	[sflag:s31] =	ssyncset.done $0x0  }
0xfe: {  	s21 =	rddreg [dreg:$0x6];
	[sflag:s31] =	ssyncadd.s32 $0xFFFFF000  }
0xff: {  	[hbm4b:s21+s20] =	stream.linear.scatter [tilespmem:s30], [sflag:$0xC], $0x1000, $0x38;
	[tilespmem:$0x1A000] =	vst v63  }
0x100: {  	_ =	swait.ge [sflag:s31], $0x1000  }
0x101: {  	[sflag:s31] =	ssyncset.done $0x0  }
0x102: {  	[sflag:s31] =	ssyncadd.s32 $0xFFFFF000  }
0x103: {  	[tilespmem:s30], [sflag:$0xC] =	stream.linear.gather [spmem:s26], $0x1000, $0x38;
	[tilespmem:$0x1A000] =	vst v63  }
0x104: {  	_ =	swait.ge [sflag:s31], $0x1000  }
0x105: {  	[sflag:s31] =	ssyncset.done $0x0  }
0x106: {  	s21 =	rddreg [dreg:$0x7];
	[sflag:s31] =	ssyncadd.s32 $0xFFFFF000  }
0x107: {  	[hbm4b:s21+s20] =	stream.linear.scatter [tilespmem:s30], [sflag:$0xC], $0x1000, $0x38;
	[tilespmem:$0x1A000] =	vst v63  }
0x108: {  	_ =	swait.ge [sflag:s31], $0x1000  }
0x109: {  	[sflag:s31] =	ssyncset.done $0x0  }
0x10a: {  	[sflag:s31] =	ssyncadd.s32 $0xFFFFF000  }
0x10b: {  	[tilespmem:s30], [sflag:$0xC] =	stream.linear.gather [spmem:s10], $0x1000, $0x38;
	[tilespmem:$0x1A000] =	vst v63  }
0x10c: {  	_ =	swait.ge [sflag:s31], $0x1000  }
0x10d: {  	[sflag:s31] =	ssyncset.done $0x0  }
0x10e: {  	s21 =	rddreg [dreg:$0x8];
	[sflag:s31] =	ssyncadd.s32 $0xFFFFF000  }
0x10f: {  	[hbm4b:s21+s20] =	stream.linear.scatter [tilespmem:s30], [sflag:$0xC], $0x1000, $0x38;
	[tilespmem:$0x1A000] =	vst v63  }
0x110: {  	_ =	swait.ge [sflag:s31], $0x1000  }
0x111: {  	[sflag:s31] =	ssyncset.done $0x0  }
0x112: {  	[sflag:s31] =	ssyncadd.s32 $0xFFFFF000  }
0x113: {  	[tilespmem:s30], [sflag:$0xC] =	stream.linear.gather [spmem:s1], $0x1000, $0x38;
	[tilespmem:$0x1A000] =	vst v63  }
0x114: {  	_ =	swait.ge [sflag:s31], $0x1000  }
0x115: {  	[sflag:s31] =	ssyncset.done $0x0  }
0x116: {  	s21 =	rddreg [dreg:$0x9];
	[sflag:s31] =	ssyncadd.s32 $0xFFFFF000  }
0x117: {  	[hbm4b:s21+s20] =	stream.linear.scatter [tilespmem:s30], [sflag:$0xC], $0x1000, $0x38;
	[tilespmem:$0x1A000] =	vst v63  }
0x118: {  	_ =	swait.ge [sflag:s31], $0x1000  }
0x119: {  	[sflag:s31] =	ssyncset.done $0x0  }
0x11a: {  	[sflag:s31] =	ssyncadd.s32 $0xFFFFF000  }
0x11b: {  	[tilespmem:s30], [sflag:$0xC] =	stream.linear.gather [spmem:s18], $0x1000, $0x38;
	[tilespmem:$0x1A000] =	vst v63  }
0x11c: {  	_ =	swait.ge [sflag:s31], $0x1000  }
0x11d: {  	[sflag:s31] =	ssyncset.done $0x0  }
0x11e: {  	s21 =	rddreg [dreg:$0xa];
	[sflag:s31] =	ssyncadd.s32 $0xFFFFF000  }
0x11f: {  	[hbm4b:s21+s20] =	stream.linear.scatter [tilespmem:s30], [sflag:$0xC], $0x1000, $0x38;
	[tilespmem:$0x1A000] =	vst v63  }
0x120: {  	_ =	swait.ge [sflag:s31], $0x1000  }
0x121: {  	[sflag:s31] =	ssyncset.done $0x0  }
0x122: {  	s18 =	rddreg [dreg:$0x10];
	[sflag:s31] =	ssyncadd.s32 $0xFFFFF000  }
0x123: {  	[tilespmem:s30], [sflag:$0xC] =	stream.linear.gather [spmem:s18], $0x1000, $0x38;
	[tilespmem:$0x1A000] =	vst v63  }
0x124: {  	_ =	swait.ge [sflag:s31], $0x1000  }
0x125: {  	[sflag:s31] =	ssyncset.done $0x0  }
0x126: {  	s21 =	rddreg [dreg:$0xb];
	[sflag:s31] =	ssyncadd.s32 $0xFFFFF000  }
0x127: {  	[hbm4b:s21+s20] =	stream.linear.scatter [tilespmem:s30], [sflag:$0xC], $0x1000, $0x38;
	[tilespmem:$0x1A000] =	vst v63  }
0x128: {  	_ =	swait.ge [sflag:s31], $0x1000  }
0x129: {  	[sflag:s31] =	ssyncset.done $0x0  }
0x12a: {  	s18 =	rddreg [dreg:$0x11];
	[sflag:s31] =	ssyncadd.s32 $0xFFFFF000  }
0x12b: {  	[tilespmem:s30], [sflag:$0xC] =	stream.linear.gather [spmem:s18], $0x1000, $0x38;
	[tilespmem:$0x1A000] =	vst v63  }
0x12c: {  	_ =	swait.ge [sflag:s31], $0x1000  }
0x12d: {  	[sflag:s31] =	ssyncset.done $0x0  }
0x12e: {  	s21 =	rddreg [dreg:$0xc];
	[sflag:s31] =	ssyncadd.s32 $0xFFFFF000  }
0x12f: {  	[hbm4b:s21+s20] =	stream.linear.scatter [tilespmem:s30], [sflag:$0xC], $0x1000, $0x38;
	[tilespmem:$0x1A000] =	vst v63  }
0x130: {  	_ =	swait.ge [sflag:s31], $0x1000  }
0x131: {  	s21 =	rddreg [dreg:$0x13]  }
0x132: {  	s18 =	rddreg [dreg:$0x12];
	s21 =	sadd.s32 $0x1, s21  }
0x133: {  	p0 =	sne.s32 s21, s18  }
.Ltmp2:
0x134: {  	_ = 	snop;
	(pc) =	sbr.rel @p0 .LBB2_1-.Ltmp2, $3  }
0x135: {  	_ =	sdelay $0x1  }
0x136: {  	[sflag:s31] =	ssyncset.done $0x0  }
0x137: {  	[sflag:s31] =	ssyncadd.s32 $0xFFFFF000  }
0x138: {  	_ =	sfence.sel $0x180000  }
0x139: {  	[bflag:$0x0] =	sbarrier.arrive $0xFFFF  }
0x13a: {  	_ =	strace $0x90000050  }
0x13b: {  	s0 =	stileid.u32;
	[bflag:$0x2] =	sbarrier.arrive $0xFFFF  }
0x13c: {  	p0 =	sne.s32 s0, $0x0;
	s0 =	rddreg [dreg:$0x2]  }
0x13d: {  	s0 =	sadd.s32 @!p0 $0x100000, s0  }
0x13e: {  	[sflag:s0] =	ssyncadd.tile.s32 @!p0 $0x1;
	_ =	shalt  }
.Lfunc_end2:
_tile_overlayer_lowered:
.L_overlay_start_2:
0x13f: {  	(tag) =	ssettag $0x2  }
0x140: {  	s0 =	rddreg [dreg:$0x0];
	s2 =	stileid.u32  }
0x141: {  	s1 =	rddreg [dreg:$0x1];
	p0 =	sne.s32 s2, $0x0  }
0x142: {  	s3 =	rddreg [dreg:$0x2];
	[bflag:$0x3] =	sbarrier.arrive $0xFFFF;
	s2 =	simm.s32 @!p0 $0x1C0C  }
0x143: {  	[timem:s3], [sflag:s2] =	dma.local @!p0 [hbm:s0], s1  }
0x144: {  	s0 =	simm.s32 @!p0 $0xC  }
0x145: {  	_ =	swait.ge @!p0 [sflag:s0], s1  }
0x146: {  	s1 =	ssub.s32 @!p0 $0x0, s1;
	[sflag:s0] =	ssyncset.done @!p0 $0x0  }
0x147: {  	[sflag:s0] =	ssyncadd.s32 @!p0 s1  }
0x148: {  	[bflag:$0x3] =	sbarrier.arrive $0xFFFF  }
0x149: {  	_ =	shalt  }

</sc_bundles>
